<compile_context>
chip_gen: v7x
topology: tpu7x:2x2x1
jax: 0.10.2.dev20260603
libtpu: 0.0.44.dev20260713+nightly
codegen_flags: <defaults>
</compile_context>

<pallas_src>
import functools

import jax
import jax.numpy as jnp
from jax import lax
from jax.experimental import pallas as pl
from jax.experimental.pallas import tpu as pltpu
from jax.experimental.pallas import tpu_sc as plsc

N = 10000
E = 320000
DIN = 128
DE = 16
DOUT = 128

NC = 2
NS = 16
NW = NC * NS
LANES = 16

EPW = E // NW
CH = 80
NCHUNK = EPW // CH
NPAIR = NCHUNK // 2
ROWS_PT = 624
TAIL_R = N - NS * ROWS_PT

_mesh = plsc.VectorSubcoreMesh(core_axis_name="c", subcore_axis_name="s")
_sc_params = pltpu.CompilerParams(use_tc_tiling_on_sc=False)


@functools.partial(
    pl.kernel,
    out_type=(
        jax.ShapeDtypeStruct((NC * N, DIN), jnp.float32),
        jax.ShapeDtypeStruct((NC * N, DE), jnp.float32),
        jax.ShapeDtypeStruct((NC * N, LANES), jnp.float32),
    ),
    mesh=_mesh,
    compiler_params=_sc_params,
    scratch_types=[
        pltpu.VMEM((CH,), jnp.int32),
        pltpu.VMEM((CH,), jnp.int32),
        pltpu.VMEM((CH,), jnp.int32),
        pltpu.VMEM((CH,), jnp.int32),
        pltpu.VMEM((CH, DIN), jnp.float32),
        pltpu.VMEM((CH, DIN), jnp.float32),
        pltpu.VMEM((CH, DE), jnp.float32),
        pltpu.VMEM((CH, DE), jnp.float32),
        pltpu.VMEM((CH, LANES), jnp.float32),
        pltpu.VMEM_SHARED((N, DIN), jnp.float32),
        pltpu.VMEM_SHARED((N, DE), jnp.float32),
        pltpu.VMEM_SHARED((N, LANES), jnp.float32),
        pltpu.SemaphoreType.DMA,
        pltpu.SemaphoreType.DMA,
        pltpu.SemaphoreType.DMA,
        pltpu.SemaphoreType.DMA,
        pltpu.SemaphoreType.DMA,
        pltpu.SemaphoreType.DMA,
        pltpu.SemaphoreType.DMA,
        pltpu.SemaphoreType.DMA,
        pltpu.SemaphoreType.DMA,
        pltpu.SemaphoreType.DMA,
    ],
)
def _sc_agg(nfeats_hbm, efeats_hbm, ei_hbm,
            Ap_hbm, Ep_hbm, dp_hbm,
            srcA, srcB, dstA, dstB, rows0, rows1, ef0, ef1, ones_v,
            A_sh, E_sh, d_sh,
            si0, si1, sd0, sd1, sg0, sg1, se0, se1, ss0, ss1):
    c = lax.axis_index("c")
    s = lax.axis_index("s")
    wid = s * NC + c

    def zrow(r, carry):
        for j in range(DIN // LANES):
            rows0[r, pl.ds(j * LANES, LANES)] = jnp.zeros((LANES,), jnp.float32)
        ef0[r, :] = jnp.zeros((LANES,), jnp.float32)
        return carry

    lax.fori_loop(0, CH, zrow, 0)

    r0 = s * ROWS_PT
    for k in range(7):
        pltpu.sync_copy(rows0, A_sh.at[pl.ds(r0 + k * CH, CH)])
        pltpu.sync_copy(ef0, E_sh.at[pl.ds(r0 + k * CH, CH)])
        pltpu.sync_copy(ef0, d_sh.at[pl.ds(r0 + k * CH, CH)])
    rem = ROWS_PT - 7 * CH
    pltpu.sync_copy(rows0.at[pl.ds(0, rem)], A_sh.at[pl.ds(r0 + 7 * CH, rem)])
    pltpu.sync_copy(ef0.at[pl.ds(0, rem)], E_sh.at[pl.ds(r0 + 7 * CH, rem)])
    pltpu.sync_copy(ef0.at[pl.ds(0, rem)], d_sh.at[pl.ds(r0 + 7 * CH, rem)])

    @pl.when(s == 0)
    def _():
        pltpu.sync_copy(rows0.at[pl.ds(0, TAIL_R)],
                        A_sh.at[pl.ds(NS * ROWS_PT, TAIL_R)])
        pltpu.sync_copy(ef0.at[pl.ds(0, TAIL_R)],
                        E_sh.at[pl.ds(NS * ROWS_PT, TAIL_R)])
        pltpu.sync_copy(ef0.at[pl.ds(0, TAIL_R)],
                        d_sh.at[pl.ds(NS * ROWS_PT, TAIL_R)])

    for r in range(CH):
        ones_v[r, :] = jnp.ones((LANES,), jnp.float32)

    plsc.subcore_barrier()

    base0 = wid * EPW

    def do_chunk_pair(j, carry):
        ba = base0 + (2 * j) * CH
        bb = ba + CH
        ia = pltpu.async_copy(ei_hbm.at[0, pl.ds(ba, CH)], srcA, si0)
        da = pltpu.async_copy(ei_hbm.at[1, pl.ds(ba, CH)], dstA, sd0)
        ib = pltpu.async_copy(ei_hbm.at[0, pl.ds(bb, CH)], srcB, si1)
        db = pltpu.async_copy(ei_hbm.at[1, pl.ds(bb, CH)], dstB, sd1)
        ia.wait()
        ga = pltpu.async_copy(nfeats_hbm.at[srcA], rows0, sg0)
        ea = pltpu.async_copy(efeats_hbm.at[pl.ds(ba, CH)], ef0, se0)
        ib.wait()
        gb = pltpu.async_copy(nfeats_hbm.at[srcB], rows1, sg1)
        eb = pltpu.async_copy(efeats_hbm.at[pl.ds(bb, CH)], ef1, se1)
        ga.wait()
        ea.wait()
        da.wait()
        s0a = pltpu.async_copy(rows0, A_sh.at[dstA], ss0, add=True)
        s1a = pltpu.async_copy(ef0, E_sh.at[dstA], ss0, add=True)
        s2a = pltpu.async_copy(ones_v, d_sh.at[dstA], ss0, add=True)
        gb.wait()
        eb.wait()
        db.wait()
        s0b = pltpu.async_copy(rows1, A_sh.at[dstB], ss1, add=True)
        s1b = pltpu.async_copy(ef1, E_sh.at[dstB], ss1, add=True)
        s2b = pltpu.async_copy(ones_v, d_sh.at[dstB], ss1, add=True)
        s0a.wait()
        s1a.wait()
        s2a.wait()
        s0b.wait()
        s1b.wait()
        s2b.wait()
        return carry

    lax.fori_loop(0, NPAIR, do_chunk_pair, 0)

    bt = base0 + (NCHUNK - 1) * CH
    it = pltpu.async_copy(ei_hbm.at[0, pl.ds(bt, CH)], srcA, si0)
    dt = pltpu.async_copy(ei_hbm.at[1, pl.ds(bt, CH)], dstA, sd0)
    it.wait()
    gt = pltpu.async_copy(nfeats_hbm.at[srcA], rows0, sg0)
    et = pltpu.async_copy(efeats_hbm.at[pl.ds(bt, CH)], ef0, se0)
    gt.wait()
    et.wait()
    dt.wait()
    s0t = pltpu.async_copy(rows0, A_sh.at[dstA], ss0, add=True)
    s1t = pltpu.async_copy(ef0, E_sh.at[dstA], ss0, add=True)
    s2t = pltpu.async_copy(ones_v, d_sh.at[dstA], ss0, add=True)
    s0t.wait()
    s1t.wait()
    s2t.wait()

    plsc.subcore_barrier()

    o0 = c * N + r0

    def out_chunk(roff, nrows):
        pltpu.sync_copy(A_sh.at[pl.ds(r0 + roff, nrows)], rows0.at[pl.ds(0, nrows)])
        pltpu.sync_copy(rows0.at[pl.ds(0, nrows)], Ap_hbm.at[pl.ds(o0 + roff, nrows)])
        pltpu.sync_copy(E_sh.at[pl.ds(r0 + roff, nrows)], ef0.at[pl.ds(0, nrows)])
        pltpu.sync_copy(ef0.at[pl.ds(0, nrows)], Ep_hbm.at[pl.ds(o0 + roff, nrows)])
        pltpu.sync_copy(d_sh.at[pl.ds(r0 + roff, nrows)], ones_v.at[pl.ds(0, nrows)])
        pltpu.sync_copy(ones_v.at[pl.ds(0, nrows)], dp_hbm.at[pl.ds(o0 + roff, nrows)])

    for k in range(7):
        out_chunk(k * CH, CH)
    out_chunk(7 * CH, rem)

    @pl.when(s == 0)
    def _():
        t0 = NS * ROWS_PT
        pltpu.sync_copy(A_sh.at[pl.ds(t0, TAIL_R)], rows0.at[pl.ds(0, TAIL_R)])
        pltpu.sync_copy(rows0.at[pl.ds(0, TAIL_R)], Ap_hbm.at[pl.ds(c * N + t0, TAIL_R)])
        pltpu.sync_copy(E_sh.at[pl.ds(t0, TAIL_R)], ef0.at[pl.ds(0, TAIL_R)])
        pltpu.sync_copy(ef0.at[pl.ds(0, TAIL_R)], Ep_hbm.at[pl.ds(c * N + t0, TAIL_R)])
        pltpu.sync_copy(d_sh.at[pl.ds(t0, TAIL_R)], ones_v.at[pl.ds(0, TAIL_R)])
        pltpu.sync_copy(ones_v.at[pl.ds(0, TAIL_R)], dp_hbm.at[pl.ds(c * N + t0, TAIL_R)])


_R = 1000


def _tc_dense_body(ap, e0, e1, d0, d1, nf, W1, W2, bm, Wat, Wab, ba, out):
    a = ap[0] + ap[1]
    e = e0[...] + e1[...]
    d = d0[:, 0:1] + d1[:, 0:1]
    msum = (jnp.dot(a, W1[...], preferred_element_type=jnp.float32)
            + jnp.dot(e, W2[...], preferred_element_type=jnp.float32)
            + d * bm[...])
    h_neigh = msum * (1.0 / jnp.maximum(d, 1.0))
    pre = (jnp.dot(nf[...], Wat[...], preferred_element_type=jnp.float32)
           + jnp.dot(h_neigh, Wab[...], preferred_element_type=jnp.float32)
           + ba[...])
    out[...] = jnp.maximum(pre, 0.0)


_NB = N // _R


def _tc_dense(Ap3, Ep, dp, nf, W1, W2, bm, Wat, Wab, ba):
    return pl.pallas_call(
        _tc_dense_body,
        grid=(_NB,),
        in_specs=[
            pl.BlockSpec((2, _R, DIN), lambda i: (0, i, 0)),
            pl.BlockSpec((_R, DE), lambda i: (i, 0)),
            pl.BlockSpec((_R, DE), lambda i: (_NB + i, 0)),
            pl.BlockSpec((_R, LANES), lambda i: (i, 0)),
            pl.BlockSpec((_R, LANES), lambda i: (_NB + i, 0)),
            pl.BlockSpec((_R, DIN), lambda i: (i, 0)),
            pl.BlockSpec((DIN, DOUT), lambda i: (0, 0)),
            pl.BlockSpec((DE, DOUT), lambda i: (0, 0)),
            pl.BlockSpec((1, DOUT), lambda i: (0, 0)),
            pl.BlockSpec((DIN, DOUT), lambda i: (0, 0)),
            pl.BlockSpec((DOUT, DOUT), lambda i: (0, 0)),
            pl.BlockSpec((1, DOUT), lambda i: (0, 0)),
        ],
        out_specs=pl.BlockSpec((_R, DOUT), lambda i: (i, 0)),
        out_shape=jax.ShapeDtypeStruct((N, DOUT), jnp.float32),
    )(Ap3, Ep, Ep, dp, dp, nf, W1, W2, bm, Wat, Wab, ba)


@functools.partial(
    pl.kernel,
    out_type=jax.ShapeDtypeStruct((E, DOUT), jnp.float32),
    mesh=_mesh,
    compiler_params=_sc_params,
    scratch_types=[
        pltpu.VMEM((EPW,), jnp.int32),
        pltpu.VMEM((EPW,), jnp.int32),
        pltpu.VMEM((CH, DOUT), jnp.float32),
        pltpu.VMEM((CH, DOUT), jnp.float32),
        pltpu.VMEM((CH, DOUT), jnp.float32),
        pltpu.VMEM((CH, DOUT), jnp.float32),
        pltpu.VMEM((CH, DOUT), jnp.float32),
        pltpu.VMEM((CH, DOUT), jnp.float32),
        pltpu.SemaphoreType.DMA,
        pltpu.SemaphoreType.DMA,
        pltpu.SemaphoreType.DMA,
        pltpu.SemaphoreType.DMA,
        pltpu.SemaphoreType.DMA,
        pltpu.SemaphoreType.DMA,
    ],
)
def _sc_edge(nh_hbm, ei_hbm, out_hbm,
             srcs, dsts, bufA0, bufA1, bufB0, bufB1, bufO0, bufO1,
             sa0, sa1, sb0, sb1, sw0, sw1):
    c = lax.axis_index("c")
    s = lax.axis_index("s")
    wid = s * NC + c
    base0 = wid * EPW

    pltpu.sync_copy(ei_hbm.at[0, pl.ds(base0, EPW)], srcs)
    pltpu.sync_copy(ei_hbm.at[1, pl.ds(base0, EPW)], dsts)

    def average(bufA, bufB, bufO):
        def row(r, rc):
            for j in range(DOUT // LANES):
                sl = pl.ds(j * LANES, LANES)
                bufO[r, sl] = (bufA[r, sl] + bufB[r, sl]) * 0.5
            return rc

        lax.fori_loop(0, CH, row, 0)

    def do_chunk_pair(j, carry):
        a = 2 * j
        b = 2 * j + 1
        gAa = pltpu.async_copy(nh_hbm.at[srcs.at[pl.ds(a * CH, CH)]], bufA0, sa0)
        gBa = pltpu.async_copy(nh_hbm.at[dsts.at[pl.ds(a * CH, CH)]], bufB0, sb0)
        gAb = pltpu.async_copy(nh_hbm.at[srcs.at[pl.ds(b * CH, CH)]], bufA1, sa1)
        gBb = pltpu.async_copy(nh_hbm.at[dsts.at[pl.ds(b * CH, CH)]], bufB1, sb1)
        gAa.wait()
        gBa.wait()
        average(bufA0, bufB0, bufO0)
        wa = pltpu.async_copy(bufO0, out_hbm.at[pl.ds(base0 + a * CH, CH)], sw0)
        gAb.wait()
        gBb.wait()
        average(bufA1, bufB1, bufO1)
        wb = pltpu.async_copy(bufO1, out_hbm.at[pl.ds(base0 + b * CH, CH)], sw1)
        wa.wait()
        wb.wait()
        return carry

    lax.fori_loop(0, NPAIR, do_chunk_pair, 0)

    t = NCHUNK - 1
    gAt = pltpu.async_copy(nh_hbm.at[srcs.at[pl.ds(t * CH, CH)]], bufA0, sa0)
    gBt = pltpu.async_copy(nh_hbm.at[dsts.at[pl.ds(t * CH, CH)]], bufB0, sb0)
    gAt.wait()
    gBt.wait()
    average(bufA0, bufB0, bufO0)
    pltpu.sync_copy(bufO0, out_hbm.at[pl.ds(base0 + t * CH, CH)])


def kernel(nfeats, efeats, W_msg_w, W_msg_b, W_apply_w, W_apply_b, edge_index):
    Ap, Ep, dp = _sc_agg(nfeats, efeats, edge_index)

    new_h = _tc_dense(
        Ap.reshape(NC, N, DIN), Ep, dp, nfeats,
        W_msg_w[:DIN], W_msg_w[DIN:], W_msg_b[None, :],
        W_apply_w[:DIN], W_apply_w[DIN:], W_apply_b[None, :],
    )

    new_e = _sc_edge(new_h, edge_index)
    return (new_h, new_e)

# --- scband reference (transcript-rebuilt; emitter-appended) ---
"""Pipeline reference for scband-sagelayer-85152021611247 (READ-ONLY COPY).

The authoritative reference and input builder live on the scoring server;
editing this copy changes nothing except your own understanding.
"""

import jax, jax.numpy as jnp
import numpy as np

N = 10000
E = 320000
DIN = 128
DE = 16
DOUT = 128

def setup_inputs(seed: int = 0) -> dict:
    key = jax.random.key(seed)
    ks = jax.random.split(key, 6)
    nfeats = jax.random.normal(ks[0], (N, DIN), dtype=jnp.float32)
    efeats = jax.random.normal(ks[1], (E, DE), dtype=jnp.float32)
    edge_index = jax.random.randint(ks[2], (2, E), 0, N, dtype=jnp.int32)
    W_msg_w = jax.random.normal(ks[3], (DIN + DE, DOUT), dtype=jnp.float32) * (1.0 / np.sqrt(DIN + DE))
    W_msg_b = jnp.zeros((DOUT,), dtype=jnp.float32)
    W_apply_w = jax.random.normal(ks[4], (DIN + DOUT, DOUT), dtype=jnp.float32) * (1.0 / np.sqrt(DIN + DOUT))
    W_apply_b = jnp.zeros((DOUT,), dtype=jnp.float32)
    return {"nfeats": nfeats, "efeats": efeats, "W_msg_w": W_msg_w, "W_msg_b": W_msg_b, "W_apply_w": W_apply_w, "W_apply_b": W_apply_b, "edge_index": edge_index}

def reference(nfeats, efeats, W_msg_w, W_msg_b, W_apply_w, W_apply_b, edge_index):
    src = edge_index[0]
    dst = edge_index[1]
    # message_func: concat(src node feats, edge feats) -> W_msg
    src_h = jnp.take(nfeats, src, axis=0)
    m = jnp.concatenate([src_h, efeats], axis=1) @ W_msg_w + W_msg_b
    # mean aggregation over incoming edges (DGL fn.mean('m','h_neigh'))
    msum = jax.ops.segment_sum(m, dst, num_segments=N)
    deg = jax.ops.segment_sum(jnp.ones((E,), dtype=jnp.float32), dst, num_segments=N)
    h_neigh = msum / jnp.maximum(deg, 1.0)[:, None]
    # apply: activation(W_apply(concat(h, h_neigh)))
    new_h = jax.nn.relu(jnp.concatenate([nfeats, h_neigh], axis=1) @ W_apply_w + W_apply_b)
    # update_edge_features: average of endpoint embeddings (using updated node feats)
    new_e = (jnp.take(new_h, src, axis=0) + jnp.take(new_h, dst, axis=0)) * 0.5
    return (new_h, new_e)

if __name__ == "__main__":
    import jax
    _d = setup_inputs()
    print(jax.jit(kernel)(*tuple(_d.values())))

</pallas_src>

<mosaic_0001>
#map = affine_map<(d0, d1) -> (0, 0)>
module attributes {stable_mosaic.version = 14 : i64} {
  func.func @_sc_edge(%arg0: i32, %arg1: i32, %arg2: memref<10000x128xf32, #tpu.memory_space<hbm>>, %arg3: memref<2x320000xi32, #tpu.memory_space<hbm>>, %arg4: memref<320000x128xf32, #tpu.memory_space<hbm>>, %arg5: memref<10000xi32, #tpu.memory_space<vmem>>, %arg6: memref<10000xi32, #tpu.memory_space<vmem>>, %arg7: memref<80x128xf32, #tpu.memory_space<vmem>>, %arg8: memref<80x128xf32, #tpu.memory_space<vmem>>, %arg9: memref<80x128xf32, #tpu.memory_space<vmem>>, %arg10: memref<80x128xf32, #tpu.memory_space<vmem>>, %arg11: memref<80x128xf32, #tpu.memory_space<vmem>>, %arg12: memref<80x128xf32, #tpu.memory_space<vmem>>, %arg13: memref<!tpu.dma_semaphore, #tpu.memory_space<semaphore_mem>>, %arg14: memref<!tpu.dma_semaphore, #tpu.memory_space<semaphore_mem>>, %arg15: memref<!tpu.dma_semaphore, #tpu.memory_space<semaphore_mem>>, %arg16: memref<!tpu.dma_semaphore, #tpu.memory_space<semaphore_mem>>, %arg17: memref<!tpu.dma_semaphore, #tpu.memory_space<semaphore_mem>>, %arg18: memref<!tpu.dma_semaphore, #tpu.memory_space<semaphore_mem>>) attributes {dimension_semantics = [#tpu.dimension_semantics<core_parallel>, #tpu.dimension_semantics<subcore_parallel>], iteration_bounds = array<i64: 2, 16>, scalar_prefetch = 0 : i64, scratch_operands = 14 : i64, tpu.core_type = #tpu.core_type<sc_vector_subcore>, window_params = [{transform_indices = #map}, {transform_indices = #map}, {transform_indices = #map}]} {
    %mul3A = arith.constant 2 : i32
    %mul3A_0 = arith.muli %arg1, %mul3A : i32
    %add3A = arith.addi %mul3A_0, %arg0 : i32
    %mul3A_1 = arith.constant 10000 : i32
    %mul3A_2 = arith.muli %add3A, %mul3A_1 : i32
    %run_scoped3A = arith.constant 0 : i32
    "tpu.region"() ({
      %run_scoped3A_35 = tpu.sem_alloc : memref<!tpu.dma_semaphore, #tpu.memory_space<semaphore_mem>>
      %dma_start3A_36 = tpu.memref_slice %arg3[%run_scoped3A, %mul3A_2] : memref<2x320000xi32, #tpu.memory_space<hbm>> -> memref<1x10000xi32, #tpu.memory_space<hbm>>
      %dma_start3A_37 = tpu.memref_squeeze %dma_start3A_36 : memref<1x10000xi32, #tpu.memory_space<hbm>> -> memref<10000xi32, #tpu.memory_space<hbm>>
      %dma_start3A_38 = tpu.memref_slice %arg3[%run_scoped3A, %mul3A_2] : memref<2x320000xi32, #tpu.memory_space<hbm>> -> memref<1x10000xi32, #tpu.memory_space<hbm>>
      %dma_start3A_39 = tpu.memref_squeeze %dma_start3A_38 : memref<1x10000xi32, #tpu.memory_space<hbm>> -> memref<10000xi32, #tpu.memory_space<hbm>>
      tpu.enqueue_dma source(%dma_start3A_39 : memref<10000xi32, #tpu.memory_space<hbm>>) target(%arg5 : memref<10000xi32, #tpu.memory_space<vmem>>) target_semaphore(%run_scoped3A_35 : memref<!tpu.dma_semaphore, #tpu.memory_space<semaphore_mem>>)
      %dma_wait3A_40 = tpu.memref_slice %arg3[%run_scoped3A, %mul3A_2] : memref<2x320000xi32, #tpu.memory_space<hbm>> -> memref<1x10000xi32, #tpu.memory_space<hbm>>
      %dma_wait3A_41 = tpu.memref_squeeze %dma_wait3A_40 : memref<1x10000xi32, #tpu.memory_space<hbm>> -> memref<10000xi32, #tpu.memory_space<hbm>>
      %dma_wait3A_42 = tpu.memref_slice %arg3[%run_scoped3A, %mul3A_2] : memref<2x320000xi32, #tpu.memory_space<hbm>> -> memref<1x10000xi32, #tpu.memory_space<hbm>>
      %dma_wait3A_43 = tpu.memref_squeeze %dma_wait3A_42 : memref<1x10000xi32, #tpu.memory_space<hbm>> -> memref<10000xi32, #tpu.memory_space<hbm>>
      tpu.wait_dma2 semaphore(%run_scoped3A_35 : memref<!tpu.dma_semaphore, #tpu.memory_space<semaphore_mem>>) src(%dma_wait3A_43 : memref<10000xi32, #tpu.memory_space<hbm>>) dst(%arg5 : memref<10000xi32, #tpu.memory_space<vmem>>)
      tpu.yield
    }) : () -> ()
    %run_scoped3A_3 = arith.constant 1 : i32
    "tpu.region"() ({
      %run_scoped3A_35 = tpu.sem_alloc : memref<!tpu.dma_semaphore, #tpu.memory_space<semaphore_mem>>
      %dma_start3A_36 = tpu.memref_slice %arg3[%run_scoped3A_3, %mul3A_2] : memref<2x320000xi32, #tpu.memory_space<hbm>> -> memref<1x10000xi32, #tpu.memory_space<hbm>>
      %dma_start3A_37 = tpu.memref_squeeze %dma_start3A_36 : memref<1x10000xi32, #tpu.memory_space<hbm>> -> memref<10000xi32, #tpu.memory_space<hbm>>
      %dma_start3A_38 = tpu.memref_slice %arg3[%run_scoped3A_3, %mul3A_2] : memref<2x320000xi32, #tpu.memory_space<hbm>> -> memref<1x10000xi32, #tpu.memory_space<hbm>>
      %dma_start3A_39 = tpu.memref_squeeze %dma_start3A_38 : memref<1x10000xi32, #tpu.memory_space<hbm>> -> memref<10000xi32, #tpu.memory_space<hbm>>
      tpu.enqueue_dma source(%dma_start3A_39 : memref<10000xi32, #tpu.memory_space<hbm>>) target(%arg6 : memref<10000xi32, #tpu.memory_space<vmem>>) target_semaphore(%run_scoped3A_35 : memref<!tpu.dma_semaphore, #tpu.memory_space<semaphore_mem>>)
      %dma_wait3A_40 = tpu.memref_slice %arg3[%run_scoped3A_3, %mul3A_2] : memref<2x320000xi32, #tpu.memory_space<hbm>> -> memref<1x10000xi32, #tpu.memory_space<hbm>>
      %dma_wait3A_41 = tpu.memref_squeeze %dma_wait3A_40 : memref<1x10000xi32, #tpu.memory_space<hbm>> -> memref<10000xi32, #tpu.memory_space<hbm>>
      %dma_wait3A_42 = tpu.memref_slice %arg3[%run_scoped3A_3, %mul3A_2] : memref<2x320000xi32, #tpu.memory_space<hbm>> -> memref<1x10000xi32, #tpu.memory_space<hbm>>
      %dma_wait3A_43 = tpu.memref_squeeze %dma_wait3A_42 : memref<1x10000xi32, #tpu.memory_space<hbm>> -> memref<10000xi32, #tpu.memory_space<hbm>>
      tpu.wait_dma2 semaphore(%run_scoped3A_35 : memref<!tpu.dma_semaphore, #tpu.memory_space<semaphore_mem>>) src(%dma_wait3A_43 : memref<10000xi32, #tpu.memory_space<hbm>>) dst(%arg6 : memref<10000xi32, #tpu.memory_space<vmem>>)
      tpu.yield
    }) : () -> ()
    %scan3A = arith.constant 0 : i32
    %scan3A_4 = arith.constant 0 : i32
    %scan3A_5 = arith.constant 62 : i32
    %scan3A_6 = arith.addi %scan3A_4, %scan3A_5 : i32
    %scan3A_7 = arith.constant 1 : i32
    scf.for %scan3A_35 = %scan3A_4 to %scan3A_6 step %scan3A_7  : i32 {
      %mul3A_36 = arith.constant 2 : i32
      %mul3A_37 = arith.muli %mul3A_36, %scan3A_35 : i32
      %mul3A_38 = arith.constant 2 : i32
      %mul3A_39 = arith.muli %mul3A_38, %scan3A_35 : i32
      %add3A_40 = arith.constant 1 : i32
      %add3A_41 = arith.addi %mul3A_39, %add3A_40 : i32
      %mul3A_42 = arith.constant 80 : i32
      %mul3A_43 = arith.muli %mul3A_37, %mul3A_42 : i32
      %dma_start3A_44 = tpu.memref_slice %arg5[%mul3A_43] : memref<10000xi32, #tpu.memory_space<vmem>> -> memref<80xi32, #tpu.memory_space<vmem>>
      %dma_start3A_45 = arith.constant 0 : i32
      %dma_start3A_46 = arith.constant 0 : i32
      %dma_start3A_47 = tpu.memref_slice %arg2[%dma_start3A_45, %dma_start3A_46] : memref<10000x128xf32, #tpu.memory_space<hbm>> -> memref<10000x128xf32, #tpu.memory_space<hbm>>
      tpu.enqueue_indirect_dma source(%dma_start3A_47 : memref<10000x128xf32, #tpu.memory_space<hbm>>) target(%arg7 : memref<80x128xf32, #tpu.memory_space<vmem>>) offsets(%dma_start3A_44 : memref<80xi32, #tpu.memory_space<vmem>>) semaphore(%arg13 : memref<!tpu.dma_semaphore, #tpu.memory_space<semaphore_mem>>)
      %mul3A_48 = arith.constant 80 : i32
      %mul3A_49 = arith.muli %mul3A_37, %mul3A_48 : i32
      %dma_start3A_50 = tpu.memref_slice %arg6[%mul3A_49] : memref<10000xi32, #tpu.memory_space<vmem>> -> memref<80xi32, #tpu.memory_space<vmem>>
      %dma_start3A_51 = arith.constant 0 : i32
      %dma_start3A_52 = arith.constant 0 : i32
      %dma_start3A_53 = tpu.memref_slice %arg2[%dma_start3A_51, %dma_start3A_52] : memref<10000x128xf32, #tpu.memory_space<hbm>> -> memref<10000x128xf32, #tpu.memory_space<hbm>>
      tpu.enqueue_indirect_dma source(%dma_start3A_53 : memref<10000x128xf32, #tpu.memory_space<hbm>>) target(%arg9 : memref<80x128xf32, #tpu.memory_space<vmem>>) offsets(%dma_start3A_50 : memref<80xi32, #tpu.memory_space<vmem>>) semaphore(%arg15 : memref<!tpu.dma_semaphore, #tpu.memory_space<semaphore_mem>>)
      %mul3A_54 = arith.constant 80 : i32
      %mul3A_55 = arith.muli %add3A_41, %mul3A_54 : i32
      %dma_start3A_56 = tpu.memref_slice %arg5[%mul3A_55] : memref<10000xi32, #tpu.memory_space<vmem>> -> memref<80xi32, #tpu.memory_space<vmem>>
      %dma_start3A_57 = arith.constant 0 : i32
      %dma_start3A_58 = arith.constant 0 : i32
      %dma_start3A_59 = tpu.memref_slice %arg2[%dma_start3A_57, %dma_start3A_58] : memref<10000x128xf32, #tpu.memory_space<hbm>> -> memref<10000x128xf32, #tpu.memory_space<hbm>>
      tpu.enqueue_indirect_dma source(%dma_start3A_59 : memref<10000x128xf32, #tpu.memory_space<hbm>>) target(%arg8 : memref<80x128xf32, #tpu.memory_space<vmem>>) offsets(%dma_start3A_56 : memref<80xi32, #tpu.memory_space<vmem>>) semaphore(%arg14 : memref<!tpu.dma_semaphore, #tpu.memory_space<semaphore_mem>>)
      %mul3A_60 = arith.constant 80 : i32
      %mul3A_61 = arith.muli %add3A_41, %mul3A_60 : i32
      %dma_start3A_62 = tpu.memref_slice %arg6[%mul3A_61] : memref<10000xi32, #tpu.memory_space<vmem>> -> memref<80xi32, #tpu.memory_space<vmem>>
      %dma_start3A_63 = arith.constant 0 : i32
      %dma_start3A_64 = arith.constant 0 : i32
      %dma_start3A_65 = tpu.memref_slice %arg2[%dma_start3A_63, %dma_start3A_64] : memref<10000x128xf32, #tpu.memory_space<hbm>> -> memref<10000x128xf32, #tpu.memory_space<hbm>>
      tpu.enqueue_indirect_dma source(%dma_start3A_65 : memref<10000x128xf32, #tpu.memory_space<hbm>>) target(%arg10 : memref<80x128xf32, #tpu.memory_space<vmem>>) offsets(%dma_start3A_62 : memref<80xi32, #tpu.memory_space<vmem>>) semaphore(%arg16 : memref<!tpu.dma_semaphore, #tpu.memory_space<semaphore_mem>>)
      %dma_wait3A_66 = tpu.memref_slice %arg5[%mul3A_43] : memref<10000xi32, #tpu.memory_space<vmem>> -> memref<80xi32, #tpu.memory_space<vmem>>
      %dma_wait3A_67 = arith.constant 0 : i32
      %dma_wait3A_68 = arith.constant 0 : i32
      %dma_wait3A_69 = tpu.memref_slice %arg2[%dma_wait3A_67, %dma_wait3A_68] : memref<10000x128xf32, #tpu.memory_space<hbm>> -> memref<10000x128xf32, #tpu.memory_space<hbm>>
      tpu.wait_indirect_dma semaphore(%arg13 : memref<!tpu.dma_semaphore, #tpu.memory_space<semaphore_mem>>) src(%dma_wait3A_69 : memref<10000x128xf32, #tpu.memory_space<hbm>>) dst(%arg7 : memref<80x128xf32, #tpu.memory_space<vmem>>)
      %dma_wait3A_70 = tpu.memref_slice %arg6[%mul3A_49] : memref<10000xi32, #tpu.memory_space<vmem>> -> memref<80xi32, #tpu.memory_space<vmem>>
      %dma_wait3A_71 = arith.constant 0 : i32
      %dma_wait3A_72 = arith.constant 0 : i32
      %dma_wait3A_73 = tpu.memref_slice %arg2[%dma_wait3A_71, %dma_wait3A_72] : memref<10000x128xf32, #tpu.memory_space<hbm>> -> memref<10000x128xf32, #tpu.memory_space<hbm>>
      tpu.wait_indirect_dma semaphore(%arg15 : memref<!tpu.dma_semaphore, #tpu.memory_space<semaphore_mem>>) src(%dma_wait3A_73 : memref<10000x128xf32, #tpu.memory_space<hbm>>) dst(%arg9 : memref<80x128xf32, #tpu.memory_space<vmem>>)
      %scan3A_74 = arith.constant 0 : i32
      %scan3A_75 = arith.constant 0 : i32
      %scan3A_76 = arith.constant 80 : i32
      %scan3A_77 = arith.addi %scan3A_75, %scan3A_76 : i32
      %scan3A_78 = arith.constant 1 : i32
      scf.for %scan3A_116 = %scan3A_75 to %scan3A_77 step %scan3A_78  : i32 {
        %get3A = arith.index_cast %scan3A_116 : i32 to index
        %get3A_117 = arith.constant 0 : index
        %get3A_118 = tpu.vector_load %arg7[%get3A, %get3A_117] {strides = array<i32>} : memref<80x128xf32, #tpu.memory_space<vmem>>, vector<1x16xf32>,
        %get3A_119 = vector.shape_cast %get3A_118 : vector<1x16xf32> to vector<16xf32>
        %get3A_120 = arith.index_cast %scan3A_116 : i32 to index
        %get3A_121 = arith.constant 0 : index
        %get3A_122 = tpu.vector_load %arg9[%get3A_120, %get3A_121] {strides = array<i32>} : memref<80x128xf32, #tpu.memory_space<vmem>>, vector<1x16xf32>,
        %get3A_123 = vector.shape_cast %get3A_122 : vector<1x16xf32> to vector<16xf32>
        %add3A_124 = arith.addf %get3A_119, %get3A_123 : vector<16xf32>
        %mul3A_125 = arith.constant 5.000000e-01 : f32
        %mul3A_126 = vector.broadcast %mul3A_125 : f32 to vector<16xf32>
        %mul3A_127 = arith.mulf %add3A_124, %mul3A_126 : vector<16xf32>
        %swap3A = arith.index_cast %scan3A_116 : i32 to index
        %swap3A_128 = arith.constant 0 : index
        %swap3A_129 = tpu.vector_load %arg11[%swap3A, %swap3A_128] {strides = array<i32>} : memref<80x128xf32, #tpu.memory_space<vmem>>, vector<1x16xf32>,
        %swap3A_130 = vector.shape_cast %swap3A_129 : vector<1x16xf32> to vector<16xf32>
        %swap3A_131 = vector.shape_cast %mul3A_127 : vector<16xf32> to vector<1x16xf32>
        tpu.vector_store %arg11[%swap3A, %swap3A_128], %swap3A_131 {strides = array<i32>} : memref<80x128xf32, #tpu.memory_space<vmem>>, vector<1x16xf32>,
        %get3A_132 = arith.index_cast %scan3A_116 : i32 to index
        %get3A_133 = arith.constant 16 : index
        %get3A_134 = tpu.vector_load %arg7[%get3A_132, %get3A_133] {strides = array<i32>} : memref<80x128xf32, #tpu.memory_space<vmem>>, vector<1x16xf32>,
        %get3A_135 = vector.shape_cast %get3A_134 : vector<1x16xf32> to vector<16xf32>
        %get3A_136 = arith.index_cast %scan3A_116 : i32 to index
        %get3A_137 = arith.constant 16 : index
        %get3A_138 = tpu.vector_load %arg9[%get3A_136, %get3A_137] {strides = array<i32>} : memref<80x128xf32, #tpu.memory_space<vmem>>, vector<1x16xf32>,
        %get3A_139 = vector.shape_cast %get3A_138 : vector<1x16xf32> to vector<16xf32>
        %add3A_140 = arith.addf %get3A_135, %get3A_139 : vector<16xf32>
        %mul3A_141 = arith.constant 5.000000e-01 : f32
        %mul3A_142 = vector.broadcast %mul3A_141 : f32 to vector<16xf32>
        %mul3A_143 = arith.mulf %add3A_140, %mul3A_142 : vector<16xf32>
        %swap3A_144 = arith.index_cast %scan3A_116 : i32 to index
        %swap3A_145 = arith.constant 16 : index
        %swap3A_146 = tpu.vector_load %arg11[%swap3A_144, %swap3A_145] {strides = array<i32>} : memref<80x128xf32, #tpu.memory_space<vmem>>, vector<1x16xf32>,
        %swap3A_147 = vector.shape_cast %swap3A_146 : vector<1x16xf32> to vector<16xf32>
        %swap3A_148 = vector.shape_cast %mul3A_143 : vector<16xf32> to vector<1x16xf32>
        tpu.vector_store %arg11[%swap3A_144, %swap3A_145], %swap3A_148 {strides = array<i32>} : memref<80x128xf32, #tpu.memory_space<vmem>>, vector<1x16xf32>,
        %get3A_149 = arith.index_cast %scan3A_116 : i32 to index
        %get3A_150 = arith.constant 32 : index
        %get3A_151 = tpu.vector_load %arg7[%get3A_149, %get3A_150] {strides = array<i32>} : memref<80x128xf32, #tpu.memory_space<vmem>>, vector<1x16xf32>,
        %get3A_152 = vector.shape_cast %get3A_151 : vector<1x16xf32> to vector<16xf32>
        %get3A_153 = arith.index_cast %scan3A_116 : i32 to index
        %get3A_154 = arith.constant 32 : index
        %get3A_155 = tpu.vector_load %arg9[%get3A_153, %get3A_154] {strides = array<i32>} : memref<80x128xf32, #tpu.memory_space<vmem>>, vector<1x16xf32>,
        %get3A_156 = vector.shape_cast %get3A_155 : vector<1x16xf32> to vector<16xf32>
        %add3A_157 = arith.addf %get3A_152, %get3A_156 : vector<16xf32>
        %mul3A_158 = arith.constant 5.000000e-01 : f32
        %mul3A_159 = vector.broadcast %mul3A_158 : f32 to vector<16xf32>
        %mul3A_160 = arith.mulf %add3A_157, %mul3A_159 : vector<16xf32>
        %swap3A_161 = arith.index_cast %scan3A_116 : i32 to index
        %swap3A_162 = arith.constant 32 : index
        %swap3A_163 = tpu.vector_load %arg11[%swap3A_161, %swap3A_162] {strides = array<i32>} : memref<80x128xf32, #tpu.memory_space<vmem>>, vector<1x16xf32>,
        %swap3A_164 = vector.shape_cast %swap3A_163 : vector<1x16xf32> to vector<16xf32>
        %swap3A_165 = vector.shape_cast %mul3A_160 : vector<16xf32> to vector<1x16xf32>
        tpu.vector_store %arg11[%swap3A_161, %swap3A_162], %swap3A_165 {strides = array<i32>} : memref<80x128xf32, #tpu.memory_space<vmem>>, vector<1x16xf32>,
        %get3A_166 = arith.index_cast %scan3A_116 : i32 to index
        %get3A_167 = arith.constant 48 : index
        %get3A_168 = tpu.vector_load %arg7[%get3A_166, %get3A_167] {strides = array<i32>} : memref<80x128xf32, #tpu.memory_space<vmem>>, vector<1x16xf32>,
        %get3A_169 = vector.shape_cast %get3A_168 : vector<1x16xf32> to vector<16xf32>
        %get3A_170 = arith.index_cast %scan3A_116 : i32 to index
        %get3A_171 = arith.constant 48 : index
        %get3A_172 = tpu.vector_load %arg9[%get3A_170, %get3A_171] {strides = array<i32>} : memref<80x128xf32, #tpu.memory_space<vmem>>, vector<1x16xf32>,
        %get3A_173 = vector.shape_cast %get3A_172 : vector<1x16xf32> to vector<16xf32>
        %add3A_174 = arith.addf %get3A_169, %get3A_173 : vector<16xf32>
        %mul3A_175 = arith.constant 5.000000e-01 : f32
        %mul3A_176 = vector.broadcast %mul3A_175 : f32 to vector<16xf32>
        %mul3A_177 = arith.mulf %add3A_174, %mul3A_176 : vector<16xf32>
        %swap3A_178 = arith.index_cast %scan3A_116 : i32 to index
        %swap3A_179 = arith.constant 48 : index
        %swap3A_180 = tpu.vector_load %arg11[%swap3A_178, %swap3A_179] {strides = array<i32>} : memref<80x128xf32, #tpu.memory_space<vmem>>, vector<1x16xf32>,
        %swap3A_181 = vector.shape_cast %swap3A_180 : vector<1x16xf32> to vector<16xf32>
        %swap3A_182 = vector.shape_cast %mul3A_177 : vector<16xf32> to vector<1x16xf32>
        tpu.vector_store %arg11[%swap3A_178, %swap3A_179], %swap3A_182 {strides = array<i32>} : memref<80x128xf32, #tpu.memory_space<vmem>>, vector<1x16xf32>,
        %get3A_183 = arith.index_cast %scan3A_116 : i32 to index
        %get3A_184 = arith.constant 64 : index
        %get3A_185 = tpu.vector_load %arg7[%get3A_183, %get3A_184] {strides = array<i32>} : memref<80x128xf32, #tpu.memory_space<vmem>>, vector<1x16xf32>,
        %get3A_186 = vector.shape_cast %get3A_185 : vector<1x16xf32> to vector<16xf32>
        %get3A_187 = arith.index_cast %scan3A_116 : i32 to index
        %get3A_188 = arith.constant 64 : index
        %get3A_189 = tpu.vector_load %arg9[%get3A_187, %get3A_188] {strides = array<i32>} : memref<80x128xf32, #tpu.memory_space<vmem>>, vector<1x16xf32>,
        %get3A_190 = vector.shape_cast %get3A_189 : vector<1x16xf32> to vector<16xf32>
        %add3A_191 = arith.addf %get3A_186, %get3A_190 : vector<16xf32>
        %mul3A_192 = arith.constant 5.000000e-01 : f32
        %mul3A_193 = vector.broadcast %mul3A_192 : f32 to vector<16xf32>
        %mul3A_194 = arith.mulf %add3A_191, %mul3A_193 : vector<16xf32>
        %swap3A_195 = arith.index_cast %scan3A_116 : i32 to index
        %swap3A_196 = arith.constant 64 : index
        %swap3A_197 = tpu.vector_load %arg11[%swap3A_195, %swap3A_196] {strides = array<i32>} : memref<80x128xf32, #tpu.memory_space<vmem>>, vector<1x16xf32>,
        %swap3A_198 = vector.shape_cast %swap3A_197 : vector<1x16xf32> to vector<16xf32>
        %swap3A_199 = vector.shape_cast %mul3A_194 : vector<16xf32> to vector<1x16xf32>
        tpu.vector_store %arg11[%swap3A_195, %swap3A_196], %swap3A_199 {strides = array<i32>} : memref<80x128xf32, #tpu.memory_space<vmem>>, vector<1x16xf32>,
        %get3A_200 = arith.index_cast %scan3A_116 : i32 to index
        %get3A_201 = arith.constant 80 : index
        %get3A_202 = tpu.vector_load %arg7[%get3A_200, %get3A_201] {strides = array<i32>} : memref<80x128xf32, #tpu.memory_space<vmem>>, vector<1x16xf32>,
        %get3A_203 = vector.shape_cast %get3A_202 : vector<1x16xf32> to vector<16xf32>
        %get3A_204 = arith.index_cast %scan3A_116 : i32 to index
        %get3A_205 = arith.constant 80 : index
        %get3A_206 = tpu.vector_load %arg9[%get3A_204, %get3A_205] {strides = array<i32>} : memref<80x128xf32, #tpu.memory_space<vmem>>, vector<1x16xf32>,
        %get3A_207 = vector.shape_cast %get3A_206 : vector<1x16xf32> to vector<16xf32>
        %add3A_208 = arith.addf %get3A_203, %get3A_207 : vector<16xf32>
        %mul3A_209 = arith.constant 5.000000e-01 : f32
        %mul3A_210 = vector.broadcast %mul3A_209 : f32 to vector<16xf32>
        %mul3A_211 = arith.mulf %add3A_208, %mul3A_210 : vector<16xf32>
        %swap3A_212 = arith.index_cast %scan3A_116 : i32 to index
        %swap3A_213 = arith.constant 80 : index
        %swap3A_214 = tpu.vector_load %arg11[%swap3A_212, %swap3A_213] {strides = array<i32>} : memref<80x128xf32, #tpu.memory_space<vmem>>, vector<1x16xf32>,
        %swap3A_215 = vector.shape_cast %swap3A_214 : vector<1x16xf32> to vector<16xf32>
        %swap3A_216 = vector.shape_cast %mul3A_211 : vector<16xf32> to vector<1x16xf32>
        tpu.vector_store %arg11[%swap3A_212, %swap3A_213], %swap3A_216 {strides = array<i32>} : memref<80x128xf32, #tpu.memory_space<vmem>>, vector<1x16xf32>,
        %get3A_217 = arith.index_cast %scan3A_116 : i32 to index
        %get3A_218 = arith.constant 96 : index
        %get3A_219 = tpu.vector_load %arg7[%get3A_217, %get3A_218] {strides = array<i32>} : memref<80x128xf32, #tpu.memory_space<vmem>>, vector<1x16xf32>,
        %get3A_220 = vector.shape_cast %get3A_219 : vector<1x16xf32> to vector<16xf32>
        %get3A_221 = arith.index_cast %scan3A_116 : i32 to index
        %get3A_222 = arith.constant 96 : index
        %get3A_223 = tpu.vector_load %arg9[%get3A_221, %get3A_222] {strides = array<i32>} : memref<80x128xf32, #tpu.memory_space<vmem>>, vector<1x16xf32>,
        %get3A_224 = vector.shape_cast %get3A_223 : vector<1x16xf32> to vector<16xf32>
        %add3A_225 = arith.addf %get3A_220, %get3A_224 : vector<16xf32>
        %mul3A_226 = arith.constant 5.000000e-01 : f32
        %mul3A_227 = vector.broadcast %mul3A_226 : f32 to vector<16xf32>
        %mul3A_228 = arith.mulf %add3A_225, %mul3A_227 : vector<16xf32>
        %swap3A_229 = arith.index_cast %scan3A_116 : i32 to index
        %swap3A_230 = arith.constant 96 : index
        %swap3A_231 = tpu.vector_load %arg11[%swap3A_229, %swap3A_230] {strides = array<i32>} : memref<80x128xf32, #tpu.memory_space<vmem>>, vector<1x16xf32>,
        %swap3A_232 = vector.shape_cast %swap3A_231 : vector<1x16xf32> to vector<16xf32>
        %swap3A_233 = vector.shape_cast %mul3A_228 : vector<16xf32> to vector<1x16xf32>
        tpu.vector_store %arg11[%swap3A_229, %swap3A_230], %swap3A_233 {strides = array<i32>} : memref<80x128xf32, #tpu.memory_space<vmem>>, vector<1x16xf32>,
        %get3A_234 = arith.index_cast %scan3A_116 : i32 to index
        %get3A_235 = arith.constant 112 : index
        %get3A_236 = tpu.vector_load %arg7[%get3A_234, %get3A_235] {strides = array<i32>} : memref<80x128xf32, #tpu.memory_space<vmem>>, vector<1x16xf32>,
        %get3A_237 = vector.shape_cast %get3A_236 : vector<1x16xf32> to vector<16xf32>
        %get3A_238 = arith.index_cast %scan3A_116 : i32 to index
        %get3A_239 = arith.constant 112 : index
        %get3A_240 = tpu.vector_load %arg9[%get3A_238, %get3A_239] {strides = array<i32>} : memref<80x128xf32, #tpu.memory_space<vmem>>, vector<1x16xf32>,
        %get3A_241 = vector.shape_cast %get3A_240 : vector<1x16xf32> to vector<16xf32>
        %add3A_242 = arith.addf %get3A_237, %get3A_241 : vector<16xf32>
        %mul3A_243 = arith.constant 5.000000e-01 : f32
        %mul3A_244 = vector.broadcast %mul3A_243 : f32 to vector<16xf32>
        %mul3A_245 = arith.mulf %add3A_242, %mul3A_244 : vector<16xf32>
        %swap3A_246 = arith.index_cast %scan3A_116 : i32 to index
        %swap3A_247 = arith.constant 112 : index
        %swap3A_248 = tpu.vector_load %arg11[%swap3A_246, %swap3A_247] {strides = array<i32>} : memref<80x128xf32, #tpu.memory_space<vmem>>, vector<1x16xf32>,
        %swap3A_249 = vector.shape_cast %swap3A_248 : vector<1x16xf32> to vector<16xf32>
        %swap3A_250 = vector.shape_cast %mul3A_245 : vector<16xf32> to vector<1x16xf32>
        tpu.vector_store %arg11[%swap3A_246, %swap3A_247], %swap3A_250 {strides = array<i32>} : memref<80x128xf32, #tpu.memory_space<vmem>>, vector<1x16xf32>,
      }
      %scan3A_79 = arith.constant 80 : i32
      %mul3A_80 = arith.constant 80 : i32
      %mul3A_81 = arith.muli %mul3A_37, %mul3A_80 : i32
      %add3A_82 = arith.addi %mul3A_2, %mul3A_81 : i32
      %dma_start3A_83 = arith.constant 0 : i32
      %dma_start3A_84 = tpu.memref_slice %arg4[%add3A_82, %dma_start3A_83] : memref<320000x128xf32, #tpu.memory_space<hbm>> -> memref<80x128xf32, #tpu.memory_space<hbm>>
      %dma_start3A_85 = arith.constant 0 : i32
      %dma_start3A_86 = tpu.memref_slice %arg4[%add3A_82, %dma_start3A_85] : memref<320000x128xf32, #tpu.memory_space<hbm>> -> memref<80x128xf32, #tpu.memory_space<hbm>>
      tpu.enqueue_dma source(%arg11 : memref<80x128xf32, #tpu.memory_space<vmem>>) target(%dma_start3A_86 : memref<80x128xf32, #tpu.memory_space<hbm>>) target_semaphore(%arg17 : memref<!tpu.dma_semaphore, #tpu.memory_space<semaphore_mem>>)
      %dma_wait3A_87 = tpu.memref_slice %arg5[%mul3A_55] : memref<10000xi32, #tpu.memory_space<vmem>> -> memref<80xi32, #tpu.memory_space<vmem>>
      %dma_wait3A_88 = arith.constant 0 : i32
      %dma_wait3A_89 = arith.constant 0 : i32
      %dma_wait3A_90 = tpu.memref_slice %arg2[%dma_wait3A_88, %dma_wait3A_89] : memref<10000x128xf32, #tpu.memory_space<hbm>> -> memref<10000x128xf32, #tpu.memory_space<hbm>>
      tpu.wait_indirect_dma semaphore(%arg14 : memref<!tpu.dma_semaphore, #tpu.memory_space<semaphore_mem>>) src(%dma_wait3A_90 : memref<10000x128xf32, #tpu.memory_space<hbm>>) dst(%arg8 : memref<80x128xf32, #tpu.memory_space<vmem>>)
      %dma_wait3A_91 = tpu.memref_slice %arg6[%mul3A_61] : memref<10000xi32, #tpu.memory_space<vmem>> -> memref<80xi32, #tpu.memory_space<vmem>>
      %dma_wait3A_92 = arith.constant 0 : i32
      %dma_wait3A_93 = arith.constant 0 : i32
      %dma_wait3A_94 = tpu.memref_slice %arg2[%dma_wait3A_92, %dma_wait3A_93] : memref<10000x128xf32, #tpu.memory_space<hbm>> -> memref<10000x128xf32, #tpu.memory_space<hbm>>
      tpu.wait_indirect_dma semaphore(%arg16 : memref<!tpu.dma_semaphore, #tpu.memory_space<semaphore_mem>>) src(%dma_wait3A_94 : memref<10000x128xf32, #tpu.memory_space<hbm>>) dst(%arg10 : memref<80x128xf32, #tpu.memory_space<vmem>>)
      %scan3A_95 = arith.constant 0 : i32
      %scan3A_96 = arith.constant 0 : i32
      %scan3A_97 = arith.constant 80 : i32
      %scan3A_98 = arith.addi %scan3A_96, %scan3A_97 : i32
      %scan3A_99 = arith.constant 1 : i32
      scf.for %scan3A_116 = %scan3A_96 to %scan3A_98 step %scan3A_99  : i32 {
        %get3A = arith.index_cast %scan3A_116 : i32 to index
        %get3A_117 = arith.constant 0 : index
        %get3A_118 = tpu.vector_load %arg8[%get3A, %get3A_117] {strides = array<i32>} : memref<80x128xf32, #tpu.memory_space<vmem>>, vector<1x16xf32>,
        %get3A_119 = vector.shape_cast %get3A_118 : vector<1x16xf32> to vector<16xf32>
        %get3A_120 = arith.index_cast %scan3A_116 : i32 to index
        %get3A_121 = arith.constant 0 : index
        %get3A_122 = tpu.vector_load %arg10[%get3A_120, %get3A_121] {strides = array<i32>} : memref<80x128xf32, #tpu.memory_space<vmem>>, vector<1x16xf32>,
        %get3A_123 = vector.shape_cast %get3A_122 : vector<1x16xf32> to vector<16xf32>
        %add3A_124 = arith.addf %get3A_119, %get3A_123 : vector<16xf32>
        %mul3A_125 = arith.constant 5.000000e-01 : f32
        %mul3A_126 = vector.broadcast %mul3A_125 : f32 to vector<16xf32>
        %mul3A_127 = arith.mulf %add3A_124, %mul3A_126 : vector<16xf32>
        %swap3A = arith.index_cast %scan3A_116 : i32 to index
        %swap3A_128 = arith.constant 0 : index
        %swap3A_129 = tpu.vector_load %arg12[%swap3A, %swap3A_128] {strides = array<i32>} : memref<80x128xf32, #tpu.memory_space<vmem>>, vector<1x16xf32>,
        %swap3A_130 = vector.shape_cast %swap3A_129 : vector<1x16xf32> to vector<16xf32>
        %swap3A_131 = vector.shape_cast %mul3A_127 : vector<16xf32> to vector<1x16xf32>
        tpu.vector_store %arg12[%swap3A, %swap3A_128], %swap3A_131 {strides = array<i32>} : memref<80x128xf32, #tpu.memory_space<vmem>>, vector<1x16xf32>,
        %get3A_132 = arith.index_cast %scan3A_116 : i32 to index
        %get3A_133 = arith.constant 16 : index
        %get3A_134 = tpu.vector_load %arg8[%get3A_132, %get3A_133] {strides = array<i32>} : memref<80x128xf32, #tpu.memory_space<vmem>>, vector<1x16xf32>,
        %get3A_135 = vector.shape_cast %get3A_134 : vector<1x16xf32> to vector<16xf32>
        %get3A_136 = arith.index_cast %scan3A_116 : i32 to index
        %get3A_137 = arith.constant 16 : index
        %get3A_138 = tpu.vector_load %arg10[%get3A_136, %get3A_137] {strides = array<i32>} : memref<80x128xf32, #tpu.memory_space<vmem>>, vector<1x16xf32>,
        %get3A_139 = vector.shape_cast %get3A_138 : vector<1x16xf32> to vector<16xf32>
        %add3A_140 = arith.addf %get3A_135, %get3A_139 : vector<16xf32>
        %mul3A_141 = arith.constant 5.000000e-01 : f32
        %mul3A_142 = vector.broadcast %mul3A_141 : f32 to vector<16xf32>
        %mul3A_143 = arith.mulf %add3A_140, %mul3A_142 : vector<16xf32>
        %swap3A_144 = arith.index_cast %scan3A_116 : i32 to index
        %swap3A_145 = arith.constant 16 : index
        %swap3A_146 = tpu.vector_load %arg12[%swap3A_144, %swap3A_145] {strides = array<i32>} : memref<80x128xf32, #tpu.memory_space<vmem>>, vector<1x16xf32>,
        %swap3A_147 = vector.shape_cast %swap3A_146 : vector<1x16xf32> to vector<16xf32>
        %swap3A_148 = vector.shape_cast %mul3A_143 : vector<16xf32> to vector<1x16xf32>
        tpu.vector_store %arg12[%swap3A_144, %swap3A_145], %swap3A_148 {strides = array<i32>} : memref<80x128xf32, #tpu.memory_space<vmem>>, vector<1x16xf32>,
        %get3A_149 = arith.index_cast %scan3A_116 : i32 to index
        %get3A_150 = arith.constant 32 : index
        %get3A_151 = tpu.vector_load %arg8[%get3A_149, %get3A_150] {strides = array<i32>} : memref<80x128xf32, #tpu.memory_space<vmem>>, vector<1x16xf32>,
        %get3A_152 = vector.shape_cast %get3A_151 : vector<1x16xf32> to vector<16xf32>
        %get3A_153 = arith.index_cast %scan3A_116 : i32 to index
        %get3A_154 = arith.constant 32 : index
        %get3A_155 = tpu.vector_load %arg10[%get3A_153, %get3A_154] {strides = array<i32>} : memref<80x128xf32, #tpu.memory_space<vmem>>, vector<1x16xf32>,
        %get3A_156 = vector.shape_cast %get3A_155 : vector<1x16xf32> to vector<16xf32>
        %add3A_157 = arith.addf %get3A_152, %get3A_156 : vector<16xf32>
        %mul3A_158 = arith.constant 5.000000e-01 : f32
        %mul3A_159 = vector.broadcast %mul3A_158 : f32 to vector<16xf32>
        %mul3A_160 = arith.mulf %add3A_157, %mul3A_159 : vector<16xf32>
        %swap3A_161 = arith.index_cast %scan3A_116 : i32 to index
        %swap3A_162 = arith.constant 32 : index
        %swap3A_163 = tpu.vector_load %arg12[%swap3A_161, %swap3A_162] {strides = array<i32>} : memref<80x128xf32, #tpu.memory_space<vmem>>, vector<1x16xf32>,
        %swap3A_164 = vector.shape_cast %swap3A_163 : vector<1x16xf32> to vector<16xf32>
        %swap3A_165 = vector.shape_cast %mul3A_160 : vector<16xf32> to vector<1x16xf32>
        tpu.vector_store %arg12[%swap3A_161, %swap3A_162], %swap3A_165 {strides = array<i32>} : memref<80x128xf32, #tpu.memory_space<vmem>>, vector<1x16xf32>,
        %get3A_166 = arith.index_cast %scan3A_116 : i32 to index
        %get3A_167 = arith.constant 48 : index
        %get3A_168 = tpu.vector_load %arg8[%get3A_166, %get3A_167] {strides = array<i32>} : memref<80x128xf32, #tpu.memory_space<vmem>>, vector<1x16xf32>,
        %get3A_169 = vector.shape_cast %get3A_168 : vector<1x16xf32> to vector<16xf32>
        %get3A_170 = arith.index_cast %scan3A_116 : i32 to index
        %get3A_171 = arith.constant 48 : index
        %get3A_172 = tpu.vector_load %arg10[%get3A_170, %get3A_171] {strides = array<i32>} : memref<80x128xf32, #tpu.memory_space<vmem>>, vector<1x16xf32>,
        %get3A_173 = vector.shape_cast %get3A_172 : vector<1x16xf32> to vector<16xf32>
        %add3A_174 = arith.addf %get3A_169, %get3A_173 : vector<16xf32>
        %mul3A_175 = arith.constant 5.000000e-01 : f32
        %mul3A_176 = vector.broadcast %mul3A_175 : f32 to vector<16xf32>
        %mul3A_177 = arith.mulf %add3A_174, %mul3A_176 : vector<16xf32>
        %swap3A_178 = arith.index_cast %scan3A_116 : i32 to index
        %swap3A_179 = arith.constant 48 : index
        %swap3A_180 = tpu.vector_load %arg12[%swap3A_178, %swap3A_179] {strides = array<i32>} : memref<80x128xf32, #tpu.memory_space<vmem>>, vector<1x16xf32>,
        %swap3A_181 = vector.shape_cast %swap3A_180 : vector<1x16xf32> to vector<16xf32>
        %swap3A_182 = vector.shape_cast %mul3A_177 : vector<16xf32> to vector<1x16xf32>
        tpu.vector_store %arg12[%swap3A_178, %swap3A_179], %swap3A_182 {strides = array<i32>} : memref<80x128xf32, #tpu.memory_space<vmem>>, vector<1x16xf32>,
        %get3A_183 = arith.index_cast %scan3A_116 : i32 to index
        %get3A_184 = arith.constant 64 : index
        %get3A_185 = tpu.vector_load %arg8[%get3A_183, %get3A_184] {strides = array<i32>} : memref<80x128xf32, #tpu.memory_space<vmem>>, vector<1x16xf32>,
        %get3A_186 = vector.shape_cast %get3A_185 : vector<1x16xf32> to vector<16xf32>
        %get3A_187 = arith.index_cast %scan3A_116 : i32 to index
        %get3A_188 = arith.constant 64 : index
        %get3A_189 = tpu.vector_load %arg10[%get3A_187, %get3A_188] {strides = array<i32>} : memref<80x128xf32, #tpu.memory_space<vmem>>, vector<1x16xf32>,
        %get3A_190 = vector.shape_cast %get3A_189 : vector<1x16xf32> to vector<16xf32>
        %add3A_191 = arith.addf %get3A_186, %get3A_190 : vector<16xf32>
        %mul3A_192 = arith.constant 5.000000e-01 : f32
        %mul3A_193 = vector.broadcast %mul3A_192 : f32 to vector<16xf32>
        %mul3A_194 = arith.mulf %add3A_191, %mul3A_193 : vector<16xf32>
        %swap3A_195 = arith.index_cast %scan3A_116 : i32 to index
        %swap3A_196 = arith.constant 64 : index
        %swap3A_197 = tpu.vector_load %arg12[%swap3A_195, %swap3A_196] {strides = array<i32>} : memref<80x128xf32, #tpu.memory_space<vmem>>, vector<1x16xf32>,
        %swap3A_198 = vector.shape_cast %swap3A_197 : vector<1x16xf32> to vector<16xf32>
        %swap3A_199 = vector.shape_cast %mul3A_194 : vector<16xf32> to vector<1x16xf32>
        tpu.vector_store %arg12[%swap3A_195, %swap3A_196], %swap3A_199 {strides = array<i32>} : memref<80x128xf32, #tpu.memory_space<vmem>>, vector<1x16xf32>,
        %get3A_200 = arith.index_cast %scan3A_116 : i32 to index
        %get3A_201 = arith.constant 80 : index
        %get3A_202 = tpu.vector_load %arg8[%get3A_200, %get3A_201] {strides = array<i32>} : memref<80x128xf32, #tpu.memory_space<vmem>>, vector<1x16xf32>,
        %get3A_203 = vector.shape_cast %get3A_202 : vector<1x16xf32> to vector<16xf32>
        %get3A_204 = arith.index_cast %scan3A_116 : i32 to index
        %get3A_205 = arith.constant 80 : index
        %get3A_206 = tpu.vector_load %arg10[%get3A_204, %get3A_205] {strides = array<i32>} : memref<80x128xf32, #tpu.memory_space<vmem>>, vector<1x16xf32>,
        %get3A_207 = vector.shape_cast %get3A_206 : vector<1x16xf32> to vector<16xf32>
        %add3A_208 = arith.addf %get3A_203, %get3A_207 : vector<16xf32>
        %mul3A_209 = arith.constant 5.000000e-01 : f32
        %mul3A_210 = vector.broadcast %mul3A_209 : f32 to vector<16xf32>
        %mul3A_211 = arith.mulf %add3A_208, %mul3A_210 : vector<16xf32>
        %swap3A_212 = arith.index_cast %scan3A_116 : i32 to index
        %swap3A_213 = arith.constant 80 : index
        %swap3A_214 = tpu.vector_load %arg12[%swap3A_212, %swap3A_213] {strides = array<i32>} : memref<80x128xf32, #tpu.memory_space<vmem>>, vector<1x16xf32>,
        %swap3A_215 = vector.shape_cast %swap3A_214 : vector<1x16xf32> to vector<16xf32>
        %swap3A_216 = vector.shape_cast %mul3A_211 : vector<16xf32> to vector<1x16xf32>
        tpu.vector_store %arg12[%swap3A_212, %swap3A_213], %swap3A_216 {strides = array<i32>} : memref<80x128xf32, #tpu.memory_space<vmem>>, vector<1x16xf32>,
        %get3A_217 = arith.index_cast %scan3A_116 : i32 to index
        %get3A_218 = arith.constant 96 : index
        %get3A_219 = tpu.vector_load %arg8[%get3A_217, %get3A_218] {strides = array<i32>} : memref<80x128xf32, #tpu.memory_space<vmem>>, vector<1x16xf32>,
        %get3A_220 = vector.shape_cast %get3A_219 : vector<1x16xf32> to vector<16xf32>
        %get3A_221 = arith.index_cast %scan3A_116 : i32 to index
        %get3A_222 = arith.constant 96 : index
        %get3A_223 = tpu.vector_load %arg10[%get3A_221, %get3A_222] {strides = array<i32>} : memref<80x128xf32, #tpu.memory_space<vmem>>, vector<1x16xf32>,
        %get3A_224 = vector.shape_cast %get3A_223 : vector<1x16xf32> to vector<16xf32>
        %add3A_225 = arith.addf %get3A_220, %get3A_224 : vector<16xf32>
        %mul3A_226 = arith.constant 5.000000e-01 : f32
        %mul3A_227 = vector.broadcast %mul3A_226 : f32 to vector<16xf32>
        %mul3A_228 = arith.mulf %add3A_225, %mul3A_227 : vector<16xf32>
        %swap3A_229 = arith.index_cast %scan3A_116 : i32 to index
        %swap3A_230 = arith.constant 96 : index
        %swap3A_231 = tpu.vector_load %arg12[%swap3A_229, %swap3A_230] {strides = array<i32>} : memref<80x128xf32, #tpu.memory_space<vmem>>, vector<1x16xf32>,
        %swap3A_232 = vector.shape_cast %swap3A_231 : vector<1x16xf32> to vector<16xf32>
        %swap3A_233 = vector.shape_cast %mul3A_228 : vector<16xf32> to vector<1x16xf32>
        tpu.vector_store %arg12[%swap3A_229, %swap3A_230], %swap3A_233 {strides = array<i32>} : memref<80x128xf32, #tpu.memory_space<vmem>>, vector<1x16xf32>,
        %get3A_234 = arith.index_cast %scan3A_116 : i32 to index
        %get3A_235 = arith.constant 112 : index
        %get3A_236 = tpu.vector_load %arg8[%get3A_234, %get3A_235] {strides = array<i32>} : memref<80x128xf32, #tpu.memory_space<vmem>>, vector<1x16xf32>,
        %get3A_237 = vector.shape_cast %get3A_236 : vector<1x16xf32> to vector<16xf32>
        %get3A_238 = arith.index_cast %scan3A_116 : i32 to index
        %get3A_239 = arith.constant 112 : index
        %get3A_240 = tpu.vector_load %arg10[%get3A_238, %get3A_239] {strides = array<i32>} : memref<80x128xf32, #tpu.memory_space<vmem>>, vector<1x16xf32>,
        %get3A_241 = vector.shape_cast %get3A_240 : vector<1x16xf32> to vector<16xf32>
        %add3A_242 = arith.addf %get3A_237, %get3A_241 : vector<16xf32>
        %mul3A_243 = arith.constant 5.000000e-01 : f32
        %mul3A_244 = vector.broadcast %mul3A_243 : f32 to vector<16xf32>
        %mul3A_245 = arith.mulf %add3A_242, %mul3A_244 : vector<16xf32>
        %swap3A_246 = arith.index_cast %scan3A_116 : i32 to index
        %swap3A_247 = arith.constant 112 : index
        %swap3A_248 = tpu.vector_load %arg12[%swap3A_246, %swap3A_247] {strides = array<i32>} : memref<80x128xf32, #tpu.memory_space<vmem>>, vector<1x16xf32>,
        %swap3A_249 = vector.shape_cast %swap3A_248 : vector<1x16xf32> to vector<16xf32>
        %swap3A_250 = vector.shape_cast %mul3A_245 : vector<16xf32> to vector<1x16xf32>
        tpu.vector_store %arg12[%swap3A_246, %swap3A_247], %swap3A_250 {strides = array<i32>} : memref<80x128xf32, #tpu.memory_space<vmem>>, vector<1x16xf32>,
      }
      %scan3A_100 = arith.constant 80 : i32
      %mul3A_101 = arith.constant 80 : i32
      %mul3A_102 = arith.muli %add3A_41, %mul3A_101 : i32
      %add3A_103 = arith.addi %mul3A_2, %mul3A_102 : i32
      %dma_start3A_104 = arith.constant 0 : i32
      %dma_start3A_105 = tpu.memref_slice %arg4[%add3A_103, %dma_start3A_104] : memref<320000x128xf32, #tpu.memory_space<hbm>> -> memref<80x128xf32, #tpu.memory_space<hbm>>
      %dma_start3A_106 = arith.constant 0 : i32
      %dma_start3A_107 = tpu.memref_slice %arg4[%add3A_103, %dma_start3A_106] : memref<320000x128xf32, #tpu.memory_space<hbm>> -> memref<80x128xf32, #tpu.memory_space<hbm>>
      tpu.enqueue_dma source(%arg12 : memref<80x128xf32, #tpu.memory_space<vmem>>) target(%dma_start3A_107 : memref<80x128xf32, #tpu.memory_space<hbm>>) target_semaphore(%arg18 : memref<!tpu.dma_semaphore, #tpu.memory_space<semaphore_mem>>)
      %dma_wait3A_108 = arith.constant 0 : i32
      %dma_wait3A_109 = tpu.memref_slice %arg4[%add3A_82, %dma_wait3A_108] : memref<320000x128xf32, #tpu.memory_space<hbm>> -> memref<80x128xf32, #tpu.memory_space<hbm>>
      %dma_wait3A_110 = arith.constant 0 : i32
      %dma_wait3A_111 = tpu.memref_slice %arg4[%add3A_82, %dma_wait3A_110] : memref<320000x128xf32, #tpu.memory_space<hbm>> -> memref<80x128xf32, #tpu.memory_space<hbm>>
      tpu.wait_dma2 semaphore(%arg17 : memref<!tpu.dma_semaphore, #tpu.memory_space<semaphore_mem>>) src(%arg11 : memref<80x128xf32, #tpu.memory_space<vmem>>) dst(%dma_wait3A_111 : memref<80x128xf32, #tpu.memory_space<hbm>>)
      %dma_wait3A_112 = arith.constant 0 : i32
      %dma_wait3A_113 = tpu.memref_slice %arg4[%add3A_103, %dma_wait3A_112] : memref<320000x128xf32, #tpu.memory_space<hbm>> -> memref<80x128xf32, #tpu.memory_space<hbm>>
      %dma_wait3A_114 = arith.constant 0 : i32
      %dma_wait3A_115 = tpu.memref_slice %arg4[%add3A_103, %dma_wait3A_114] : memref<320000x128xf32, #tpu.memory_space<hbm>> -> memref<80x128xf32, #tpu.memory_space<hbm>>
      tpu.wait_dma2 semaphore(%arg18 : memref<!tpu.dma_semaphore, #tpu.memory_space<semaphore_mem>>) src(%arg12 : memref<80x128xf32, #tpu.memory_space<vmem>>) dst(%dma_wait3A_115 : memref<80x128xf32, #tpu.memory_space<hbm>>)
    }
    %scan3A_8 = arith.constant 62 : i32
    %dma_start3A = arith.constant 9920 : i32
    %dma_start3A_9 = tpu.memref_slice %arg5[%dma_start3A] : memref<10000xi32, #tpu.memory_space<vmem>> -> memref<80xi32, #tpu.memory_space<vmem>>
    %dma_start3A_10 = arith.constant 0 : i32
    %dma_start3A_11 = arith.constant 0 : i32
    %dma_start3A_12 = tpu.memref_slice %arg2[%dma_start3A_10, %dma_start3A_11] : memref<10000x128xf32, #tpu.memory_space<hbm>> -> memref<10000x128xf32, #tpu.memory_space<hbm>>
    tpu.enqueue_indirect_dma source(%dma_start3A_12 : memref<10000x128xf32, #tpu.memory_space<hbm>>) target(%arg7 : memref<80x128xf32, #tpu.memory_space<vmem>>) offsets(%dma_start3A_9 : memref<80xi32, #tpu.memory_space<vmem>>) semaphore(%arg13 : memref<!tpu.dma_semaphore, #tpu.memory_space<semaphore_mem>>)
    %dma_start3A_13 = arith.constant 9920 : i32
    %dma_start3A_14 = tpu.memref_slice %arg6[%dma_start3A_13] : memref<10000xi32, #tpu.memory_space<vmem>> -> memref<80xi32, #tpu.memory_space<vmem>>
    %dma_start3A_15 = arith.constant 0 : i32
    %dma_start3A_16 = arith.constant 0 : i32
    %dma_start3A_17 = tpu.memref_slice %arg2[%dma_start3A_15, %dma_start3A_16] : memref<10000x128xf32, #tpu.memory_space<hbm>> -> memref<10000x128xf32, #tpu.memory_space<hbm>>
    tpu.enqueue_indirect_dma source(%dma_start3A_17 : memref<10000x128xf32, #tpu.memory_space<hbm>>) target(%arg9 : memref<80x128xf32, #tpu.memory_space<vmem>>) offsets(%dma_start3A_14 : memref<80xi32, #tpu.memory_space<vmem>>) semaphore(%arg15 : memref<!tpu.dma_semaphore, #tpu.memory_space<semaphore_mem>>)
    %dma_wait3A = arith.constant 9920 : i32
    %dma_wait3A_18 = tpu.memref_slice %arg5[%dma_wait3A] : memref<10000xi32, #tpu.memory_space<vmem>> -> memref<80xi32, #tpu.memory_space<vmem>>
    %dma_wait3A_19 = arith.constant 0 : i32
    %dma_wait3A_20 = arith.constant 0 : i32
    %dma_wait3A_21 = tpu.memref_slice %arg2[%dma_wait3A_19, %dma_wait3A_20] : memref<10000x128xf32, #tpu.memory_space<hbm>> -> memref<10000x128xf32, #tpu.memory_space<hbm>>
    tpu.wait_indirect_dma semaphore(%arg13 : memref<!tpu.dma_semaphore, #tpu.memory_space<semaphore_mem>>) src(%dma_wait3A_21 : memref<10000x128xf32, #tpu.memory_space<hbm>>) dst(%arg7 : memref<80x128xf32, #tpu.memory_space<vmem>>)
    %dma_wait3A_22 = arith.constant 9920 : i32
    %dma_wait3A_23 = tpu.memref_slice %arg6[%dma_wait3A_22] : memref<10000xi32, #tpu.memory_space<vmem>> -> memref<80xi32, #tpu.memory_space<vmem>>
    %dma_wait3A_24 = arith.constant 0 : i32
    %dma_wait3A_25 = arith.constant 0 : i32
    %dma_wait3A_26 = tpu.memref_slice %arg2[%dma_wait3A_24, %dma_wait3A_25] : memref<10000x128xf32, #tpu.memory_space<hbm>> -> memref<10000x128xf32, #tpu.memory_space<hbm>>
    tpu.wait_indirect_dma semaphore(%arg15 : memref<!tpu.dma_semaphore, #tpu.memory_space<semaphore_mem>>) src(%dma_wait3A_26 : memref<10000x128xf32, #tpu.memory_space<hbm>>) dst(%arg9 : memref<80x128xf32, #tpu.memory_space<vmem>>)
    %scan3A_27 = arith.constant 0 : i32
    %scan3A_28 = arith.constant 0 : i32
    %scan3A_29 = arith.constant 80 : i32
    %scan3A_30 = arith.addi %scan3A_28, %scan3A_29 : i32
    %scan3A_31 = arith.constant 1 : i32
    scf.for %scan3A_35 = %scan3A_28 to %scan3A_30 step %scan3A_31  : i32 {
      %get3A = arith.index_cast %scan3A_35 : i32 to index
      %get3A_36 = arith.constant 0 : index
      %get3A_37 = tpu.vector_load %arg7[%get3A, %get3A_36] {strides = array<i32>} : memref<80x128xf32, #tpu.memory_space<vmem>>, vector<1x16xf32>,
      %get3A_38 = vector.shape_cast %get3A_37 : vector<1x16xf32> to vector<16xf32>
      %get3A_39 = arith.index_cast %scan3A_35 : i32 to index
      %get3A_40 = arith.constant 0 : index
      %get3A_41 = tpu.vector_load %arg9[%get3A_39, %get3A_40] {strides = array<i32>} : memref<80x128xf32, #tpu.memory_space<vmem>>, vector<1x16xf32>,
      %get3A_42 = vector.shape_cast %get3A_41 : vector<1x16xf32> to vector<16xf32>
      %add3A_43 = arith.addf %get3A_38, %get3A_42 : vector<16xf32>
      %mul3A_44 = arith.constant 5.000000e-01 : f32
      %mul3A_45 = vector.broadcast %mul3A_44 : f32 to vector<16xf32>
      %mul3A_46 = arith.mulf %add3A_43, %mul3A_45 : vector<16xf32>
      %swap3A = arith.index_cast %scan3A_35 : i32 to index
      %swap3A_47 = arith.constant 0 : index
      %swap3A_48 = tpu.vector_load %arg11[%swap3A, %swap3A_47] {strides = array<i32>} : memref<80x128xf32, #tpu.memory_space<vmem>>, vector<1x16xf32>,
      %swap3A_49 = vector.shape_cast %swap3A_48 : vector<1x16xf32> to vector<16xf32>
      %swap3A_50 = vector.shape_cast %mul3A_46 : vector<16xf32> to vector<1x16xf32>
      tpu.vector_store %arg11[%swap3A, %swap3A_47], %swap3A_50 {strides = array<i32>} : memref<80x128xf32, #tpu.memory_space<vmem>>, vector<1x16xf32>,
      %get3A_51 = arith.index_cast %scan3A_35 : i32 to index
      %get3A_52 = arith.constant 16 : index
      %get3A_53 = tpu.vector_load %arg7[%get3A_51, %get3A_52] {strides = array<i32>} : memref<80x128xf32, #tpu.memory_space<vmem>>, vector<1x16xf32>,
      %get3A_54 = vector.shape_cast %get3A_53 : vector<1x16xf32> to vector<16xf32>
      %get3A_55 = arith.index_cast %scan3A_35 : i32 to index
      %get3A_56 = arith.constant 16 : index
      %get3A_57 = tpu.vector_load %arg9[%get3A_55, %get3A_56] {strides = array<i32>} : memref<80x128xf32, #tpu.memory_space<vmem>>, vector<1x16xf32>,
      %get3A_58 = vector.shape_cast %get3A_57 : vector<1x16xf32> to vector<16xf32>
      %add3A_59 = arith.addf %get3A_54, %get3A_58 : vector<16xf32>
      %mul3A_60 = arith.constant 5.000000e-01 : f32
      %mul3A_61 = vector.broadcast %mul3A_60 : f32 to vector<16xf32>
      %mul3A_62 = arith.mulf %add3A_59, %mul3A_61 : vector<16xf32>
      %swap3A_63 = arith.index_cast %scan3A_35 : i32 to index
      %swap3A_64 = arith.constant 16 : index
      %swap3A_65 = tpu.vector_load %arg11[%swap3A_63, %swap3A_64] {strides = array<i32>} : memref<80x128xf32, #tpu.memory_space<vmem>>, vector<1x16xf32>,
      %swap3A_66 = vector.shape_cast %swap3A_65 : vector<1x16xf32> to vector<16xf32>
      %swap3A_67 = vector.shape_cast %mul3A_62 : vector<16xf32> to vector<1x16xf32>
      tpu.vector_store %arg11[%swap3A_63, %swap3A_64], %swap3A_67 {strides = array<i32>} : memref<80x128xf32, #tpu.memory_space<vmem>>, vector<1x16xf32>,
      %get3A_68 = arith.index_cast %scan3A_35 : i32 to index
      %get3A_69 = arith.constant 32 : index
      %get3A_70 = tpu.vector_load %arg7[%get3A_68, %get3A_69] {strides = array<i32>} : memref<80x128xf32, #tpu.memory_space<vmem>>, vector<1x16xf32>,
      %get3A_71 = vector.shape_cast %get3A_70 : vector<1x16xf32> to vector<16xf32>
      %get3A_72 = arith.index_cast %scan3A_35 : i32 to index
      %get3A_73 = arith.constant 32 : index
      %get3A_74 = tpu.vector_load %arg9[%get3A_72, %get3A_73] {strides = array<i32>} : memref<80x128xf32, #tpu.memory_space<vmem>>, vector<1x16xf32>,
      %get3A_75 = vector.shape_cast %get3A_74 : vector<1x16xf32> to vector<16xf32>
      %add3A_76 = arith.addf %get3A_71, %get3A_75 : vector<16xf32>
      %mul3A_77 = arith.constant 5.000000e-01 : f32
      %mul3A_78 = vector.broadcast %mul3A_77 : f32 to vector<16xf32>
      %mul3A_79 = arith.mulf %add3A_76, %mul3A_78 : vector<16xf32>
      %swap3A_80 = arith.index_cast %scan3A_35 : i32 to index
      %swap3A_81 = arith.constant 32 : index
      %swap3A_82 = tpu.vector_load %arg11[%swap3A_80, %swap3A_81] {strides = array<i32>} : memref<80x128xf32, #tpu.memory_space<vmem>>, vector<1x16xf32>,
      %swap3A_83 = vector.shape_cast %swap3A_82 : vector<1x16xf32> to vector<16xf32>
      %swap3A_84 = vector.shape_cast %mul3A_79 : vector<16xf32> to vector<1x16xf32>
      tpu.vector_store %arg11[%swap3A_80, %swap3A_81], %swap3A_84 {strides = array<i32>} : memref<80x128xf32, #tpu.memory_space<vmem>>, vector<1x16xf32>,
      %get3A_85 = arith.index_cast %scan3A_35 : i32 to index
      %get3A_86 = arith.constant 48 : index
      %get3A_87 = tpu.vector_load %arg7[%get3A_85, %get3A_86] {strides = array<i32>} : memref<80x128xf32, #tpu.memory_space<vmem>>, vector<1x16xf32>,
      %get3A_88 = vector.shape_cast %get3A_87 : vector<1x16xf32> to vector<16xf32>
      %get3A_89 = arith.index_cast %scan3A_35 : i32 to index
      %get3A_90 = arith.constant 48 : index
      %get3A_91 = tpu.vector_load %arg9[%get3A_89, %get3A_90] {strides = array<i32>} : memref<80x128xf32, #tpu.memory_space<vmem>>, vector<1x16xf32>,
      %get3A_92 = vector.shape_cast %get3A_91 : vector<1x16xf32> to vector<16xf32>
      %add3A_93 = arith.addf %get3A_88, %get3A_92 : vector<16xf32>
      %mul3A_94 = arith.constant 5.000000e-01 : f32
      %mul3A_95 = vector.broadcast %mul3A_94 : f32 to vector<16xf32>
      %mul3A_96 = arith.mulf %add3A_93, %mul3A_95 : vector<16xf32>
      %swap3A_97 = arith.index_cast %scan3A_35 : i32 to index
      %swap3A_98 = arith.constant 48 : index
      %swap3A_99 = tpu.vector_load %arg11[%swap3A_97, %swap3A_98] {strides = array<i32>} : memref<80x128xf32, #tpu.memory_space<vmem>>, vector<1x16xf32>,
      %swap3A_100 = vector.shape_cast %swap3A_99 : vector<1x16xf32> to vector<16xf32>
      %swap3A_101 = vector.shape_cast %mul3A_96 : vector<16xf32> to vector<1x16xf32>
      tpu.vector_store %arg11[%swap3A_97, %swap3A_98], %swap3A_101 {strides = array<i32>} : memref<80x128xf32, #tpu.memory_space<vmem>>, vector<1x16xf32>,
      %get3A_102 = arith.index_cast %scan3A_35 : i32 to index
      %get3A_103 = arith.constant 64 : index
      %get3A_104 = tpu.vector_load %arg7[%get3A_102, %get3A_103] {strides = array<i32>} : memref<80x128xf32, #tpu.memory_space<vmem>>, vector<1x16xf32>,
      %get3A_105 = vector.shape_cast %get3A_104 : vector<1x16xf32> to vector<16xf32>
      %get3A_106 = arith.index_cast %scan3A_35 : i32 to index
      %get3A_107 = arith.constant 64 : index
      %get3A_108 = tpu.vector_load %arg9[%get3A_106, %get3A_107] {strides = array<i32>} : memref<80x128xf32, #tpu.memory_space<vmem>>, vector<1x16xf32>,
      %get3A_109 = vector.shape_cast %get3A_108 : vector<1x16xf32> to vector<16xf32>
      %add3A_110 = arith.addf %get3A_105, %get3A_109 : vector<16xf32>
      %mul3A_111 = arith.constant 5.000000e-01 : f32
      %mul3A_112 = vector.broadcast %mul3A_111 : f32 to vector<16xf32>
      %mul3A_113 = arith.mulf %add3A_110, %mul3A_112 : vector<16xf32>
      %swap3A_114 = arith.index_cast %scan3A_35 : i32 to index
      %swap3A_115 = arith.constant 64 : index
      %swap3A_116 = tpu.vector_load %arg11[%swap3A_114, %swap3A_115] {strides = array<i32>} : memref<80x128xf32, #tpu.memory_space<vmem>>, vector<1x16xf32>,
      %swap3A_117 = vector.shape_cast %swap3A_116 : vector<1x16xf32> to vector<16xf32>
      %swap3A_118 = vector.shape_cast %mul3A_113 : vector<16xf32> to vector<1x16xf32>
      tpu.vector_store %arg11[%swap3A_114, %swap3A_115], %swap3A_118 {strides = array<i32>} : memref<80x128xf32, #tpu.memory_space<vmem>>, vector<1x16xf32>,
      %get3A_119 = arith.index_cast %scan3A_35 : i32 to index
      %get3A_120 = arith.constant 80 : index
      %get3A_121 = tpu.vector_load %arg7[%get3A_119, %get3A_120] {strides = array<i32>} : memref<80x128xf32, #tpu.memory_space<vmem>>, vector<1x16xf32>,
      %get3A_122 = vector.shape_cast %get3A_121 : vector<1x16xf32> to vector<16xf32>
      %get3A_123 = arith.index_cast %scan3A_35 : i32 to index
      %get3A_124 = arith.constant 80 : index
      %get3A_125 = tpu.vector_load %arg9[%get3A_123, %get3A_124] {strides = array<i32>} : memref<80x128xf32, #tpu.memory_space<vmem>>, vector<1x16xf32>,
      %get3A_126 = vector.shape_cast %get3A_125 : vector<1x16xf32> to vector<16xf32>
      %add3A_127 = arith.addf %get3A_122, %get3A_126 : vector<16xf32>
      %mul3A_128 = arith.constant 5.000000e-01 : f32
      %mul3A_129 = vector.broadcast %mul3A_128 : f32 to vector<16xf32>
      %mul3A_130 = arith.mulf %add3A_127, %mul3A_129 : vector<16xf32>
      %swap3A_131 = arith.index_cast %scan3A_35 : i32 to index
      %swap3A_132 = arith.constant 80 : index
      %swap3A_133 = tpu.vector_load %arg11[%swap3A_131, %swap3A_132] {strides = array<i32>} : memref<80x128xf32, #tpu.memory_space<vmem>>, vector<1x16xf32>,
      %swap3A_134 = vector.shape_cast %swap3A_133 : vector<1x16xf32> to vector<16xf32>
      %swap3A_135 = vector.shape_cast %mul3A_130 : vector<16xf32> to vector<1x16xf32>
      tpu.vector_store %arg11[%swap3A_131, %swap3A_132], %swap3A_135 {strides = array<i32>} : memref<80x128xf32, #tpu.memory_space<vmem>>, vector<1x16xf32>,
      %get3A_136 = arith.index_cast %scan3A_35 : i32 to index
      %get3A_137 = arith.constant 96 : index
      %get3A_138 = tpu.vector_load %arg7[%get3A_136, %get3A_137] {strides = array<i32>} : memref<80x128xf32, #tpu.memory_space<vmem>>, vector<1x16xf32>,
      %get3A_139 = vector.shape_cast %get3A_138 : vector<1x16xf32> to vector<16xf32>
      %get3A_140 = arith.index_cast %scan3A_35 : i32 to index
      %get3A_141 = arith.constant 96 : index
      %get3A_142 = tpu.vector_load %arg9[%get3A_140, %get3A_141] {strides = array<i32>} : memref<80x128xf32, #tpu.memory_space<vmem>>, vector<1x16xf32>,
      %get3A_143 = vector.shape_cast %get3A_142 : vector<1x16xf32> to vector<16xf32>
      %add3A_144 = arith.addf %get3A_139, %get3A_143 : vector<16xf32>
      %mul3A_145 = arith.constant 5.000000e-01 : f32
      %mul3A_146 = vector.broadcast %mul3A_145 : f32 to vector<16xf32>
      %mul3A_147 = arith.mulf %add3A_144, %mul3A_146 : vector<16xf32>
      %swap3A_148 = arith.index_cast %scan3A_35 : i32 to index
      %swap3A_149 = arith.constant 96 : index
      %swap3A_150 = tpu.vector_load %arg11[%swap3A_148, %swap3A_149] {strides = array<i32>} : memref<80x128xf32, #tpu.memory_space<vmem>>, vector<1x16xf32>,
      %swap3A_151 = vector.shape_cast %swap3A_150 : vector<1x16xf32> to vector<16xf32>
      %swap3A_152 = vector.shape_cast %mul3A_147 : vector<16xf32> to vector<1x16xf32>
      tpu.vector_store %arg11[%swap3A_148, %swap3A_149], %swap3A_152 {strides = array<i32>} : memref<80x128xf32, #tpu.memory_space<vmem>>, vector<1x16xf32>,
      %get3A_153 = arith.index_cast %scan3A_35 : i32 to index
      %get3A_154 = arith.constant 112 : index
      %get3A_155 = tpu.vector_load %arg7[%get3A_153, %get3A_154] {strides = array<i32>} : memref<80x128xf32, #tpu.memory_space<vmem>>, vector<1x16xf32>,
      %get3A_156 = vector.shape_cast %get3A_155 : vector<1x16xf32> to vector<16xf32>
      %get3A_157 = arith.index_cast %scan3A_35 : i32 to index
      %get3A_158 = arith.constant 112 : index
      %get3A_159 = tpu.vector_load %arg9[%get3A_157, %get3A_158] {strides = array<i32>} : memref<80x128xf32, #tpu.memory_space<vmem>>, vector<1x16xf32>,
      %get3A_160 = vector.shape_cast %get3A_159 : vector<1x16xf32> to vector<16xf32>
      %add3A_161 = arith.addf %get3A_156, %get3A_160 : vector<16xf32>
      %mul3A_162 = arith.constant 5.000000e-01 : f32
      %mul3A_163 = vector.broadcast %mul3A_162 : f32 to vector<16xf32>
      %mul3A_164 = arith.mulf %add3A_161, %mul3A_163 : vector<16xf32>
      %swap3A_165 = arith.index_cast %scan3A_35 : i32 to index
      %swap3A_166 = arith.constant 112 : index
      %swap3A_167 = tpu.vector_load %arg11[%swap3A_165, %swap3A_166] {strides = array<i32>} : memref<80x128xf32, #tpu.memory_space<vmem>>, vector<1x16xf32>,
      %swap3A_168 = vector.shape_cast %swap3A_167 : vector<1x16xf32> to vector<16xf32>
      %swap3A_169 = vector.shape_cast %mul3A_164 : vector<16xf32> to vector<1x16xf32>
      tpu.vector_store %arg11[%swap3A_165, %swap3A_166], %swap3A_169 {strides = array<i32>} : memref<80x128xf32, #tpu.memory_space<vmem>>, vector<1x16xf32>,
    }
    %scan3A_32 = arith.constant 80 : i32
    %add3A_33 = arith.constant 9920 : i32
    %add3A_34 = arith.addi %mul3A_2, %add3A_33 : i32
    "tpu.region"() ({
      %run_scoped3A_35 = tpu.sem_alloc : memref<!tpu.dma_semaphore, #tpu.memory_space<semaphore_mem>>
      %dma_start3A_36 = arith.constant 0 : i32
      %dma_start3A_37 = tpu.memref_slice %arg4[%add3A_34, %dma_start3A_36] : memref<320000x128xf32, #tpu.memory_space<hbm>> -> memref<80x128xf32, #tpu.memory_space<hbm>>
      %dma_start3A_38 = arith.constant 0 : i32
      %dma_start3A_39 = tpu.memref_slice %arg4[%add3A_34, %dma_start3A_38] : memref<320000x128xf32, #tpu.memory_space<hbm>> -> memref<80x128xf32, #tpu.memory_space<hbm>>
      tpu.enqueue_dma source(%arg11 : memref<80x128xf32, #tpu.memory_space<vmem>>) target(%dma_start3A_39 : memref<80x128xf32, #tpu.memory_space<hbm>>) target_semaphore(%run_scoped3A_35 : memref<!tpu.dma_semaphore, #tpu.memory_space<semaphore_mem>>)
      %dma_wait3A_40 = arith.constant 0 : i32
      %dma_wait3A_41 = tpu.memref_slice %arg4[%add3A_34, %dma_wait3A_40] : memref<320000x128xf32, #tpu.memory_space<hbm>> -> memref<80x128xf32, #tpu.memory_space<hbm>>
      %dma_wait3A_42 = arith.constant 0 : i32
      %dma_wait3A_43 = tpu.memref_slice %arg4[%add3A_34, %dma_wait3A_42] : memref<320000x128xf32, #tpu.memory_space<hbm>> -> memref<80x128xf32, #tpu.memory_space<hbm>>
      tpu.wait_dma2 semaphore(%run_scoped3A_35 : memref<!tpu.dma_semaphore, #tpu.memory_space<semaphore_mem>>) src(%arg11 : memref<80x128xf32, #tpu.memory_space<vmem>>) dst(%dma_wait3A_43 : memref<80x128xf32, #tpu.memory_space<hbm>>)
      tpu.yield
    }) : () -> ()
    return
  }
}

#map = affine_map<(d0, d1) -> (0, 0)>
module attributes {stable_mosaic.version = 14 : i64} {
  func.func @_sc_agg(%arg0: i32, %arg1: i32, %arg2: memref<10000x128xf32, #tpu.memory_space<hbm>>, %arg3: memref<320000x16xf32, #tpu.memory_space<hbm>>, %arg4: memref<2x320000xi32, #tpu.memory_space<hbm>>, %arg5: memref<20000x128xf32, #tpu.memory_space<hbm>>, %arg6: memref<20000x16xf32, #tpu.memory_space<hbm>>, %arg7: memref<20000x16xf32, #tpu.memory_space<hbm>>, %arg8: memref<80xi32, #tpu.memory_space<vmem>>, %arg9: memref<80xi32, #tpu.memory_space<vmem>>, %arg10: memref<80xi32, #tpu.memory_space<vmem>>, %arg11: memref<80xi32, #tpu.memory_space<vmem>>, %arg12: memref<80x128xf32, #tpu.memory_space<vmem>>, %arg13: memref<80x128xf32, #tpu.memory_space<vmem>>, %arg14: memref<80x16xf32, #tpu.memory_space<vmem>>, %arg15: memref<80x16xf32, #tpu.memory_space<vmem>>, %arg16: memref<80x16xf32, #tpu.memory_space<vmem>>, %arg17: memref<10000x128xf32, #tpu.memory_space<vmem_shared>>, %arg18: memref<10000x16xf32, #tpu.memory_space<vmem_shared>>, %arg19: memref<10000x16xf32, #tpu.memory_space<vmem_shared>>, %arg20: memref<!tpu.dma_semaphore, #tpu.memory_space<semaphore_mem>>, %arg21: memref<!tpu.dma_semaphore, #tpu.memory_space<semaphore_mem>>, %arg22: memref<!tpu.dma_semaphore, #tpu.memory_space<semaphore_mem>>, %arg23: memref<!tpu.dma_semaphore, #tpu.memory_space<semaphore_mem>>, %arg24: memref<!tpu.dma_semaphore, #tpu.memory_space<semaphore_mem>>, %arg25: memref<!tpu.dma_semaphore, #tpu.memory_space<semaphore_mem>>, %arg26: memref<!tpu.dma_semaphore, #tpu.memory_space<semaphore_mem>>, %arg27: memref<!tpu.dma_semaphore, #tpu.memory_space<semaphore_mem>>, %arg28: memref<!tpu.dma_semaphore, #tpu.memory_space<semaphore_mem>>, %arg29: memref<!tpu.dma_semaphore, #tpu.memory_space<semaphore_mem>>) attributes {dimension_semantics = [#tpu.dimension_semantics<core_parallel>, #tpu.dimension_semantics<subcore_parallel>], iteration_bounds = array<i64: 2, 16>, scalar_prefetch = 0 : i64, scratch_operands = 22 : i64, tpu.core_type = #tpu.core_type<sc_vector_subcore>, window_params = [{transform_indices = #map}, {transform_indices = #map}, {transform_indices = #map}, {transform_indices = #map}, {transform_indices = #map}, {transform_indices = #map}]} {
    %mul3A = arith.constant 2 : i32
    %mul3A_0 = arith.muli %arg1, %mul3A : i32
    %add3A = arith.addi %mul3A_0, %arg0 : i32
    %scan3A = arith.constant 0 : i32
    %scan3A_1 = arith.constant 0 : i32
    %scan3A_2 = arith.constant 80 : i32
    %scan3A_3 = arith.addi %scan3A_1, %scan3A_2 : i32
    %scan3A_4 = arith.constant 1 : i32
    scf.for %scan3A_861 = %scan3A_1 to %scan3A_3 step %scan3A_4  : i32 {
      %broadcast_in_dim3A_862 = arith.constant 0.000000e+00 : f32
      %broadcast_in_dim3A_863 = vector.broadcast %broadcast_in_dim3A_862 : f32 to vector<16xf32>
      %swap3A_864 = arith.index_cast %scan3A_861 : i32 to index
      %swap3A_865 = arith.constant 0 : index
      %swap3A_866 = tpu.vector_load %arg12[%swap3A_864, %swap3A_865] {strides = array<i32>} : memref<80x128xf32, #tpu.memory_space<vmem>>, vector<1x16xf32>,
      %swap3A_867 = vector.shape_cast %swap3A_866 : vector<1x16xf32> to vector<16xf32>
      %swap3A_868 = vector.shape_cast %broadcast_in_dim3A_863 : vector<16xf32> to vector<1x16xf32>
      tpu.vector_store %arg12[%swap3A_864, %swap3A_865], %swap3A_868 {strides = array<i32>} : memref<80x128xf32, #tpu.memory_space<vmem>>, vector<1x16xf32>,
      %broadcast_in_dim3A_869 = arith.constant 0.000000e+00 : f32
      %broadcast_in_dim3A_870 = vector.broadcast %broadcast_in_dim3A_869 : f32 to vector<16xf32>
      %swap3A_871 = arith.index_cast %scan3A_861 : i32 to index
      %swap3A_872 = arith.constant 16 : index
      %swap3A_873 = tpu.vector_load %arg12[%swap3A_871, %swap3A_872] {strides = array<i32>} : memref<80x128xf32, #tpu.memory_space<vmem>>, vector<1x16xf32>,
      %swap3A_874 = vector.shape_cast %swap3A_873 : vector<1x16xf32> to vector<16xf32>
      %swap3A_875 = vector.shape_cast %broadcast_in_dim3A_870 : vector<16xf32> to vector<1x16xf32>
      tpu.vector_store %arg12[%swap3A_871, %swap3A_872], %swap3A_875 {strides = array<i32>} : memref<80x128xf32, #tpu.memory_space<vmem>>, vector<1x16xf32>,
      %broadcast_in_dim3A_876 = arith.constant 0.000000e+00 : f32
      %broadcast_in_dim3A_877 = vector.broadcast %broadcast_in_dim3A_876 : f32 to vector<16xf32>
      %swap3A_878 = arith.index_cast %scan3A_861 : i32 to index
      %swap3A_879 = arith.constant 32 : index
      %swap3A_880 = tpu.vector_load %arg12[%swap3A_878, %swap3A_879] {strides = array<i32>} : memref<80x128xf32, #tpu.memory_space<vmem>>, vector<1x16xf32>,
      %swap3A_881 = vector.shape_cast %swap3A_880 : vector<1x16xf32> to vector<16xf32>
      %swap3A_882 = vector.shape_cast %broadcast_in_dim3A_877 : vector<16xf32> to vector<1x16xf32>
      tpu.vector_store %arg12[%swap3A_878, %swap3A_879], %swap3A_882 {strides = array<i32>} : memref<80x128xf32, #tpu.memory_space<vmem>>, vector<1x16xf32>,
      %broadcast_in_dim3A_883 = arith.constant 0.000000e+00 : f32
      %broadcast_in_dim3A_884 = vector.broadcast %broadcast_in_dim3A_883 : f32 to vector<16xf32>
      %swap3A_885 = arith.index_cast %scan3A_861 : i32 to index
      %swap3A_886 = arith.constant 48 : index
      %swap3A_887 = tpu.vector_load %arg12[%swap3A_885, %swap3A_886] {strides = array<i32>} : memref<80x128xf32, #tpu.memory_space<vmem>>, vector<1x16xf32>,
      %swap3A_888 = vector.shape_cast %swap3A_887 : vector<1x16xf32> to vector<16xf32>
      %swap3A_889 = vector.shape_cast %broadcast_in_dim3A_884 : vector<16xf32> to vector<1x16xf32>
      tpu.vector_store %arg12[%swap3A_885, %swap3A_886], %swap3A_889 {strides = array<i32>} : memref<80x128xf32, #tpu.memory_space<vmem>>, vector<1x16xf32>,
      %broadcast_in_dim3A_890 = arith.constant 0.000000e+00 : f32
      %broadcast_in_dim3A_891 = vector.broadcast %broadcast_in_dim3A_890 : f32 to vector<16xf32>
      %swap3A_892 = arith.index_cast %scan3A_861 : i32 to index
      %swap3A_893 = arith.constant 64 : index
      %swap3A_894 = tpu.vector_load %arg12[%swap3A_892, %swap3A_893] {strides = array<i32>} : memref<80x128xf32, #tpu.memory_space<vmem>>, vector<1x16xf32>,
      %swap3A_895 = vector.shape_cast %swap3A_894 : vector<1x16xf32> to vector<16xf32>
      %swap3A_896 = vector.shape_cast %broadcast_in_dim3A_891 : vector<16xf32> to vector<1x16xf32>
      tpu.vector_store %arg12[%swap3A_892, %swap3A_893], %swap3A_896 {strides = array<i32>} : memref<80x128xf32, #tpu.memory_space<vmem>>, vector<1x16xf32>,
      %broadcast_in_dim3A_897 = arith.constant 0.000000e+00 : f32
      %broadcast_in_dim3A_898 = vector.broadcast %broadcast_in_dim3A_897 : f32 to vector<16xf32>
      %swap3A_899 = arith.index_cast %scan3A_861 : i32 to index
      %swap3A_900 = arith.constant 80 : index
      %swap3A_901 = tpu.vector_load %arg12[%swap3A_899, %swap3A_900] {strides = array<i32>} : memref<80x128xf32, #tpu.memory_space<vmem>>, vector<1x16xf32>,
      %swap3A_902 = vector.shape_cast %swap3A_901 : vector<1x16xf32> to vector<16xf32>
      %swap3A_903 = vector.shape_cast %broadcast_in_dim3A_898 : vector<16xf32> to vector<1x16xf32>
      tpu.vector_store %arg12[%swap3A_899, %swap3A_900], %swap3A_903 {strides = array<i32>} : memref<80x128xf32, #tpu.memory_space<vmem>>, vector<1x16xf32>,
      %broadcast_in_dim3A_904 = arith.constant 0.000000e+00 : f32
      %broadcast_in_dim3A_905 = vector.broadcast %broadcast_in_dim3A_904 : f32 to vector<16xf32>
      %swap3A_906 = arith.index_cast %scan3A_861 : i32 to index
      %swap3A_907 = arith.constant 96 : index
      %swap3A_908 = tpu.vector_load %arg12[%swap3A_906, %swap3A_907] {strides = array<i32>} : memref<80x128xf32, #tpu.memory_space<vmem>>, vector<1x16xf32>,
      %swap3A_909 = vector.shape_cast %swap3A_908 : vector<1x16xf32> to vector<16xf32>
      %swap3A_910 = vector.shape_cast %broadcast_in_dim3A_905 : vector<16xf32> to vector<1x16xf32>
      tpu.vector_store %arg12[%swap3A_906, %swap3A_907], %swap3A_910 {strides = array<i32>} : memref<80x128xf32, #tpu.memory_space<vmem>>, vector<1x16xf32>,
      %broadcast_in_dim3A_911 = arith.constant 0.000000e+00 : f32
      %broadcast_in_dim3A_912 = vector.broadcast %broadcast_in_dim3A_911 : f32 to vector<16xf32>
      %swap3A_913 = arith.index_cast %scan3A_861 : i32 to index
      %swap3A_914 = arith.constant 112 : index
      %swap3A_915 = tpu.vector_load %arg12[%swap3A_913, %swap3A_914] {strides = array<i32>} : memref<80x128xf32, #tpu.memory_space<vmem>>, vector<1x16xf32>,
      %swap3A_916 = vector.shape_cast %swap3A_915 : vector<1x16xf32> to vector<16xf32>
      %swap3A_917 = vector.shape_cast %broadcast_in_dim3A_912 : vector<16xf32> to vector<1x16xf32>
      tpu.vector_store %arg12[%swap3A_913, %swap3A_914], %swap3A_917 {strides = array<i32>} : memref<80x128xf32, #tpu.memory_space<vmem>>, vector<1x16xf32>,
      %broadcast_in_dim3A_918 = arith.constant 0.000000e+00 : f32
      %broadcast_in_dim3A_919 = vector.broadcast %broadcast_in_dim3A_918 : f32 to vector<16xf32>
      %swap3A_920 = arith.index_cast %scan3A_861 : i32 to index
      %swap3A_921 = arith.constant 0 : index
      %swap3A_922 = tpu.vector_load %arg14[%swap3A_920, %swap3A_921] {strides = array<i32>} : memref<80x16xf32, #tpu.memory_space<vmem>>, vector<1x16xf32>,
      %swap3A_923 = vector.shape_cast %swap3A_922 : vector<1x16xf32> to vector<16xf32>
      %swap3A_924 = vector.shape_cast %broadcast_in_dim3A_919 : vector<16xf32> to vector<1x16xf32>
      tpu.vector_store %arg14[%swap3A_920, %swap3A_921], %swap3A_924 {strides = array<i32>} : memref<80x16xf32, #tpu.memory_space<vmem>>, vector<1x16xf32>,
    }
    %scan3A_5 = arith.constant 80 : i32
    %mul3A_6 = arith.constant 624 : i32
    %mul3A_7 = arith.muli %arg1, %mul3A_6 : i32
    %add3A_8 = arith.constant 0 : i32
    %add3A_9 = arith.addi %mul3A_7, %add3A_8 : i32
    "tpu.region"() ({
      %run_scoped3A = tpu.sem_alloc : memref<!tpu.dma_semaphore, #tpu.memory_space<semaphore_mem>>
      %dma_start3A_861 = arith.constant 0 : i32
      %dma_start3A_862 = tpu.memref_slice %arg17[%add3A_9, %dma_start3A_861] : memref<10000x128xf32, #tpu.memory_space<vmem_shared>> -> memref<80x128xf32, #tpu.memory_space<vmem_shared>>
      %dma_start3A_863 = arith.constant 0 : i32
      %dma_start3A_864 = tpu.memref_slice %arg17[%add3A_9, %dma_start3A_863] : memref<10000x128xf32, #tpu.memory_space<vmem_shared>> -> memref<80x128xf32, #tpu.memory_space<vmem_shared>>
      tpu.enqueue_dma source(%arg12 : memref<80x128xf32, #tpu.memory_space<vmem>>) target(%dma_start3A_864 : memref<80x128xf32, #tpu.memory_space<vmem_shared>>) target_semaphore(%run_scoped3A : memref<!tpu.dma_semaphore, #tpu.memory_space<semaphore_mem>>)
      %dma_wait3A_865 = arith.constant 0 : i32
      %dma_wait3A_866 = tpu.memref_slice %arg17[%add3A_9, %dma_wait3A_865] : memref<10000x128xf32, #tpu.memory_space<vmem_shared>> -> memref<80x128xf32, #tpu.memory_space<vmem_shared>>
      %dma_wait3A_867 = arith.constant 0 : i32
      %dma_wait3A_868 = tpu.memref_slice %arg17[%add3A_9, %dma_wait3A_867] : memref<10000x128xf32, #tpu.memory_space<vmem_shared>> -> memref<80x128xf32, #tpu.memory_space<vmem_shared>>
      tpu.wait_dma2 semaphore(%run_scoped3A : memref<!tpu.dma_semaphore, #tpu.memory_space<semaphore_mem>>) src(%arg12 : memref<80x128xf32, #tpu.memory_space<vmem>>) dst(%dma_wait3A_868 : memref<80x128xf32, #tpu.memory_space<vmem_shared>>)
      tpu.yield
    }) : () -> ()
    %add3A_10 = arith.constant 0 : i32
    %add3A_11 = arith.addi %mul3A_7, %add3A_10 : i32
    "tpu.region"() ({
      %run_scoped3A = tpu.sem_alloc : memref<!tpu.dma_semaphore, #tpu.memory_space<semaphore_mem>>
      %dma_start3A_861 = arith.constant 0 : i32
      %dma_start3A_862 = tpu.memref_slice %arg18[%add3A_11, %dma_start3A_861] : memref<10000x16xf32, #tpu.memory_space<vmem_shared>> -> memref<80x16xf32, #tpu.memory_space<vmem_shared>>
      %dma_start3A_863 = arith.constant 0 : i32
      %dma_start3A_864 = tpu.memref_slice %arg18[%add3A_11, %dma_start3A_863] : memref<10000x16xf32, #tpu.memory_space<vmem_shared>> -> memref<80x16xf32, #tpu.memory_space<vmem_shared>>
      tpu.enqueue_dma source(%arg14 : memref<80x16xf32, #tpu.memory_space<vmem>>) target(%dma_start3A_864 : memref<80x16xf32, #tpu.memory_space<vmem_shared>>) target_semaphore(%run_scoped3A : memref<!tpu.dma_semaphore, #tpu.memory_space<semaphore_mem>>)
      %dma_wait3A_865 = arith.constant 0 : i32
      %dma_wait3A_866 = tpu.memref_slice %arg18[%add3A_11, %dma_wait3A_865] : memref<10000x16xf32, #tpu.memory_space<vmem_shared>> -> memref<80x16xf32, #tpu.memory_space<vmem_shared>>
      %dma_wait3A_867 = arith.constant 0 : i32
      %dma_wait3A_868 = tpu.memref_slice %arg18[%add3A_11, %dma_wait3A_867] : memref<10000x16xf32, #tpu.memory_space<vmem_shared>> -> memref<80x16xf32, #tpu.memory_space<vmem_shared>>
      tpu.wait_dma2 semaphore(%run_scoped3A : memref<!tpu.dma_semaphore, #tpu.memory_space<semaphore_mem>>) src(%arg14 : memref<80x16xf32, #tpu.memory_space<vmem>>) dst(%dma_wait3A_868 : memref<80x16xf32, #tpu.memory_space<vmem_shared>>)
      tpu.yield
    }) : () -> ()
    %add3A_12 = arith.constant 0 : i32
    %add3A_13 = arith.addi %mul3A_7, %add3A_12 : i32
    "tpu.region"() ({
      %run_scoped3A = tpu.sem_alloc : memref<!tpu.dma_semaphore, #tpu.memory_space<semaphore_mem>>
      %dma_start3A_861 = arith.constant 0 : i32
      %dma_start3A_862 = tpu.memref_slice %arg19[%add3A_13, %dma_start3A_861] : memref<10000x16xf32, #tpu.memory_space<vmem_shared>> -> memref<80x16xf32, #tpu.memory_space<vmem_shared>>
      %dma_start3A_863 = arith.constant 0 : i32
      %dma_start3A_864 = tpu.memref_slice %arg19[%add3A_13, %dma_start3A_863] : memref<10000x16xf32, #tpu.memory_space<vmem_shared>> -> memref<80x16xf32, #tpu.memory_space<vmem_shared>>
      tpu.enqueue_dma source(%arg14 : memref<80x16xf32, #tpu.memory_space<vmem>>) target(%dma_start3A_864 : memref<80x16xf32, #tpu.memory_space<vmem_shared>>) target_semaphore(%run_scoped3A : memref<!tpu.dma_semaphore, #tpu.memory_space<semaphore_mem>>)
      %dma_wait3A_865 = arith.constant 0 : i32
      %dma_wait3A_866 = tpu.memref_slice %arg19[%add3A_13, %dma_wait3A_865] : memref<10000x16xf32, #tpu.memory_space<vmem_shared>> -> memref<80x16xf32, #tpu.memory_space<vmem_shared>>
      %dma_wait3A_867 = arith.constant 0 : i32
      %dma_wait3A_868 = tpu.memref_slice %arg19[%add3A_13, %dma_wait3A_867] : memref<10000x16xf32, #tpu.memory_space<vmem_shared>> -> memref<80x16xf32, #tpu.memory_space<vmem_shared>>
      tpu.wait_dma2 semaphore(%run_scoped3A : memref<!tpu.dma_semaphore, #tpu.memory_space<semaphore_mem>>) src(%arg14 : memref<80x16xf32, #tpu.memory_space<vmem>>) dst(%dma_wait3A_868 : memref<80x16xf32, #tpu.memory_space<vmem_shared>>)
      tpu.yield
    }) : () -> ()
    %add3A_14 = arith.constant 80 : i32
    %add3A_15 = arith.addi %mul3A_7, %add3A_14 : i32
    "tpu.region"() ({
      %run_scoped3A = tpu.sem_alloc : memref<!tpu.dma_semaphore, #tpu.memory_space<semaphore_mem>>
      %dma_start3A_861 = arith.constant 0 : i32
      %dma_start3A_862 = tpu.memref_slice %arg17[%add3A_15, %dma_start3A_861] : memref<10000x128xf32, #tpu.memory_space<vmem_shared>> -> memref<80x128xf32, #tpu.memory_space<vmem_shared>>
      %dma_start3A_863 = arith.constant 0 : i32
      %dma_start3A_864 = tpu.memref_slice %arg17[%add3A_15, %dma_start3A_863] : memref<10000x128xf32, #tpu.memory_space<vmem_shared>> -> memref<80x128xf32, #tpu.memory_space<vmem_shared>>
      tpu.enqueue_dma source(%arg12 : memref<80x128xf32, #tpu.memory_space<vmem>>) target(%dma_start3A_864 : memref<80x128xf32, #tpu.memory_space<vmem_shared>>) target_semaphore(%run_scoped3A : memref<!tpu.dma_semaphore, #tpu.memory_space<semaphore_mem>>)
      %dma_wait3A_865 = arith.constant 0 : i32
      %dma_wait3A_866 = tpu.memref_slice %arg17[%add3A_15, %dma_wait3A_865] : memref<10000x128xf32, #tpu.memory_space<vmem_shared>> -> memref<80x128xf32, #tpu.memory_space<vmem_shared>>
      %dma_wait3A_867 = arith.constant 0 : i32
      %dma_wait3A_868 = tpu.memref_slice %arg17[%add3A_15, %dma_wait3A_867] : memref<10000x128xf32, #tpu.memory_space<vmem_shared>> -> memref<80x128xf32, #tpu.memory_space<vmem_shared>>
      tpu.wait_dma2 semaphore(%run_scoped3A : memref<!tpu.dma_semaphore, #tpu.memory_space<semaphore_mem>>) src(%arg12 : memref<80x128xf32, #tpu.memory_space<vmem>>) dst(%dma_wait3A_868 : memref<80x128xf32, #tpu.memory_space<vmem_shared>>)
      tpu.yield
    }) : () -> ()
    %add3A_16 = arith.constant 80 : i32
    %add3A_17 = arith.addi %mul3A_7, %add3A_16 : i32
    "tpu.region"() ({
      %run_scoped3A = tpu.sem_alloc : memref<!tpu.dma_semaphore, #tpu.memory_space<semaphore_mem>>
      %dma_start3A_861 = arith.constant 0 : i32
      %dma_start3A_862 = tpu.memref_slice %arg18[%add3A_17, %dma_start3A_861] : memref<10000x16xf32, #tpu.memory_space<vmem_shared>> -> memref<80x16xf32, #tpu.memory_space<vmem_shared>>
      %dma_start3A_863 = arith.constant 0 : i32
      %dma_start3A_864 = tpu.memref_slice %arg18[%add3A_17, %dma_start3A_863] : memref<10000x16xf32, #tpu.memory_space<vmem_shared>> -> memref<80x16xf32, #tpu.memory_space<vmem_shared>>
      tpu.enqueue_dma source(%arg14 : memref<80x16xf32, #tpu.memory_space<vmem>>) target(%dma_start3A_864 : memref<80x16xf32, #tpu.memory_space<vmem_shared>>) target_semaphore(%run_scoped3A : memref<!tpu.dma_semaphore, #tpu.memory_space<semaphore_mem>>)
      %dma_wait3A_865 = arith.constant 0 : i32
      %dma_wait3A_866 = tpu.memref_slice %arg18[%add3A_17, %dma_wait3A_865] : memref<10000x16xf32, #tpu.memory_space<vmem_shared>> -> memref<80x16xf32, #tpu.memory_space<vmem_shared>>
      %dma_wait3A_867 = arith.constant 0 : i32
      %dma_wait3A_868 = tpu.memref_slice %arg18[%add3A_17, %dma_wait3A_867] : memref<10000x16xf32, #tpu.memory_space<vmem_shared>> -> memref<80x16xf32, #tpu.memory_space<vmem_shared>>
      tpu.wait_dma2 semaphore(%run_scoped3A : memref<!tpu.dma_semaphore, #tpu.memory_space<semaphore_mem>>) src(%arg14 : memref<80x16xf32, #tpu.memory_space<vmem>>) dst(%dma_wait3A_868 : memref<80x16xf32, #tpu.memory_space<vmem_shared>>)
      tpu.yield
    }) : () -> ()
    %add3A_18 = arith.constant 80 : i32
    %add3A_19 = arith.addi %mul3A_7, %add3A_18 : i32
    "tpu.region"() ({
      %run_scoped3A = tpu.sem_alloc : memref<!tpu.dma_semaphore, #tpu.memory_space<semaphore_mem>>
      %dma_start3A_861 = arith.constant 0 : i32
      %dma_start3A_862 = tpu.memref_slice %arg19[%add3A_19, %dma_start3A_861] : memref<10000x16xf32, #tpu.memory_space<vmem_shared>> -> memref<80x16xf32, #tpu.memory_space<vmem_shared>>
      %dma_start3A_863 = arith.constant 0 : i32
      %dma_start3A_864 = tpu.memref_slice %arg19[%add3A_19, %dma_start3A_863] : memref<10000x16xf32, #tpu.memory_space<vmem_shared>> -> memref<80x16xf32, #tpu.memory_space<vmem_shared>>
      tpu.enqueue_dma source(%arg14 : memref<80x16xf32, #tpu.memory_space<vmem>>) target(%dma_start3A_864 : memref<80x16xf32, #tpu.memory_space<vmem_shared>>) target_semaphore(%run_scoped3A : memref<!tpu.dma_semaphore, #tpu.memory_space<semaphore_mem>>)
      %dma_wait3A_865 = arith.constant 0 : i32
      %dma_wait3A_866 = tpu.memref_slice %arg19[%add3A_19, %dma_wait3A_865] : memref<10000x16xf32, #tpu.memory_space<vmem_shared>> -> memref<80x16xf32, #tpu.memory_space<vmem_shared>>
      %dma_wait3A_867 = arith.constant 0 : i32
      %dma_wait3A_868 = tpu.memref_slice %arg19[%add3A_19, %dma_wait3A_867] : memref<10000x16xf32, #tpu.memory_space<vmem_shared>> -> memref<80x16xf32, #tpu.memory_space<vmem_shared>>
      tpu.wait_dma2 semaphore(%run_scoped3A : memref<!tpu.dma_semaphore, #tpu.memory_space<semaphore_mem>>) src(%arg14 : memref<80x16xf32, #tpu.memory_space<vmem>>) dst(%dma_wait3A_868 : memref<80x16xf32, #tpu.memory_space<vmem_shared>>)
      tpu.yield
    }) : () -> ()
    %add3A_20 = arith.constant 160 : i32
    %add3A_21 = arith.addi %mul3A_7, %add3A_20 : i32
    "tpu.region"() ({
      %run_scoped3A = tpu.sem_alloc : memref<!tpu.dma_semaphore, #tpu.memory_space<semaphore_mem>>
      %dma_start3A_861 = arith.constant 0 : i32
      %dma_start3A_862 = tpu.memref_slice %arg17[%add3A_21, %dma_start3A_861] : memref<10000x128xf32, #tpu.memory_space<vmem_shared>> -> memref<80x128xf32, #tpu.memory_space<vmem_shared>>
      %dma_start3A_863 = arith.constant 0 : i32
      %dma_start3A_864 = tpu.memref_slice %arg17[%add3A_21, %dma_start3A_863] : memref<10000x128xf32, #tpu.memory_space<vmem_shared>> -> memref<80x128xf32, #tpu.memory_space<vmem_shared>>
      tpu.enqueue_dma source(%arg12 : memref<80x128xf32, #tpu.memory_space<vmem>>) target(%dma_start3A_864 : memref<80x128xf32, #tpu.memory_space<vmem_shared>>) target_semaphore(%run_scoped3A : memref<!tpu.dma_semaphore, #tpu.memory_space<semaphore_mem>>)
      %dma_wait3A_865 = arith.constant 0 : i32
      %dma_wait3A_866 = tpu.memref_slice %arg17[%add3A_21, %dma_wait3A_865] : memref<10000x128xf32, #tpu.memory_space<vmem_shared>> -> memref<80x128xf32, #tpu.memory_space<vmem_shared>>
      %dma_wait3A_867 = arith.constant 0 : i32
      %dma_wait3A_868 = tpu.memref_slice %arg17[%add3A_21, %dma_wait3A_867] : memref<10000x128xf32, #tpu.memory_space<vmem_shared>> -> memref<80x128xf32, #tpu.memory_space<vmem_shared>>
      tpu.wait_dma2 semaphore(%run_scoped3A : memref<!tpu.dma_semaphore, #tpu.memory_space<semaphore_mem>>) src(%arg12 : memref<80x128xf32, #tpu.memory_space<vmem>>) dst(%dma_wait3A_868 : memref<80x128xf32, #tpu.memory_space<vmem_shared>>)
      tpu.yield
    }) : () -> ()
    %add3A_22 = arith.constant 160 : i32
    %add3A_23 = arith.addi %mul3A_7, %add3A_22 : i32
    "tpu.region"() ({
      %run_scoped3A = tpu.sem_alloc : memref<!tpu.dma_semaphore, #tpu.memory_space<semaphore_mem>>
      %dma_start3A_861 = arith.constant 0 : i32
      %dma_start3A_862 = tpu.memref_slice %arg18[%add3A_23, %dma_start3A_861] : memref<10000x16xf32, #tpu.memory_space<vmem_shared>> -> memref<80x16xf32, #tpu.memory_space<vmem_shared>>
      %dma_start3A_863 = arith.constant 0 : i32
      %dma_start3A_864 = tpu.memref_slice %arg18[%add3A_23, %dma_start3A_863] : memref<10000x16xf32, #tpu.memory_space<vmem_shared>> -> memref<80x16xf32, #tpu.memory_space<vmem_shared>>
      tpu.enqueue_dma source(%arg14 : memref<80x16xf32, #tpu.memory_space<vmem>>) target(%dma_start3A_864 : memref<80x16xf32, #tpu.memory_space<vmem_shared>>) target_semaphore(%run_scoped3A : memref<!tpu.dma_semaphore, #tpu.memory_space<semaphore_mem>>)
      %dma_wait3A_865 = arith.constant 0 : i32
      %dma_wait3A_866 = tpu.memref_slice %arg18[%add3A_23, %dma_wait3A_865] : memref<10000x16xf32, #tpu.memory_space<vmem_shared>> -> memref<80x16xf32, #tpu.memory_space<vmem_shared>>
      %dma_wait3A_867 = arith.constant 0 : i32
      %dma_wait3A_868 = tpu.memref_slice %arg18[%add3A_23, %dma_wait3A_867] : memref<10000x16xf32, #tpu.memory_space<vmem_shared>> -> memref<80x16xf32, #tpu.memory_space<vmem_shared>>
      tpu.wait_dma2 semaphore(%run_scoped3A : memref<!tpu.dma_semaphore, #tpu.memory_space<semaphore_mem>>) src(%arg14 : memref<80x16xf32, #tpu.memory_space<vmem>>) dst(%dma_wait3A_868 : memref<80x16xf32, #tpu.memory_space<vmem_shared>>)
      tpu.yield
    }) : () -> ()
    %add3A_24 = arith.constant 160 : i32
    %add3A_25 = arith.addi %mul3A_7, %add3A_24 : i32
    "tpu.region"() ({
      %run_scoped3A = tpu.sem_alloc : memref<!tpu.dma_semaphore, #tpu.memory_space<semaphore_mem>>
      %dma_start3A_861 = arith.constant 0 : i32
      %dma_start3A_862 = tpu.memref_slice %arg19[%add3A_25, %dma_start3A_861] : memref<10000x16xf32, #tpu.memory_space<vmem_shared>> -> memref<80x16xf32, #tpu.memory_space<vmem_shared>>
      %dma_start3A_863 = arith.constant 0 : i32
      %dma_start3A_864 = tpu.memref_slice %arg19[%add3A_25, %dma_start3A_863] : memref<10000x16xf32, #tpu.memory_space<vmem_shared>> -> memref<80x16xf32, #tpu.memory_space<vmem_shared>>
      tpu.enqueue_dma source(%arg14 : memref<80x16xf32, #tpu.memory_space<vmem>>) target(%dma_start3A_864 : memref<80x16xf32, #tpu.memory_space<vmem_shared>>) target_semaphore(%run_scoped3A : memref<!tpu.dma_semaphore, #tpu.memory_space<semaphore_mem>>)
      %dma_wait3A_865 = arith.constant 0 : i32
      %dma_wait3A_866 = tpu.memref_slice %arg19[%add3A_25, %dma_wait3A_865] : memref<10000x16xf32, #tpu.memory_space<vmem_shared>> -> memref<80x16xf32, #tpu.memory_space<vmem_shared>>
      %dma_wait3A_867 = arith.constant 0 : i32
      %dma_wait3A_868 = tpu.memref_slice %arg19[%add3A_25, %dma_wait3A_867] : memref<10000x16xf32, #tpu.memory_space<vmem_shared>> -> memref<80x16xf32, #tpu.memory_space<vmem_shared>>
      tpu.wait_dma2 semaphore(%run_scoped3A : memref<!tpu.dma_semaphore, #tpu.memory_space<semaphore_mem>>) src(%arg14 : memref<80x16xf32, #tpu.memory_space<vmem>>) dst(%dma_wait3A_868 : memref<80x16xf32, #tpu.memory_space<vmem_shared>>)
      tpu.yield
    }) : () -> ()
    %add3A_26 = arith.constant 240 : i32
    %add3A_27 = arith.addi %mul3A_7, %add3A_26 : i32
    "tpu.region"() ({
      %run_scoped3A = tpu.sem_alloc : memref<!tpu.dma_semaphore, #tpu.memory_space<semaphore_mem>>
      %dma_start3A_861 = arith.constant 0 : i32
      %dma_start3A_862 = tpu.memref_slice %arg17[%add3A_27, %dma_start3A_861] : memref<10000x128xf32, #tpu.memory_space<vmem_shared>> -> memref<80x128xf32, #tpu.memory_space<vmem_shared>>
      %dma_start3A_863 = arith.constant 0 : i32
      %dma_start3A_864 = tpu.memref_slice %arg17[%add3A_27, %dma_start3A_863] : memref<10000x128xf32, #tpu.memory_space<vmem_shared>> -> memref<80x128xf32, #tpu.memory_space<vmem_shared>>
      tpu.enqueue_dma source(%arg12 : memref<80x128xf32, #tpu.memory_space<vmem>>) target(%dma_start3A_864 : memref<80x128xf32, #tpu.memory_space<vmem_shared>>) target_semaphore(%run_scoped3A : memref<!tpu.dma_semaphore, #tpu.memory_space<semaphore_mem>>)
      %dma_wait3A_865 = arith.constant 0 : i32
      %dma_wait3A_866 = tpu.memref_slice %arg17[%add3A_27, %dma_wait3A_865] : memref<10000x128xf32, #tpu.memory_space<vmem_shared>> -> memref<80x128xf32, #tpu.memory_space<vmem_shared>>
      %dma_wait3A_867 = arith.constant 0 : i32
      %dma_wait3A_868 = tpu.memref_slice %arg17[%add3A_27, %dma_wait3A_867] : memref<10000x128xf32, #tpu.memory_space<vmem_shared>> -> memref<80x128xf32, #tpu.memory_space<vmem_shared>>
      tpu.wait_dma2 semaphore(%run_scoped3A : memref<!tpu.dma_semaphore, #tpu.memory_space<semaphore_mem>>) src(%arg12 : memref<80x128xf32, #tpu.memory_space<vmem>>) dst(%dma_wait3A_868 : memref<80x128xf32, #tpu.memory_space<vmem_shared>>)
      tpu.yield
    }) : () -> ()
    %add3A_28 = arith.constant 240 : i32
    %add3A_29 = arith.addi %mul3A_7, %add3A_28 : i32
    "tpu.region"() ({
      %run_scoped3A = tpu.sem_alloc : memref<!tpu.dma_semaphore, #tpu.memory_space<semaphore_mem>>
      %dma_start3A_861 = arith.constant 0 : i32
      %dma_start3A_862 = tpu.memref_slice %arg18[%add3A_29, %dma_start3A_861] : memref<10000x16xf32, #tpu.memory_space<vmem_shared>> -> memref<80x16xf32, #tpu.memory_space<vmem_shared>>
      %dma_start3A_863 = arith.constant 0 : i32
      %dma_start3A_864 = tpu.memref_slice %arg18[%add3A_29, %dma_start3A_863] : memref<10000x16xf32, #tpu.memory_space<vmem_shared>> -> memref<80x16xf32, #tpu.memory_space<vmem_shared>>
      tpu.enqueue_dma source(%arg14 : memref<80x16xf32, #tpu.memory_space<vmem>>) target(%dma_start3A_864 : memref<80x16xf32, #tpu.memory_space<vmem_shared>>) target_semaphore(%run_scoped3A : memref<!tpu.dma_semaphore, #tpu.memory_space<semaphore_mem>>)
      %dma_wait3A_865 = arith.constant 0 : i32
      %dma_wait3A_866 = tpu.memref_slice %arg18[%add3A_29, %dma_wait3A_865] : memref<10000x16xf32, #tpu.memory_space<vmem_shared>> -> memref<80x16xf32, #tpu.memory_space<vmem_shared>>
      %dma_wait3A_867 = arith.constant 0 : i32
      %dma_wait3A_868 = tpu.memref_slice %arg18[%add3A_29, %dma_wait3A_867] : memref<10000x16xf32, #tpu.memory_space<vmem_shared>> -> memref<80x16xf32, #tpu.memory_space<vmem_shared>>
      tpu.wait_dma2 semaphore(%run_scoped3A : memref<!tpu.dma_semaphore, #tpu.memory_space<semaphore_mem>>) src(%arg14 : memref<80x16xf32, #tpu.memory_space<vmem>>) dst(%dma_wait3A_868 : memref<80x16xf32, #tpu.memory_space<vmem_shared>>)
      tpu.yield
    }) : () -> ()
    %add3A_30 = arith.constant 240 : i32
    %add3A_31 = arith.addi %mul3A_7, %add3A_30 : i32
    "tpu.region"() ({
      %run_scoped3A = tpu.sem_alloc : memref<!tpu.dma_semaphore, #tpu.memory_space<semaphore_mem>>
      %dma_start3A_861 = arith.constant 0 : i32
      %dma_start3A_862 = tpu.memref_slice %arg19[%add3A_31, %dma_start3A_861] : memref<10000x16xf32, #tpu.memory_space<vmem_shared>> -> memref<80x16xf32, #tpu.memory_space<vmem_shared>>
      %dma_start3A_863 = arith.constant 0 : i32
      %dma_start3A_864 = tpu.memref_slice %arg19[%add3A_31, %dma_start3A_863] : memref<10000x16xf32, #tpu.memory_space<vmem_shared>> -> memref<80x16xf32, #tpu.memory_space<vmem_shared>>
      tpu.enqueue_dma source(%arg14 : memref<80x16xf32, #tpu.memory_space<vmem>>) target(%dma_start3A_864 : memref<80x16xf32, #tpu.memory_space<vmem_shared>>) target_semaphore(%run_scoped3A : memref<!tpu.dma_semaphore, #tpu.memory_space<semaphore_mem>>)
      %dma_wait3A_865 = arith.constant 0 : i32
      %dma_wait3A_866 = tpu.memref_slice %arg19[%add3A_31, %dma_wait3A_865] : memref<10000x16xf32, #tpu.memory_space<vmem_shared>> -> memref<80x16xf32, #tpu.memory_space<vmem_shared>>
      %dma_wait3A_867 = arith.constant 0 : i32
      %dma_wait3A_868 = tpu.memref_slice %arg19[%add3A_31, %dma_wait3A_867] : memref<10000x16xf32, #tpu.memory_space<vmem_shared>> -> memref<80x16xf32, #tpu.memory_space<vmem_shared>>
      tpu.wait_dma2 semaphore(%run_scoped3A : memref<!tpu.dma_semaphore, #tpu.memory_space<semaphore_mem>>) src(%arg14 : memref<80x16xf32, #tpu.memory_space<vmem>>) dst(%dma_wait3A_868 : memref<80x16xf32, #tpu.memory_space<vmem_shared>>)
      tpu.yield
    }) : () -> ()
    %add3A_32 = arith.constant 320 : i32
    %add3A_33 = arith.addi %mul3A_7, %add3A_32 : i32
    "tpu.region"() ({
      %run_scoped3A = tpu.sem_alloc : memref<!tpu.dma_semaphore, #tpu.memory_space<semaphore_mem>>
      %dma_start3A_861 = arith.constant 0 : i32
      %dma_start3A_862 = tpu.memref_slice %arg17[%add3A_33, %dma_start3A_861] : memref<10000x128xf32, #tpu.memory_space<vmem_shared>> -> memref<80x128xf32, #tpu.memory_space<vmem_shared>>
      %dma_start3A_863 = arith.constant 0 : i32
      %dma_start3A_864 = tpu.memref_slice %arg17[%add3A_33, %dma_start3A_863] : memref<10000x128xf32, #tpu.memory_space<vmem_shared>> -> memref<80x128xf32, #tpu.memory_space<vmem_shared>>
      tpu.enqueue_dma source(%arg12 : memref<80x128xf32, #tpu.memory_space<vmem>>) target(%dma_start3A_864 : memref<80x128xf32, #tpu.memory_space<vmem_shared>>) target_semaphore(%run_scoped3A : memref<!tpu.dma_semaphore, #tpu.memory_space<semaphore_mem>>)
      %dma_wait3A_865 = arith.constant 0 : i32
      %dma_wait3A_866 = tpu.memref_slice %arg17[%add3A_33, %dma_wait3A_865] : memref<10000x128xf32, #tpu.memory_space<vmem_shared>> -> memref<80x128xf32, #tpu.memory_space<vmem_shared>>
      %dma_wait3A_867 = arith.constant 0 : i32
      %dma_wait3A_868 = tpu.memref_slice %arg17[%add3A_33, %dma_wait3A_867] : memref<10000x128xf32, #tpu.memory_space<vmem_shared>> -> memref<80x128xf32, #tpu.memory_space<vmem_shared>>
      tpu.wait_dma2 semaphore(%run_scoped3A : memref<!tpu.dma_semaphore, #tpu.memory_space<semaphore_mem>>) src(%arg12 : memref<80x128xf32, #tpu.memory_space<vmem>>) dst(%dma_wait3A_868 : memref<80x128xf32, #tpu.memory_space<vmem_shared>>)
      tpu.yield
    }) : () -> ()
    %add3A_34 = arith.constant 320 : i32
    %add3A_35 = arith.addi %mul3A_7, %add3A_34 : i32
    "tpu.region"() ({
      %run_scoped3A = tpu.sem_alloc : memref<!tpu.dma_semaphore, #tpu.memory_space<semaphore_mem>>
      %dma_start3A_861 = arith.constant 0 : i32
      %dma_start3A_862 = tpu.memref_slice %arg18[%add3A_35, %dma_start3A_861] : memref<10000x16xf32, #tpu.memory_space<vmem_shared>> -> memref<80x16xf32, #tpu.memory_space<vmem_shared>>
      %dma_start3A_863 = arith.constant 0 : i32
      %dma_start3A_864 = tpu.memref_slice %arg18[%add3A_35, %dma_start3A_863] : memref<10000x16xf32, #tpu.memory_space<vmem_shared>> -> memref<80x16xf32, #tpu.memory_space<vmem_shared>>
      tpu.enqueue_dma source(%arg14 : memref<80x16xf32, #tpu.memory_space<vmem>>) target(%dma_start3A_864 : memref<80x16xf32, #tpu.memory_space<vmem_shared>>) target_semaphore(%run_scoped3A : memref<!tpu.dma_semaphore, #tpu.memory_space<semaphore_mem>>)
      %dma_wait3A_865 = arith.constant 0 : i32
      %dma_wait3A_866 = tpu.memref_slice %arg18[%add3A_35, %dma_wait3A_865] : memref<10000x16xf32, #tpu.memory_space<vmem_shared>> -> memref<80x16xf32, #tpu.memory_space<vmem_shared>>
      %dma_wait3A_867 = arith.constant 0 : i32
      %dma_wait3A_868 = tpu.memref_slice %arg18[%add3A_35, %dma_wait3A_867] : memref<10000x16xf32, #tpu.memory_space<vmem_shared>> -> memref<80x16xf32, #tpu.memory_space<vmem_shared>>
      tpu.wait_dma2 semaphore(%run_scoped3A : memref<!tpu.dma_semaphore, #tpu.memory_space<semaphore_mem>>) src(%arg14 : memref<80x16xf32, #tpu.memory_space<vmem>>) dst(%dma_wait3A_868 : memref<80x16xf32, #tpu.memory_space<vmem_shared>>)
      tpu.yield
    }) : () -> ()
    %add3A_36 = arith.constant 320 : i32
    %add3A_37 = arith.addi %mul3A_7, %add3A_36 : i32
    "tpu.region"() ({
      %run_scoped3A = tpu.sem_alloc : memref<!tpu.dma_semaphore, #tpu.memory_space<semaphore_mem>>
      %dma_start3A_861 = arith.constant 0 : i32
      %dma_start3A_862 = tpu.memref_slice %arg19[%add3A_37, %dma_start3A_861] : memref<10000x16xf32, #tpu.memory_space<vmem_shared>> -> memref<80x16xf32, #tpu.memory_space<vmem_shared>>
      %dma_start3A_863 = arith.constant 0 : i32
      %dma_start3A_864 = tpu.memref_slice %arg19[%add3A_37, %dma_start3A_863] : memref<10000x16xf32, #tpu.memory_space<vmem_shared>> -> memref<80x16xf32, #tpu.memory_space<vmem_shared>>
      tpu.enqueue_dma source(%arg14 : memref<80x16xf32, #tpu.memory_space<vmem>>) target(%dma_start3A_864 : memref<80x16xf32, #tpu.memory_space<vmem_shared>>) target_semaphore(%run_scoped3A : memref<!tpu.dma_semaphore, #tpu.memory_space<semaphore_mem>>)
      %dma_wait3A_865 = arith.constant 0 : i32
      %dma_wait3A_866 = tpu.memref_slice %arg19[%add3A_37, %dma_wait3A_865] : memref<10000x16xf32, #tpu.memory_space<vmem_shared>> -> memref<80x16xf32, #tpu.memory_space<vmem_shared>>
      %dma_wait3A_867 = arith.constant 0 : i32
      %dma_wait3A_868 = tpu.memref_slice %arg19[%add3A_37, %dma_wait3A_867] : memref<10000x16xf32, #tpu.memory_space<vmem_shared>> -> memref<80x16xf32, #tpu.memory_space<vmem_shared>>
      tpu.wait_dma2 semaphore(%run_scoped3A : memref<!tpu.dma_semaphore, #tpu.memory_space<semaphore_mem>>) src(%arg14 : memref<80x16xf32, #tpu.memory_space<vmem>>) dst(%dma_wait3A_868 : memref<80x16xf32, #tpu.memory_space<vmem_shared>>)
      tpu.yield
    }) : () -> ()
    %add3A_38 = arith.constant 400 : i32
    %add3A_39 = arith.addi %mul3A_7, %add3A_38 : i32
    "tpu.region"() ({
      %run_scoped3A = tpu.sem_alloc : memref<!tpu.dma_semaphore, #tpu.memory_space<semaphore_mem>>
      %dma_start3A_861 = arith.constant 0 : i32
      %dma_start3A_862 = tpu.memref_slice %arg17[%add3A_39, %dma_start3A_861] : memref<10000x128xf32, #tpu.memory_space<vmem_shared>> -> memref<80x128xf32, #tpu.memory_space<vmem_shared>>
      %dma_start3A_863 = arith.constant 0 : i32
      %dma_start3A_864 = tpu.memref_slice %arg17[%add3A_39, %dma_start3A_863] : memref<10000x128xf32, #tpu.memory_space<vmem_shared>> -> memref<80x128xf32, #tpu.memory_space<vmem_shared>>
      tpu.enqueue_dma source(%arg12 : memref<80x128xf32, #tpu.memory_space<vmem>>) target(%dma_start3A_864 : memref<80x128xf32, #tpu.memory_space<vmem_shared>>) target_semaphore(%run_scoped3A : memref<!tpu.dma_semaphore, #tpu.memory_space<semaphore_mem>>)
      %dma_wait3A_865 = arith.constant 0 : i32
      %dma_wait3A_866 = tpu.memref_slice %arg17[%add3A_39, %dma_wait3A_865] : memref<10000x128xf32, #tpu.memory_space<vmem_shared>> -> memref<80x128xf32, #tpu.memory_space<vmem_shared>>
      %dma_wait3A_867 = arith.constant 0 : i32
      %dma_wait3A_868 = tpu.memref_slice %arg17[%add3A_39, %dma_wait3A_867] : memref<10000x128xf32, #tpu.memory_space<vmem_shared>> -> memref<80x128xf32, #tpu.memory_space<vmem_shared>>
      tpu.wait_dma2 semaphore(%run_scoped3A : memref<!tpu.dma_semaphore, #tpu.memory_space<semaphore_mem>>) src(%arg12 : memref<80x128xf32, #tpu.memory_space<vmem>>) dst(%dma_wait3A_868 : memref<80x128xf32, #tpu.memory_space<vmem_shared>>)
      tpu.yield
    }) : () -> ()
    %add3A_40 = arith.constant 400 : i32
    %add3A_41 = arith.addi %mul3A_7, %add3A_40 : i32
    "tpu.region"() ({
      %run_scoped3A = tpu.sem_alloc : memref<!tpu.dma_semaphore, #tpu.memory_space<semaphore_mem>>
      %dma_start3A_861 = arith.constant 0 : i32
      %dma_start3A_862 = tpu.memref_slice %arg18[%add3A_41, %dma_start3A_861] : memref<10000x16xf32, #tpu.memory_space<vmem_shared>> -> memref<80x16xf32, #tpu.memory_space<vmem_shared>>
      %dma_start3A_863 = arith.constant 0 : i32
      %dma_start3A_864 = tpu.memref_slice %arg18[%add3A_41, %dma_start3A_863] : memref<10000x16xf32, #tpu.memory_space<vmem_shared>> -> memref<80x16xf32, #tpu.memory_space<vmem_shared>>
      tpu.enqueue_dma source(%arg14 : memref<80x16xf32, #tpu.memory_space<vmem>>) target(%dma_start3A_864 : memref<80x16xf32, #tpu.memory_space<vmem_shared>>) target_semaphore(%run_scoped3A : memref<!tpu.dma_semaphore, #tpu.memory_space<semaphore_mem>>)
      %dma_wait3A_865 = arith.constant 0 : i32
      %dma_wait3A_866 = tpu.memref_slice %arg18[%add3A_41, %dma_wait3A_865] : memref<10000x16xf32, #tpu.memory_space<vmem_shared>> -> memref<80x16xf32, #tpu.memory_space<vmem_shared>>
      %dma_wait3A_867 = arith.constant 0 : i32
      %dma_wait3A_868 = tpu.memref_slice %arg18[%add3A_41, %dma_wait3A_867] : memref<10000x16xf32, #tpu.memory_space<vmem_shared>> -> memref<80x16xf32, #tpu.memory_space<vmem_shared>>
      tpu.wait_dma2 semaphore(%run_scoped3A : memref<!tpu.dma_semaphore, #tpu.memory_space<semaphore_mem>>) src(%arg14 : memref<80x16xf32, #tpu.memory_space<vmem>>) dst(%dma_wait3A_868 : memref<80x16xf32, #tpu.memory_space<vmem_shared>>)
      tpu.yield
    }) : () -> ()
    %add3A_42 = arith.constant 400 : i32
    %add3A_43 = arith.addi %mul3A_7, %add3A_42 : i32
    "tpu.region"() ({
      %run_scoped3A = tpu.sem_alloc : memref<!tpu.dma_semaphore, #tpu.memory_space<semaphore_mem>>
      %dma_start3A_861 = arith.constant 0 : i32
      %dma_start3A_862 = tpu.memref_slice %arg19[%add3A_43, %dma_start3A_861] : memref<10000x16xf32, #tpu.memory_space<vmem_shared>> -> memref<80x16xf32, #tpu.memory_space<vmem_shared>>
      %dma_start3A_863 = arith.constant 0 : i32
      %dma_start3A_864 = tpu.memref_slice %arg19[%add3A_43, %dma_start3A_863] : memref<10000x16xf32, #tpu.memory_space<vmem_shared>> -> memref<80x16xf32, #tpu.memory_space<vmem_shared>>
      tpu.enqueue_dma source(%arg14 : memref<80x16xf32, #tpu.memory_space<vmem>>) target(%dma_start3A_864 : memref<80x16xf32, #tpu.memory_space<vmem_shared>>) target_semaphore(%run_scoped3A : memref<!tpu.dma_semaphore, #tpu.memory_space<semaphore_mem>>)
      %dma_wait3A_865 = arith.constant 0 : i32
      %dma_wait3A_866 = tpu.memref_slice %arg19[%add3A_43, %dma_wait3A_865] : memref<10000x16xf32, #tpu.memory_space<vmem_shared>> -> memref<80x16xf32, #tpu.memory_space<vmem_shared>>
      %dma_wait3A_867 = arith.constant 0 : i32
      %dma_wait3A_868 = tpu.memref_slice %arg19[%add3A_43, %dma_wait3A_867] : memref<10000x16xf32, #tpu.memory_space<vmem_shared>> -> memref<80x16xf32, #tpu.memory_space<vmem_shared>>
      tpu.wait_dma2 semaphore(%run_scoped3A : memref<!tpu.dma_semaphore, #tpu.memory_space<semaphore_mem>>) src(%arg14 : memref<80x16xf32, #tpu.memory_space<vmem>>) dst(%dma_wait3A_868 : memref<80x16xf32, #tpu.memory_space<vmem_shared>>)
      tpu.yield
    }) : () -> ()
    %add3A_44 = arith.constant 480 : i32
    %add3A_45 = arith.addi %mul3A_7, %add3A_44 : i32
    "tpu.region"() ({
      %run_scoped3A = tpu.sem_alloc : memref<!tpu.dma_semaphore, #tpu.memory_space<semaphore_mem>>
      %dma_start3A_861 = arith.constant 0 : i32
      %dma_start3A_862 = tpu.memref_slice %arg17[%add3A_45, %dma_start3A_861] : memref<10000x128xf32, #tpu.memory_space<vmem_shared>> -> memref<80x128xf32, #tpu.memory_space<vmem_shared>>
      %dma_start3A_863 = arith.constant 0 : i32
      %dma_start3A_864 = tpu.memref_slice %arg17[%add3A_45, %dma_start3A_863] : memref<10000x128xf32, #tpu.memory_space<vmem_shared>> -> memref<80x128xf32, #tpu.memory_space<vmem_shared>>
      tpu.enqueue_dma source(%arg12 : memref<80x128xf32, #tpu.memory_space<vmem>>) target(%dma_start3A_864 : memref<80x128xf32, #tpu.memory_space<vmem_shared>>) target_semaphore(%run_scoped3A : memref<!tpu.dma_semaphore, #tpu.memory_space<semaphore_mem>>)
      %dma_wait3A_865 = arith.constant 0 : i32
      %dma_wait3A_866 = tpu.memref_slice %arg17[%add3A_45, %dma_wait3A_865] : memref<10000x128xf32, #tpu.memory_space<vmem_shared>> -> memref<80x128xf32, #tpu.memory_space<vmem_shared>>
      %dma_wait3A_867 = arith.constant 0 : i32
      %dma_wait3A_868 = tpu.memref_slice %arg17[%add3A_45, %dma_wait3A_867] : memref<10000x128xf32, #tpu.memory_space<vmem_shared>> -> memref<80x128xf32, #tpu.memory_space<vmem_shared>>
      tpu.wait_dma2 semaphore(%run_scoped3A : memref<!tpu.dma_semaphore, #tpu.memory_space<semaphore_mem>>) src(%arg12 : memref<80x128xf32, #tpu.memory_space<vmem>>) dst(%dma_wait3A_868 : memref<80x128xf32, #tpu.memory_space<vmem_shared>>)
      tpu.yield
    }) : () -> ()
    %add3A_46 = arith.constant 480 : i32
    %add3A_47 = arith.addi %mul3A_7, %add3A_46 : i32
    "tpu.region"() ({
      %run_scoped3A = tpu.sem_alloc : memref<!tpu.dma_semaphore, #tpu.memory_space<semaphore_mem>>
      %dma_start3A_861 = arith.constant 0 : i32
      %dma_start3A_862 = tpu.memref_slice %arg18[%add3A_47, %dma_start3A_861] : memref<10000x16xf32, #tpu.memory_space<vmem_shared>> -> memref<80x16xf32, #tpu.memory_space<vmem_shared>>
      %dma_start3A_863 = arith.constant 0 : i32
      %dma_start3A_864 = tpu.memref_slice %arg18[%add3A_47, %dma_start3A_863] : memref<10000x16xf32, #tpu.memory_space<vmem_shared>> -> memref<80x16xf32, #tpu.memory_space<vmem_shared>>
      tpu.enqueue_dma source(%arg14 : memref<80x16xf32, #tpu.memory_space<vmem>>) target(%dma_start3A_864 : memref<80x16xf32, #tpu.memory_space<vmem_shared>>) target_semaphore(%run_scoped3A : memref<!tpu.dma_semaphore, #tpu.memory_space<semaphore_mem>>)
      %dma_wait3A_865 = arith.constant 0 : i32
      %dma_wait3A_866 = tpu.memref_slice %arg18[%add3A_47, %dma_wait3A_865] : memref<10000x16xf32, #tpu.memory_space<vmem_shared>> -> memref<80x16xf32, #tpu.memory_space<vmem_shared>>
      %dma_wait3A_867 = arith.constant 0 : i32
      %dma_wait3A_868 = tpu.memref_slice %arg18[%add3A_47, %dma_wait3A_867] : memref<10000x16xf32, #tpu.memory_space<vmem_shared>> -> memref<80x16xf32, #tpu.memory_space<vmem_shared>>
      tpu.wait_dma2 semaphore(%run_scoped3A : memref<!tpu.dma_semaphore, #tpu.memory_space<semaphore_mem>>) src(%arg14 : memref<80x16xf32, #tpu.memory_space<vmem>>) dst(%dma_wait3A_868 : memref<80x16xf32, #tpu.memory_space<vmem_shared>>)
      tpu.yield
    }) : () -> ()
    %add3A_48 = arith.constant 480 : i32
    %add3A_49 = arith.addi %mul3A_7, %add3A_48 : i32
    "tpu.region"() ({
      %run_scoped3A = tpu.sem_alloc : memref<!tpu.dma_semaphore, #tpu.memory_space<semaphore_mem>>
      %dma_start3A_861 = arith.constant 0 : i32
      %dma_start3A_862 = tpu.memref_slice %arg19[%add3A_49, %dma_start3A_861] : memref<10000x16xf32, #tpu.memory_space<vmem_shared>> -> memref<80x16xf32, #tpu.memory_space<vmem_shared>>
      %dma_start3A_863 = arith.constant 0 : i32
      %dma_start3A_864 = tpu.memref_slice %arg19[%add3A_49, %dma_start3A_863] : memref<10000x16xf32, #tpu.memory_space<vmem_shared>> -> memref<80x16xf32, #tpu.memory_space<vmem_shared>>
      tpu.enqueue_dma source(%arg14 : memref<80x16xf32, #tpu.memory_space<vmem>>) target(%dma_start3A_864 : memref<80x16xf32, #tpu.memory_space<vmem_shared>>) target_semaphore(%run_scoped3A : memref<!tpu.dma_semaphore, #tpu.memory_space<semaphore_mem>>)
      %dma_wait3A_865 = arith.constant 0 : i32
      %dma_wait3A_866 = tpu.memref_slice %arg19[%add3A_49, %dma_wait3A_865] : memref<10000x16xf32, #tpu.memory_space<vmem_shared>> -> memref<80x16xf32, #tpu.memory_space<vmem_shared>>
      %dma_wait3A_867 = arith.constant 0 : i32
      %dma_wait3A_868 = tpu.memref_slice %arg19[%add3A_49, %dma_wait3A_867] : memref<10000x16xf32, #tpu.memory_space<vmem_shared>> -> memref<80x16xf32, #tpu.memory_space<vmem_shared>>
      tpu.wait_dma2 semaphore(%run_scoped3A : memref<!tpu.dma_semaphore, #tpu.memory_space<semaphore_mem>>) src(%arg14 : memref<80x16xf32, #tpu.memory_space<vmem>>) dst(%dma_wait3A_868 : memref<80x16xf32, #tpu.memory_space<vmem_shared>>)
      tpu.yield
    }) : () -> ()
    %add3A_50 = arith.constant 560 : i32
    %add3A_51 = arith.addi %mul3A_7, %add3A_50 : i32
    "tpu.region"() ({
      %run_scoped3A = tpu.sem_alloc : memref<!tpu.dma_semaphore, #tpu.memory_space<semaphore_mem>>
      %dma_start3A_861 = arith.constant 0 : i32
      %dma_start3A_862 = arith.constant 0 : i32
      %dma_start3A_863 = tpu.memref_slice %arg12[%dma_start3A_861, %dma_start3A_862] : memref<80x128xf32, #tpu.memory_space<vmem>> -> memref<64x128xf32, #tpu.memory_space<vmem>>
      %dma_start3A_864 = arith.constant 0 : i32
      %dma_start3A_865 = tpu.memref_slice %arg17[%add3A_51, %dma_start3A_864] : memref<10000x128xf32, #tpu.memory_space<vmem_shared>> -> memref<64x128xf32, #tpu.memory_space<vmem_shared>>
      %dma_start3A_866 = arith.constant 0 : i32
      %dma_start3A_867 = tpu.memref_slice %arg17[%add3A_51, %dma_start3A_866] : memref<10000x128xf32, #tpu.memory_space<vmem_shared>> -> memref<64x128xf32, #tpu.memory_space<vmem_shared>>
      %dma_start3A_868 = arith.constant 0 : i32
      %dma_start3A_869 = arith.constant 0 : i32
      %dma_start3A_870 = tpu.memref_slice %arg12[%dma_start3A_868, %dma_start3A_869] : memref<80x128xf32, #tpu.memory_space<vmem>> -> memref<64x128xf32, #tpu.memory_space<vmem>>
      tpu.enqueue_dma source(%dma_start3A_870 : memref<64x128xf32, #tpu.memory_space<vmem>>) target(%dma_start3A_867 : memref<64x128xf32, #tpu.memory_space<vmem_shared>>) target_semaphore(%run_scoped3A : memref<!tpu.dma_semaphore, #tpu.memory_space<semaphore_mem>>)
      %dma_wait3A_871 = arith.constant 0 : i32
      %dma_wait3A_872 = arith.constant 0 : i32
      %dma_wait3A_873 = tpu.memref_slice %arg12[%dma_wait3A_871, %dma_wait3A_872] : memref<80x128xf32, #tpu.memory_space<vmem>> -> memref<64x128xf32, #tpu.memory_space<vmem>>
      %dma_wait3A_874 = arith.constant 0 : i32
      %dma_wait3A_875 = tpu.memref_slice %arg17[%add3A_51, %dma_wait3A_874] : memref<10000x128xf32, #tpu.memory_space<vmem_shared>> -> memref<64x128xf32, #tpu.memory_space<vmem_shared>>
      %dma_wait3A_876 = arith.constant 0 : i32
      %dma_wait3A_877 = tpu.memref_slice %arg17[%add3A_51, %dma_wait3A_876] : memref<10000x128xf32, #tpu.memory_space<vmem_shared>> -> memref<64x128xf32, #tpu.memory_space<vmem_shared>>
      %dma_wait3A_878 = arith.constant 0 : i32
      %dma_wait3A_879 = arith.constant 0 : i32
      %dma_wait3A_880 = tpu.memref_slice %arg12[%dma_wait3A_878, %dma_wait3A_879] : memref<80x128xf32, #tpu.memory_space<vmem>> -> memref<64x128xf32, #tpu.memory_space<vmem>>
      tpu.wait_dma2 semaphore(%run_scoped3A : memref<!tpu.dma_semaphore, #tpu.memory_space<semaphore_mem>>) src(%dma_wait3A_880 : memref<64x128xf32, #tpu.memory_space<vmem>>) dst(%dma_wait3A_877 : memref<64x128xf32, #tpu.memory_space<vmem_shared>>)
      tpu.yield
    }) : () -> ()
    %add3A_52 = arith.constant 560 : i32
    %add3A_53 = arith.addi %mul3A_7, %add3A_52 : i32
    "tpu.region"() ({
      %run_scoped3A = tpu.sem_alloc : memref<!tpu.dma_semaphore, #tpu.memory_space<semaphore_mem>>
      %dma_start3A_861 = arith.constant 0 : i32
      %dma_start3A_862 = arith.constant 0 : i32
      %dma_start3A_863 = tpu.memref_slice %arg14[%dma_start3A_861, %dma_start3A_862] : memref<80x16xf32, #tpu.memory_space<vmem>> -> memref<64x16xf32, #tpu.memory_space<vmem>>
      %dma_start3A_864 = arith.constant 0 : i32
      %dma_start3A_865 = tpu.memref_slice %arg18[%add3A_53, %dma_start3A_864] : memref<10000x16xf32, #tpu.memory_space<vmem_shared>> -> memref<64x16xf32, #tpu.memory_space<vmem_shared>>
      %dma_start3A_866 = arith.constant 0 : i32
      %dma_start3A_867 = tpu.memref_slice %arg18[%add3A_53, %dma_start3A_866] : memref<10000x16xf32, #tpu.memory_space<vmem_shared>> -> memref<64x16xf32, #tpu.memory_space<vmem_shared>>
      %dma_start3A_868 = arith.constant 0 : i32
      %dma_start3A_869 = arith.constant 0 : i32
      %dma_start3A_870 = tpu.memref_slice %arg14[%dma_start3A_868, %dma_start3A_869] : memref<80x16xf32, #tpu.memory_space<vmem>> -> memref<64x16xf32, #tpu.memory_space<vmem>>
      tpu.enqueue_dma source(%dma_start3A_870 : memref<64x16xf32, #tpu.memory_space<vmem>>) target(%dma_start3A_867 : memref<64x16xf32, #tpu.memory_space<vmem_shared>>) target_semaphore(%run_scoped3A : memref<!tpu.dma_semaphore, #tpu.memory_space<semaphore_mem>>)
      %dma_wait3A_871 = arith.constant 0 : i32
      %dma_wait3A_872 = arith.constant 0 : i32
      %dma_wait3A_873 = tpu.memref_slice %arg14[%dma_wait3A_871, %dma_wait3A_872] : memref<80x16xf32, #tpu.memory_space<vmem>> -> memref<64x16xf32, #tpu.memory_space<vmem>>
      %dma_wait3A_874 = arith.constant 0 : i32
      %dma_wait3A_875 = tpu.memref_slice %arg18[%add3A_53, %dma_wait3A_874] : memref<10000x16xf32, #tpu.memory_space<vmem_shared>> -> memref<64x16xf32, #tpu.memory_space<vmem_shared>>
      %dma_wait3A_876 = arith.constant 0 : i32
      %dma_wait3A_877 = tpu.memref_slice %arg18[%add3A_53, %dma_wait3A_876] : memref<10000x16xf32, #tpu.memory_space<vmem_shared>> -> memref<64x16xf32, #tpu.memory_space<vmem_shared>>
      %dma_wait3A_878 = arith.constant 0 : i32
      %dma_wait3A_879 = arith.constant 0 : i32
      %dma_wait3A_880 = tpu.memref_slice %arg14[%dma_wait3A_878, %dma_wait3A_879] : memref<80x16xf32, #tpu.memory_space<vmem>> -> memref<64x16xf32, #tpu.memory_space<vmem>>
      tpu.wait_dma2 semaphore(%run_scoped3A : memref<!tpu.dma_semaphore, #tpu.memory_space<semaphore_mem>>) src(%dma_wait3A_880 : memref<64x16xf32, #tpu.memory_space<vmem>>) dst(%dma_wait3A_877 : memref<64x16xf32, #tpu.memory_space<vmem_shared>>)
      tpu.yield
    }) : () -> ()
    %add3A_54 = arith.constant 560 : i32
    %add3A_55 = arith.addi %mul3A_7, %add3A_54 : i32
    "tpu.region"() ({
      %run_scoped3A = tpu.sem_alloc : memref<!tpu.dma_semaphore, #tpu.memory_space<semaphore_mem>>
      %dma_start3A_861 = arith.constant 0 : i32
      %dma_start3A_862 = arith.constant 0 : i32
      %dma_start3A_863 = tpu.memref_slice %arg14[%dma_start3A_861, %dma_start3A_862] : memref<80x16xf32, #tpu.memory_space<vmem>> -> memref<64x16xf32, #tpu.memory_space<vmem>>
      %dma_start3A_864 = arith.constant 0 : i32
      %dma_start3A_865 = tpu.memref_slice %arg19[%add3A_55, %dma_start3A_864] : memref<10000x16xf32, #tpu.memory_space<vmem_shared>> -> memref<64x16xf32, #tpu.memory_space<vmem_shared>>
      %dma_start3A_866 = arith.constant 0 : i32
      %dma_start3A_867 = tpu.memref_slice %arg19[%add3A_55, %dma_start3A_866] : memref<10000x16xf32, #tpu.memory_space<vmem_shared>> -> memref<64x16xf32, #tpu.memory_space<vmem_shared>>
      %dma_start3A_868 = arith.constant 0 : i32
      %dma_start3A_869 = arith.constant 0 : i32
      %dma_start3A_870 = tpu.memref_slice %arg14[%dma_start3A_868, %dma_start3A_869] : memref<80x16xf32, #tpu.memory_space<vmem>> -> memref<64x16xf32, #tpu.memory_space<vmem>>
      tpu.enqueue_dma source(%dma_start3A_870 : memref<64x16xf32, #tpu.memory_space<vmem>>) target(%dma_start3A_867 : memref<64x16xf32, #tpu.memory_space<vmem_shared>>) target_semaphore(%run_scoped3A : memref<!tpu.dma_semaphore, #tpu.memory_space<semaphore_mem>>)
      %dma_wait3A_871 = arith.constant 0 : i32
      %dma_wait3A_872 = arith.constant 0 : i32
      %dma_wait3A_873 = tpu.memref_slice %arg14[%dma_wait3A_871, %dma_wait3A_872] : memref<80x16xf32, #tpu.memory_space<vmem>> -> memref<64x16xf32, #tpu.memory_space<vmem>>
      %dma_wait3A_874 = arith.constant 0 : i32
      %dma_wait3A_875 = tpu.memref_slice %arg19[%add3A_55, %dma_wait3A_874] : memref<10000x16xf32, #tpu.memory_space<vmem_shared>> -> memref<64x16xf32, #tpu.memory_space<vmem_shared>>
      %dma_wait3A_876 = arith.constant 0 : i32
      %dma_wait3A_877 = tpu.memref_slice %arg19[%add3A_55, %dma_wait3A_876] : memref<10000x16xf32, #tpu.memory_space<vmem_shared>> -> memref<64x16xf32, #tpu.memory_space<vmem_shared>>
      %dma_wait3A_878 = arith.constant 0 : i32
      %dma_wait3A_879 = arith.constant 0 : i32
      %dma_wait3A_880 = tpu.memref_slice %arg14[%dma_wait3A_878, %dma_wait3A_879] : memref<80x16xf32, #tpu.memory_space<vmem>> -> memref<64x16xf32, #tpu.memory_space<vmem>>
      tpu.wait_dma2 semaphore(%run_scoped3A : memref<!tpu.dma_semaphore, #tpu.memory_space<semaphore_mem>>) src(%dma_wait3A_880 : memref<64x16xf32, #tpu.memory_space<vmem>>) dst(%dma_wait3A_877 : memref<64x16xf32, #tpu.memory_space<vmem_shared>>)
      tpu.yield
    }) : () -> ()
    %eq3A = arith.constant 0 : i32
    %eq3A_56 = arith.cmpi eq, %arg1, %eq3A : i32
    %convert_element_type3A = arith.extui %eq3A_56 : i1 to i32
    %cond3A = arith.constant 0 : i32
    %cond3A_57 = arith.cmpi ne, %convert_element_type3A, %cond3A : i32
    scf.if %cond3A_57 {
      "tpu.region"() ({
        %run_scoped3A = tpu.sem_alloc : memref<!tpu.dma_semaphore, #tpu.memory_space<semaphore_mem>>
        %dma_start3A_861 = arith.constant 0 : i32
        %dma_start3A_862 = arith.constant 0 : i32
        %dma_start3A_863 = tpu.memref_slice %arg12[%dma_start3A_861, %dma_start3A_862] : memref<80x128xf32, #tpu.memory_space<vmem>> -> memref<16x128xf32, #tpu.memory_space<vmem>>
        %dma_start3A_864 = arith.constant 9984 : i32
        %dma_start3A_865 = arith.constant 0 : i32
        %dma_start3A_866 = tpu.memref_slice %arg17[%dma_start3A_864, %dma_start3A_865] : memref<10000x128xf32, #tpu.memory_space<vmem_shared>> -> memref<16x128xf32, #tpu.memory_space<vmem_shared>>
        %dma_start3A_867 = arith.constant 9984 : i32
        %dma_start3A_868 = arith.constant 0 : i32
        %dma_start3A_869 = tpu.memref_slice %arg17[%dma_start3A_867, %dma_start3A_868] : memref<10000x128xf32, #tpu.memory_space<vmem_shared>> -> memref<16x128xf32, #tpu.memory_space<vmem_shared>>
        %dma_start3A_870 = arith.constant 0 : i32
        %dma_start3A_871 = arith.constant 0 : i32
        %dma_start3A_872 = tpu.memref_slice %arg12[%dma_start3A_870, %dma_start3A_871] : memref<80x128xf32, #tpu.memory_space<vmem>> -> memref<16x128xf32, #tpu.memory_space<vmem>>
        tpu.enqueue_dma source(%dma_start3A_872 : memref<16x128xf32, #tpu.memory_space<vmem>>) target(%dma_start3A_869 : memref<16x128xf32, #tpu.memory_space<vmem_shared>>) target_semaphore(%run_scoped3A : memref<!tpu.dma_semaphore, #tpu.memory_space<semaphore_mem>>)
        %dma_wait3A_873 = arith.constant 0 : i32
        %dma_wait3A_874 = arith.constant 0 : i32
        %dma_wait3A_875 = tpu.memref_slice %arg12[%dma_wait3A_873, %dma_wait3A_874] : memref<80x128xf32, #tpu.memory_space<vmem>> -> memref<16x128xf32, #tpu.memory_space<vmem>>
        %dma_wait3A_876 = arith.constant 9984 : i32
        %dma_wait3A_877 = arith.constant 0 : i32
        %dma_wait3A_878 = tpu.memref_slice %arg17[%dma_wait3A_876, %dma_wait3A_877] : memref<10000x128xf32, #tpu.memory_space<vmem_shared>> -> memref<16x128xf32, #tpu.memory_space<vmem_shared>>
        %dma_wait3A_879 = arith.constant 9984 : i32
        %dma_wait3A_880 = arith.constant 0 : i32
        %dma_wait3A_881 = tpu.memref_slice %arg17[%dma_wait3A_879, %dma_wait3A_880] : memref<10000x128xf32, #tpu.memory_space<vmem_shared>> -> memref<16x128xf32, #tpu.memory_space<vmem_shared>>
        %dma_wait3A_882 = arith.constant 0 : i32
        %dma_wait3A_883 = arith.constant 0 : i32
        %dma_wait3A_884 = tpu.memref_slice %arg12[%dma_wait3A_882, %dma_wait3A_883] : memref<80x128xf32, #tpu.memory_space<vmem>> -> memref<16x128xf32, #tpu.memory_space<vmem>>
        tpu.wait_dma2 semaphore(%run_scoped3A : memref<!tpu.dma_semaphore, #tpu.memory_space<semaphore_mem>>) src(%dma_wait3A_884 : memref<16x128xf32, #tpu.memory_space<vmem>>) dst(%dma_wait3A_881 : memref<16x128xf32, #tpu.memory_space<vmem_shared>>)
        tpu.yield
      }) : () -> ()
      "tpu.region"() ({
        %run_scoped3A = tpu.sem_alloc : memref<!tpu.dma_semaphore, #tpu.memory_space<semaphore_mem>>
        %dma_start3A_861 = arith.constant 0 : i32
        %dma_start3A_862 = arith.constant 0 : i32
        %dma_start3A_863 = tpu.memref_slice %arg14[%dma_start3A_861, %dma_start3A_862] : memref<80x16xf32, #tpu.memory_space<vmem>> -> memref<16x16xf32, #tpu.memory_space<vmem>>
        %dma_start3A_864 = arith.constant 9984 : i32
        %dma_start3A_865 = arith.constant 0 : i32
        %dma_start3A_866 = tpu.memref_slice %arg18[%dma_start3A_864, %dma_start3A_865] : memref<10000x16xf32, #tpu.memory_space<vmem_shared>> -> memref<16x16xf32, #tpu.memory_space<vmem_shared>>
        %dma_start3A_867 = arith.constant 9984 : i32
        %dma_start3A_868 = arith.constant 0 : i32
        %dma_start3A_869 = tpu.memref_slice %arg18[%dma_start3A_867, %dma_start3A_868] : memref<10000x16xf32, #tpu.memory_space<vmem_shared>> -> memref<16x16xf32, #tpu.memory_space<vmem_shared>>
        %dma_start3A_870 = arith.constant 0 : i32
        %dma_start3A_871 = arith.constant 0 : i32
        %dma_start3A_872 = tpu.memref_slice %arg14[%dma_start3A_870, %dma_start3A_871] : memref<80x16xf32, #tpu.memory_space<vmem>> -> memref<16x16xf32, #tpu.memory_space<vmem>>
        tpu.enqueue_dma source(%dma_start3A_872 : memref<16x16xf32, #tpu.memory_space<vmem>>) target(%dma_start3A_869 : memref<16x16xf32, #tpu.memory_space<vmem_shared>>) target_semaphore(%run_scoped3A : memref<!tpu.dma_semaphore, #tpu.memory_space<semaphore_mem>>)
        %dma_wait3A_873 = arith.constant 0 : i32
        %dma_wait3A_874 = arith.constant 0 : i32
        %dma_wait3A_875 = tpu.memref_slice %arg14[%dma_wait3A_873, %dma_wait3A_874] : memref<80x16xf32, #tpu.memory_space<vmem>> -> memref<16x16xf32, #tpu.memory_space<vmem>>
        %dma_wait3A_876 = arith.constant 9984 : i32
        %dma_wait3A_877 = arith.constant 0 : i32
        %dma_wait3A_878 = tpu.memref_slice %arg18[%dma_wait3A_876, %dma_wait3A_877] : memref<10000x16xf32, #tpu.memory_space<vmem_shared>> -> memref<16x16xf32, #tpu.memory_space<vmem_shared>>
        %dma_wait3A_879 = arith.constant 9984 : i32
        %dma_wait3A_880 = arith.constant 0 : i32
        %dma_wait3A_881 = tpu.memref_slice %arg18[%dma_wait3A_879, %dma_wait3A_880] : memref<10000x16xf32, #tpu.memory_space<vmem_shared>> -> memref<16x16xf32, #tpu.memory_space<vmem_shared>>
        %dma_wait3A_882 = arith.constant 0 : i32
        %dma_wait3A_883 = arith.constant 0 : i32
        %dma_wait3A_884 = tpu.memref_slice %arg14[%dma_wait3A_882, %dma_wait3A_883] : memref<80x16xf32, #tpu.memory_space<vmem>> -> memref<16x16xf32, #tpu.memory_space<vmem>>
        tpu.wait_dma2 semaphore(%run_scoped3A : memref<!tpu.dma_semaphore, #tpu.memory_space<semaphore_mem>>) src(%dma_wait3A_884 : memref<16x16xf32, #tpu.memory_space<vmem>>) dst(%dma_wait3A_881 : memref<16x16xf32, #tpu.memory_space<vmem_shared>>)
        tpu.yield
      }) : () -> ()
      "tpu.region"() ({
        %run_scoped3A = tpu.sem_alloc : memref<!tpu.dma_semaphore, #tpu.memory_space<semaphore_mem>>
        %dma_start3A_861 = arith.constant 0 : i32
        %dma_start3A_862 = arith.constant 0 : i32
        %dma_start3A_863 = tpu.memref_slice %arg14[%dma_start3A_861, %dma_start3A_862] : memref<80x16xf32, #tpu.memory_space<vmem>> -> memref<16x16xf32, #tpu.memory_space<vmem>>
        %dma_start3A_864 = arith.constant 9984 : i32
        %dma_start3A_865 = arith.constant 0 : i32
        %dma_start3A_866 = tpu.memref_slice %arg19[%dma_start3A_864, %dma_start3A_865] : memref<10000x16xf32, #tpu.memory_space<vmem_shared>> -> memref<16x16xf32, #tpu.memory_space<vmem_shared>>
        %dma_start3A_867 = arith.constant 9984 : i32
        %dma_start3A_868 = arith.constant 0 : i32
        %dma_start3A_869 = tpu.memref_slice %arg19[%dma_start3A_867, %dma_start3A_868] : memref<10000x16xf32, #tpu.memory_space<vmem_shared>> -> memref<16x16xf32, #tpu.memory_space<vmem_shared>>
        %dma_start3A_870 = arith.constant 0 : i32
        %dma_start3A_871 = arith.constant 0 : i32
        %dma_start3A_872 = tpu.memref_slice %arg14[%dma_start3A_870, %dma_start3A_871] : memref<80x16xf32, #tpu.memory_space<vmem>> -> memref<16x16xf32, #tpu.memory_space<vmem>>
        tpu.enqueue_dma source(%dma_start3A_872 : memref<16x16xf32, #tpu.memory_space<vmem>>) target(%dma_start3A_869 : memref<16x16xf32, #tpu.memory_space<vmem_shared>>) target_semaphore(%run_scoped3A : memref<!tpu.dma_semaphore, #tpu.memory_space<semaphore_mem>>)
        %dma_wait3A_873 = arith.constant 0 : i32
        %dma_wait3A_874 = arith.constant 0 : i32
        %dma_wait3A_875 = tpu.memref_slice %arg14[%dma_wait3A_873, %dma_wait3A_874] : memref<80x16xf32, #tpu.memory_space<vmem>> -> memref<16x16xf32, #tpu.memory_space<vmem>>
        %dma_wait3A_876 = arith.constant 9984 : i32
        %dma_wait3A_877 = arith.constant 0 : i32
        %dma_wait3A_878 = tpu.memref_slice %arg19[%dma_wait3A_876, %dma_wait3A_877] : memref<10000x16xf32, #tpu.memory_space<vmem_shared>> -> memref<16x16xf32, #tpu.memory_space<vmem_shared>>
        %dma_wait3A_879 = arith.constant 9984 : i32
        %dma_wait3A_880 = arith.constant 0 : i32
        %dma_wait3A_881 = tpu.memref_slice %arg19[%dma_wait3A_879, %dma_wait3A_880] : memref<10000x16xf32, #tpu.memory_space<vmem_shared>> -> memref<16x16xf32, #tpu.memory_space<vmem_shared>>
        %dma_wait3A_882 = arith.constant 0 : i32
        %dma_wait3A_883 = arith.constant 0 : i32
        %dma_wait3A_884 = tpu.memref_slice %arg14[%dma_wait3A_882, %dma_wait3A_883] : memref<80x16xf32, #tpu.memory_space<vmem>> -> memref<16x16xf32, #tpu.memory_space<vmem>>
        tpu.wait_dma2 semaphore(%run_scoped3A : memref<!tpu.dma_semaphore, #tpu.memory_space<semaphore_mem>>) src(%dma_wait3A_884 : memref<16x16xf32, #tpu.memory_space<vmem>>) dst(%dma_wait3A_881 : memref<16x16xf32, #tpu.memory_space<vmem_shared>>)
        tpu.yield
      }) : () -> ()
    } else {
    }
    %broadcast_in_dim3A = arith.constant 1.000000e+00 : f32
    %broadcast_in_dim3A_58 = vector.broadcast %broadcast_in_dim3A : f32 to vector<16xf32>
    %swap3A = arith.constant 0 : i32
    %swap3A_59 = arith.index_cast %swap3A : i32 to index
    %swap3A_60 = arith.constant 0 : index
    %swap3A_61 = tpu.vector_load %arg16[%swap3A_59, %swap3A_60] {strides = array<i32>} : memref<80x16xf32, #tpu.memory_space<vmem>>, vector<1x16xf32>,
    %swap3A_62 = vector.shape_cast %swap3A_61 : vector<1x16xf32> to vector<16xf32>
    %swap3A_63 = vector.shape_cast %broadcast_in_dim3A_58 : vector<16xf32> to vector<1x16xf32>
    tpu.vector_store %arg16[%swap3A_59, %swap3A_60], %swap3A_63 {strides = array<i32>} : memref<80x16xf32, #tpu.memory_space<vmem>>, vector<1x16xf32>,
    %broadcast_in_dim3A_64 = arith.constant 1.000000e+00 : f32
    %broadcast_in_dim3A_65 = vector.broadcast %broadcast_in_dim3A_64 : f32 to vector<16xf32>
    %swap3A_66 = arith.constant 1 : i32
    %swap3A_67 = arith.index_cast %swap3A_66 : i32 to index
    %swap3A_68 = arith.constant 0 : index
    %swap3A_69 = tpu.vector_load %arg16[%swap3A_67, %swap3A_68] {strides = array<i32>} : memref<80x16xf32, #tpu.memory_space<vmem>>, vector<1x16xf32>,
    %swap3A_70 = vector.shape_cast %swap3A_69 : vector<1x16xf32> to vector<16xf32>
    %swap3A_71 = vector.shape_cast %broadcast_in_dim3A_65 : vector<16xf32> to vector<1x16xf32>
    tpu.vector_store %arg16[%swap3A_67, %swap3A_68], %swap3A_71 {strides = array<i32>} : memref<80x16xf32, #tpu.memory_space<vmem>>, vector<1x16xf32>,
    %broadcast_in_dim3A_72 = arith.constant 1.000000e+00 : f32
    %broadcast_in_dim3A_73 = vector.broadcast %broadcast_in_dim3A_72 : f32 to vector<16xf32>
    %swap3A_74 = arith.constant 2 : i32
    %swap3A_75 = arith.index_cast %swap3A_74 : i32 to index
    %swap3A_76 = arith.constant 0 : index
    %swap3A_77 = tpu.vector_load %arg16[%swap3A_75, %swap3A_76] {strides = array<i32>} : memref<80x16xf32, #tpu.memory_space<vmem>>, vector<1x16xf32>,
    %swap3A_78 = vector.shape_cast %swap3A_77 : vector<1x16xf32> to vector<16xf32>
    %swap3A_79 = vector.shape_cast %broadcast_in_dim3A_73 : vector<16xf32> to vector<1x16xf32>
    tpu.vector_store %arg16[%swap3A_75, %swap3A_76], %swap3A_79 {strides = array<i32>} : memref<80x16xf32, #tpu.memory_space<vmem>>, vector<1x16xf32>,
    %broadcast_in_dim3A_80 = arith.constant 1.000000e+00 : f32
    %broadcast_in_dim3A_81 = vector.broadcast %broadcast_in_dim3A_80 : f32 to vector<16xf32>
    %swap3A_82 = arith.constant 3 : i32
    %swap3A_83 = arith.index_cast %swap3A_82 : i32 to index
    %swap3A_84 = arith.constant 0 : index
    %swap3A_85 = tpu.vector_load %arg16[%swap3A_83, %swap3A_84] {strides = array<i32>} : memref<80x16xf32, #tpu.memory_space<vmem>>, vector<1x16xf32>,
    %swap3A_86 = vector.shape_cast %swap3A_85 : vector<1x16xf32> to vector<16xf32>
    %swap3A_87 = vector.shape_cast %broadcast_in_dim3A_81 : vector<16xf32> to vector<1x16xf32>
    tpu.vector_store %arg16[%swap3A_83, %swap3A_84], %swap3A_87 {strides = array<i32>} : memref<80x16xf32, #tpu.memory_space<vmem>>, vector<1x16xf32>,
    %broadcast_in_dim3A_88 = arith.constant 1.000000e+00 : f32
    %broadcast_in_dim3A_89 = vector.broadcast %broadcast_in_dim3A_88 : f32 to vector<16xf32>
    %swap3A_90 = arith.constant 4 : i32
    %swap3A_91 = arith.index_cast %swap3A_90 : i32 to index
    %swap3A_92 = arith.constant 0 : index
    %swap3A_93 = tpu.vector_load %arg16[%swap3A_91, %swap3A_92] {strides = array<i32>} : memref<80x16xf32, #tpu.memory_space<vmem>>, vector<1x16xf32>,
    %swap3A_94 = vector.shape_cast %swap3A_93 : vector<1x16xf32> to vector<16xf32>
    %swap3A_95 = vector.shape_cast %broadcast_in_dim3A_89 : vector<16xf32> to vector<1x16xf32>
    tpu.vector_store %arg16[%swap3A_91, %swap3A_92], %swap3A_95 {strides = array<i32>} : memref<80x16xf32, #tpu.memory_space<vmem>>, vector<1x16xf32>,
    %broadcast_in_dim3A_96 = arith.constant 1.000000e+00 : f32
    %broadcast_in_dim3A_97 = vector.broadcast %broadcast_in_dim3A_96 : f32 to vector<16xf32>
    %swap3A_98 = arith.constant 5 : i32
    %swap3A_99 = arith.index_cast %swap3A_98 : i32 to index
    %swap3A_100 = arith.constant 0 : index
    %swap3A_101 = tpu.vector_load %arg16[%swap3A_99, %swap3A_100] {strides = array<i32>} : memref<80x16xf32, #tpu.memory_space<vmem>>, vector<1x16xf32>,
    %swap3A_102 = vector.shape_cast %swap3A_101 : vector<1x16xf32> to vector<16xf32>
    %swap3A_103 = vector.shape_cast %broadcast_in_dim3A_97 : vector<16xf32> to vector<1x16xf32>
    tpu.vector_store %arg16[%swap3A_99, %swap3A_100], %swap3A_103 {strides = array<i32>} : memref<80x16xf32, #tpu.memory_space<vmem>>, vector<1x16xf32>,
    %broadcast_in_dim3A_104 = arith.constant 1.000000e+00 : f32
    %broadcast_in_dim3A_105 = vector.broadcast %broadcast_in_dim3A_104 : f32 to vector<16xf32>
    %swap3A_106 = arith.constant 6 : i32
    %swap3A_107 = arith.index_cast %swap3A_106 : i32 to index
    %swap3A_108 = arith.constant 0 : index
    %swap3A_109 = tpu.vector_load %arg16[%swap3A_107, %swap3A_108] {strides = array<i32>} : memref<80x16xf32, #tpu.memory_space<vmem>>, vector<1x16xf32>,
    %swap3A_110 = vector.shape_cast %swap3A_109 : vector<1x16xf32> to vector<16xf32>
    %swap3A_111 = vector.shape_cast %broadcast_in_dim3A_105 : vector<16xf32> to vector<1x16xf32>
    tpu.vector_store %arg16[%swap3A_107, %swap3A_108], %swap3A_111 {strides = array<i32>} : memref<80x16xf32, #tpu.memory_space<vmem>>, vector<1x16xf32>,
    %broadcast_in_dim3A_112 = arith.constant 1.000000e+00 : f32
    %broadcast_in_dim3A_113 = vector.broadcast %broadcast_in_dim3A_112 : f32 to vector<16xf32>
    %swap3A_114 = arith.constant 7 : i32
    %swap3A_115 = arith.index_cast %swap3A_114 : i32 to index
    %swap3A_116 = arith.constant 0 : index
    %swap3A_117 = tpu.vector_load %arg16[%swap3A_115, %swap3A_116] {strides = array<i32>} : memref<80x16xf32, #tpu.memory_space<vmem>>, vector<1x16xf32>,
    %swap3A_118 = vector.shape_cast %swap3A_117 : vector<1x16xf32> to vector<16xf32>
    %swap3A_119 = vector.shape_cast %broadcast_in_dim3A_113 : vector<16xf32> to vector<1x16xf32>
    tpu.vector_store %arg16[%swap3A_115, %swap3A_116], %swap3A_119 {strides = array<i32>} : memref<80x16xf32, #tpu.memory_space<vmem>>, vector<1x16xf32>,
    %broadcast_in_dim3A_120 = arith.constant 1.000000e+00 : f32
    %broadcast_in_dim3A_121 = vector.broadcast %broadcast_in_dim3A_120 : f32 to vector<16xf32>
    %swap3A_122 = arith.constant 8 : i32
    %swap3A_123 = arith.index_cast %swap3A_122 : i32 to index
    %swap3A_124 = arith.constant 0 : index
    %swap3A_125 = tpu.vector_load %arg16[%swap3A_123, %swap3A_124] {strides = array<i32>} : memref<80x16xf32, #tpu.memory_space<vmem>>, vector<1x16xf32>,
    %swap3A_126 = vector.shape_cast %swap3A_125 : vector<1x16xf32> to vector<16xf32>
    %swap3A_127 = vector.shape_cast %broadcast_in_dim3A_121 : vector<16xf32> to vector<1x16xf32>
    tpu.vector_store %arg16[%swap3A_123, %swap3A_124], %swap3A_127 {strides = array<i32>} : memref<80x16xf32, #tpu.memory_space<vmem>>, vector<1x16xf32>,
    %broadcast_in_dim3A_128 = arith.constant 1.000000e+00 : f32
    %broadcast_in_dim3A_129 = vector.broadcast %broadcast_in_dim3A_128 : f32 to vector<16xf32>
    %swap3A_130 = arith.constant 9 : i32
    %swap3A_131 = arith.index_cast %swap3A_130 : i32 to index
    %swap3A_132 = arith.constant 0 : index
    %swap3A_133 = tpu.vector_load %arg16[%swap3A_131, %swap3A_132] {strides = array<i32>} : memref<80x16xf32, #tpu.memory_space<vmem>>, vector<1x16xf32>,
    %swap3A_134 = vector.shape_cast %swap3A_133 : vector<1x16xf32> to vector<16xf32>
    %swap3A_135 = vector.shape_cast %broadcast_in_dim3A_129 : vector<16xf32> to vector<1x16xf32>
    tpu.vector_store %arg16[%swap3A_131, %swap3A_132], %swap3A_135 {strides = array<i32>} : memref<80x16xf32, #tpu.memory_space<vmem>>, vector<1x16xf32>,
    %broadcast_in_dim3A_136 = arith.constant 1.000000e+00 : f32
    %broadcast_in_dim3A_137 = vector.broadcast %broadcast_in_dim3A_136 : f32 to vector<16xf32>
    %swap3A_138 = arith.constant 10 : i32
    %swap3A_139 = arith.index_cast %swap3A_138 : i32 to index
    %swap3A_140 = arith.constant 0 : index
    %swap3A_141 = tpu.vector_load %arg16[%swap3A_139, %swap3A_140] {strides = array<i32>} : memref<80x16xf32, #tpu.memory_space<vmem>>, vector<1x16xf32>,
    %swap3A_142 = vector.shape_cast %swap3A_141 : vector<1x16xf32> to vector<16xf32>
    %swap3A_143 = vector.shape_cast %broadcast_in_dim3A_137 : vector<16xf32> to vector<1x16xf32>
    tpu.vector_store %arg16[%swap3A_139, %swap3A_140], %swap3A_143 {strides = array<i32>} : memref<80x16xf32, #tpu.memory_space<vmem>>, vector<1x16xf32>,
    %broadcast_in_dim3A_144 = arith.constant 1.000000e+00 : f32
    %broadcast_in_dim3A_145 = vector.broadcast %broadcast_in_dim3A_144 : f32 to vector<16xf32>
    %swap3A_146 = arith.constant 11 : i32
    %swap3A_147 = arith.index_cast %swap3A_146 : i32 to index
    %swap3A_148 = arith.constant 0 : index
    %swap3A_149 = tpu.vector_load %arg16[%swap3A_147, %swap3A_148] {strides = array<i32>} : memref<80x16xf32, #tpu.memory_space<vmem>>, vector<1x16xf32>,
    %swap3A_150 = vector.shape_cast %swap3A_149 : vector<1x16xf32> to vector<16xf32>
    %swap3A_151 = vector.shape_cast %broadcast_in_dim3A_145 : vector<16xf32> to vector<1x16xf32>
    tpu.vector_store %arg16[%swap3A_147, %swap3A_148], %swap3A_151 {strides = array<i32>} : memref<80x16xf32, #tpu.memory_space<vmem>>, vector<1x16xf32>,
    %broadcast_in_dim3A_152 = arith.constant 1.000000e+00 : f32
    %broadcast_in_dim3A_153 = vector.broadcast %broadcast_in_dim3A_152 : f32 to vector<16xf32>
    %swap3A_154 = arith.constant 12 : i32
    %swap3A_155 = arith.index_cast %swap3A_154 : i32 to index
    %swap3A_156 = arith.constant 0 : index
    %swap3A_157 = tpu.vector_load %arg16[%swap3A_155, %swap3A_156] {strides = array<i32>} : memref<80x16xf32, #tpu.memory_space<vmem>>, vector<1x16xf32>,
    %swap3A_158 = vector.shape_cast %swap3A_157 : vector<1x16xf32> to vector<16xf32>
    %swap3A_159 = vector.shape_cast %broadcast_in_dim3A_153 : vector<16xf32> to vector<1x16xf32>
    tpu.vector_store %arg16[%swap3A_155, %swap3A_156], %swap3A_159 {strides = array<i32>} : memref<80x16xf32, #tpu.memory_space<vmem>>, vector<1x16xf32>,
    %broadcast_in_dim3A_160 = arith.constant 1.000000e+00 : f32
    %broadcast_in_dim3A_161 = vector.broadcast %broadcast_in_dim3A_160 : f32 to vector<16xf32>
    %swap3A_162 = arith.constant 13 : i32
    %swap3A_163 = arith.index_cast %swap3A_162 : i32 to index
    %swap3A_164 = arith.constant 0 : index
    %swap3A_165 = tpu.vector_load %arg16[%swap3A_163, %swap3A_164] {strides = array<i32>} : memref<80x16xf32, #tpu.memory_space<vmem>>, vector<1x16xf32>,
    %swap3A_166 = vector.shape_cast %swap3A_165 : vector<1x16xf32> to vector<16xf32>
    %swap3A_167 = vector.shape_cast %broadcast_in_dim3A_161 : vector<16xf32> to vector<1x16xf32>
    tpu.vector_store %arg16[%swap3A_163, %swap3A_164], %swap3A_167 {strides = array<i32>} : memref<80x16xf32, #tpu.memory_space<vmem>>, vector<1x16xf32>,
    %broadcast_in_dim3A_168 = arith.constant 1.000000e+00 : f32
    %broadcast_in_dim3A_169 = vector.broadcast %broadcast_in_dim3A_168 : f32 to vector<16xf32>
    %swap3A_170 = arith.constant 14 : i32
    %swap3A_171 = arith.index_cast %swap3A_170 : i32 to index
    %swap3A_172 = arith.constant 0 : index
    %swap3A_173 = tpu.vector_load %arg16[%swap3A_171, %swap3A_172] {strides = array<i32>} : memref<80x16xf32, #tpu.memory_space<vmem>>, vector<1x16xf32>,
    %swap3A_174 = vector.shape_cast %swap3A_173 : vector<1x16xf32> to vector<16xf32>
    %swap3A_175 = vector.shape_cast %broadcast_in_dim3A_169 : vector<16xf32> to vector<1x16xf32>
    tpu.vector_store %arg16[%swap3A_171, %swap3A_172], %swap3A_175 {strides = array<i32>} : memref<80x16xf32, #tpu.memory_space<vmem>>, vector<1x16xf32>,
    %broadcast_in_dim3A_176 = arith.constant 1.000000e+00 : f32
    %broadcast_in_dim3A_177 = vector.broadcast %broadcast_in_dim3A_176 : f32 to vector<16xf32>
    %swap3A_178 = arith.constant 15 : i32
    %swap3A_179 = arith.index_cast %swap3A_178 : i32 to index
    %swap3A_180 = arith.constant 0 : index
    %swap3A_181 = tpu.vector_load %arg16[%swap3A_179, %swap3A_180] {strides = array<i32>} : memref<80x16xf32, #tpu.memory_space<vmem>>, vector<1x16xf32>,
    %swap3A_182 = vector.shape_cast %swap3A_181 : vector<1x16xf32> to vector<16xf32>
    %swap3A_183 = vector.shape_cast %broadcast_in_dim3A_177 : vector<16xf32> to vector<1x16xf32>
    tpu.vector_store %arg16[%swap3A_179, %swap3A_180], %swap3A_183 {strides = array<i32>} : memref<80x16xf32, #tpu.memory_space<vmem>>, vector<1x16xf32>,
    %broadcast_in_dim3A_184 = arith.constant 1.000000e+00 : f32
    %broadcast_in_dim3A_185 = vector.broadcast %broadcast_in_dim3A_184 : f32 to vector<16xf32>
    %swap3A_186 = arith.constant 16 : i32
    %swap3A_187 = arith.index_cast %swap3A_186 : i32 to index
    %swap3A_188 = arith.constant 0 : index
    %swap3A_189 = tpu.vector_load %arg16[%swap3A_187, %swap3A_188] {strides = array<i32>} : memref<80x16xf32, #tpu.memory_space<vmem>>, vector<1x16xf32>,
    %swap3A_190 = vector.shape_cast %swap3A_189 : vector<1x16xf32> to vector<16xf32>
    %swap3A_191 = vector.shape_cast %broadcast_in_dim3A_185 : vector<16xf32> to vector<1x16xf32>
    tpu.vector_store %arg16[%swap3A_187, %swap3A_188], %swap3A_191 {strides = array<i32>} : memref<80x16xf32, #tpu.memory_space<vmem>>, vector<1x16xf32>,
    %broadcast_in_dim3A_192 = arith.constant 1.000000e+00 : f32
    %broadcast_in_dim3A_193 = vector.broadcast %broadcast_in_dim3A_192 : f32 to vector<16xf32>
    %swap3A_194 = arith.constant 17 : i32
    %swap3A_195 = arith.index_cast %swap3A_194 : i32 to index
    %swap3A_196 = arith.constant 0 : index
    %swap3A_197 = tpu.vector_load %arg16[%swap3A_195, %swap3A_196] {strides = array<i32>} : memref<80x16xf32, #tpu.memory_space<vmem>>, vector<1x16xf32>,
    %swap3A_198 = vector.shape_cast %swap3A_197 : vector<1x16xf32> to vector<16xf32>
    %swap3A_199 = vector.shape_cast %broadcast_in_dim3A_193 : vector<16xf32> to vector<1x16xf32>
    tpu.vector_store %arg16[%swap3A_195, %swap3A_196], %swap3A_199 {strides = array<i32>} : memref<80x16xf32, #tpu.memory_space<vmem>>, vector<1x16xf32>,
    %broadcast_in_dim3A_200 = arith.constant 1.000000e+00 : f32
    %broadcast_in_dim3A_201 = vector.broadcast %broadcast_in_dim3A_200 : f32 to vector<16xf32>
    %swap3A_202 = arith.constant 18 : i32
    %swap3A_203 = arith.index_cast %swap3A_202 : i32 to index
    %swap3A_204 = arith.constant 0 : index
    %swap3A_205 = tpu.vector_load %arg16[%swap3A_203, %swap3A_204] {strides = array<i32>} : memref<80x16xf32, #tpu.memory_space<vmem>>, vector<1x16xf32>,
    %swap3A_206 = vector.shape_cast %swap3A_205 : vector<1x16xf32> to vector<16xf32>
    %swap3A_207 = vector.shape_cast %broadcast_in_dim3A_201 : vector<16xf32> to vector<1x16xf32>
    tpu.vector_store %arg16[%swap3A_203, %swap3A_204], %swap3A_207 {strides = array<i32>} : memref<80x16xf32, #tpu.memory_space<vmem>>, vector<1x16xf32>,
    %broadcast_in_dim3A_208 = arith.constant 1.000000e+00 : f32
    %broadcast_in_dim3A_209 = vector.broadcast %broadcast_in_dim3A_208 : f32 to vector<16xf32>
    %swap3A_210 = arith.constant 19 : i32
    %swap3A_211 = arith.index_cast %swap3A_210 : i32 to index
    %swap3A_212 = arith.constant 0 : index
    %swap3A_213 = tpu.vector_load %arg16[%swap3A_211, %swap3A_212] {strides = array<i32>} : memref<80x16xf32, #tpu.memory_space<vmem>>, vector<1x16xf32>,
    %swap3A_214 = vector.shape_cast %swap3A_213 : vector<1x16xf32> to vector<16xf32>
    %swap3A_215 = vector.shape_cast %broadcast_in_dim3A_209 : vector<16xf32> to vector<1x16xf32>
    tpu.vector_store %arg16[%swap3A_211, %swap3A_212], %swap3A_215 {strides = array<i32>} : memref<80x16xf32, #tpu.memory_space<vmem>>, vector<1x16xf32>,
    %broadcast_in_dim3A_216 = arith.constant 1.000000e+00 : f32
    %broadcast_in_dim3A_217 = vector.broadcast %broadcast_in_dim3A_216 : f32 to vector<16xf32>
    %swap3A_218 = arith.constant 20 : i32
    %swap3A_219 = arith.index_cast %swap3A_218 : i32 to index
    %swap3A_220 = arith.constant 0 : index
    %swap3A_221 = tpu.vector_load %arg16[%swap3A_219, %swap3A_220] {strides = array<i32>} : memref<80x16xf32, #tpu.memory_space<vmem>>, vector<1x16xf32>,
    %swap3A_222 = vector.shape_cast %swap3A_221 : vector<1x16xf32> to vector<16xf32>
    %swap3A_223 = vector.shape_cast %broadcast_in_dim3A_217 : vector<16xf32> to vector<1x16xf32>
    tpu.vector_store %arg16[%swap3A_219, %swap3A_220], %swap3A_223 {strides = array<i32>} : memref<80x16xf32, #tpu.memory_space<vmem>>, vector<1x16xf32>,
    %broadcast_in_dim3A_224 = arith.constant 1.000000e+00 : f32
    %broadcast_in_dim3A_225 = vector.broadcast %broadcast_in_dim3A_224 : f32 to vector<16xf32>
    %swap3A_226 = arith.constant 21 : i32
    %swap3A_227 = arith.index_cast %swap3A_226 : i32 to index
    %swap3A_228 = arith.constant 0 : index
    %swap3A_229 = tpu.vector_load %arg16[%swap3A_227, %swap3A_228] {strides = array<i32>} : memref<80x16xf32, #tpu.memory_space<vmem>>, vector<1x16xf32>,
    %swap3A_230 = vector.shape_cast %swap3A_229 : vector<1x16xf32> to vector<16xf32>
    %swap3A_231 = vector.shape_cast %broadcast_in_dim3A_225 : vector<16xf32> to vector<1x16xf32>
    tpu.vector_store %arg16[%swap3A_227, %swap3A_228], %swap3A_231 {strides = array<i32>} : memref<80x16xf32, #tpu.memory_space<vmem>>, vector<1x16xf32>,
    %broadcast_in_dim3A_232 = arith.constant 1.000000e+00 : f32
    %broadcast_in_dim3A_233 = vector.broadcast %broadcast_in_dim3A_232 : f32 to vector<16xf32>
    %swap3A_234 = arith.constant 22 : i32
    %swap3A_235 = arith.index_cast %swap3A_234 : i32 to index
    %swap3A_236 = arith.constant 0 : index
    %swap3A_237 = tpu.vector_load %arg16[%swap3A_235, %swap3A_236] {strides = array<i32>} : memref<80x16xf32, #tpu.memory_space<vmem>>, vector<1x16xf32>,
    %swap3A_238 = vector.shape_cast %swap3A_237 : vector<1x16xf32> to vector<16xf32>
    %swap3A_239 = vector.shape_cast %broadcast_in_dim3A_233 : vector<16xf32> to vector<1x16xf32>
    tpu.vector_store %arg16[%swap3A_235, %swap3A_236], %swap3A_239 {strides = array<i32>} : memref<80x16xf32, #tpu.memory_space<vmem>>, vector<1x16xf32>,
    %broadcast_in_dim3A_240 = arith.constant 1.000000e+00 : f32
    %broadcast_in_dim3A_241 = vector.broadcast %broadcast_in_dim3A_240 : f32 to vector<16xf32>
    %swap3A_242 = arith.constant 23 : i32
    %swap3A_243 = arith.index_cast %swap3A_242 : i32 to index
    %swap3A_244 = arith.constant 0 : index
    %swap3A_245 = tpu.vector_load %arg16[%swap3A_243, %swap3A_244] {strides = array<i32>} : memref<80x16xf32, #tpu.memory_space<vmem>>, vector<1x16xf32>,
    %swap3A_246 = vector.shape_cast %swap3A_245 : vector<1x16xf32> to vector<16xf32>
    %swap3A_247 = vector.shape_cast %broadcast_in_dim3A_241 : vector<16xf32> to vector<1x16xf32>
    tpu.vector_store %arg16[%swap3A_243, %swap3A_244], %swap3A_247 {strides = array<i32>} : memref<80x16xf32, #tpu.memory_space<vmem>>, vector<1x16xf32>,
    %broadcast_in_dim3A_248 = arith.constant 1.000000e+00 : f32
    %broadcast_in_dim3A_249 = vector.broadcast %broadcast_in_dim3A_248 : f32 to vector<16xf32>
    %swap3A_250 = arith.constant 24 : i32
    %swap3A_251 = arith.index_cast %swap3A_250 : i32 to index
    %swap3A_252 = arith.constant 0 : index
    %swap3A_253 = tpu.vector_load %arg16[%swap3A_251, %swap3A_252] {strides = array<i32>} : memref<80x16xf32, #tpu.memory_space<vmem>>, vector<1x16xf32>,
    %swap3A_254 = vector.shape_cast %swap3A_253 : vector<1x16xf32> to vector<16xf32>
    %swap3A_255 = vector.shape_cast %broadcast_in_dim3A_249 : vector<16xf32> to vector<1x16xf32>
    tpu.vector_store %arg16[%swap3A_251, %swap3A_252], %swap3A_255 {strides = array<i32>} : memref<80x16xf32, #tpu.memory_space<vmem>>, vector<1x16xf32>,
    %broadcast_in_dim3A_256 = arith.constant 1.000000e+00 : f32
    %broadcast_in_dim3A_257 = vector.broadcast %broadcast_in_dim3A_256 : f32 to vector<16xf32>
    %swap3A_258 = arith.constant 25 : i32
    %swap3A_259 = arith.index_cast %swap3A_258 : i32 to index
    %swap3A_260 = arith.constant 0 : index
    %swap3A_261 = tpu.vector_load %arg16[%swap3A_259, %swap3A_260] {strides = array<i32>} : memref<80x16xf32, #tpu.memory_space<vmem>>, vector<1x16xf32>,
    %swap3A_262 = vector.shape_cast %swap3A_261 : vector<1x16xf32> to vector<16xf32>
    %swap3A_263 = vector.shape_cast %broadcast_in_dim3A_257 : vector<16xf32> to vector<1x16xf32>
    tpu.vector_store %arg16[%swap3A_259, %swap3A_260], %swap3A_263 {strides = array<i32>} : memref<80x16xf32, #tpu.memory_space<vmem>>, vector<1x16xf32>,
    %broadcast_in_dim3A_264 = arith.constant 1.000000e+00 : f32
    %broadcast_in_dim3A_265 = vector.broadcast %broadcast_in_dim3A_264 : f32 to vector<16xf32>
    %swap3A_266 = arith.constant 26 : i32
    %swap3A_267 = arith.index_cast %swap3A_266 : i32 to index
    %swap3A_268 = arith.constant 0 : index
    %swap3A_269 = tpu.vector_load %arg16[%swap3A_267, %swap3A_268] {strides = array<i32>} : memref<80x16xf32, #tpu.memory_space<vmem>>, vector<1x16xf32>,
    %swap3A_270 = vector.shape_cast %swap3A_269 : vector<1x16xf32> to vector<16xf32>
    %swap3A_271 = vector.shape_cast %broadcast_in_dim3A_265 : vector<16xf32> to vector<1x16xf32>
    tpu.vector_store %arg16[%swap3A_267, %swap3A_268], %swap3A_271 {strides = array<i32>} : memref<80x16xf32, #tpu.memory_space<vmem>>, vector<1x16xf32>,
    %broadcast_in_dim3A_272 = arith.constant 1.000000e+00 : f32
    %broadcast_in_dim3A_273 = vector.broadcast %broadcast_in_dim3A_272 : f32 to vector<16xf32>
    %swap3A_274 = arith.constant 27 : i32
    %swap3A_275 = arith.index_cast %swap3A_274 : i32 to index
    %swap3A_276 = arith.constant 0 : index
    %swap3A_277 = tpu.vector_load %arg16[%swap3A_275, %swap3A_276] {strides = array<i32>} : memref<80x16xf32, #tpu.memory_space<vmem>>, vector<1x16xf32>,
    %swap3A_278 = vector.shape_cast %swap3A_277 : vector<1x16xf32> to vector<16xf32>
    %swap3A_279 = vector.shape_cast %broadcast_in_dim3A_273 : vector<16xf32> to vector<1x16xf32>
    tpu.vector_store %arg16[%swap3A_275, %swap3A_276], %swap3A_279 {strides = array<i32>} : memref<80x16xf32, #tpu.memory_space<vmem>>, vector<1x16xf32>,
    %broadcast_in_dim3A_280 = arith.constant 1.000000e+00 : f32
    %broadcast_in_dim3A_281 = vector.broadcast %broadcast_in_dim3A_280 : f32 to vector<16xf32>
    %swap3A_282 = arith.constant 28 : i32
    %swap3A_283 = arith.index_cast %swap3A_282 : i32 to index
    %swap3A_284 = arith.constant 0 : index
    %swap3A_285 = tpu.vector_load %arg16[%swap3A_283, %swap3A_284] {strides = array<i32>} : memref<80x16xf32, #tpu.memory_space<vmem>>, vector<1x16xf32>,
    %swap3A_286 = vector.shape_cast %swap3A_285 : vector<1x16xf32> to vector<16xf32>
    %swap3A_287 = vector.shape_cast %broadcast_in_dim3A_281 : vector<16xf32> to vector<1x16xf32>
    tpu.vector_store %arg16[%swap3A_283, %swap3A_284], %swap3A_287 {strides = array<i32>} : memref<80x16xf32, #tpu.memory_space<vmem>>, vector<1x16xf32>,
    %broadcast_in_dim3A_288 = arith.constant 1.000000e+00 : f32
    %broadcast_in_dim3A_289 = vector.broadcast %broadcast_in_dim3A_288 : f32 to vector<16xf32>
    %swap3A_290 = arith.constant 29 : i32
    %swap3A_291 = arith.index_cast %swap3A_290 : i32 to index
    %swap3A_292 = arith.constant 0 : index
    %swap3A_293 = tpu.vector_load %arg16[%swap3A_291, %swap3A_292] {strides = array<i32>} : memref<80x16xf32, #tpu.memory_space<vmem>>, vector<1x16xf32>,
    %swap3A_294 = vector.shape_cast %swap3A_293 : vector<1x16xf32> to vector<16xf32>
    %swap3A_295 = vector.shape_cast %broadcast_in_dim3A_289 : vector<16xf32> to vector<1x16xf32>
    tpu.vector_store %arg16[%swap3A_291, %swap3A_292], %swap3A_295 {strides = array<i32>} : memref<80x16xf32, #tpu.memory_space<vmem>>, vector<1x16xf32>,
    %broadcast_in_dim3A_296 = arith.constant 1.000000e+00 : f32
    %broadcast_in_dim3A_297 = vector.broadcast %broadcast_in_dim3A_296 : f32 to vector<16xf32>
    %swap3A_298 = arith.constant 30 : i32
    %swap3A_299 = arith.index_cast %swap3A_298 : i32 to index
    %swap3A_300 = arith.constant 0 : index
    %swap3A_301 = tpu.vector_load %arg16[%swap3A_299, %swap3A_300] {strides = array<i32>} : memref<80x16xf32, #tpu.memory_space<vmem>>, vector<1x16xf32>,
    %swap3A_302 = vector.shape_cast %swap3A_301 : vector<1x16xf32> to vector<16xf32>
    %swap3A_303 = vector.shape_cast %broadcast_in_dim3A_297 : vector<16xf32> to vector<1x16xf32>
    tpu.vector_store %arg16[%swap3A_299, %swap3A_300], %swap3A_303 {strides = array<i32>} : memref<80x16xf32, #tpu.memory_space<vmem>>, vector<1x16xf32>,
    %broadcast_in_dim3A_304 = arith.constant 1.000000e+00 : f32
    %broadcast_in_dim3A_305 = vector.broadcast %broadcast_in_dim3A_304 : f32 to vector<16xf32>
    %swap3A_306 = arith.constant 31 : i32
    %swap3A_307 = arith.index_cast %swap3A_306 : i32 to index
    %swap3A_308 = arith.constant 0 : index
    %swap3A_309 = tpu.vector_load %arg16[%swap3A_307, %swap3A_308] {strides = array<i32>} : memref<80x16xf32, #tpu.memory_space<vmem>>, vector<1x16xf32>,
    %swap3A_310 = vector.shape_cast %swap3A_309 : vector<1x16xf32> to vector<16xf32>
    %swap3A_311 = vector.shape_cast %broadcast_in_dim3A_305 : vector<16xf32> to vector<1x16xf32>
    tpu.vector_store %arg16[%swap3A_307, %swap3A_308], %swap3A_311 {strides = array<i32>} : memref<80x16xf32, #tpu.memory_space<vmem>>, vector<1x16xf32>,
    %broadcast_in_dim3A_312 = arith.constant 1.000000e+00 : f32
    %broadcast_in_dim3A_313 = vector.broadcast %broadcast_in_dim3A_312 : f32 to vector<16xf32>
    %swap3A_314 = arith.constant 32 : i32
    %swap3A_315 = arith.index_cast %swap3A_314 : i32 to index
    %swap3A_316 = arith.constant 0 : index
    %swap3A_317 = tpu.vector_load %arg16[%swap3A_315, %swap3A_316] {strides = array<i32>} : memref<80x16xf32, #tpu.memory_space<vmem>>, vector<1x16xf32>,
    %swap3A_318 = vector.shape_cast %swap3A_317 : vector<1x16xf32> to vector<16xf32>
    %swap3A_319 = vector.shape_cast %broadcast_in_dim3A_313 : vector<16xf32> to vector<1x16xf32>
    tpu.vector_store %arg16[%swap3A_315, %swap3A_316], %swap3A_319 {strides = array<i32>} : memref<80x16xf32, #tpu.memory_space<vmem>>, vector<1x16xf32>,
    %broadcast_in_dim3A_320 = arith.constant 1.000000e+00 : f32
    %broadcast_in_dim3A_321 = vector.broadcast %broadcast_in_dim3A_320 : f32 to vector<16xf32>
    %swap3A_322 = arith.constant 33 : i32
    %swap3A_323 = arith.index_cast %swap3A_322 : i32 to index
    %swap3A_324 = arith.constant 0 : index
    %swap3A_325 = tpu.vector_load %arg16[%swap3A_323, %swap3A_324] {strides = array<i32>} : memref<80x16xf32, #tpu.memory_space<vmem>>, vector<1x16xf32>,
    %swap3A_326 = vector.shape_cast %swap3A_325 : vector<1x16xf32> to vector<16xf32>
    %swap3A_327 = vector.shape_cast %broadcast_in_dim3A_321 : vector<16xf32> to vector<1x16xf32>
    tpu.vector_store %arg16[%swap3A_323, %swap3A_324], %swap3A_327 {strides = array<i32>} : memref<80x16xf32, #tpu.memory_space<vmem>>, vector<1x16xf32>,
    %broadcast_in_dim3A_328 = arith.constant 1.000000e+00 : f32
    %broadcast_in_dim3A_329 = vector.broadcast %broadcast_in_dim3A_328 : f32 to vector<16xf32>
    %swap3A_330 = arith.constant 34 : i32
    %swap3A_331 = arith.index_cast %swap3A_330 : i32 to index
    %swap3A_332 = arith.constant 0 : index
    %swap3A_333 = tpu.vector_load %arg16[%swap3A_331, %swap3A_332] {strides = array<i32>} : memref<80x16xf32, #tpu.memory_space<vmem>>, vector<1x16xf32>,
    %swap3A_334 = vector.shape_cast %swap3A_333 : vector<1x16xf32> to vector<16xf32>
    %swap3A_335 = vector.shape_cast %broadcast_in_dim3A_329 : vector<16xf32> to vector<1x16xf32>
    tpu.vector_store %arg16[%swap3A_331, %swap3A_332], %swap3A_335 {strides = array<i32>} : memref<80x16xf32, #tpu.memory_space<vmem>>, vector<1x16xf32>,
    %broadcast_in_dim3A_336 = arith.constant 1.000000e+00 : f32
    %broadcast_in_dim3A_337 = vector.broadcast %broadcast_in_dim3A_336 : f32 to vector<16xf32>
    %swap3A_338 = arith.constant 35 : i32
    %swap3A_339 = arith.index_cast %swap3A_338 : i32 to index
    %swap3A_340 = arith.constant 0 : index
    %swap3A_341 = tpu.vector_load %arg16[%swap3A_339, %swap3A_340] {strides = array<i32>} : memref<80x16xf32, #tpu.memory_space<vmem>>, vector<1x16xf32>,
    %swap3A_342 = vector.shape_cast %swap3A_341 : vector<1x16xf32> to vector<16xf32>
    %swap3A_343 = vector.shape_cast %broadcast_in_dim3A_337 : vector<16xf32> to vector<1x16xf32>
    tpu.vector_store %arg16[%swap3A_339, %swap3A_340], %swap3A_343 {strides = array<i32>} : memref<80x16xf32, #tpu.memory_space<vmem>>, vector<1x16xf32>,
    %broadcast_in_dim3A_344 = arith.constant 1.000000e+00 : f32
    %broadcast_in_dim3A_345 = vector.broadcast %broadcast_in_dim3A_344 : f32 to vector<16xf32>
    %swap3A_346 = arith.constant 36 : i32
    %swap3A_347 = arith.index_cast %swap3A_346 : i32 to index
    %swap3A_348 = arith.constant 0 : index
    %swap3A_349 = tpu.vector_load %arg16[%swap3A_347, %swap3A_348] {strides = array<i32>} : memref<80x16xf32, #tpu.memory_space<vmem>>, vector<1x16xf32>,
    %swap3A_350 = vector.shape_cast %swap3A_349 : vector<1x16xf32> to vector<16xf32>
    %swap3A_351 = vector.shape_cast %broadcast_in_dim3A_345 : vector<16xf32> to vector<1x16xf32>
    tpu.vector_store %arg16[%swap3A_347, %swap3A_348], %swap3A_351 {strides = array<i32>} : memref<80x16xf32, #tpu.memory_space<vmem>>, vector<1x16xf32>,
    %broadcast_in_dim3A_352 = arith.constant 1.000000e+00 : f32
    %broadcast_in_dim3A_353 = vector.broadcast %broadcast_in_dim3A_352 : f32 to vector<16xf32>
    %swap3A_354 = arith.constant 37 : i32
    %swap3A_355 = arith.index_cast %swap3A_354 : i32 to index
    %swap3A_356 = arith.constant 0 : index
    %swap3A_357 = tpu.vector_load %arg16[%swap3A_355, %swap3A_356] {strides = array<i32>} : memref<80x16xf32, #tpu.memory_space<vmem>>, vector<1x16xf32>,
    %swap3A_358 = vector.shape_cast %swap3A_357 : vector<1x16xf32> to vector<16xf32>
    %swap3A_359 = vector.shape_cast %broadcast_in_dim3A_353 : vector<16xf32> to vector<1x16xf32>
    tpu.vector_store %arg16[%swap3A_355, %swap3A_356], %swap3A_359 {strides = array<i32>} : memref<80x16xf32, #tpu.memory_space<vmem>>, vector<1x16xf32>,
    %broadcast_in_dim3A_360 = arith.constant 1.000000e+00 : f32
    %broadcast_in_dim3A_361 = vector.broadcast %broadcast_in_dim3A_360 : f32 to vector<16xf32>
    %swap3A_362 = arith.constant 38 : i32
    %swap3A_363 = arith.index_cast %swap3A_362 : i32 to index
    %swap3A_364 = arith.constant 0 : index
    %swap3A_365 = tpu.vector_load %arg16[%swap3A_363, %swap3A_364] {strides = array<i32>} : memref<80x16xf32, #tpu.memory_space<vmem>>, vector<1x16xf32>,
    %swap3A_366 = vector.shape_cast %swap3A_365 : vector<1x16xf32> to vector<16xf32>
    %swap3A_367 = vector.shape_cast %broadcast_in_dim3A_361 : vector<16xf32> to vector<1x16xf32>
    tpu.vector_store %arg16[%swap3A_363, %swap3A_364], %swap3A_367 {strides = array<i32>} : memref<80x16xf32, #tpu.memory_space<vmem>>, vector<1x16xf32>,
    %broadcast_in_dim3A_368 = arith.constant 1.000000e+00 : f32
    %broadcast_in_dim3A_369 = vector.broadcast %broadcast_in_dim3A_368 : f32 to vector<16xf32>
    %swap3A_370 = arith.constant 39 : i32
    %swap3A_371 = arith.index_cast %swap3A_370 : i32 to index
    %swap3A_372 = arith.constant 0 : index
    %swap3A_373 = tpu.vector_load %arg16[%swap3A_371, %swap3A_372] {strides = array<i32>} : memref<80x16xf32, #tpu.memory_space<vmem>>, vector<1x16xf32>,
    %swap3A_374 = vector.shape_cast %swap3A_373 : vector<1x16xf32> to vector<16xf32>
    %swap3A_375 = vector.shape_cast %broadcast_in_dim3A_369 : vector<16xf32> to vector<1x16xf32>
    tpu.vector_store %arg16[%swap3A_371, %swap3A_372], %swap3A_375 {strides = array<i32>} : memref<80x16xf32, #tpu.memory_space<vmem>>, vector<1x16xf32>,
    %broadcast_in_dim3A_376 = arith.constant 1.000000e+00 : f32
    %broadcast_in_dim3A_377 = vector.broadcast %broadcast_in_dim3A_376 : f32 to vector<16xf32>
    %swap3A_378 = arith.constant 40 : i32
    %swap3A_379 = arith.index_cast %swap3A_378 : i32 to index
    %swap3A_380 = arith.constant 0 : index
    %swap3A_381 = tpu.vector_load %arg16[%swap3A_379, %swap3A_380] {strides = array<i32>} : memref<80x16xf32, #tpu.memory_space<vmem>>, vector<1x16xf32>,
    %swap3A_382 = vector.shape_cast %swap3A_381 : vector<1x16xf32> to vector<16xf32>
    %swap3A_383 = vector.shape_cast %broadcast_in_dim3A_377 : vector<16xf32> to vector<1x16xf32>
    tpu.vector_store %arg16[%swap3A_379, %swap3A_380], %swap3A_383 {strides = array<i32>} : memref<80x16xf32, #tpu.memory_space<vmem>>, vector<1x16xf32>,
    %broadcast_in_dim3A_384 = arith.constant 1.000000e+00 : f32
    %broadcast_in_dim3A_385 = vector.broadcast %broadcast_in_dim3A_384 : f32 to vector<16xf32>
    %swap3A_386 = arith.constant 41 : i32
    %swap3A_387 = arith.index_cast %swap3A_386 : i32 to index
    %swap3A_388 = arith.constant 0 : index
    %swap3A_389 = tpu.vector_load %arg16[%swap3A_387, %swap3A_388] {strides = array<i32>} : memref<80x16xf32, #tpu.memory_space<vmem>>, vector<1x16xf32>,
    %swap3A_390 = vector.shape_cast %swap3A_389 : vector<1x16xf32> to vector<16xf32>
    %swap3A_391 = vector.shape_cast %broadcast_in_dim3A_385 : vector<16xf32> to vector<1x16xf32>
    tpu.vector_store %arg16[%swap3A_387, %swap3A_388], %swap3A_391 {strides = array<i32>} : memref<80x16xf32, #tpu.memory_space<vmem>>, vector<1x16xf32>,
    %broadcast_in_dim3A_392 = arith.constant 1.000000e+00 : f32
    %broadcast_in_dim3A_393 = vector.broadcast %broadcast_in_dim3A_392 : f32 to vector<16xf32>
    %swap3A_394 = arith.constant 42 : i32
    %swap3A_395 = arith.index_cast %swap3A_394 : i32 to index
    %swap3A_396 = arith.constant 0 : index
    %swap3A_397 = tpu.vector_load %arg16[%swap3A_395, %swap3A_396] {strides = array<i32>} : memref<80x16xf32, #tpu.memory_space<vmem>>, vector<1x16xf32>,
    %swap3A_398 = vector.shape_cast %swap3A_397 : vector<1x16xf32> to vector<16xf32>
    %swap3A_399 = vector.shape_cast %broadcast_in_dim3A_393 : vector<16xf32> to vector<1x16xf32>
    tpu.vector_store %arg16[%swap3A_395, %swap3A_396], %swap3A_399 {strides = array<i32>} : memref<80x16xf32, #tpu.memory_space<vmem>>, vector<1x16xf32>,
    %broadcast_in_dim3A_400 = arith.constant 1.000000e+00 : f32
    %broadcast_in_dim3A_401 = vector.broadcast %broadcast_in_dim3A_400 : f32 to vector<16xf32>
    %swap3A_402 = arith.constant 43 : i32
    %swap3A_403 = arith.index_cast %swap3A_402 : i32 to index
    %swap3A_404 = arith.constant 0 : index
    %swap3A_405 = tpu.vector_load %arg16[%swap3A_403, %swap3A_404] {strides = array<i32>} : memref<80x16xf32, #tpu.memory_space<vmem>>, vector<1x16xf32>,
    %swap3A_406 = vector.shape_cast %swap3A_405 : vector<1x16xf32> to vector<16xf32>
    %swap3A_407 = vector.shape_cast %broadcast_in_dim3A_401 : vector<16xf32> to vector<1x16xf32>
    tpu.vector_store %arg16[%swap3A_403, %swap3A_404], %swap3A_407 {strides = array<i32>} : memref<80x16xf32, #tpu.memory_space<vmem>>, vector<1x16xf32>,
    %broadcast_in_dim3A_408 = arith.constant 1.000000e+00 : f32
    %broadcast_in_dim3A_409 = vector.broadcast %broadcast_in_dim3A_408 : f32 to vector<16xf32>
    %swap3A_410 = arith.constant 44 : i32
    %swap3A_411 = arith.index_cast %swap3A_410 : i32 to index
    %swap3A_412 = arith.constant 0 : index
    %swap3A_413 = tpu.vector_load %arg16[%swap3A_411, %swap3A_412] {strides = array<i32>} : memref<80x16xf32, #tpu.memory_space<vmem>>, vector<1x16xf32>,
    %swap3A_414 = vector.shape_cast %swap3A_413 : vector<1x16xf32> to vector<16xf32>
    %swap3A_415 = vector.shape_cast %broadcast_in_dim3A_409 : vector<16xf32> to vector<1x16xf32>
    tpu.vector_store %arg16[%swap3A_411, %swap3A_412], %swap3A_415 {strides = array<i32>} : memref<80x16xf32, #tpu.memory_space<vmem>>, vector<1x16xf32>,
    %broadcast_in_dim3A_416 = arith.constant 1.000000e+00 : f32
    %broadcast_in_dim3A_417 = vector.broadcast %broadcast_in_dim3A_416 : f32 to vector<16xf32>
    %swap3A_418 = arith.constant 45 : i32
    %swap3A_419 = arith.index_cast %swap3A_418 : i32 to index
    %swap3A_420 = arith.constant 0 : index
    %swap3A_421 = tpu.vector_load %arg16[%swap3A_419, %swap3A_420] {strides = array<i32>} : memref<80x16xf32, #tpu.memory_space<vmem>>, vector<1x16xf32>,
    %swap3A_422 = vector.shape_cast %swap3A_421 : vector<1x16xf32> to vector<16xf32>
    %swap3A_423 = vector.shape_cast %broadcast_in_dim3A_417 : vector<16xf32> to vector<1x16xf32>
    tpu.vector_store %arg16[%swap3A_419, %swap3A_420], %swap3A_423 {strides = array<i32>} : memref<80x16xf32, #tpu.memory_space<vmem>>, vector<1x16xf32>,
    %broadcast_in_dim3A_424 = arith.constant 1.000000e+00 : f32
    %broadcast_in_dim3A_425 = vector.broadcast %broadcast_in_dim3A_424 : f32 to vector<16xf32>
    %swap3A_426 = arith.constant 46 : i32
    %swap3A_427 = arith.index_cast %swap3A_426 : i32 to index
    %swap3A_428 = arith.constant 0 : index
    %swap3A_429 = tpu.vector_load %arg16[%swap3A_427, %swap3A_428] {strides = array<i32>} : memref<80x16xf32, #tpu.memory_space<vmem>>, vector<1x16xf32>,
    %swap3A_430 = vector.shape_cast %swap3A_429 : vector<1x16xf32> to vector<16xf32>
    %swap3A_431 = vector.shape_cast %broadcast_in_dim3A_425 : vector<16xf32> to vector<1x16xf32>
    tpu.vector_store %arg16[%swap3A_427, %swap3A_428], %swap3A_431 {strides = array<i32>} : memref<80x16xf32, #tpu.memory_space<vmem>>, vector<1x16xf32>,
    %broadcast_in_dim3A_432 = arith.constant 1.000000e+00 : f32
    %broadcast_in_dim3A_433 = vector.broadcast %broadcast_in_dim3A_432 : f32 to vector<16xf32>
    %swap3A_434 = arith.constant 47 : i32
    %swap3A_435 = arith.index_cast %swap3A_434 : i32 to index
    %swap3A_436 = arith.constant 0 : index
    %swap3A_437 = tpu.vector_load %arg16[%swap3A_435, %swap3A_436] {strides = array<i32>} : memref<80x16xf32, #tpu.memory_space<vmem>>, vector<1x16xf32>,
    %swap3A_438 = vector.shape_cast %swap3A_437 : vector<1x16xf32> to vector<16xf32>
    %swap3A_439 = vector.shape_cast %broadcast_in_dim3A_433 : vector<16xf32> to vector<1x16xf32>
    tpu.vector_store %arg16[%swap3A_435, %swap3A_436], %swap3A_439 {strides = array<i32>} : memref<80x16xf32, #tpu.memory_space<vmem>>, vector<1x16xf32>,
    %broadcast_in_dim3A_440 = arith.constant 1.000000e+00 : f32
    %broadcast_in_dim3A_441 = vector.broadcast %broadcast_in_dim3A_440 : f32 to vector<16xf32>
    %swap3A_442 = arith.constant 48 : i32
    %swap3A_443 = arith.index_cast %swap3A_442 : i32 to index
    %swap3A_444 = arith.constant 0 : index
    %swap3A_445 = tpu.vector_load %arg16[%swap3A_443, %swap3A_444] {strides = array<i32>} : memref<80x16xf32, #tpu.memory_space<vmem>>, vector<1x16xf32>,
    %swap3A_446 = vector.shape_cast %swap3A_445 : vector<1x16xf32> to vector<16xf32>
    %swap3A_447 = vector.shape_cast %broadcast_in_dim3A_441 : vector<16xf32> to vector<1x16xf32>
    tpu.vector_store %arg16[%swap3A_443, %swap3A_444], %swap3A_447 {strides = array<i32>} : memref<80x16xf32, #tpu.memory_space<vmem>>, vector<1x16xf32>,
    %broadcast_in_dim3A_448 = arith.constant 1.000000e+00 : f32
    %broadcast_in_dim3A_449 = vector.broadcast %broadcast_in_dim3A_448 : f32 to vector<16xf32>
    %swap3A_450 = arith.constant 49 : i32
    %swap3A_451 = arith.index_cast %swap3A_450 : i32 to index
    %swap3A_452 = arith.constant 0 : index
    %swap3A_453 = tpu.vector_load %arg16[%swap3A_451, %swap3A_452] {strides = array<i32>} : memref<80x16xf32, #tpu.memory_space<vmem>>, vector<1x16xf32>,
    %swap3A_454 = vector.shape_cast %swap3A_453 : vector<1x16xf32> to vector<16xf32>
    %swap3A_455 = vector.shape_cast %broadcast_in_dim3A_449 : vector<16xf32> to vector<1x16xf32>
    tpu.vector_store %arg16[%swap3A_451, %swap3A_452], %swap3A_455 {strides = array<i32>} : memref<80x16xf32, #tpu.memory_space<vmem>>, vector<1x16xf32>,
    %broadcast_in_dim3A_456 = arith.constant 1.000000e+00 : f32
    %broadcast_in_dim3A_457 = vector.broadcast %broadcast_in_dim3A_456 : f32 to vector<16xf32>
    %swap3A_458 = arith.constant 50 : i32
    %swap3A_459 = arith.index_cast %swap3A_458 : i32 to index
    %swap3A_460 = arith.constant 0 : index
    %swap3A_461 = tpu.vector_load %arg16[%swap3A_459, %swap3A_460] {strides = array<i32>} : memref<80x16xf32, #tpu.memory_space<vmem>>, vector<1x16xf32>,
    %swap3A_462 = vector.shape_cast %swap3A_461 : vector<1x16xf32> to vector<16xf32>
    %swap3A_463 = vector.shape_cast %broadcast_in_dim3A_457 : vector<16xf32> to vector<1x16xf32>
    tpu.vector_store %arg16[%swap3A_459, %swap3A_460], %swap3A_463 {strides = array<i32>} : memref<80x16xf32, #tpu.memory_space<vmem>>, vector<1x16xf32>,
    %broadcast_in_dim3A_464 = arith.constant 1.000000e+00 : f32
    %broadcast_in_dim3A_465 = vector.broadcast %broadcast_in_dim3A_464 : f32 to vector<16xf32>
    %swap3A_466 = arith.constant 51 : i32
    %swap3A_467 = arith.index_cast %swap3A_466 : i32 to index
    %swap3A_468 = arith.constant 0 : index
    %swap3A_469 = tpu.vector_load %arg16[%swap3A_467, %swap3A_468] {strides = array<i32>} : memref<80x16xf32, #tpu.memory_space<vmem>>, vector<1x16xf32>,
    %swap3A_470 = vector.shape_cast %swap3A_469 : vector<1x16xf32> to vector<16xf32>
    %swap3A_471 = vector.shape_cast %broadcast_in_dim3A_465 : vector<16xf32> to vector<1x16xf32>
    tpu.vector_store %arg16[%swap3A_467, %swap3A_468], %swap3A_471 {strides = array<i32>} : memref<80x16xf32, #tpu.memory_space<vmem>>, vector<1x16xf32>,
    %broadcast_in_dim3A_472 = arith.constant 1.000000e+00 : f32
    %broadcast_in_dim3A_473 = vector.broadcast %broadcast_in_dim3A_472 : f32 to vector<16xf32>
    %swap3A_474 = arith.constant 52 : i32
    %swap3A_475 = arith.index_cast %swap3A_474 : i32 to index
    %swap3A_476 = arith.constant 0 : index
    %swap3A_477 = tpu.vector_load %arg16[%swap3A_475, %swap3A_476] {strides = array<i32>} : memref<80x16xf32, #tpu.memory_space<vmem>>, vector<1x16xf32>,
    %swap3A_478 = vector.shape_cast %swap3A_477 : vector<1x16xf32> to vector<16xf32>
    %swap3A_479 = vector.shape_cast %broadcast_in_dim3A_473 : vector<16xf32> to vector<1x16xf32>
    tpu.vector_store %arg16[%swap3A_475, %swap3A_476], %swap3A_479 {strides = array<i32>} : memref<80x16xf32, #tpu.memory_space<vmem>>, vector<1x16xf32>,
    %broadcast_in_dim3A_480 = arith.constant 1.000000e+00 : f32
    %broadcast_in_dim3A_481 = vector.broadcast %broadcast_in_dim3A_480 : f32 to vector<16xf32>
    %swap3A_482 = arith.constant 53 : i32
    %swap3A_483 = arith.index_cast %swap3A_482 : i32 to index
    %swap3A_484 = arith.constant 0 : index
    %swap3A_485 = tpu.vector_load %arg16[%swap3A_483, %swap3A_484] {strides = array<i32>} : memref<80x16xf32, #tpu.memory_space<vmem>>, vector<1x16xf32>,
    %swap3A_486 = vector.shape_cast %swap3A_485 : vector<1x16xf32> to vector<16xf32>
    %swap3A_487 = vector.shape_cast %broadcast_in_dim3A_481 : vector<16xf32> to vector<1x16xf32>
    tpu.vector_store %arg16[%swap3A_483, %swap3A_484], %swap3A_487 {strides = array<i32>} : memref<80x16xf32, #tpu.memory_space<vmem>>, vector<1x16xf32>,
    %broadcast_in_dim3A_488 = arith.constant 1.000000e+00 : f32
    %broadcast_in_dim3A_489 = vector.broadcast %broadcast_in_dim3A_488 : f32 to vector<16xf32>
    %swap3A_490 = arith.constant 54 : i32
    %swap3A_491 = arith.index_cast %swap3A_490 : i32 to index
    %swap3A_492 = arith.constant 0 : index
    %swap3A_493 = tpu.vector_load %arg16[%swap3A_491, %swap3A_492] {strides = array<i32>} : memref<80x16xf32, #tpu.memory_space<vmem>>, vector<1x16xf32>,
    %swap3A_494 = vector.shape_cast %swap3A_493 : vector<1x16xf32> to vector<16xf32>
    %swap3A_495 = vector.shape_cast %broadcast_in_dim3A_489 : vector<16xf32> to vector<1x16xf32>
    tpu.vector_store %arg16[%swap3A_491, %swap3A_492], %swap3A_495 {strides = array<i32>} : memref<80x16xf32, #tpu.memory_space<vmem>>, vector<1x16xf32>,
    %broadcast_in_dim3A_496 = arith.constant 1.000000e+00 : f32
    %broadcast_in_dim3A_497 = vector.broadcast %broadcast_in_dim3A_496 : f32 to vector<16xf32>
    %swap3A_498 = arith.constant 55 : i32
    %swap3A_499 = arith.index_cast %swap3A_498 : i32 to index
    %swap3A_500 = arith.constant 0 : index
    %swap3A_501 = tpu.vector_load %arg16[%swap3A_499, %swap3A_500] {strides = array<i32>} : memref<80x16xf32, #tpu.memory_space<vmem>>, vector<1x16xf32>,
    %swap3A_502 = vector.shape_cast %swap3A_501 : vector<1x16xf32> to vector<16xf32>
    %swap3A_503 = vector.shape_cast %broadcast_in_dim3A_497 : vector<16xf32> to vector<1x16xf32>
    tpu.vector_store %arg16[%swap3A_499, %swap3A_500], %swap3A_503 {strides = array<i32>} : memref<80x16xf32, #tpu.memory_space<vmem>>, vector<1x16xf32>,
    %broadcast_in_dim3A_504 = arith.constant 1.000000e+00 : f32
    %broadcast_in_dim3A_505 = vector.broadcast %broadcast_in_dim3A_504 : f32 to vector<16xf32>
    %swap3A_506 = arith.constant 56 : i32
    %swap3A_507 = arith.index_cast %swap3A_506 : i32 to index
    %swap3A_508 = arith.constant 0 : index
    %swap3A_509 = tpu.vector_load %arg16[%swap3A_507, %swap3A_508] {strides = array<i32>} : memref<80x16xf32, #tpu.memory_space<vmem>>, vector<1x16xf32>,
    %swap3A_510 = vector.shape_cast %swap3A_509 : vector<1x16xf32> to vector<16xf32>
    %swap3A_511 = vector.shape_cast %broadcast_in_dim3A_505 : vector<16xf32> to vector<1x16xf32>
    tpu.vector_store %arg16[%swap3A_507, %swap3A_508], %swap3A_511 {strides = array<i32>} : memref<80x16xf32, #tpu.memory_space<vmem>>, vector<1x16xf32>,
    %broadcast_in_dim3A_512 = arith.constant 1.000000e+00 : f32
    %broadcast_in_dim3A_513 = vector.broadcast %broadcast_in_dim3A_512 : f32 to vector<16xf32>
    %swap3A_514 = arith.constant 57 : i32
    %swap3A_515 = arith.index_cast %swap3A_514 : i32 to index
    %swap3A_516 = arith.constant 0 : index
    %swap3A_517 = tpu.vector_load %arg16[%swap3A_515, %swap3A_516] {strides = array<i32>} : memref<80x16xf32, #tpu.memory_space<vmem>>, vector<1x16xf32>,
    %swap3A_518 = vector.shape_cast %swap3A_517 : vector<1x16xf32> to vector<16xf32>
    %swap3A_519 = vector.shape_cast %broadcast_in_dim3A_513 : vector<16xf32> to vector<1x16xf32>
    tpu.vector_store %arg16[%swap3A_515, %swap3A_516], %swap3A_519 {strides = array<i32>} : memref<80x16xf32, #tpu.memory_space<vmem>>, vector<1x16xf32>,
    %broadcast_in_dim3A_520 = arith.constant 1.000000e+00 : f32
    %broadcast_in_dim3A_521 = vector.broadcast %broadcast_in_dim3A_520 : f32 to vector<16xf32>
    %swap3A_522 = arith.constant 58 : i32
    %swap3A_523 = arith.index_cast %swap3A_522 : i32 to index
    %swap3A_524 = arith.constant 0 : index
    %swap3A_525 = tpu.vector_load %arg16[%swap3A_523, %swap3A_524] {strides = array<i32>} : memref<80x16xf32, #tpu.memory_space<vmem>>, vector<1x16xf32>,
    %swap3A_526 = vector.shape_cast %swap3A_525 : vector<1x16xf32> to vector<16xf32>
    %swap3A_527 = vector.shape_cast %broadcast_in_dim3A_521 : vector<16xf32> to vector<1x16xf32>
    tpu.vector_store %arg16[%swap3A_523, %swap3A_524], %swap3A_527 {strides = array<i32>} : memref<80x16xf32, #tpu.memory_space<vmem>>, vector<1x16xf32>,
    %broadcast_in_dim3A_528 = arith.constant 1.000000e+00 : f32
    %broadcast_in_dim3A_529 = vector.broadcast %broadcast_in_dim3A_528 : f32 to vector<16xf32>
    %swap3A_530 = arith.constant 59 : i32
    %swap3A_531 = arith.index_cast %swap3A_530 : i32 to index
    %swap3A_532 = arith.constant 0 : index
    %swap3A_533 = tpu.vector_load %arg16[%swap3A_531, %swap3A_532] {strides = array<i32>} : memref<80x16xf32, #tpu.memory_space<vmem>>, vector<1x16xf32>,
    %swap3A_534 = vector.shape_cast %swap3A_533 : vector<1x16xf32> to vector<16xf32>
    %swap3A_535 = vector.shape_cast %broadcast_in_dim3A_529 : vector<16xf32> to vector<1x16xf32>
    tpu.vector_store %arg16[%swap3A_531, %swap3A_532], %swap3A_535 {strides = array<i32>} : memref<80x16xf32, #tpu.memory_space<vmem>>, vector<1x16xf32>,
    %broadcast_in_dim3A_536 = arith.constant 1.000000e+00 : f32
    %broadcast_in_dim3A_537 = vector.broadcast %broadcast_in_dim3A_536 : f32 to vector<16xf32>
    %swap3A_538 = arith.constant 60 : i32
    %swap3A_539 = arith.index_cast %swap3A_538 : i32 to index
    %swap3A_540 = arith.constant 0 : index
    %swap3A_541 = tpu.vector_load %arg16[%swap3A_539, %swap3A_540] {strides = array<i32>} : memref<80x16xf32, #tpu.memory_space<vmem>>, vector<1x16xf32>,
    %swap3A_542 = vector.shape_cast %swap3A_541 : vector<1x16xf32> to vector<16xf32>
    %swap3A_543 = vector.shape_cast %broadcast_in_dim3A_537 : vector<16xf32> to vector<1x16xf32>
    tpu.vector_store %arg16[%swap3A_539, %swap3A_540], %swap3A_543 {strides = array<i32>} : memref<80x16xf32, #tpu.memory_space<vmem>>, vector<1x16xf32>,
    %broadcast_in_dim3A_544 = arith.constant 1.000000e+00 : f32
    %broadcast_in_dim3A_545 = vector.broadcast %broadcast_in_dim3A_544 : f32 to vector<16xf32>
    %swap3A_546 = arith.constant 61 : i32
    %swap3A_547 = arith.index_cast %swap3A_546 : i32 to index
    %swap3A_548 = arith.constant 0 : index
    %swap3A_549 = tpu.vector_load %arg16[%swap3A_547, %swap3A_548] {strides = array<i32>} : memref<80x16xf32, #tpu.memory_space<vmem>>, vector<1x16xf32>,
    %swap3A_550 = vector.shape_cast %swap3A_549 : vector<1x16xf32> to vector<16xf32>
    %swap3A_551 = vector.shape_cast %broadcast_in_dim3A_545 : vector<16xf32> to vector<1x16xf32>
    tpu.vector_store %arg16[%swap3A_547, %swap3A_548], %swap3A_551 {strides = array<i32>} : memref<80x16xf32, #tpu.memory_space<vmem>>, vector<1x16xf32>,
    %broadcast_in_dim3A_552 = arith.constant 1.000000e+00 : f32
    %broadcast_in_dim3A_553 = vector.broadcast %broadcast_in_dim3A_552 : f32 to vector<16xf32>
    %swap3A_554 = arith.constant 62 : i32
    %swap3A_555 = arith.index_cast %swap3A_554 : i32 to index
    %swap3A_556 = arith.constant 0 : index
    %swap3A_557 = tpu.vector_load %arg16[%swap3A_555, %swap3A_556] {strides = array<i32>} : memref<80x16xf32, #tpu.memory_space<vmem>>, vector<1x16xf32>,
    %swap3A_558 = vector.shape_cast %swap3A_557 : vector<1x16xf32> to vector<16xf32>
    %swap3A_559 = vector.shape_cast %broadcast_in_dim3A_553 : vector<16xf32> to vector<1x16xf32>
    tpu.vector_store %arg16[%swap3A_555, %swap3A_556], %swap3A_559 {strides = array<i32>} : memref<80x16xf32, #tpu.memory_space<vmem>>, vector<1x16xf32>,
    %broadcast_in_dim3A_560 = arith.constant 1.000000e+00 : f32
    %broadcast_in_dim3A_561 = vector.broadcast %broadcast_in_dim3A_560 : f32 to vector<16xf32>
    %swap3A_562 = arith.constant 63 : i32
    %swap3A_563 = arith.index_cast %swap3A_562 : i32 to index
    %swap3A_564 = arith.constant 0 : index
    %swap3A_565 = tpu.vector_load %arg16[%swap3A_563, %swap3A_564] {strides = array<i32>} : memref<80x16xf32, #tpu.memory_space<vmem>>, vector<1x16xf32>,
    %swap3A_566 = vector.shape_cast %swap3A_565 : vector<1x16xf32> to vector<16xf32>
    %swap3A_567 = vector.shape_cast %broadcast_in_dim3A_561 : vector<16xf32> to vector<1x16xf32>
    tpu.vector_store %arg16[%swap3A_563, %swap3A_564], %swap3A_567 {strides = array<i32>} : memref<80x16xf32, #tpu.memory_space<vmem>>, vector<1x16xf32>,
    %broadcast_in_dim3A_568 = arith.constant 1.000000e+00 : f32
    %broadcast_in_dim3A_569 = vector.broadcast %broadcast_in_dim3A_568 : f32 to vector<16xf32>
    %swap3A_570 = arith.constant 64 : i32
    %swap3A_571 = arith.index_cast %swap3A_570 : i32 to index
    %swap3A_572 = arith.constant 0 : index
    %swap3A_573 = tpu.vector_load %arg16[%swap3A_571, %swap3A_572] {strides = array<i32>} : memref<80x16xf32, #tpu.memory_space<vmem>>, vector<1x16xf32>,
    %swap3A_574 = vector.shape_cast %swap3A_573 : vector<1x16xf32> to vector<16xf32>
    %swap3A_575 = vector.shape_cast %broadcast_in_dim3A_569 : vector<16xf32> to vector<1x16xf32>
    tpu.vector_store %arg16[%swap3A_571, %swap3A_572], %swap3A_575 {strides = array<i32>} : memref<80x16xf32, #tpu.memory_space<vmem>>, vector<1x16xf32>,
    %broadcast_in_dim3A_576 = arith.constant 1.000000e+00 : f32
    %broadcast_in_dim3A_577 = vector.broadcast %broadcast_in_dim3A_576 : f32 to vector<16xf32>
    %swap3A_578 = arith.constant 65 : i32
    %swap3A_579 = arith.index_cast %swap3A_578 : i32 to index
    %swap3A_580 = arith.constant 0 : index
    %swap3A_581 = tpu.vector_load %arg16[%swap3A_579, %swap3A_580] {strides = array<i32>} : memref<80x16xf32, #tpu.memory_space<vmem>>, vector<1x16xf32>,
    %swap3A_582 = vector.shape_cast %swap3A_581 : vector<1x16xf32> to vector<16xf32>
    %swap3A_583 = vector.shape_cast %broadcast_in_dim3A_577 : vector<16xf32> to vector<1x16xf32>
    tpu.vector_store %arg16[%swap3A_579, %swap3A_580], %swap3A_583 {strides = array<i32>} : memref<80x16xf32, #tpu.memory_space<vmem>>, vector<1x16xf32>,
    %broadcast_in_dim3A_584 = arith.constant 1.000000e+00 : f32
    %broadcast_in_dim3A_585 = vector.broadcast %broadcast_in_dim3A_584 : f32 to vector<16xf32>
    %swap3A_586 = arith.constant 66 : i32
    %swap3A_587 = arith.index_cast %swap3A_586 : i32 to index
    %swap3A_588 = arith.constant 0 : index
    %swap3A_589 = tpu.vector_load %arg16[%swap3A_587, %swap3A_588] {strides = array<i32>} : memref<80x16xf32, #tpu.memory_space<vmem>>, vector<1x16xf32>,
    %swap3A_590 = vector.shape_cast %swap3A_589 : vector<1x16xf32> to vector<16xf32>
    %swap3A_591 = vector.shape_cast %broadcast_in_dim3A_585 : vector<16xf32> to vector<1x16xf32>
    tpu.vector_store %arg16[%swap3A_587, %swap3A_588], %swap3A_591 {strides = array<i32>} : memref<80x16xf32, #tpu.memory_space<vmem>>, vector<1x16xf32>,
    %broadcast_in_dim3A_592 = arith.constant 1.000000e+00 : f32
    %broadcast_in_dim3A_593 = vector.broadcast %broadcast_in_dim3A_592 : f32 to vector<16xf32>
    %swap3A_594 = arith.constant 67 : i32
    %swap3A_595 = arith.index_cast %swap3A_594 : i32 to index
    %swap3A_596 = arith.constant 0 : index
    %swap3A_597 = tpu.vector_load %arg16[%swap3A_595, %swap3A_596] {strides = array<i32>} : memref<80x16xf32, #tpu.memory_space<vmem>>, vector<1x16xf32>,
    %swap3A_598 = vector.shape_cast %swap3A_597 : vector<1x16xf32> to vector<16xf32>
    %swap3A_599 = vector.shape_cast %broadcast_in_dim3A_593 : vector<16xf32> to vector<1x16xf32>
    tpu.vector_store %arg16[%swap3A_595, %swap3A_596], %swap3A_599 {strides = array<i32>} : memref<80x16xf32, #tpu.memory_space<vmem>>, vector<1x16xf32>,
    %broadcast_in_dim3A_600 = arith.constant 1.000000e+00 : f32
    %broadcast_in_dim3A_601 = vector.broadcast %broadcast_in_dim3A_600 : f32 to vector<16xf32>
    %swap3A_602 = arith.constant 68 : i32
    %swap3A_603 = arith.index_cast %swap3A_602 : i32 to index
    %swap3A_604 = arith.constant 0 : index
    %swap3A_605 = tpu.vector_load %arg16[%swap3A_603, %swap3A_604] {strides = array<i32>} : memref<80x16xf32, #tpu.memory_space<vmem>>, vector<1x16xf32>,
    %swap3A_606 = vector.shape_cast %swap3A_605 : vector<1x16xf32> to vector<16xf32>
    %swap3A_607 = vector.shape_cast %broadcast_in_dim3A_601 : vector<16xf32> to vector<1x16xf32>
    tpu.vector_store %arg16[%swap3A_603, %swap3A_604], %swap3A_607 {strides = array<i32>} : memref<80x16xf32, #tpu.memory_space<vmem>>, vector<1x16xf32>,
    %broadcast_in_dim3A_608 = arith.constant 1.000000e+00 : f32
    %broadcast_in_dim3A_609 = vector.broadcast %broadcast_in_dim3A_608 : f32 to vector<16xf32>
    %swap3A_610 = arith.constant 69 : i32
    %swap3A_611 = arith.index_cast %swap3A_610 : i32 to index
    %swap3A_612 = arith.constant 0 : index
    %swap3A_613 = tpu.vector_load %arg16[%swap3A_611, %swap3A_612] {strides = array<i32>} : memref<80x16xf32, #tpu.memory_space<vmem>>, vector<1x16xf32>,
    %swap3A_614 = vector.shape_cast %swap3A_613 : vector<1x16xf32> to vector<16xf32>
    %swap3A_615 = vector.shape_cast %broadcast_in_dim3A_609 : vector<16xf32> to vector<1x16xf32>
    tpu.vector_store %arg16[%swap3A_611, %swap3A_612], %swap3A_615 {strides = array<i32>} : memref<80x16xf32, #tpu.memory_space<vmem>>, vector<1x16xf32>,
    %broadcast_in_dim3A_616 = arith.constant 1.000000e+00 : f32
    %broadcast_in_dim3A_617 = vector.broadcast %broadcast_in_dim3A_616 : f32 to vector<16xf32>
    %swap3A_618 = arith.constant 70 : i32
    %swap3A_619 = arith.index_cast %swap3A_618 : i32 to index
    %swap3A_620 = arith.constant 0 : index
    %swap3A_621 = tpu.vector_load %arg16[%swap3A_619, %swap3A_620] {strides = array<i32>} : memref<80x16xf32, #tpu.memory_space<vmem>>, vector<1x16xf32>,
    %swap3A_622 = vector.shape_cast %swap3A_621 : vector<1x16xf32> to vector<16xf32>
    %swap3A_623 = vector.shape_cast %broadcast_in_dim3A_617 : vector<16xf32> to vector<1x16xf32>
    tpu.vector_store %arg16[%swap3A_619, %swap3A_620], %swap3A_623 {strides = array<i32>} : memref<80x16xf32, #tpu.memory_space<vmem>>, vector<1x16xf32>,
    %broadcast_in_dim3A_624 = arith.constant 1.000000e+00 : f32
    %broadcast_in_dim3A_625 = vector.broadcast %broadcast_in_dim3A_624 : f32 to vector<16xf32>
    %swap3A_626 = arith.constant 71 : i32
    %swap3A_627 = arith.index_cast %swap3A_626 : i32 to index
    %swap3A_628 = arith.constant 0 : index
    %swap3A_629 = tpu.vector_load %arg16[%swap3A_627, %swap3A_628] {strides = array<i32>} : memref<80x16xf32, #tpu.memory_space<vmem>>, vector<1x16xf32>,
    %swap3A_630 = vector.shape_cast %swap3A_629 : vector<1x16xf32> to vector<16xf32>
    %swap3A_631 = vector.shape_cast %broadcast_in_dim3A_625 : vector<16xf32> to vector<1x16xf32>
    tpu.vector_store %arg16[%swap3A_627, %swap3A_628], %swap3A_631 {strides = array<i32>} : memref<80x16xf32, #tpu.memory_space<vmem>>, vector<1x16xf32>,
    %broadcast_in_dim3A_632 = arith.constant 1.000000e+00 : f32
    %broadcast_in_dim3A_633 = vector.broadcast %broadcast_in_dim3A_632 : f32 to vector<16xf32>
    %swap3A_634 = arith.constant 72 : i32
    %swap3A_635 = arith.index_cast %swap3A_634 : i32 to index
    %swap3A_636 = arith.constant 0 : index
    %swap3A_637 = tpu.vector_load %arg16[%swap3A_635, %swap3A_636] {strides = array<i32>} : memref<80x16xf32, #tpu.memory_space<vmem>>, vector<1x16xf32>,
    %swap3A_638 = vector.shape_cast %swap3A_637 : vector<1x16xf32> to vector<16xf32>
    %swap3A_639 = vector.shape_cast %broadcast_in_dim3A_633 : vector<16xf32> to vector<1x16xf32>
    tpu.vector_store %arg16[%swap3A_635, %swap3A_636], %swap3A_639 {strides = array<i32>} : memref<80x16xf32, #tpu.memory_space<vmem>>, vector<1x16xf32>,
    %broadcast_in_dim3A_640 = arith.constant 1.000000e+00 : f32
    %broadcast_in_dim3A_641 = vector.broadcast %broadcast_in_dim3A_640 : f32 to vector<16xf32>
    %swap3A_642 = arith.constant 73 : i32
    %swap3A_643 = arith.index_cast %swap3A_642 : i32 to index
    %swap3A_644 = arith.constant 0 : index
    %swap3A_645 = tpu.vector_load %arg16[%swap3A_643, %swap3A_644] {strides = array<i32>} : memref<80x16xf32, #tpu.memory_space<vmem>>, vector<1x16xf32>,
    %swap3A_646 = vector.shape_cast %swap3A_645 : vector<1x16xf32> to vector<16xf32>
    %swap3A_647 = vector.shape_cast %broadcast_in_dim3A_641 : vector<16xf32> to vector<1x16xf32>
    tpu.vector_store %arg16[%swap3A_643, %swap3A_644], %swap3A_647 {strides = array<i32>} : memref<80x16xf32, #tpu.memory_space<vmem>>, vector<1x16xf32>,
    %broadcast_in_dim3A_648 = arith.constant 1.000000e+00 : f32
    %broadcast_in_dim3A_649 = vector.broadcast %broadcast_in_dim3A_648 : f32 to vector<16xf32>
    %swap3A_650 = arith.constant 74 : i32
    %swap3A_651 = arith.index_cast %swap3A_650 : i32 to index
    %swap3A_652 = arith.constant 0 : index
    %swap3A_653 = tpu.vector_load %arg16[%swap3A_651, %swap3A_652] {strides = array<i32>} : memref<80x16xf32, #tpu.memory_space<vmem>>, vector<1x16xf32>,
    %swap3A_654 = vector.shape_cast %swap3A_653 : vector<1x16xf32> to vector<16xf32>
    %swap3A_655 = vector.shape_cast %broadcast_in_dim3A_649 : vector<16xf32> to vector<1x16xf32>
    tpu.vector_store %arg16[%swap3A_651, %swap3A_652], %swap3A_655 {strides = array<i32>} : memref<80x16xf32, #tpu.memory_space<vmem>>, vector<1x16xf32>,
    %broadcast_in_dim3A_656 = arith.constant 1.000000e+00 : f32
    %broadcast_in_dim3A_657 = vector.broadcast %broadcast_in_dim3A_656 : f32 to vector<16xf32>
    %swap3A_658 = arith.constant 75 : i32
    %swap3A_659 = arith.index_cast %swap3A_658 : i32 to index
    %swap3A_660 = arith.constant 0 : index
    %swap3A_661 = tpu.vector_load %arg16[%swap3A_659, %swap3A_660] {strides = array<i32>} : memref<80x16xf32, #tpu.memory_space<vmem>>, vector<1x16xf32>,
    %swap3A_662 = vector.shape_cast %swap3A_661 : vector<1x16xf32> to vector<16xf32>
    %swap3A_663 = vector.shape_cast %broadcast_in_dim3A_657 : vector<16xf32> to vector<1x16xf32>
    tpu.vector_store %arg16[%swap3A_659, %swap3A_660], %swap3A_663 {strides = array<i32>} : memref<80x16xf32, #tpu.memory_space<vmem>>, vector<1x16xf32>,
    %broadcast_in_dim3A_664 = arith.constant 1.000000e+00 : f32
    %broadcast_in_dim3A_665 = vector.broadcast %broadcast_in_dim3A_664 : f32 to vector<16xf32>
    %swap3A_666 = arith.constant 76 : i32
    %swap3A_667 = arith.index_cast %swap3A_666 : i32 to index
    %swap3A_668 = arith.constant 0 : index
    %swap3A_669 = tpu.vector_load %arg16[%swap3A_667, %swap3A_668] {strides = array<i32>} : memref<80x16xf32, #tpu.memory_space<vmem>>, vector<1x16xf32>,
    %swap3A_670 = vector.shape_cast %swap3A_669 : vector<1x16xf32> to vector<16xf32>
    %swap3A_671 = vector.shape_cast %broadcast_in_dim3A_665 : vector<16xf32> to vector<1x16xf32>
    tpu.vector_store %arg16[%swap3A_667, %swap3A_668], %swap3A_671 {strides = array<i32>} : memref<80x16xf32, #tpu.memory_space<vmem>>, vector<1x16xf32>,
    %broadcast_in_dim3A_672 = arith.constant 1.000000e+00 : f32
    %broadcast_in_dim3A_673 = vector.broadcast %broadcast_in_dim3A_672 : f32 to vector<16xf32>
    %swap3A_674 = arith.constant 77 : i32
    %swap3A_675 = arith.index_cast %swap3A_674 : i32 to index
    %swap3A_676 = arith.constant 0 : index
    %swap3A_677 = tpu.vector_load %arg16[%swap3A_675, %swap3A_676] {strides = array<i32>} : memref<80x16xf32, #tpu.memory_space<vmem>>, vector<1x16xf32>,
    %swap3A_678 = vector.shape_cast %swap3A_677 : vector<1x16xf32> to vector<16xf32>
    %swap3A_679 = vector.shape_cast %broadcast_in_dim3A_673 : vector<16xf32> to vector<1x16xf32>
    tpu.vector_store %arg16[%swap3A_675, %swap3A_676], %swap3A_679 {strides = array<i32>} : memref<80x16xf32, #tpu.memory_space<vmem>>, vector<1x16xf32>,
    %broadcast_in_dim3A_680 = arith.constant 1.000000e+00 : f32
    %broadcast_in_dim3A_681 = vector.broadcast %broadcast_in_dim3A_680 : f32 to vector<16xf32>
    %swap3A_682 = arith.constant 78 : i32
    %swap3A_683 = arith.index_cast %swap3A_682 : i32 to index
    %swap3A_684 = arith.constant 0 : index
    %swap3A_685 = tpu.vector_load %arg16[%swap3A_683, %swap3A_684] {strides = array<i32>} : memref<80x16xf32, #tpu.memory_space<vmem>>, vector<1x16xf32>,
    %swap3A_686 = vector.shape_cast %swap3A_685 : vector<1x16xf32> to vector<16xf32>
    %swap3A_687 = vector.shape_cast %broadcast_in_dim3A_681 : vector<16xf32> to vector<1x16xf32>
    tpu.vector_store %arg16[%swap3A_683, %swap3A_684], %swap3A_687 {strides = array<i32>} : memref<80x16xf32, #tpu.memory_space<vmem>>, vector<1x16xf32>,
    %broadcast_in_dim3A_688 = arith.constant 1.000000e+00 : f32
    %broadcast_in_dim3A_689 = vector.broadcast %broadcast_in_dim3A_688 : f32 to vector<16xf32>
    %swap3A_690 = arith.constant 79 : i32
    %swap3A_691 = arith.index_cast %swap3A_690 : i32 to index
    %swap3A_692 = arith.constant 0 : index
    %swap3A_693 = tpu.vector_load %arg16[%swap3A_691, %swap3A_692] {strides = array<i32>} : memref<80x16xf32, #tpu.memory_space<vmem>>, vector<1x16xf32>,
    %swap3A_694 = vector.shape_cast %swap3A_693 : vector<1x16xf32> to vector<16xf32>
    %swap3A_695 = vector.shape_cast %broadcast_in_dim3A_689 : vector<16xf32> to vector<1x16xf32>
    tpu.vector_store %arg16[%swap3A_691, %swap3A_692], %swap3A_695 {strides = array<i32>} : memref<80x16xf32, #tpu.memory_space<vmem>>, vector<1x16xf32>,
    %barrier3A = arith.constant 0 : index
    tpu.barrier barrier_id(%barrier3A)
    %mul3A_696 = arith.constant 10000 : i32
    %mul3A_697 = arith.muli %add3A, %mul3A_696 : i32
    %scan3A_698 = arith.constant 0 : i32
    %scan3A_699 = arith.constant 0 : i32
    %scan3A_700 = arith.constant 62 : i32
    %scan3A_701 = arith.addi %scan3A_699, %scan3A_700 : i32
    %scan3A_702 = arith.constant 1 : i32
    scf.for %scan3A_861 = %scan3A_699 to %scan3A_701 step %scan3A_702  : i32 {
      %mul3A_862 = arith.constant 2 : i32
      %mul3A_863 = arith.muli %mul3A_862, %scan3A_861 : i32
      %mul3A_864 = arith.constant 80 : i32
      %mul3A_865 = arith.muli %mul3A_863, %mul3A_864 : i32
      %add3A_866 = arith.addi %mul3A_697, %mul3A_865 : i32
      %add3A_867 = arith.constant 80 : i32
      %add3A_868 = arith.addi %add3A_866, %add3A_867 : i32
      %dma_start3A_869 = arith.constant 0 : i32
      %dma_start3A_870 = tpu.memref_slice %arg4[%dma_start3A_869, %add3A_866] : memref<2x320000xi32, #tpu.memory_space<hbm>> -> memref<1x80xi32, #tpu.memory_space<hbm>>
      %dma_start3A_871 = tpu.memref_squeeze %dma_start3A_870 : memref<1x80xi32, #tpu.memory_space<hbm>> -> memref<80xi32, #tpu.memory_space<hbm>>
      %dma_start3A_872 = tpu.memref_slice %arg4[%dma_start3A_869, %add3A_866] : memref<2x320000xi32, #tpu.memory_space<hbm>> -> memref<1x80xi32, #tpu.memory_space<hbm>>
      %dma_start3A_873 = tpu.memref_squeeze %dma_start3A_872 : memref<1x80xi32, #tpu.memory_space<hbm>> -> memref<80xi32, #tpu.memory_space<hbm>>
      tpu.enqueue_dma source(%dma_start3A_873 : memref<80xi32, #tpu.memory_space<hbm>>) target(%arg8 : memref<80xi32, #tpu.memory_space<vmem>>) target_semaphore(%arg20 : memref<!tpu.dma_semaphore, #tpu.memory_space<semaphore_mem>>)
      %dma_start3A_874 = arith.constant 1 : i32
      %dma_start3A_875 = tpu.memref_slice %arg4[%dma_start3A_874, %add3A_866] : memref<2x320000xi32, #tpu.memory_space<hbm>> -> memref<1x80xi32, #tpu.memory_space<hbm>>
      %dma_start3A_876 = tpu.memref_squeeze %dma_start3A_875 : memref<1x80xi32, #tpu.memory_space<hbm>> -> memref<80xi32, #tpu.memory_space<hbm>>
      %dma_start3A_877 = tpu.memref_slice %arg4[%dma_start3A_874, %add3A_866] : memref<2x320000xi32, #tpu.memory_space<hbm>> -> memref<1x80xi32, #tpu.memory_space<hbm>>
      %dma_start3A_878 = tpu.memref_squeeze %dma_start3A_877 : memref<1x80xi32, #tpu.memory_space<hbm>> -> memref<80xi32, #tpu.memory_space<hbm>>
      tpu.enqueue_dma source(%dma_start3A_878 : memref<80xi32, #tpu.memory_space<hbm>>) target(%arg10 : memref<80xi32, #tpu.memory_space<vmem>>) target_semaphore(%arg22 : memref<!tpu.dma_semaphore, #tpu.memory_space<semaphore_mem>>)
      %dma_start3A_879 = arith.constant 0 : i32
      %dma_start3A_880 = tpu.memref_slice %arg4[%dma_start3A_879, %add3A_868] : memref<2x320000xi32, #tpu.memory_space<hbm>> -> memref<1x80xi32, #tpu.memory_space<hbm>>
      %dma_start3A_881 = tpu.memref_squeeze %dma_start3A_880 : memref<1x80xi32, #tpu.memory_space<hbm>> -> memref<80xi32, #tpu.memory_space<hbm>>
      %dma_start3A_882 = tpu.memref_slice %arg4[%dma_start3A_879, %add3A_868] : memref<2x320000xi32, #tpu.memory_space<hbm>> -> memref<1x80xi32, #tpu.memory_space<hbm>>
      %dma_start3A_883 = tpu.memref_squeeze %dma_start3A_882 : memref<1x80xi32, #tpu.memory_space<hbm>> -> memref<80xi32, #tpu.memory_space<hbm>>
      tpu.enqueue_dma source(%dma_start3A_883 : memref<80xi32, #tpu.memory_space<hbm>>) target(%arg9 : memref<80xi32, #tpu.memory_space<vmem>>) target_semaphore(%arg21 : memref<!tpu.dma_semaphore, #tpu.memory_space<semaphore_mem>>)
      %dma_start3A_884 = arith.constant 1 : i32
      %dma_start3A_885 = tpu.memref_slice %arg4[%dma_start3A_884, %add3A_868] : memref<2x320000xi32, #tpu.memory_space<hbm>> -> memref<1x80xi32, #tpu.memory_space<hbm>>
      %dma_start3A_886 = tpu.memref_squeeze %dma_start3A_885 : memref<1x80xi32, #tpu.memory_space<hbm>> -> memref<80xi32, #tpu.memory_space<hbm>>
      %dma_start3A_887 = tpu.memref_slice %arg4[%dma_start3A_884, %add3A_868] : memref<2x320000xi32, #tpu.memory_space<hbm>> -> memref<1x80xi32, #tpu.memory_space<hbm>>
      %dma_start3A_888 = tpu.memref_squeeze %dma_start3A_887 : memref<1x80xi32, #tpu.memory_space<hbm>> -> memref<80xi32, #tpu.memory_space<hbm>>
      tpu.enqueue_dma source(%dma_start3A_888 : memref<80xi32, #tpu.memory_space<hbm>>) target(%arg11 : memref<80xi32, #tpu.memory_space<vmem>>) target_semaphore(%arg23 : memref<!tpu.dma_semaphore, #tpu.memory_space<semaphore_mem>>)
      %dma_wait3A_889 = arith.constant 0 : i32
      %dma_wait3A_890 = tpu.memref_slice %arg4[%dma_wait3A_889, %add3A_866] : memref<2x320000xi32, #tpu.memory_space<hbm>> -> memref<1x80xi32, #tpu.memory_space<hbm>>
      %dma_wait3A_891 = tpu.memref_squeeze %dma_wait3A_890 : memref<1x80xi32, #tpu.memory_space<hbm>> -> memref<80xi32, #tpu.memory_space<hbm>>
      %dma_wait3A_892 = tpu.memref_slice %arg4[%dma_wait3A_889, %add3A_866] : memref<2x320000xi32, #tpu.memory_space<hbm>> -> memref<1x80xi32, #tpu.memory_space<hbm>>
      %dma_wait3A_893 = tpu.memref_squeeze %dma_wait3A_892 : memref<1x80xi32, #tpu.memory_space<hbm>> -> memref<80xi32, #tpu.memory_space<hbm>>
      tpu.wait_dma2 semaphore(%arg20 : memref<!tpu.dma_semaphore, #tpu.memory_space<semaphore_mem>>) src(%dma_wait3A_893 : memref<80xi32, #tpu.memory_space<hbm>>) dst(%arg8 : memref<80xi32, #tpu.memory_space<vmem>>)
      %dma_start3A_894 = arith.constant 0 : i32
      %dma_start3A_895 = arith.constant 0 : i32
      %dma_start3A_896 = tpu.memref_slice %arg2[%dma_start3A_894, %dma_start3A_895] : memref<10000x128xf32, #tpu.memory_space<hbm>> -> memref<10000x128xf32, #tpu.memory_space<hbm>>
      tpu.enqueue_indirect_dma source(%dma_start3A_896 : memref<10000x128xf32, #tpu.memory_space<hbm>>) target(%arg12 : memref<80x128xf32, #tpu.memory_space<vmem>>) offsets(%arg8 : memref<80xi32, #tpu.memory_space<vmem>>) semaphore(%arg24 : memref<!tpu.dma_semaphore, #tpu.memory_space<semaphore_mem>>)
      %dma_start3A_897 = arith.constant 0 : i32
      %dma_start3A_898 = tpu.memref_slice %arg3[%add3A_866, %dma_start3A_897] : memref<320000x16xf32, #tpu.memory_space<hbm>> -> memref<80x16xf32, #tpu.memory_space<hbm>>
      %dma_start3A_899 = arith.constant 0 : i32
      %dma_start3A_900 = tpu.memref_slice %arg3[%add3A_866, %dma_start3A_899] : memref<320000x16xf32, #tpu.memory_space<hbm>> -> memref<80x16xf32, #tpu.memory_space<hbm>>
      tpu.enqueue_dma source(%dma_start3A_900 : memref<80x16xf32, #tpu.memory_space<hbm>>) target(%arg14 : memref<80x16xf32, #tpu.memory_space<vmem>>) target_semaphore(%arg26 : memref<!tpu.dma_semaphore, #tpu.memory_space<semaphore_mem>>)
      %dma_wait3A_901 = arith.constant 0 : i32
      %dma_wait3A_902 = tpu.memref_slice %arg4[%dma_wait3A_901, %add3A_868] : memref<2x320000xi32, #tpu.memory_space<hbm>> -> memref<1x80xi32, #tpu.memory_space<hbm>>
      %dma_wait3A_903 = tpu.memref_squeeze %dma_wait3A_902 : memref<1x80xi32, #tpu.memory_space<hbm>> -> memref<80xi32, #tpu.memory_space<hbm>>
      %dma_wait3A_904 = tpu.memref_slice %arg4[%dma_wait3A_901, %add3A_868] : memref<2x320000xi32, #tpu.memory_space<hbm>> -> memref<1x80xi32, #tpu.memory_space<hbm>>
      %dma_wait3A_905 = tpu.memref_squeeze %dma_wait3A_904 : memref<1x80xi32, #tpu.memory_space<hbm>> -> memref<80xi32, #tpu.memory_space<hbm>>
      tpu.wait_dma2 semaphore(%arg21 : memref<!tpu.dma_semaphore, #tpu.memory_space<semaphore_mem>>) src(%dma_wait3A_905 : memref<80xi32, #tpu.memory_space<hbm>>) dst(%arg9 : memref<80xi32, #tpu.memory_space<vmem>>)
      %dma_start3A_906 = arith.constant 0 : i32
      %dma_start3A_907 = arith.constant 0 : i32
      %dma_start3A_908 = tpu.memref_slice %arg2[%dma_start3A_906, %dma_start3A_907] : memref<10000x128xf32, #tpu.memory_space<hbm>> -> memref<10000x128xf32, #tpu.memory_space<hbm>>
      tpu.enqueue_indirect_dma source(%dma_start3A_908 : memref<10000x128xf32, #tpu.memory_space<hbm>>) target(%arg13 : memref<80x128xf32, #tpu.memory_space<vmem>>) offsets(%arg9 : memref<80xi32, #tpu.memory_space<vmem>>) semaphore(%arg25 : memref<!tpu.dma_semaphore, #tpu.memory_space<semaphore_mem>>)
      %dma_start3A_909 = arith.constant 0 : i32
      %dma_start3A_910 = tpu.memref_slice %arg3[%add3A_868, %dma_start3A_909] : memref<320000x16xf32, #tpu.memory_space<hbm>> -> memref<80x16xf32, #tpu.memory_space<hbm>>
      %dma_start3A_911 = arith.constant 0 : i32
      %dma_start3A_912 = tpu.memref_slice %arg3[%add3A_868, %dma_start3A_911] : memref<320000x16xf32, #tpu.memory_space<hbm>> -> memref<80x16xf32, #tpu.memory_space<hbm>>
      tpu.enqueue_dma source(%dma_start3A_912 : memref<80x16xf32, #tpu.memory_space<hbm>>) target(%arg15 : memref<80x16xf32, #tpu.memory_space<vmem>>) target_semaphore(%arg27 : memref<!tpu.dma_semaphore, #tpu.memory_space<semaphore_mem>>)
      %dma_wait3A_913 = arith.constant 0 : i32
      %dma_wait3A_914 = arith.constant 0 : i32
      %dma_wait3A_915 = tpu.memref_slice %arg2[%dma_wait3A_913, %dma_wait3A_914] : memref<10000x128xf32, #tpu.memory_space<hbm>> -> memref<10000x128xf32, #tpu.memory_space<hbm>>
      tpu.wait_indirect_dma semaphore(%arg24 : memref<!tpu.dma_semaphore, #tpu.memory_space<semaphore_mem>>) src(%dma_wait3A_915 : memref<10000x128xf32, #tpu.memory_space<hbm>>) dst(%arg12 : memref<80x128xf32, #tpu.memory_space<vmem>>)
      %dma_wait3A_916 = arith.constant 0 : i32
      %dma_wait3A_917 = tpu.memref_slice %arg3[%add3A_866, %dma_wait3A_916] : memref<320000x16xf32, #tpu.memory_space<hbm>> -> memref<80x16xf32, #tpu.memory_space<hbm>>
      %dma_wait3A_918 = arith.constant 0 : i32
      %dma_wait3A_919 = tpu.memref_slice %arg3[%add3A_866, %dma_wait3A_918] : memref<320000x16xf32, #tpu.memory_space<hbm>> -> memref<80x16xf32, #tpu.memory_space<hbm>>
      tpu.wait_dma2 semaphore(%arg26 : memref<!tpu.dma_semaphore, #tpu.memory_space<semaphore_mem>>) src(%dma_wait3A_919 : memref<80x16xf32, #tpu.memory_space<hbm>>) dst(%arg14 : memref<80x16xf32, #tpu.memory_space<vmem>>)
      %dma_wait3A_920 = arith.constant 1 : i32
      %dma_wait3A_921 = tpu.memref_slice %arg4[%dma_wait3A_920, %add3A_866] : memref<2x320000xi32, #tpu.memory_space<hbm>> -> memref<1x80xi32, #tpu.memory_space<hbm>>
      %dma_wait3A_922 = tpu.memref_squeeze %dma_wait3A_921 : memref<1x80xi32, #tpu.memory_space<hbm>> -> memref<80xi32, #tpu.memory_space<hbm>>
      %dma_wait3A_923 = tpu.memref_slice %arg4[%dma_wait3A_920, %add3A_866] : memref<2x320000xi32, #tpu.memory_space<hbm>> -> memref<1x80xi32, #tpu.memory_space<hbm>>
      %dma_wait3A_924 = tpu.memref_squeeze %dma_wait3A_923 : memref<1x80xi32, #tpu.memory_space<hbm>> -> memref<80xi32, #tpu.memory_space<hbm>>
      tpu.wait_dma2 semaphore(%arg22 : memref<!tpu.dma_semaphore, #tpu.memory_space<semaphore_mem>>) src(%dma_wait3A_924 : memref<80xi32, #tpu.memory_space<hbm>>) dst(%arg10 : memref<80xi32, #tpu.memory_space<vmem>>)
      %dma_start3A_925 = arith.constant 0 : i32
      %dma_start3A_926 = arith.constant 0 : i32
      %dma_start3A_927 = tpu.memref_slice %arg17[%dma_start3A_925, %dma_start3A_926] : memref<10000x128xf32, #tpu.memory_space<vmem_shared>> -> memref<10000x128xf32, #tpu.memory_space<vmem_shared>>
      tpu.enqueue_indirect_dma source(%arg12 : memref<80x128xf32, #tpu.memory_space<vmem>>) target(%dma_start3A_927 : memref<10000x128xf32, #tpu.memory_space<vmem_shared>>) offsets(%arg10 : memref<80xi32, #tpu.memory_space<vmem>>) semaphore(%arg28 : memref<!tpu.dma_semaphore, #tpu.memory_space<semaphore_mem>>) {add = true}
      %dma_start3A_928 = arith.constant 0 : i32
      %dma_start3A_929 = arith.constant 0 : i32
      %dma_start3A_930 = tpu.memref_slice %arg18[%dma_start3A_928, %dma_start3A_929] : memref<10000x16xf32, #tpu.memory_space<vmem_shared>> -> memref<10000x16xf32, #tpu.memory_space<vmem_shared>>
      tpu.enqueue_indirect_dma source(%arg14 : memref<80x16xf32, #tpu.memory_space<vmem>>) target(%dma_start3A_930 : memref<10000x16xf32, #tpu.memory_space<vmem_shared>>) offsets(%arg10 : memref<80xi32, #tpu.memory_space<vmem>>) semaphore(%arg28 : memref<!tpu.dma_semaphore, #tpu.memory_space<semaphore_mem>>) {add = true}
      %dma_start3A_931 = arith.constant 0 : i32
      %dma_start3A_932 = arith.constant 0 : i32
      %dma_start3A_933 = tpu.memref_slice %arg19[%dma_start3A_931, %dma_start3A_932] : memref<10000x16xf32, #tpu.memory_space<vmem_shared>> -> memref<10000x16xf32, #tpu.memory_space<vmem_shared>>
      tpu.enqueue_indirect_dma source(%arg16 : memref<80x16xf32, #tpu.memory_space<vmem>>) target(%dma_start3A_933 : memref<10000x16xf32, #tpu.memory_space<vmem_shared>>) offsets(%arg10 : memref<80xi32, #tpu.memory_space<vmem>>) semaphore(%arg28 : memref<!tpu.dma_semaphore, #tpu.memory_space<semaphore_mem>>) {add = true}
      %dma_wait3A_934 = arith.constant 0 : i32
      %dma_wait3A_935 = arith.constant 0 : i32
      %dma_wait3A_936 = tpu.memref_slice %arg2[%dma_wait3A_934, %dma_wait3A_935] : memref<10000x128xf32, #tpu.memory_space<hbm>> -> memref<10000x128xf32, #tpu.memory_space<hbm>>
      tpu.wait_indirect_dma semaphore(%arg25 : memref<!tpu.dma_semaphore, #tpu.memory_space<semaphore_mem>>) src(%dma_wait3A_936 : memref<10000x128xf32, #tpu.memory_space<hbm>>) dst(%arg13 : memref<80x128xf32, #tpu.memory_space<vmem>>)
      %dma_wait3A_937 = arith.constant 0 : i32
      %dma_wait3A_938 = tpu.memref_slice %arg3[%add3A_868, %dma_wait3A_937] : memref<320000x16xf32, #tpu.memory_space<hbm>> -> memref<80x16xf32, #tpu.memory_space<hbm>>
      %dma_wait3A_939 = arith.constant 0 : i32
      %dma_wait3A_940 = tpu.memref_slice %arg3[%add3A_868, %dma_wait3A_939] : memref<320000x16xf32, #tpu.memory_space<hbm>> -> memref<80x16xf32, #tpu.memory_space<hbm>>
      tpu.wait_dma2 semaphore(%arg27 : memref<!tpu.dma_semaphore, #tpu.memory_space<semaphore_mem>>) src(%dma_wait3A_940 : memref<80x16xf32, #tpu.memory_space<hbm>>) dst(%arg15 : memref<80x16xf32, #tpu.memory_space<vmem>>)
      %dma_wait3A_941 = arith.constant 1 : i32
      %dma_wait3A_942 = tpu.memref_slice %arg4[%dma_wait3A_941, %add3A_868] : memref<2x320000xi32, #tpu.memory_space<hbm>> -> memref<1x80xi32, #tpu.memory_space<hbm>>
      %dma_wait3A_943 = tpu.memref_squeeze %dma_wait3A_942 : memref<1x80xi32, #tpu.memory_space<hbm>> -> memref<80xi32, #tpu.memory_space<hbm>>
      %dma_wait3A_944 = tpu.memref_slice %arg4[%dma_wait3A_941, %add3A_868] : memref<2x320000xi32, #tpu.memory_space<hbm>> -> memref<1x80xi32, #tpu.memory_space<hbm>>
      %dma_wait3A_945 = tpu.memref_squeeze %dma_wait3A_944 : memref<1x80xi32, #tpu.memory_space<hbm>> -> memref<80xi32, #tpu.memory_space<hbm>>
      tpu.wait_dma2 semaphore(%arg23 : memref<!tpu.dma_semaphore, #tpu.memory_space<semaphore_mem>>) src(%dma_wait3A_945 : memref<80xi32, #tpu.memory_space<hbm>>) dst(%arg11 : memref<80xi32, #tpu.memory_space<vmem>>)
      %dma_start3A_946 = arith.constant 0 : i32
      %dma_start3A_947 = arith.constant 0 : i32
      %dma_start3A_948 = tpu.memref_slice %arg17[%dma_start3A_946, %dma_start3A_947] : memref<10000x128xf32, #tpu.memory_space<vmem_shared>> -> memref<10000x128xf32, #tpu.memory_space<vmem_shared>>
      tpu.enqueue_indirect_dma source(%arg13 : memref<80x128xf32, #tpu.memory_space<vmem>>) target(%dma_start3A_948 : memref<10000x128xf32, #tpu.memory_space<vmem_shared>>) offsets(%arg11 : memref<80xi32, #tpu.memory_space<vmem>>) semaphore(%arg29 : memref<!tpu.dma_semaphore, #tpu.memory_space<semaphore_mem>>) {add = true}
      %dma_start3A_949 = arith.constant 0 : i32
      %dma_start3A_950 = arith.constant 0 : i32
      %dma_start3A_951 = tpu.memref_slice %arg18[%dma_start3A_949, %dma_start3A_950] : memref<10000x16xf32, #tpu.memory_space<vmem_shared>> -> memref<10000x16xf32, #tpu.memory_space<vmem_shared>>
      tpu.enqueue_indirect_dma source(%arg15 : memref<80x16xf32, #tpu.memory_space<vmem>>) target(%dma_start3A_951 : memref<10000x16xf32, #tpu.memory_space<vmem_shared>>) offsets(%arg11 : memref<80xi32, #tpu.memory_space<vmem>>) semaphore(%arg29 : memref<!tpu.dma_semaphore, #tpu.memory_space<semaphore_mem>>) {add = true}
      %dma_start3A_952 = arith.constant 0 : i32
      %dma_start3A_953 = arith.constant 0 : i32
      %dma_start3A_954 = tpu.memref_slice %arg19[%dma_start3A_952, %dma_start3A_953] : memref<10000x16xf32, #tpu.memory_space<vmem_shared>> -> memref<10000x16xf32, #tpu.memory_space<vmem_shared>>
      tpu.enqueue_indirect_dma source(%arg16 : memref<80x16xf32, #tpu.memory_space<vmem>>) target(%dma_start3A_954 : memref<10000x16xf32, #tpu.memory_space<vmem_shared>>) offsets(%arg11 : memref<80xi32, #tpu.memory_space<vmem>>) semaphore(%arg29 : memref<!tpu.dma_semaphore, #tpu.memory_space<semaphore_mem>>) {add = true}
      %dma_wait3A_955 = arith.constant 0 : i32
      %dma_wait3A_956 = arith.constant 0 : i32
      %dma_wait3A_957 = tpu.memref_slice %arg17[%dma_wait3A_955, %dma_wait3A_956] : memref<10000x128xf32, #tpu.memory_space<vmem_shared>> -> memref<10000x128xf32, #tpu.memory_space<vmem_shared>>
      tpu.wait_indirect_dma semaphore(%arg28 : memref<!tpu.dma_semaphore, #tpu.memory_space<semaphore_mem>>) src(%arg12 : memref<80x128xf32, #tpu.memory_space<vmem>>) dst(%dma_wait3A_957 : memref<10000x128xf32, #tpu.memory_space<vmem_shared>>)
      %dma_wait3A_958 = arith.constant 0 : i32
      %dma_wait3A_959 = arith.constant 0 : i32
      %dma_wait3A_960 = tpu.memref_slice %arg18[%dma_wait3A_958, %dma_wait3A_959] : memref<10000x16xf32, #tpu.memory_space<vmem_shared>> -> memref<10000x16xf32, #tpu.memory_space<vmem_shared>>
      tpu.wait_indirect_dma semaphore(%arg28 : memref<!tpu.dma_semaphore, #tpu.memory_space<semaphore_mem>>) src(%arg14 : memref<80x16xf32, #tpu.memory_space<vmem>>) dst(%dma_wait3A_960 : memref<10000x16xf32, #tpu.memory_space<vmem_shared>>)
      %dma_wait3A_961 = arith.constant 0 : i32
      %dma_wait3A_962 = arith.constant 0 : i32
      %dma_wait3A_963 = tpu.memref_slice %arg19[%dma_wait3A_961, %dma_wait3A_962] : memref<10000x16xf32, #tpu.memory_space<vmem_shared>> -> memref<10000x16xf32, #tpu.memory_space<vmem_shared>>
      tpu.wait_indirect_dma semaphore(%arg28 : memref<!tpu.dma_semaphore, #tpu.memory_space<semaphore_mem>>) src(%arg16 : memref<80x16xf32, #tpu.memory_space<vmem>>) dst(%dma_wait3A_963 : memref<10000x16xf32, #tpu.memory_space<vmem_shared>>)
      %dma_wait3A_964 = arith.constant 0 : i32
      %dma_wait3A_965 = arith.constant 0 : i32
      %dma_wait3A_966 = tpu.memref_slice %arg17[%dma_wait3A_964, %dma_wait3A_965] : memref<10000x128xf32, #tpu.memory_space<vmem_shared>> -> memref<10000x128xf32, #tpu.memory_space<vmem_shared>>
      tpu.wait_indirect_dma semaphore(%arg29 : memref<!tpu.dma_semaphore, #tpu.memory_space<semaphore_mem>>) src(%arg13 : memref<80x128xf32, #tpu.memory_space<vmem>>) dst(%dma_wait3A_966 : memref<10000x128xf32, #tpu.memory_space<vmem_shared>>)
      %dma_wait3A_967 = arith.constant 0 : i32
      %dma_wait3A_968 = arith.constant 0 : i32
      %dma_wait3A_969 = tpu.memref_slice %arg18[%dma_wait3A_967, %dma_wait3A_968] : memref<10000x16xf32, #tpu.memory_space<vmem_shared>> -> memref<10000x16xf32, #tpu.memory_space<vmem_shared>>
      tpu.wait_indirect_dma semaphore(%arg29 : memref<!tpu.dma_semaphore, #tpu.memory_space<semaphore_mem>>) src(%arg15 : memref<80x16xf32, #tpu.memory_space<vmem>>) dst(%dma_wait3A_969 : memref<10000x16xf32, #tpu.memory_space<vmem_shared>>)
      %dma_wait3A_970 = arith.constant 0 : i32
      %dma_wait3A_971 = arith.constant 0 : i32
      %dma_wait3A_972 = tpu.memref_slice %arg19[%dma_wait3A_970, %dma_wait3A_971] : memref<10000x16xf32, #tpu.memory_space<vmem_shared>> -> memref<10000x16xf32, #tpu.memory_space<vmem_shared>>
      tpu.wait_indirect_dma semaphore(%arg29 : memref<!tpu.dma_semaphore, #tpu.memory_space<semaphore_mem>>) src(%arg16 : memref<80x16xf32, #tpu.memory_space<vmem>>) dst(%dma_wait3A_972 : memref<10000x16xf32, #tpu.memory_space<vmem_shared>>)
    }
    %scan3A_703 = arith.constant 62 : i32
    %add3A_704 = arith.constant 9920 : i32
    %add3A_705 = arith.addi %mul3A_697, %add3A_704 : i32
    %dma_start3A = arith.constant 0 : i32
    %dma_start3A_706 = tpu.memref_slice %arg4[%dma_start3A, %add3A_705] : memref<2x320000xi32, #tpu.memory_space<hbm>> -> memref<1x80xi32, #tpu.memory_space<hbm>>
    %dma_start3A_707 = tpu.memref_squeeze %dma_start3A_706 : memref<1x80xi32, #tpu.memory_space<hbm>> -> memref<80xi32, #tpu.memory_space<hbm>>
    %dma_start3A_708 = tpu.memref_slice %arg4[%dma_start3A, %add3A_705] : memref<2x320000xi32, #tpu.memory_space<hbm>> -> memref<1x80xi32, #tpu.memory_space<hbm>>
    %dma_start3A_709 = tpu.memref_squeeze %dma_start3A_708 : memref<1x80xi32, #tpu.memory_space<hbm>> -> memref<80xi32, #tpu.memory_space<hbm>>
    tpu.enqueue_dma source(%dma_start3A_709 : memref<80xi32, #tpu.memory_space<hbm>>) target(%arg8 : memref<80xi32, #tpu.memory_space<vmem>>) target_semaphore(%arg20 : memref<!tpu.dma_semaphore, #tpu.memory_space<semaphore_mem>>)
    %dma_start3A_710 = arith.constant 1 : i32
    %dma_start3A_711 = tpu.memref_slice %arg4[%dma_start3A_710, %add3A_705] : memref<2x320000xi32, #tpu.memory_space<hbm>> -> memref<1x80xi32, #tpu.memory_space<hbm>>
    %dma_start3A_712 = tpu.memref_squeeze %dma_start3A_711 : memref<1x80xi32, #tpu.memory_space<hbm>> -> memref<80xi32, #tpu.memory_space<hbm>>
    %dma_start3A_713 = tpu.memref_slice %arg4[%dma_start3A_710, %add3A_705] : memref<2x320000xi32, #tpu.memory_space<hbm>> -> memref<1x80xi32, #tpu.memory_space<hbm>>
    %dma_start3A_714 = tpu.memref_squeeze %dma_start3A_713 : memref<1x80xi32, #tpu.memory_space<hbm>> -> memref<80xi32, #tpu.memory_space<hbm>>
    tpu.enqueue_dma source(%dma_start3A_714 : memref<80xi32, #tpu.memory_space<hbm>>) target(%arg10 : memref<80xi32, #tpu.memory_space<vmem>>) target_semaphore(%arg22 : memref<!tpu.dma_semaphore, #tpu.memory_space<semaphore_mem>>)
    %dma_wait3A = arith.constant 0 : i32
    %dma_wait3A_715 = tpu.memref_slice %arg4[%dma_wait3A, %add3A_705] : memref<2x320000xi32, #tpu.memory_space<hbm>> -> memref<1x80xi32, #tpu.memory_space<hbm>>
    %dma_wait3A_716 = tpu.memref_squeeze %dma_wait3A_715 : memref<1x80xi32, #tpu.memory_space<hbm>> -> memref<80xi32, #tpu.memory_space<hbm>>
    %dma_wait3A_717 = tpu.memref_slice %arg4[%dma_wait3A, %add3A_705] : memref<2x320000xi32, #tpu.memory_space<hbm>> -> memref<1x80xi32, #tpu.memory_space<hbm>>
    %dma_wait3A_718 = tpu.memref_squeeze %dma_wait3A_717 : memref<1x80xi32, #tpu.memory_space<hbm>> -> memref<80xi32, #tpu.memory_space<hbm>>
    tpu.wait_dma2 semaphore(%arg20 : memref<!tpu.dma_semaphore, #tpu.memory_space<semaphore_mem>>) src(%dma_wait3A_718 : memref<80xi32, #tpu.memory_space<hbm>>) dst(%arg8 : memref<80xi32, #tpu.memory_space<vmem>>)
    %dma_start3A_719 = arith.constant 0 : i32
    %dma_start3A_720 = arith.constant 0 : i32
    %dma_start3A_721 = tpu.memref_slice %arg2[%dma_start3A_719, %dma_start3A_720] : memref<10000x128xf32, #tpu.memory_space<hbm>> -> memref<10000x128xf32, #tpu.memory_space<hbm>>
    tpu.enqueue_indirect_dma source(%dma_start3A_721 : memref<10000x128xf32, #tpu.memory_space<hbm>>) target(%arg12 : memref<80x128xf32, #tpu.memory_space<vmem>>) offsets(%arg8 : memref<80xi32, #tpu.memory_space<vmem>>) semaphore(%arg24 : memref<!tpu.dma_semaphore, #tpu.memory_space<semaphore_mem>>)
    %dma_start3A_722 = arith.constant 0 : i32
    %dma_start3A_723 = tpu.memref_slice %arg3[%add3A_705, %dma_start3A_722] : memref<320000x16xf32, #tpu.memory_space<hbm>> -> memref<80x16xf32, #tpu.memory_space<hbm>>
    %dma_start3A_724 = arith.constant 0 : i32
    %dma_start3A_725 = tpu.memref_slice %arg3[%add3A_705, %dma_start3A_724] : memref<320000x16xf32, #tpu.memory_space<hbm>> -> memref<80x16xf32, #tpu.memory_space<hbm>>
    tpu.enqueue_dma source(%dma_start3A_725 : memref<80x16xf32, #tpu.memory_space<hbm>>) target(%arg14 : memref<80x16xf32, #tpu.memory_space<vmem>>) target_semaphore(%arg26 : memref<!tpu.dma_semaphore, #tpu.memory_space<semaphore_mem>>)
    %dma_wait3A_726 = arith.constant 0 : i32
    %dma_wait3A_727 = arith.constant 0 : i32
    %dma_wait3A_728 = tpu.memref_slice %arg2[%dma_wait3A_726, %dma_wait3A_727] : memref<10000x128xf32, #tpu.memory_space<hbm>> -> memref<10000x128xf32, #tpu.memory_space<hbm>>
    tpu.wait_indirect_dma semaphore(%arg24 : memref<!tpu.dma_semaphore, #tpu.memory_space<semaphore_mem>>) src(%dma_wait3A_728 : memref<10000x128xf32, #tpu.memory_space<hbm>>) dst(%arg12 : memref<80x128xf32, #tpu.memory_space<vmem>>)
    %dma_wait3A_729 = arith.constant 0 : i32
    %dma_wait3A_730 = tpu.memref_slice %arg3[%add3A_705, %dma_wait3A_729] : memref<320000x16xf32, #tpu.memory_space<hbm>> -> memref<80x16xf32, #tpu.memory_space<hbm>>
    %dma_wait3A_731 = arith.constant 0 : i32
    %dma_wait3A_732 = tpu.memref_slice %arg3[%add3A_705, %dma_wait3A_731] : memref<320000x16xf32, #tpu.memory_space<hbm>> -> memref<80x16xf32, #tpu.memory_space<hbm>>
    tpu.wait_dma2 semaphore(%arg26 : memref<!tpu.dma_semaphore, #tpu.memory_space<semaphore_mem>>) src(%dma_wait3A_732 : memref<80x16xf32, #tpu.memory_space<hbm>>) dst(%arg14 : memref<80x16xf32, #tpu.memory_space<vmem>>)
    %dma_wait3A_733 = arith.constant 1 : i32
    %dma_wait3A_734 = tpu.memref_slice %arg4[%dma_wait3A_733, %add3A_705] : memref<2x320000xi32, #tpu.memory_space<hbm>> -> memref<1x80xi32, #tpu.memory_space<hbm>>
    %dma_wait3A_735 = tpu.memref_squeeze %dma_wait3A_734 : memref<1x80xi32, #tpu.memory_space<hbm>> -> memref<80xi32, #tpu.memory_space<hbm>>
    %dma_wait3A_736 = tpu.memref_slice %arg4[%dma_wait3A_733, %add3A_705] : memref<2x320000xi32, #tpu.memory_space<hbm>> -> memref<1x80xi32, #tpu.memory_space<hbm>>
    %dma_wait3A_737 = tpu.memref_squeeze %dma_wait3A_736 : memref<1x80xi32, #tpu.memory_space<hbm>> -> memref<80xi32, #tpu.memory_space<hbm>>
    tpu.wait_dma2 semaphore(%arg22 : memref<!tpu.dma_semaphore, #tpu.memory_space<semaphore_mem>>) src(%dma_wait3A_737 : memref<80xi32, #tpu.memory_space<hbm>>) dst(%arg10 : memref<80xi32, #tpu.memory_space<vmem>>)
    %dma_start3A_738 = arith.constant 0 : i32
    %dma_start3A_739 = arith.constant 0 : i32
    %dma_start3A_740 = tpu.memref_slice %arg17[%dma_start3A_738, %dma_start3A_739] : memref<10000x128xf32, #tpu.memory_space<vmem_shared>> -> memref<10000x128xf32, #tpu.memory_space<vmem_shared>>
    tpu.enqueue_indirect_dma source(%arg12 : memref<80x128xf32, #tpu.memory_space<vmem>>) target(%dma_start3A_740 : memref<10000x128xf32, #tpu.memory_space<vmem_shared>>) offsets(%arg10 : memref<80xi32, #tpu.memory_space<vmem>>) semaphore(%arg28 : memref<!tpu.dma_semaphore, #tpu.memory_space<semaphore_mem>>) {add = true}
    %dma_start3A_741 = arith.constant 0 : i32
    %dma_start3A_742 = arith.constant 0 : i32
    %dma_start3A_743 = tpu.memref_slice %arg18[%dma_start3A_741, %dma_start3A_742] : memref<10000x16xf32, #tpu.memory_space<vmem_shared>> -> memref<10000x16xf32, #tpu.memory_space<vmem_shared>>
    tpu.enqueue_indirect_dma source(%arg14 : memref<80x16xf32, #tpu.memory_space<vmem>>) target(%dma_start3A_743 : memref<10000x16xf32, #tpu.memory_space<vmem_shared>>) offsets(%arg10 : memref<80xi32, #tpu.memory_space<vmem>>) semaphore(%arg28 : memref<!tpu.dma_semaphore, #tpu.memory_space<semaphore_mem>>) {add = true}
    %dma_start3A_744 = arith.constant 0 : i32
    %dma_start3A_745 = arith.constant 0 : i32
    %dma_start3A_746 = tpu.memref_slice %arg19[%dma_start3A_744, %dma_start3A_745] : memref<10000x16xf32, #tpu.memory_space<vmem_shared>> -> memref<10000x16xf32, #tpu.memory_space<vmem_shared>>
    tpu.enqueue_indirect_dma source(%arg16 : memref<80x16xf32, #tpu.memory_space<vmem>>) target(%dma_start3A_746 : memref<10000x16xf32, #tpu.memory_space<vmem_shared>>) offsets(%arg10 : memref<80xi32, #tpu.memory_space<vmem>>) semaphore(%arg28 : memref<!tpu.dma_semaphore, #tpu.memory_space<semaphore_mem>>) {add = true}
    %dma_wait3A_747 = arith.constant 0 : i32
    %dma_wait3A_748 = arith.constant 0 : i32
    %dma_wait3A_749 = tpu.memref_slice %arg17[%dma_wait3A_747, %dma_wait3A_748] : memref<10000x128xf32, #tpu.memory_space<vmem_shared>> -> memref<10000x128xf32, #tpu.memory_space<vmem_shared>>
    tpu.wait_indirect_dma semaphore(%arg28 : memref<!tpu.dma_semaphore, #tpu.memory_space<semaphore_mem>>) src(%arg12 : memref<80x128xf32, #tpu.memory_space<vmem>>) dst(%dma_wait3A_749 : memref<10000x128xf32, #tpu.memory_space<vmem_shared>>)
    %dma_wait3A_750 = arith.constant 0 : i32
    %dma_wait3A_751 = arith.constant 0 : i32
    %dma_wait3A_752 = tpu.memref_slice %arg18[%dma_wait3A_750, %dma_wait3A_751] : memref<10000x16xf32, #tpu.memory_space<vmem_shared>> -> memref<10000x16xf32, #tpu.memory_space<vmem_shared>>
    tpu.wait_indirect_dma semaphore(%arg28 : memref<!tpu.dma_semaphore, #tpu.memory_space<semaphore_mem>>) src(%arg14 : memref<80x16xf32, #tpu.memory_space<vmem>>) dst(%dma_wait3A_752 : memref<10000x16xf32, #tpu.memory_space<vmem_shared>>)
    %dma_wait3A_753 = arith.constant 0 : i32
    %dma_wait3A_754 = arith.constant 0 : i32
    %dma_wait3A_755 = tpu.memref_slice %arg19[%dma_wait3A_753, %dma_wait3A_754] : memref<10000x16xf32, #tpu.memory_space<vmem_shared>> -> memref<10000x16xf32, #tpu.memory_space<vmem_shared>>
    tpu.wait_indirect_dma semaphore(%arg28 : memref<!tpu.dma_semaphore, #tpu.memory_space<semaphore_mem>>) src(%arg16 : memref<80x16xf32, #tpu.memory_space<vmem>>) dst(%dma_wait3A_755 : memref<10000x16xf32, #tpu.memory_space<vmem_shared>>)
    %barrier3A_756 = arith.constant 0 : index
    tpu.barrier barrier_id(%barrier3A_756)
    %mul3A_757 = arith.constant 10000 : i32
    %mul3A_758 = arith.muli %arg0, %mul3A_757 : i32
    %add3A_759 = arith.addi %mul3A_758, %mul3A_7 : i32
    %add3A_760 = arith.constant 0 : i32
    %add3A_761 = arith.addi %mul3A_7, %add3A_760 : i32
    "tpu.region"() ({
      %run_scoped3A = tpu.sem_alloc : memref<!tpu.dma_semaphore, #tpu.memory_space<semaphore_mem>>
      %dma_start3A_861 = arith.constant 0 : i32
      %dma_start3A_862 = arith.constant 0 : i32
      %dma_start3A_863 = tpu.memref_slice %arg12[%dma_start3A_861, %dma_start3A_862] : memref<80x128xf32, #tpu.memory_space<vmem>> -> memref<80x128xf32, #tpu.memory_space<vmem>>
      %dma_start3A_864 = arith.constant 0 : i32
      %dma_start3A_865 = tpu.memref_slice %arg17[%add3A_761, %dma_start3A_864] : memref<10000x128xf32, #tpu.memory_space<vmem_shared>> -> memref<80x128xf32, #tpu.memory_space<vmem_shared>>
      %dma_start3A_866 = arith.constant 0 : i32
      %dma_start3A_867 = arith.constant 0 : i32
      %dma_start3A_868 = tpu.memref_slice %arg12[%dma_start3A_866, %dma_start3A_867] : memref<80x128xf32, #tpu.memory_space<vmem>> -> memref<80x128xf32, #tpu.memory_space<vmem>>
      %dma_start3A_869 = arith.constant 0 : i32
      %dma_start3A_870 = tpu.memref_slice %arg17[%add3A_761, %dma_start3A_869] : memref<10000x128xf32, #tpu.memory_space<vmem_shared>> -> memref<80x128xf32, #tpu.memory_space<vmem_shared>>
      tpu.enqueue_dma source(%dma_start3A_870 : memref<80x128xf32, #tpu.memory_space<vmem_shared>>) target(%dma_start3A_868 : memref<80x128xf32, #tpu.memory_space<vmem>>) target_semaphore(%run_scoped3A : memref<!tpu.dma_semaphore, #tpu.memory_space<semaphore_mem>>)
      %dma_wait3A_871 = arith.constant 0 : i32
      %dma_wait3A_872 = arith.constant 0 : i32
      %dma_wait3A_873 = tpu.memref_slice %arg12[%dma_wait3A_871, %dma_wait3A_872] : memref<80x128xf32, #tpu.memory_space<vmem>> -> memref<80x128xf32, #tpu.memory_space<vmem>>
      %dma_wait3A_874 = arith.constant 0 : i32
      %dma_wait3A_875 = tpu.memref_slice %arg17[%add3A_761, %dma_wait3A_874] : memref<10000x128xf32, #tpu.memory_space<vmem_shared>> -> memref<80x128xf32, #tpu.memory_space<vmem_shared>>
      %dma_wait3A_876 = arith.constant 0 : i32
      %dma_wait3A_877 = arith.constant 0 : i32
      %dma_wait3A_878 = tpu.memref_slice %arg12[%dma_wait3A_876, %dma_wait3A_877] : memref<80x128xf32, #tpu.memory_space<vmem>> -> memref<80x128xf32, #tpu.memory_space<vmem>>
      %dma_wait3A_879 = arith.constant 0 : i32
      %dma_wait3A_880 = tpu.memref_slice %arg17[%add3A_761, %dma_wait3A_879] : memref<10000x128xf32, #tpu.memory_space<vmem_shared>> -> memref<80x128xf32, #tpu.memory_space<vmem_shared>>
      tpu.wait_dma2 semaphore(%run_scoped3A : memref<!tpu.dma_semaphore, #tpu.memory_space<semaphore_mem>>) src(%dma_wait3A_880 : memref<80x128xf32, #tpu.memory_space<vmem_shared>>) dst(%dma_wait3A_878 : memref<80x128xf32, #tpu.memory_space<vmem>>)
      tpu.yield
    }) : () -> ()
    %add3A_762 = arith.constant 0 : i32
    %add3A_763 = arith.addi %add3A_759, %add3A_762 : i32
    "tpu.region"() ({
      %run_scoped3A = tpu.sem_alloc : memref<!tpu.dma_semaphore, #tpu.memory_space<semaphore_mem>>
      %dma_start3A_861 = arith.constant 0 : i32
      %dma_start3A_862 = arith.constant 0 : i32
      %dma_start3A_863 = tpu.memref_slice %arg12[%dma_start3A_861, %dma_start3A_862] : memref<80x128xf32, #tpu.memory_space<vmem>> -> memref<80x128xf32, #tpu.memory_space<vmem>>
      %dma_start3A_864 = arith.constant 0 : i32
      %dma_start3A_865 = tpu.memref_slice %arg5[%add3A_763, %dma_start3A_864] : memref<20000x128xf32, #tpu.memory_space<hbm>> -> memref<80x128xf32, #tpu.memory_space<hbm>>
      %dma_start3A_866 = arith.constant 0 : i32
      %dma_start3A_867 = tpu.memref_slice %arg5[%add3A_763, %dma_start3A_866] : memref<20000x128xf32, #tpu.memory_space<hbm>> -> memref<80x128xf32, #tpu.memory_space<hbm>>
      %dma_start3A_868 = arith.constant 0 : i32
      %dma_start3A_869 = arith.constant 0 : i32
      %dma_start3A_870 = tpu.memref_slice %arg12[%dma_start3A_868, %dma_start3A_869] : memref<80x128xf32, #tpu.memory_space<vmem>> -> memref<80x128xf32, #tpu.memory_space<vmem>>
      tpu.enqueue_dma source(%dma_start3A_870 : memref<80x128xf32, #tpu.memory_space<vmem>>) target(%dma_start3A_867 : memref<80x128xf32, #tpu.memory_space<hbm>>) target_semaphore(%run_scoped3A : memref<!tpu.dma_semaphore, #tpu.memory_space<semaphore_mem>>)
      %dma_wait3A_871 = arith.constant 0 : i32
      %dma_wait3A_872 = arith.constant 0 : i32
      %dma_wait3A_873 = tpu.memref_slice %arg12[%dma_wait3A_871, %dma_wait3A_872] : memref<80x128xf32, #tpu.memory_space<vmem>> -> memref<80x128xf32, #tpu.memory_space<vmem>>
      %dma_wait3A_874 = arith.constant 0 : i32
      %dma_wait3A_875 = tpu.memref_slice %arg5[%add3A_763, %dma_wait3A_874] : memref<20000x128xf32, #tpu.memory_space<hbm>> -> memref<80x128xf32, #tpu.memory_space<hbm>>
      %dma_wait3A_876 = arith.constant 0 : i32
      %dma_wait3A_877 = tpu.memref_slice %arg5[%add3A_763, %dma_wait3A_876] : memref<20000x128xf32, #tpu.memory_space<hbm>> -> memref<80x128xf32, #tpu.memory_space<hbm>>
      %dma_wait3A_878 = arith.constant 0 : i32
      %dma_wait3A_879 = arith.constant 0 : i32
      %dma_wait3A_880 = tpu.memref_slice %arg12[%dma_wait3A_878, %dma_wait3A_879] : memref<80x128xf32, #tpu.memory_space<vmem>> -> memref<80x128xf32, #tpu.memory_space<vmem>>
      tpu.wait_dma2 semaphore(%run_scoped3A : memref<!tpu.dma_semaphore, #tpu.memory_space<semaphore_mem>>) src(%dma_wait3A_880 : memref<80x128xf32, #tpu.memory_space<vmem>>) dst(%dma_wait3A_877 : memref<80x128xf32, #tpu.memory_space<hbm>>)
      tpu.yield
    }) : () -> ()
    %add3A_764 = arith.constant 0 : i32
    %add3A_765 = arith.addi %mul3A_7, %add3A_764 : i32
    "tpu.region"() ({
      %run_scoped3A = tpu.sem_alloc : memref<!tpu.dma_semaphore, #tpu.memory_space<semaphore_mem>>
      %dma_start3A_861 = arith.constant 0 : i32
      %dma_start3A_862 = arith.constant 0 : i32
      %dma_start3A_863 = tpu.memref_slice %arg14[%dma_start3A_861, %dma_start3A_862] : memref<80x16xf32, #tpu.memory_space<vmem>> -> memref<80x16xf32, #tpu.memory_space<vmem>>
      %dma_start3A_864 = arith.constant 0 : i32
      %dma_start3A_865 = tpu.memref_slice %arg18[%add3A_765, %dma_start3A_864] : memref<10000x16xf32, #tpu.memory_space<vmem_shared>> -> memref<80x16xf32, #tpu.memory_space<vmem_shared>>
      %dma_start3A_866 = arith.constant 0 : i32
      %dma_start3A_867 = arith.constant 0 : i32
      %dma_start3A_868 = tpu.memref_slice %arg14[%dma_start3A_866, %dma_start3A_867] : memref<80x16xf32, #tpu.memory_space<vmem>> -> memref<80x16xf32, #tpu.memory_space<vmem>>
      %dma_start3A_869 = arith.constant 0 : i32
      %dma_start3A_870 = tpu.memref_slice %arg18[%add3A_765, %dma_start3A_869] : memref<10000x16xf32, #tpu.memory_space<vmem_shared>> -> memref<80x16xf32, #tpu.memory_space<vmem_shared>>
      tpu.enqueue_dma source(%dma_start3A_870 : memref<80x16xf32, #tpu.memory_space<vmem_shared>>) target(%dma_start3A_868 : memref<80x16xf32, #tpu.memory_space<vmem>>) target_semaphore(%run_scoped3A : memref<!tpu.dma_semaphore, #tpu.memory_space<semaphore_mem>>)
      %dma_wait3A_871 = arith.constant 0 : i32
      %dma_wait3A_872 = arith.constant 0 : i32
      %dma_wait3A_873 = tpu.memref_slice %arg14[%dma_wait3A_871, %dma_wait3A_872] : memref<80x16xf32, #tpu.memory_space<vmem>> -> memref<80x16xf32, #tpu.memory_space<vmem>>
      %dma_wait3A_874 = arith.constant 0 : i32
      %dma_wait3A_875 = tpu.memref_slice %arg18[%add3A_765, %dma_wait3A_874] : memref<10000x16xf32, #tpu.memory_space<vmem_shared>> -> memref<80x16xf32, #tpu.memory_space<vmem_shared>>
      %dma_wait3A_876 = arith.constant 0 : i32
      %dma_wait3A_877 = arith.constant 0 : i32
      %dma_wait3A_878 = tpu.memref_slice %arg14[%dma_wait3A_876, %dma_wait3A_877] : memref<80x16xf32, #tpu.memory_space<vmem>> -> memref<80x16xf32, #tpu.memory_space<vmem>>
      %dma_wait3A_879 = arith.constant 0 : i32
      %dma_wait3A_880 = tpu.memref_slice %arg18[%add3A_765, %dma_wait3A_879] : memref<10000x16xf32, #tpu.memory_space<vmem_shared>> -> memref<80x16xf32, #tpu.memory_space<vmem_shared>>
      tpu.wait_dma2 semaphore(%run_scoped3A : memref<!tpu.dma_semaphore, #tpu.memory_space<semaphore_mem>>) src(%dma_wait3A_880 : memref<80x16xf32, #tpu.memory_space<vmem_shared>>) dst(%dma_wait3A_878 : memref<80x16xf32, #tpu.memory_space<vmem>>)
      tpu.yield
    }) : () -> ()
    %add3A_766 = arith.constant 0 : i32
    %add3A_767 = arith.addi %add3A_759, %add3A_766 : i32
    "tpu.region"() ({
      %run_scoped3A = tpu.sem_alloc : memref<!tpu.dma_semaphore, #tpu.memory_space<semaphore_mem>>
      %dma_start3A_861 = arith.constant 0 : i32
      %dma_start3A_862 = arith.constant 0 : i32
      %dma_start3A_863 = tpu.memref_slice %arg14[%dma_start3A_861, %dma_start3A_862] : memref<80x16xf32, #tpu.memory_space<vmem>> -> memref<80x16xf32, #tpu.memory_space<vmem>>
      %dma_start3A_864 = arith.constant 0 : i32
      %dma_start3A_865 = tpu.memref_slice %arg6[%add3A_767, %dma_start3A_864] : memref<20000x16xf32, #tpu.memory_space<hbm>> -> memref<80x16xf32, #tpu.memory_space<hbm>>
      %dma_start3A_866 = arith.constant 0 : i32
      %dma_start3A_867 = tpu.memref_slice %arg6[%add3A_767, %dma_start3A_866] : memref<20000x16xf32, #tpu.memory_space<hbm>> -> memref<80x16xf32, #tpu.memory_space<hbm>>
      %dma_start3A_868 = arith.constant 0 : i32
      %dma_start3A_869 = arith.constant 0 : i32
      %dma_start3A_870 = tpu.memref_slice %arg14[%dma_start3A_868, %dma_start3A_869] : memref<80x16xf32, #tpu.memory_space<vmem>> -> memref<80x16xf32, #tpu.memory_space<vmem>>
      tpu.enqueue_dma source(%dma_start3A_870 : memref<80x16xf32, #tpu.memory_space<vmem>>) target(%dma_start3A_867 : memref<80x16xf32, #tpu.memory_space<hbm>>) target_semaphore(%run_scoped3A : memref<!tpu.dma_semaphore, #tpu.memory_space<semaphore_mem>>)
      %dma_wait3A_871 = arith.constant 0 : i32
      %dma_wait3A_872 = arith.constant 0 : i32
      %dma_wait3A_873 = tpu.memref_slice %arg14[%dma_wait3A_871, %dma_wait3A_872] : memref<80x16xf32, #tpu.memory_space<vmem>> -> memref<80x16xf32, #tpu.memory_space<vmem>>
      %dma_wait3A_874 = arith.constant 0 : i32
      %dma_wait3A_875 = tpu.memref_slice %arg6[%add3A_767, %dma_wait3A_874] : memref<20000x16xf32, #tpu.memory_space<hbm>> -> memref<80x16xf32, #tpu.memory_space<hbm>>
      %dma_wait3A_876 = arith.constant 0 : i32
      %dma_wait3A_877 = tpu.memref_slice %arg6[%add3A_767, %dma_wait3A_876] : memref<20000x16xf32, #tpu.memory_space<hbm>> -> memref<80x16xf32, #tpu.memory_space<hbm>>
      %dma_wait3A_878 = arith.constant 0 : i32
      %dma_wait3A_879 = arith.constant 0 : i32
      %dma_wait3A_880 = tpu.memref_slice %arg14[%dma_wait3A_878, %dma_wait3A_879] : memref<80x16xf32, #tpu.memory_space<vmem>> -> memref<80x16xf32, #tpu.memory_space<vmem>>
      tpu.wait_dma2 semaphore(%run_scoped3A : memref<!tpu.dma_semaphore, #tpu.memory_space<semaphore_mem>>) src(%dma_wait3A_880 : memref<80x16xf32, #tpu.memory_space<vmem>>) dst(%dma_wait3A_877 : memref<80x16xf32, #tpu.memory_space<hbm>>)
      tpu.yield
    }) : () -> ()
    %add3A_768 = arith.constant 0 : i32
    %add3A_769 = arith.addi %mul3A_7, %add3A_768 : i32
    "tpu.region"() ({
      %run_scoped3A = tpu.sem_alloc : memref<!tpu.dma_semaphore, #tpu.memory_space<semaphore_mem>>
      %dma_start3A_861 = arith.constant 0 : i32
      %dma_start3A_862 = arith.constant 0 : i32
      %dma_start3A_863 = tpu.memref_slice %arg16[%dma_start3A_861, %dma_start3A_862] : memref<80x16xf32, #tpu.memory_space<vmem>> -> memref<80x16xf32, #tpu.memory_space<vmem>>
      %dma_start3A_864 = arith.constant 0 : i32
      %dma_start3A_865 = tpu.memref_slice %arg19[%add3A_769, %dma_start3A_864] : memref<10000x16xf32, #tpu.memory_space<vmem_shared>> -> memref<80x16xf32, #tpu.memory_space<vmem_shared>>
      %dma_start3A_866 = arith.constant 0 : i32
      %dma_start3A_867 = arith.constant 0 : i32
      %dma_start3A_868 = tpu.memref_slice %arg16[%dma_start3A_866, %dma_start3A_867] : memref<80x16xf32, #tpu.memory_space<vmem>> -> memref<80x16xf32, #tpu.memory_space<vmem>>
      %dma_start3A_869 = arith.constant 0 : i32
      %dma_start3A_870 = tpu.memref_slice %arg19[%add3A_769, %dma_start3A_869] : memref<10000x16xf32, #tpu.memory_space<vmem_shared>> -> memref<80x16xf32, #tpu.memory_space<vmem_shared>>
      tpu.enqueue_dma source(%dma_start3A_870 : memref<80x16xf32, #tpu.memory_space<vmem_shared>>) target(%dma_start3A_868 : memref<80x16xf32, #tpu.memory_space<vmem>>) target_semaphore(%run_scoped3A : memref<!tpu.dma_semaphore, #tpu.memory_space<semaphore_mem>>)
      %dma_wait3A_871 = arith.constant 0 : i32
      %dma_wait3A_872 = arith.constant 0 : i32
      %dma_wait3A_873 = tpu.memref_slice %arg16[%dma_wait3A_871, %dma_wait3A_872] : memref<80x16xf32, #tpu.memory_space<vmem>> -> memref<80x16xf32, #tpu.memory_space<vmem>>
      %dma_wait3A_874 = arith.constant 0 : i32
      %dma_wait3A_875 = tpu.memref_slice %arg19[%add3A_769, %dma_wait3A_874] : memref<10000x16xf32, #tpu.memory_space<vmem_shared>> -> memref<80x16xf32, #tpu.memory_space<vmem_shared>>
      %dma_wait3A_876 = arith.constant 0 : i32
      %dma_wait3A_877 = arith.constant 0 : i32
      %dma_wait3A_878 = tpu.memref_slice %arg16[%dma_wait3A_876, %dma_wait3A_877] : memref<80x16xf32, #tpu.memory_space<vmem>> -> memref<80x16xf32, #tpu.memory_space<vmem>>
      %dma_wait3A_879 = arith.constant 0 : i32
      %dma_wait3A_880 = tpu.memref_slice %arg19[%add3A_769, %dma_wait3A_879] : memref<10000x16xf32, #tpu.memory_space<vmem_shared>> -> memref<80x16xf32, #tpu.memory_space<vmem_shared>>
      tpu.wait_dma2 semaphore(%run_scoped3A : memref<!tpu.dma_semaphore, #tpu.memory_space<semaphore_mem>>) src(%dma_wait3A_880 : memref<80x16xf32, #tpu.memory_space<vmem_shared>>) dst(%dma_wait3A_878 : memref<80x16xf32, #tpu.memory_space<vmem>>)
      tpu.yield
    }) : () -> ()
    %add3A_770 = arith.constant 0 : i32
    %add3A_771 = arith.addi %add3A_759, %add3A_770 : i32
    "tpu.region"() ({
      %run_scoped3A = tpu.sem_alloc : memref<!tpu.dma_semaphore, #tpu.memory_space<semaphore_mem>>
      %dma_start3A_861 = arith.constant 0 : i32
      %dma_start3A_862 = arith.constant 0 : i32
      %dma_start3A_863 = tpu.memref_slice %arg16[%dma_start3A_861, %dma_start3A_862] : memref<80x16xf32, #tpu.memory_space<vmem>> -> memref<80x16xf32, #tpu.memory_space<vmem>>
      %dma_start3A_864 = arith.constant 0 : i32
      %dma_start3A_865 = tpu.memref_slice %arg7[%add3A_771, %dma_start3A_864] : memref<20000x16xf32, #tpu.memory_space<hbm>> -> memref<80x16xf32, #tpu.memory_space<hbm>>
      %dma_start3A_866 = arith.constant 0 : i32
      %dma_start3A_867 = tpu.memref_slice %arg7[%add3A_771, %dma_start3A_866] : memref<20000x16xf32, #tpu.memory_space<hbm>> -> memref<80x16xf32, #tpu.memory_space<hbm>>
      %dma_start3A_868 = arith.constant 0 : i32
      %dma_start3A_869 = arith.constant 0 : i32
      %dma_start3A_870 = tpu.memref_slice %arg16[%dma_start3A_868, %dma_start3A_869] : memref<80x16xf32, #tpu.memory_space<vmem>> -> memref<80x16xf32, #tpu.memory_space<vmem>>
      tpu.enqueue_dma source(%dma_start3A_870 : memref<80x16xf32, #tpu.memory_space<vmem>>) target(%dma_start3A_867 : memref<80x16xf32, #tpu.memory_space<hbm>>) target_semaphore(%run_scoped3A : memref<!tpu.dma_semaphore, #tpu.memory_space<semaphore_mem>>)
      %dma_wait3A_871 = arith.constant 0 : i32
      %dma_wait3A_872 = arith.constant 0 : i32
      %dma_wait3A_873 = tpu.memref_slice %arg16[%dma_wait3A_871, %dma_wait3A_872] : memref<80x16xf32, #tpu.memory_space<vmem>> -> memref<80x16xf32, #tpu.memory_space<vmem>>
      %dma_wait3A_874 = arith.constant 0 : i32
      %dma_wait3A_875 = tpu.memref_slice %arg7[%add3A_771, %dma_wait3A_874] : memref<20000x16xf32, #tpu.memory_space<hbm>> -> memref<80x16xf32, #tpu.memory_space<hbm>>
      %dma_wait3A_876 = arith.constant 0 : i32
      %dma_wait3A_877 = tpu.memref_slice %arg7[%add3A_771, %dma_wait3A_876] : memref<20000x16xf32, #tpu.memory_space<hbm>> -> memref<80x16xf32, #tpu.memory_space<hbm>>
      %dma_wait3A_878 = arith.constant 0 : i32
      %dma_wait3A_879 = arith.constant 0 : i32
      %dma_wait3A_880 = tpu.memref_slice %arg16[%dma_wait3A_878, %dma_wait3A_879] : memref<80x16xf32, #tpu.memory_space<vmem>> -> memref<80x16xf32, #tpu.memory_space<vmem>>
      tpu.wait_dma2 semaphore(%run_scoped3A : memref<!tpu.dma_semaphore, #tpu.memory_space<semaphore_mem>>) src(%dma_wait3A_880 : memref<80x16xf32, #tpu.memory_space<vmem>>) dst(%dma_wait3A_877 : memref<80x16xf32, #tpu.memory_space<hbm>>)
      tpu.yield
    }) : () -> ()
    %add3A_772 = arith.constant 80 : i32
    %add3A_773 = arith.addi %mul3A_7, %add3A_772 : i32
    "tpu.region"() ({
      %run_scoped3A = tpu.sem_alloc : memref<!tpu.dma_semaphore, #tpu.memory_space<semaphore_mem>>
      %dma_start3A_861 = arith.constant 0 : i32
      %dma_start3A_862 = arith.constant 0 : i32
      %dma_start3A_863 = tpu.memref_slice %arg12[%dma_start3A_861, %dma_start3A_862] : memref<80x128xf32, #tpu.memory_space<vmem>> -> memref<80x128xf32, #tpu.memory_space<vmem>>
      %dma_start3A_864 = arith.constant 0 : i32
      %dma_start3A_865 = tpu.memref_slice %arg17[%add3A_773, %dma_start3A_864] : memref<10000x128xf32, #tpu.memory_space<vmem_shared>> -> memref<80x128xf32, #tpu.memory_space<vmem_shared>>
      %dma_start3A_866 = arith.constant 0 : i32
      %dma_start3A_867 = arith.constant 0 : i32
      %dma_start3A_868 = tpu.memref_slice %arg12[%dma_start3A_866, %dma_start3A_867] : memref<80x128xf32, #tpu.memory_space<vmem>> -> memref<80x128xf32, #tpu.memory_space<vmem>>
      %dma_start3A_869 = arith.constant 0 : i32
      %dma_start3A_870 = tpu.memref_slice %arg17[%add3A_773, %dma_start3A_869] : memref<10000x128xf32, #tpu.memory_space<vmem_shared>> -> memref<80x128xf32, #tpu.memory_space<vmem_shared>>
      tpu.enqueue_dma source(%dma_start3A_870 : memref<80x128xf32, #tpu.memory_space<vmem_shared>>) target(%dma_start3A_868 : memref<80x128xf32, #tpu.memory_space<vmem>>) target_semaphore(%run_scoped3A : memref<!tpu.dma_semaphore, #tpu.memory_space<semaphore_mem>>)
      %dma_wait3A_871 = arith.constant 0 : i32
      %dma_wait3A_872 = arith.constant 0 : i32
      %dma_wait3A_873 = tpu.memref_slice %arg12[%dma_wait3A_871, %dma_wait3A_872] : memref<80x128xf32, #tpu.memory_space<vmem>> -> memref<80x128xf32, #tpu.memory_space<vmem>>
      %dma_wait3A_874 = arith.constant 0 : i32
      %dma_wait3A_875 = tpu.memref_slice %arg17[%add3A_773, %dma_wait3A_874] : memref<10000x128xf32, #tpu.memory_space<vmem_shared>> -> memref<80x128xf32, #tpu.memory_space<vmem_shared>>
      %dma_wait3A_876 = arith.constant 0 : i32
      %dma_wait3A_877 = arith.constant 0 : i32
      %dma_wait3A_878 = tpu.memref_slice %arg12[%dma_wait3A_876, %dma_wait3A_877] : memref<80x128xf32, #tpu.memory_space<vmem>> -> memref<80x128xf32, #tpu.memory_space<vmem>>
      %dma_wait3A_879 = arith.constant 0 : i32
      %dma_wait3A_880 = tpu.memref_slice %arg17[%add3A_773, %dma_wait3A_879] : memref<10000x128xf32, #tpu.memory_space<vmem_shared>> -> memref<80x128xf32, #tpu.memory_space<vmem_shared>>
      tpu.wait_dma2 semaphore(%run_scoped3A : memref<!tpu.dma_semaphore, #tpu.memory_space<semaphore_mem>>) src(%dma_wait3A_880 : memref<80x128xf32, #tpu.memory_space<vmem_shared>>) dst(%dma_wait3A_878 : memref<80x128xf32, #tpu.memory_space<vmem>>)
      tpu.yield
    }) : () -> ()
    %add3A_774 = arith.constant 80 : i32
    %add3A_775 = arith.addi %add3A_759, %add3A_774 : i32
    "tpu.region"() ({
      %run_scoped3A = tpu.sem_alloc : memref<!tpu.dma_semaphore, #tpu.memory_space<semaphore_mem>>
      %dma_start3A_861 = arith.constant 0 : i32
      %dma_start3A_862 = arith.constant 0 : i32
      %dma_start3A_863 = tpu.memref_slice %arg12[%dma_start3A_861, %dma_start3A_862] : memref<80x128xf32, #tpu.memory_space<vmem>> -> memref<80x128xf32, #tpu.memory_space<vmem>>
      %dma_start3A_864 = arith.constant 0 : i32
      %dma_start3A_865 = tpu.memref_slice %arg5[%add3A_775, %dma_start3A_864] : memref<20000x128xf32, #tpu.memory_space<hbm>> -> memref<80x128xf32, #tpu.memory_space<hbm>>
      %dma_start3A_866 = arith.constant 0 : i32
      %dma_start3A_867 = tpu.memref_slice %arg5[%add3A_775, %dma_start3A_866] : memref<20000x128xf32, #tpu.memory_space<hbm>> -> memref<80x128xf32, #tpu.memory_space<hbm>>
      %dma_start3A_868 = arith.constant 0 : i32
      %dma_start3A_869 = arith.constant 0 : i32
      %dma_start3A_870 = tpu.memref_slice %arg12[%dma_start3A_868, %dma_start3A_869] : memref<80x128xf32, #tpu.memory_space<vmem>> -> memref<80x128xf32, #tpu.memory_space<vmem>>
      tpu.enqueue_dma source(%dma_start3A_870 : memref<80x128xf32, #tpu.memory_space<vmem>>) target(%dma_start3A_867 : memref<80x128xf32, #tpu.memory_space<hbm>>) target_semaphore(%run_scoped3A : memref<!tpu.dma_semaphore, #tpu.memory_space<semaphore_mem>>)
      %dma_wait3A_871 = arith.constant 0 : i32
      %dma_wait3A_872 = arith.constant 0 : i32
      %dma_wait3A_873 = tpu.memref_slice %arg12[%dma_wait3A_871, %dma_wait3A_872] : memref<80x128xf32, #tpu.memory_space<vmem>> -> memref<80x128xf32, #tpu.memory_space<vmem>>
      %dma_wait3A_874 = arith.constant 0 : i32
      %dma_wait3A_875 = tpu.memref_slice %arg5[%add3A_775, %dma_wait3A_874] : memref<20000x128xf32, #tpu.memory_space<hbm>> -> memref<80x128xf32, #tpu.memory_space<hbm>>
      %dma_wait3A_876 = arith.constant 0 : i32
      %dma_wait3A_877 = tpu.memref_slice %arg5[%add3A_775, %dma_wait3A_876] : memref<20000x128xf32, #tpu.memory_space<hbm>> -> memref<80x128xf32, #tpu.memory_space<hbm>>
      %dma_wait3A_878 = arith.constant 0 : i32
      %dma_wait3A_879 = arith.constant 0 : i32
      %dma_wait3A_880 = tpu.memref_slice %arg12[%dma_wait3A_878, %dma_wait3A_879] : memref<80x128xf32, #tpu.memory_space<vmem>> -> memref<80x128xf32, #tpu.memory_space<vmem>>
      tpu.wait_dma2 semaphore(%run_scoped3A : memref<!tpu.dma_semaphore, #tpu.memory_space<semaphore_mem>>) src(%dma_wait3A_880 : memref<80x128xf32, #tpu.memory_space<vmem>>) dst(%dma_wait3A_877 : memref<80x128xf32, #tpu.memory_space<hbm>>)
      tpu.yield
    }) : () -> ()
    %add3A_776 = arith.constant 80 : i32
    %add3A_777 = arith.addi %mul3A_7, %add3A_776 : i32
    "tpu.region"() ({
      %run_scoped3A = tpu.sem_alloc : memref<!tpu.dma_semaphore, #tpu.memory_space<semaphore_mem>>
      %dma_start3A_861 = arith.constant 0 : i32
      %dma_start3A_862 = arith.constant 0 : i32
      %dma_start3A_863 = tpu.memref_slice %arg14[%dma_start3A_861, %dma_start3A_862] : memref<80x16xf32, #tpu.memory_space<vmem>> -> memref<80x16xf32, #tpu.memory_space<vmem>>
      %dma_start3A_864 = arith.constant 0 : i32
      %dma_start3A_865 = tpu.memref_slice %arg18[%add3A_777, %dma_start3A_864] : memref<10000x16xf32, #tpu.memory_space<vmem_shared>> -> memref<80x16xf32, #tpu.memory_space<vmem_shared>>
      %dma_start3A_866 = arith.constant 0 : i32
      %dma_start3A_867 = arith.constant 0 : i32
      %dma_start3A_868 = tpu.memref_slice %arg14[%dma_start3A_866, %dma_start3A_867] : memref<80x16xf32, #tpu.memory_space<vmem>> -> memref<80x16xf32, #tpu.memory_space<vmem>>
      %dma_start3A_869 = arith.constant 0 : i32
      %dma_start3A_870 = tpu.memref_slice %arg18[%add3A_777, %dma_start3A_869] : memref<10000x16xf32, #tpu.memory_space<vmem_shared>> -> memref<80x16xf32, #tpu.memory_space<vmem_shared>>
      tpu.enqueue_dma source(%dma_start3A_870 : memref<80x16xf32, #tpu.memory_space<vmem_shared>>) target(%dma_start3A_868 : memref<80x16xf32, #tpu.memory_space<vmem>>) target_semaphore(%run_scoped3A : memref<!tpu.dma_semaphore, #tpu.memory_space<semaphore_mem>>)
      %dma_wait3A_871 = arith.constant 0 : i32
      %dma_wait3A_872 = arith.constant 0 : i32
      %dma_wait3A_873 = tpu.memref_slice %arg14[%dma_wait3A_871, %dma_wait3A_872] : memref<80x16xf32, #tpu.memory_space<vmem>> -> memref<80x16xf32, #tpu.memory_space<vmem>>
      %dma_wait3A_874 = arith.constant 0 : i32
      %dma_wait3A_875 = tpu.memref_slice %arg18[%add3A_777, %dma_wait3A_874] : memref<10000x16xf32, #tpu.memory_space<vmem_shared>> -> memref<80x16xf32, #tpu.memory_space<vmem_shared>>
      %dma_wait3A_876 = arith.constant 0 : i32
      %dma_wait3A_877 = arith.constant 0 : i32
      %dma_wait3A_878 = tpu.memref_slice %arg14[%dma_wait3A_876, %dma_wait3A_877] : memref<80x16xf32, #tpu.memory_space<vmem>> -> memref<80x16xf32, #tpu.memory_space<vmem>>
      %dma_wait3A_879 = arith.constant 0 : i32
      %dma_wait3A_880 = tpu.memref_slice %arg18[%add3A_777, %dma_wait3A_879] : memref<10000x16xf32, #tpu.memory_space<vmem_shared>> -> memref<80x16xf32, #tpu.memory_space<vmem_shared>>
      tpu.wait_dma2 semaphore(%run_scoped3A : memref<!tpu.dma_semaphore, #tpu.memory_space<semaphore_mem>>) src(%dma_wait3A_880 : memref<80x16xf32, #tpu.memory_space<vmem_shared>>) dst(%dma_wait3A_878 : memref<80x16xf32, #tpu.memory_space<vmem>>)
      tpu.yield
    }) : () -> ()
    %add3A_778 = arith.constant 80 : i32
    %add3A_779 = arith.addi %add3A_759, %add3A_778 : i32
    "tpu.region"() ({
      %run_scoped3A = tpu.sem_alloc : memref<!tpu.dma_semaphore, #tpu.memory_space<semaphore_mem>>
      %dma_start3A_861 = arith.constant 0 : i32
      %dma_start3A_862 = arith.constant 0 : i32
      %dma_start3A_863 = tpu.memref_slice %arg14[%dma_start3A_861, %dma_start3A_862] : memref<80x16xf32, #tpu.memory_space<vmem>> -> memref<80x16xf32, #tpu.memory_space<vmem>>
      %dma_start3A_864 = arith.constant 0 : i32
      %dma_start3A_865 = tpu.memref_slice %arg6[%add3A_779, %dma_start3A_864] : memref<20000x16xf32, #tpu.memory_space<hbm>> -> memref<80x16xf32, #tpu.memory_space<hbm>>
      %dma_start3A_866 = arith.constant 0 : i32
      %dma_start3A_867 = tpu.memref_slice %arg6[%add3A_779, %dma_start3A_866] : memref<20000x16xf32, #tpu.memory_space<hbm>> -> memref<80x16xf32, #tpu.memory_space<hbm>>
      %dma_start3A_868 = arith.constant 0 : i32
      %dma_start3A_869 = arith.constant 0 : i32
      %dma_start3A_870 = tpu.memref_slice %arg14[%dma_start3A_868, %dma_start3A_869] : memref<80x16xf32, #tpu.memory_space<vmem>> -> memref<80x16xf32, #tpu.memory_space<vmem>>
      tpu.enqueue_dma source(%dma_start3A_870 : memref<80x16xf32, #tpu.memory_space<vmem>>) target(%dma_start3A_867 : memref<80x16xf32, #tpu.memory_space<hbm>>) target_semaphore(%run_scoped3A : memref<!tpu.dma_semaphore, #tpu.memory_space<semaphore_mem>>)
      %dma_wait3A_871 = arith.constant 0 : i32
      %dma_wait3A_872 = arith.constant 0 : i32
      %dma_wait3A_873 = tpu.memref_slice %arg14[%dma_wait3A_871, %dma_wait3A_872] : memref<80x16xf32, #tpu.memory_space<vmem>> -> memref<80x16xf32, #tpu.memory_space<vmem>>
      %dma_wait3A_874 = arith.constant 0 : i32
      %dma_wait3A_875 = tpu.memref_slice %arg6[%add3A_779, %dma_wait3A_874] : memref<20000x16xf32, #tpu.memory_space<hbm>> -> memref<80x16xf32, #tpu.memory_space<hbm>>
      %dma_wait3A_876 = arith.constant 0 : i32
      %dma_wait3A_877 = tpu.memref_slice %arg6[%add3A_779, %dma_wait3A_876] : memref<20000x16xf32, #tpu.memory_space<hbm>> -> memref<80x16xf32, #tpu.memory_space<hbm>>
      %dma_wait3A_878 = arith.constant 0 : i32
      %dma_wait3A_879 = arith.constant 0 : i32
      %dma_wait3A_880 = tpu.memref_slice %arg14[%dma_wait3A_878, %dma_wait3A_879] : memref<80x16xf32, #tpu.memory_space<vmem>> -> memref<80x16xf32, #tpu.memory_space<vmem>>
      tpu.wait_dma2 semaphore(%run_scoped3A : memref<!tpu.dma_semaphore, #tpu.memory_space<semaphore_mem>>) src(%dma_wait3A_880 : memref<80x16xf32, #tpu.memory_space<vmem>>) dst(%dma_wait3A_877 : memref<80x16xf32, #tpu.memory_space<hbm>>)
      tpu.yield
    }) : () -> ()
    %add3A_780 = arith.constant 80 : i32
    %add3A_781 = arith.addi %mul3A_7, %add3A_780 : i32
    "tpu.region"() ({
      %run_scoped3A = tpu.sem_alloc : memref<!tpu.dma_semaphore, #tpu.memory_space<semaphore_mem>>
      %dma_start3A_861 = arith.constant 0 : i32
      %dma_start3A_862 = arith.constant 0 : i32
      %dma_start3A_863 = tpu.memref_slice %arg16[%dma_start3A_861, %dma_start3A_862] : memref<80x16xf32, #tpu.memory_space<vmem>> -> memref<80x16xf32, #tpu.memory_space<vmem>>
      %dma_start3A_864 = arith.constant 0 : i32
      %dma_start3A_865 = tpu.memref_slice %arg19[%add3A_781, %dma_start3A_864] : memref<10000x16xf32, #tpu.memory_space<vmem_shared>> -> memref<80x16xf32, #tpu.memory_space<vmem_shared>>
      %dma_start3A_866 = arith.constant 0 : i32
      %dma_start3A_867 = arith.constant 0 : i32
      %dma_start3A_868 = tpu.memref_slice %arg16[%dma_start3A_866, %dma_start3A_867] : memref<80x16xf32, #tpu.memory_space<vmem>> -> memref<80x16xf32, #tpu.memory_space<vmem>>
      %dma_start3A_869 = arith.constant 0 : i32
      %dma_start3A_870 = tpu.memref_slice %arg19[%add3A_781, %dma_start3A_869] : memref<10000x16xf32, #tpu.memory_space<vmem_shared>> -> memref<80x16xf32, #tpu.memory_space<vmem_shared>>
      tpu.enqueue_dma source(%dma_start3A_870 : memref<80x16xf32, #tpu.memory_space<vmem_shared>>) target(%dma_start3A_868 : memref<80x16xf32, #tpu.memory_space<vmem>>) target_semaphore(%run_scoped3A : memref<!tpu.dma_semaphore, #tpu.memory_space<semaphore_mem>>)
      %dma_wait3A_871 = arith.constant 0 : i32
      %dma_wait3A_872 = arith.constant 0 : i32
      %dma_wait3A_873 = tpu.memref_slice %arg16[%dma_wait3A_871, %dma_wait3A_872] : memref<80x16xf32, #tpu.memory_space<vmem>> -> memref<80x16xf32, #tpu.memory_space<vmem>>
      %dma_wait3A_874 = arith.constant 0 : i32
      %dma_wait3A_875 = tpu.memref_slice %arg19[%add3A_781, %dma_wait3A_874] : memref<10000x16xf32, #tpu.memory_space<vmem_shared>> -> memref<80x16xf32, #tpu.memory_space<vmem_shared>>
      %dma_wait3A_876 = arith.constant 0 : i32
      %dma_wait3A_877 = arith.constant 0 : i32
      %dma_wait3A_878 = tpu.memref_slice %arg16[%dma_wait3A_876, %dma_wait3A_877] : memref<80x16xf32, #tpu.memory_space<vmem>> -> memref<80x16xf32, #tpu.memory_space<vmem>>
      %dma_wait3A_879 = arith.constant 0 : i32
      %dma_wait3A_880 = tpu.memref_slice %arg19[%add3A_781, %dma_wait3A_879] : memref<10000x16xf32, #tpu.memory_space<vmem_shared>> -> memref<80x16xf32, #tpu.memory_space<vmem_shared>>
      tpu.wait_dma2 semaphore(%run_scoped3A : memref<!tpu.dma_semaphore, #tpu.memory_space<semaphore_mem>>) src(%dma_wait3A_880 : memref<80x16xf32, #tpu.memory_space<vmem_shared>>) dst(%dma_wait3A_878 : memref<80x16xf32, #tpu.memory_space<vmem>>)
      tpu.yield
    }) : () -> ()
    %add3A_782 = arith.constant 80 : i32
    %add3A_783 = arith.addi %add3A_759, %add3A_782 : i32
    "tpu.region"() ({
      %run_scoped3A = tpu.sem_alloc : memref<!tpu.dma_semaphore, #tpu.memory_space<semaphore_mem>>
      %dma_start3A_861 = arith.constant 0 : i32
      %dma_start3A_862 = arith.constant 0 : i32
      %dma_start3A_863 = tpu.memref_slice %arg16[%dma_start3A_861, %dma_start3A_862] : memref<80x16xf32, #tpu.memory_space<vmem>> -> memref<80x16xf32, #tpu.memory_space<vmem>>
      %dma_start3A_864 = arith.constant 0 : i32
      %dma_start3A_865 = tpu.memref_slice %arg7[%add3A_783, %dma_start3A_864] : memref<20000x16xf32, #tpu.memory_space<hbm>> -> memref<80x16xf32, #tpu.memory_space<hbm>>
      %dma_start3A_866 = arith.constant 0 : i32
      %dma_start3A_867 = tpu.memref_slice %arg7[%add3A_783, %dma_start3A_866] : memref<20000x16xf32, #tpu.memory_space<hbm>> -> memref<80x16xf32, #tpu.memory_space<hbm>>
      %dma_start3A_868 = arith.constant 0 : i32
      %dma_start3A_869 = arith.constant 0 : i32
      %dma_start3A_870 = tpu.memref_slice %arg16[%dma_start3A_868, %dma_start3A_869] : memref<80x16xf32, #tpu.memory_space<vmem>> -> memref<80x16xf32, #tpu.memory_space<vmem>>
      tpu.enqueue_dma source(%dma_start3A_870 : memref<80x16xf32, #tpu.memory_space<vmem>>) target(%dma_start3A_867 : memref<80x16xf32, #tpu.memory_space<hbm>>) target_semaphore(%run_scoped3A : memref<!tpu.dma_semaphore, #tpu.memory_space<semaphore_mem>>)
      %dma_wait3A_871 = arith.constant 0 : i32
      %dma_wait3A_872 = arith.constant 0 : i32
      %dma_wait3A_873 = tpu.memref_slice %arg16[%dma_wait3A_871, %dma_wait3A_872] : memref<80x16xf32, #tpu.memory_space<vmem>> -> memref<80x16xf32, #tpu.memory_space<vmem>>
      %dma_wait3A_874 = arith.constant 0 : i32
      %dma_wait3A_875 = tpu.memref_slice %arg7[%add3A_783, %dma_wait3A_874] : memref<20000x16xf32, #tpu.memory_space<hbm>> -> memref<80x16xf32, #tpu.memory_space<hbm>>
      %dma_wait3A_876 = arith.constant 0 : i32
      %dma_wait3A_877 = tpu.memref_slice %arg7[%add3A_783, %dma_wait3A_876] : memref<20000x16xf32, #tpu.memory_space<hbm>> -> memref<80x16xf32, #tpu.memory_space<hbm>>
      %dma_wait3A_878 = arith.constant 0 : i32
      %dma_wait3A_879 = arith.constant 0 : i32
      %dma_wait3A_880 = tpu.memref_slice %arg16[%dma_wait3A_878, %dma_wait3A_879] : memref<80x16xf32, #tpu.memory_space<vmem>> -> memref<80x16xf32, #tpu.memory_space<vmem>>
      tpu.wait_dma2 semaphore(%run_scoped3A : memref<!tpu.dma_semaphore, #tpu.memory_space<semaphore_mem>>) src(%dma_wait3A_880 : memref<80x16xf32, #tpu.memory_space<vmem>>) dst(%dma_wait3A_877 : memref<80x16xf32, #tpu.memory_space<hbm>>)
      tpu.yield
    }) : () -> ()
    %add3A_784 = arith.constant 160 : i32
    %add3A_785 = arith.addi %mul3A_7, %add3A_784 : i32
    "tpu.region"() ({
      %run_scoped3A = tpu.sem_alloc : memref<!tpu.dma_semaphore, #tpu.memory_space<semaphore_mem>>
      %dma_start3A_861 = arith.constant 0 : i32
      %dma_start3A_862 = arith.constant 0 : i32
      %dma_start3A_863 = tpu.memref_slice %arg12[%dma_start3A_861, %dma_start3A_862] : memref<80x128xf32, #tpu.memory_space<vmem>> -> memref<80x128xf32, #tpu.memory_space<vmem>>
      %dma_start3A_864 = arith.constant 0 : i32
      %dma_start3A_865 = tpu.memref_slice %arg17[%add3A_785, %dma_start3A_864] : memref<10000x128xf32, #tpu.memory_space<vmem_shared>> -> memref<80x128xf32, #tpu.memory_space<vmem_shared>>
      %dma_start3A_866 = arith.constant 0 : i32
      %dma_start3A_867 = arith.constant 0 : i32
      %dma_start3A_868 = tpu.memref_slice %arg12[%dma_start3A_866, %dma_start3A_867] : memref<80x128xf32, #tpu.memory_space<vmem>> -> memref<80x128xf32, #tpu.memory_space<vmem>>
      %dma_start3A_869 = arith.constant 0 : i32
      %dma_start3A_870 = tpu.memref_slice %arg17[%add3A_785, %dma_start3A_869] : memref<10000x128xf32, #tpu.memory_space<vmem_shared>> -> memref<80x128xf32, #tpu.memory_space<vmem_shared>>
      tpu.enqueue_dma source(%dma_start3A_870 : memref<80x128xf32, #tpu.memory_space<vmem_shared>>) target(%dma_start3A_868 : memref<80x128xf32, #tpu.memory_space<vmem>>) target_semaphore(%run_scoped3A : memref<!tpu.dma_semaphore, #tpu.memory_space<semaphore_mem>>)
      %dma_wait3A_871 = arith.constant 0 : i32
      %dma_wait3A_872 = arith.constant 0 : i32
      %dma_wait3A_873 = tpu.memref_slice %arg12[%dma_wait3A_871, %dma_wait3A_872] : memref<80x128xf32, #tpu.memory_space<vmem>> -> memref<80x128xf32, #tpu.memory_space<vmem>>
      %dma_wait3A_874 = arith.constant 0 : i32
      %dma_wait3A_875 = tpu.memref_slice %arg17[%add3A_785, %dma_wait3A_874] : memref<10000x128xf32, #tpu.memory_space<vmem_shared>> -> memref<80x128xf32, #tpu.memory_space<vmem_shared>>
      %dma_wait3A_876 = arith.constant 0 : i32
      %dma_wait3A_877 = arith.constant 0 : i32
      %dma_wait3A_878 = tpu.memref_slice %arg12[%dma_wait3A_876, %dma_wait3A_877] : memref<80x128xf32, #tpu.memory_space<vmem>> -> memref<80x128xf32, #tpu.memory_space<vmem>>
      %dma_wait3A_879 = arith.constant 0 : i32
      %dma_wait3A_880 = tpu.memref_slice %arg17[%add3A_785, %dma_wait3A_879] : memref<10000x128xf32, #tpu.memory_space<vmem_shared>> -> memref<80x128xf32, #tpu.memory_space<vmem_shared>>
      tpu.wait_dma2 semaphore(%run_scoped3A : memref<!tpu.dma_semaphore, #tpu.memory_space<semaphore_mem>>) src(%dma_wait3A_880 : memref<80x128xf32, #tpu.memory_space<vmem_shared>>) dst(%dma_wait3A_878 : memref<80x128xf32, #tpu.memory_space<vmem>>)
      tpu.yield
    }) : () -> ()
    %add3A_786 = arith.constant 160 : i32
    %add3A_787 = arith.addi %add3A_759, %add3A_786 : i32
    "tpu.region"() ({
      %run_scoped3A = tpu.sem_alloc : memref<!tpu.dma_semaphore, #tpu.memory_space<semaphore_mem>>
      %dma_start3A_861 = arith.constant 0 : i32
      %dma_start3A_862 = arith.constant 0 : i32
      %dma_start3A_863 = tpu.memref_slice %arg12[%dma_start3A_861, %dma_start3A_862] : memref<80x128xf32, #tpu.memory_space<vmem>> -> memref<80x128xf32, #tpu.memory_space<vmem>>
      %dma_start3A_864 = arith.constant 0 : i32
      %dma_start3A_865 = tpu.memref_slice %arg5[%add3A_787, %dma_start3A_864] : memref<20000x128xf32, #tpu.memory_space<hbm>> -> memref<80x128xf32, #tpu.memory_space<hbm>>
      %dma_start3A_866 = arith.constant 0 : i32
      %dma_start3A_867 = tpu.memref_slice %arg5[%add3A_787, %dma_start3A_866] : memref<20000x128xf32, #tpu.memory_space<hbm>> -> memref<80x128xf32, #tpu.memory_space<hbm>>
      %dma_start3A_868 = arith.constant 0 : i32
      %dma_start3A_869 = arith.constant 0 : i32
      %dma_start3A_870 = tpu.memref_slice %arg12[%dma_start3A_868, %dma_start3A_869] : memref<80x128xf32, #tpu.memory_space<vmem>> -> memref<80x128xf32, #tpu.memory_space<vmem>>
      tpu.enqueue_dma source(%dma_start3A_870 : memref<80x128xf32, #tpu.memory_space<vmem>>) target(%dma_start3A_867 : memref<80x128xf32, #tpu.memory_space<hbm>>) target_semaphore(%run_scoped3A : memref<!tpu.dma_semaphore, #tpu.memory_space<semaphore_mem>>)
      %dma_wait3A_871 = arith.constant 0 : i32
      %dma_wait3A_872 = arith.constant 0 : i32
      %dma_wait3A_873 = tpu.memref_slice %arg12[%dma_wait3A_871, %dma_wait3A_872] : memref<80x128xf32, #tpu.memory_space<vmem>> -> memref<80x128xf32, #tpu.memory_space<vmem>>
      %dma_wait3A_874 = arith.constant 0 : i32
      %dma_wait3A_875 = tpu.memref_slice %arg5[%add3A_787, %dma_wait3A_874] : memref<20000x128xf32, #tpu.memory_space<hbm>> -> memref<80x128xf32, #tpu.memory_space<hbm>>
      %dma_wait3A_876 = arith.constant 0 : i32
      %dma_wait3A_877 = tpu.memref_slice %arg5[%add3A_787, %dma_wait3A_876] : memref<20000x128xf32, #tpu.memory_space<hbm>> -> memref<80x128xf32, #tpu.memory_space<hbm>>
      %dma_wait3A_878 = arith.constant 0 : i32
      %dma_wait3A_879 = arith.constant 0 : i32
      %dma_wait3A_880 = tpu.memref_slice %arg12[%dma_wait3A_878, %dma_wait3A_879] : memref<80x128xf32, #tpu.memory_space<vmem>> -> memref<80x128xf32, #tpu.memory_space<vmem>>
      tpu.wait_dma2 semaphore(%run_scoped3A : memref<!tpu.dma_semaphore, #tpu.memory_space<semaphore_mem>>) src(%dma_wait3A_880 : memref<80x128xf32, #tpu.memory_space<vmem>>) dst(%dma_wait3A_877 : memref<80x128xf32, #tpu.memory_space<hbm>>)
      tpu.yield
    }) : () -> ()
    %add3A_788 = arith.constant 160 : i32
    %add3A_789 = arith.addi %mul3A_7, %add3A_788 : i32
    "tpu.region"() ({
      %run_scoped3A = tpu.sem_alloc : memref<!tpu.dma_semaphore, #tpu.memory_space<semaphore_mem>>
      %dma_start3A_861 = arith.constant 0 : i32
      %dma_start3A_862 = arith.constant 0 : i32
      %dma_start3A_863 = tpu.memref_slice %arg14[%dma_start3A_861, %dma_start3A_862] : memref<80x16xf32, #tpu.memory_space<vmem>> -> memref<80x16xf32, #tpu.memory_space<vmem>>
      %dma_start3A_864 = arith.constant 0 : i32
      %dma_start3A_865 = tpu.memref_slice %arg18[%add3A_789, %dma_start3A_864] : memref<10000x16xf32, #tpu.memory_space<vmem_shared>> -> memref<80x16xf32, #tpu.memory_space<vmem_shared>>
      %dma_start3A_866 = arith.constant 0 : i32
      %dma_start3A_867 = arith.constant 0 : i32
      %dma_start3A_868 = tpu.memref_slice %arg14[%dma_start3A_866, %dma_start3A_867] : memref<80x16xf32, #tpu.memory_space<vmem>> -> memref<80x16xf32, #tpu.memory_space<vmem>>
      %dma_start3A_869 = arith.constant 0 : i32
      %dma_start3A_870 = tpu.memref_slice %arg18[%add3A_789, %dma_start3A_869] : memref<10000x16xf32, #tpu.memory_space<vmem_shared>> -> memref<80x16xf32, #tpu.memory_space<vmem_shared>>
      tpu.enqueue_dma source(%dma_start3A_870 : memref<80x16xf32, #tpu.memory_space<vmem_shared>>) target(%dma_start3A_868 : memref<80x16xf32, #tpu.memory_space<vmem>>) target_semaphore(%run_scoped3A : memref<!tpu.dma_semaphore, #tpu.memory_space<semaphore_mem>>)
      %dma_wait3A_871 = arith.constant 0 : i32
      %dma_wait3A_872 = arith.constant 0 : i32
      %dma_wait3A_873 = tpu.memref_slice %arg14[%dma_wait3A_871, %dma_wait3A_872] : memref<80x16xf32, #tpu.memory_space<vmem>> -> memref<80x16xf32, #tpu.memory_space<vmem>>
      %dma_wait3A_874 = arith.constant 0 : i32
      %dma_wait3A_875 = tpu.memref_slice %arg18[%add3A_789, %dma_wait3A_874] : memref<10000x16xf32, #tpu.memory_space<vmem_shared>> -> memref<80x16xf32, #tpu.memory_space<vmem_shared>>
      %dma_wait3A_876 = arith.constant 0 : i32
      %dma_wait3A_877 = arith.constant 0 : i32
      %dma_wait3A_878 = tpu.memref_slice %arg14[%dma_wait3A_876, %dma_wait3A_877] : memref<80x16xf32, #tpu.memory_space<vmem>> -> memref<80x16xf32, #tpu.memory_space<vmem>>
      %dma_wait3A_879 = arith.constant 0 : i32
      %dma_wait3A_880 = tpu.memref_slice %arg18[%add3A_789, %dma_wait3A_879] : memref<10000x16xf32, #tpu.memory_space<vmem_shared>> -> memref<80x16xf32, #tpu.memory_space<vmem_shared>>
      tpu.wait_dma2 semaphore(%run_scoped3A : memref<!tpu.dma_semaphore, #tpu.memory_space<semaphore_mem>>) src(%dma_wait3A_880 : memref<80x16xf32, #tpu.memory_space<vmem_shared>>) dst(%dma_wait3A_878 : memref<80x16xf32, #tpu.memory_space<vmem>>)
      tpu.yield
    }) : () -> ()
    %add3A_790 = arith.constant 160 : i32
    %add3A_791 = arith.addi %add3A_759, %add3A_790 : i32
    "tpu.region"() ({
      %run_scoped3A = tpu.sem_alloc : memref<!tpu.dma_semaphore, #tpu.memory_space<semaphore_mem>>
      %dma_start3A_861 = arith.constant 0 : i32
      %dma_start3A_862 = arith.constant 0 : i32
      %dma_start3A_863 = tpu.memref_slice %arg14[%dma_start3A_861, %dma_start3A_862] : memref<80x16xf32, #tpu.memory_space<vmem>> -> memref<80x16xf32, #tpu.memory_space<vmem>>
      %dma_start3A_864 = arith.constant 0 : i32
      %dma_start3A_865 = tpu.memref_slice %arg6[%add3A_791, %dma_start3A_864] : memref<20000x16xf32, #tpu.memory_space<hbm>> -> memref<80x16xf32, #tpu.memory_space<hbm>>
      %dma_start3A_866 = arith.constant 0 : i32
      %dma_start3A_867 = tpu.memref_slice %arg6[%add3A_791, %dma_start3A_866] : memref<20000x16xf32, #tpu.memory_space<hbm>> -> memref<80x16xf32, #tpu.memory_space<hbm>>
      %dma_start3A_868 = arith.constant 0 : i32
      %dma_start3A_869 = arith.constant 0 : i32
      %dma_start3A_870 = tpu.memref_slice %arg14[%dma_start3A_868, %dma_start3A_869] : memref<80x16xf32, #tpu.memory_space<vmem>> -> memref<80x16xf32, #tpu.memory_space<vmem>>
      tpu.enqueue_dma source(%dma_start3A_870 : memref<80x16xf32, #tpu.memory_space<vmem>>) target(%dma_start3A_867 : memref<80x16xf32, #tpu.memory_space<hbm>>) target_semaphore(%run_scoped3A : memref<!tpu.dma_semaphore, #tpu.memory_space<semaphore_mem>>)
      %dma_wait3A_871 = arith.constant 0 : i32
      %dma_wait3A_872 = arith.constant 0 : i32
      %dma_wait3A_873 = tpu.memref_slice %arg14[%dma_wait3A_871, %dma_wait3A_872] : memref<80x16xf32, #tpu.memory_space<vmem>> -> memref<80x16xf32, #tpu.memory_space<vmem>>
      %dma_wait3A_874 = arith.constant 0 : i32
      %dma_wait3A_875 = tpu.memref_slice %arg6[%add3A_791, %dma_wait3A_874] : memref<20000x16xf32, #tpu.memory_space<hbm>> -> memref<80x16xf32, #tpu.memory_space<hbm>>
      %dma_wait3A_876 = arith.constant 0 : i32
      %dma_wait3A_877 = tpu.memref_slice %arg6[%add3A_791, %dma_wait3A_876] : memref<20000x16xf32, #tpu.memory_space<hbm>> -> memref<80x16xf32, #tpu.memory_space<hbm>>
      %dma_wait3A_878 = arith.constant 0 : i32
      %dma_wait3A_879 = arith.constant 0 : i32
      %dma_wait3A_880 = tpu.memref_slice %arg14[%dma_wait3A_878, %dma_wait3A_879] : memref<80x16xf32, #tpu.memory_space<vmem>> -> memref<80x16xf32, #tpu.memory_space<vmem>>
      tpu.wait_dma2 semaphore(%run_scoped3A : memref<!tpu.dma_semaphore, #tpu.memory_space<semaphore_mem>>) src(%dma_wait3A_880 : memref<80x16xf32, #tpu.memory_space<vmem>>) dst(%dma_wait3A_877 : memref<80x16xf32, #tpu.memory_space<hbm>>)
      tpu.yield
    }) : () -> ()
    %add3A_792 = arith.constant 160 : i32
    %add3A_793 = arith.addi %mul3A_7, %add3A_792 : i32
    "tpu.region"() ({
      %run_scoped3A = tpu.sem_alloc : memref<!tpu.dma_semaphore, #tpu.memory_space<semaphore_mem>>
      %dma_start3A_861 = arith.constant 0 : i32
      %dma_start3A_862 = arith.constant 0 : i32
      %dma_start3A_863 = tpu.memref_slice %arg16[%dma_start3A_861, %dma_start3A_862] : memref<80x16xf32, #tpu.memory_space<vmem>> -> memref<80x16xf32, #tpu.memory_space<vmem>>
      %dma_start3A_864 = arith.constant 0 : i32
      %dma_start3A_865 = tpu.memref_slice %arg19[%add3A_793, %dma_start3A_864] : memref<10000x16xf32, #tpu.memory_space<vmem_shared>> -> memref<80x16xf32, #tpu.memory_space<vmem_shared>>
      %dma_start3A_866 = arith.constant 0 : i32
      %dma_start3A_867 = arith.constant 0 : i32
      %dma_start3A_868 = tpu.memref_slice %arg16[%dma_start3A_866, %dma_start3A_867] : memref<80x16xf32, #tpu.memory_space<vmem>> -> memref<80x16xf32, #tpu.memory_space<vmem>>
      %dma_start3A_869 = arith.constant 0 : i32
      %dma_start3A_870 = tpu.memref_slice %arg19[%add3A_793, %dma_start3A_869] : memref<10000x16xf32, #tpu.memory_space<vmem_shared>> -> memref<80x16xf32, #tpu.memory_space<vmem_shared>>
      tpu.enqueue_dma source(%dma_start3A_870 : memref<80x16xf32, #tpu.memory_space<vmem_shared>>) target(%dma_start3A_868 : memref<80x16xf32, #tpu.memory_space<vmem>>) target_semaphore(%run_scoped3A : memref<!tpu.dma_semaphore, #tpu.memory_space<semaphore_mem>>)
      %dma_wait3A_871 = arith.constant 0 : i32
      %dma_wait3A_872 = arith.constant 0 : i32
      %dma_wait3A_873 = tpu.memref_slice %arg16[%dma_wait3A_871, %dma_wait3A_872] : memref<80x16xf32, #tpu.memory_space<vmem>> -> memref<80x16xf32, #tpu.memory_space<vmem>>
      %dma_wait3A_874 = arith.constant 0 : i32
      %dma_wait3A_875 = tpu.memref_slice %arg19[%add3A_793, %dma_wait3A_874] : memref<10000x16xf32, #tpu.memory_space<vmem_shared>> -> memref<80x16xf32, #tpu.memory_space<vmem_shared>>
      %dma_wait3A_876 = arith.constant 0 : i32
      %dma_wait3A_877 = arith.constant 0 : i32
      %dma_wait3A_878 = tpu.memref_slice %arg16[%dma_wait3A_876, %dma_wait3A_877] : memref<80x16xf32, #tpu.memory_space<vmem>> -> memref<80x16xf32, #tpu.memory_space<vmem>>
      %dma_wait3A_879 = arith.constant 0 : i32
      %dma_wait3A_880 = tpu.memref_slice %arg19[%add3A_793, %dma_wait3A_879] : memref<10000x16xf32, #tpu.memory_space<vmem_shared>> -> memref<80x16xf32, #tpu.memory_space<vmem_shared>>
      tpu.wait_dma2 semaphore(%run_scoped3A : memref<!tpu.dma_semaphore, #tpu.memory_space<semaphore_mem>>) src(%dma_wait3A_880 : memref<80x16xf32, #tpu.memory_space<vmem_shared>>) dst(%dma_wait3A_878 : memref<80x16xf32, #tpu.memory_space<vmem>>)
      tpu.yield
    }) : () -> ()
    %add3A_794 = arith.constant 160 : i32
    %add3A_795 = arith.addi %add3A_759, %add3A_794 : i32
    "tpu.region"() ({
      %run_scoped3A = tpu.sem_alloc : memref<!tpu.dma_semaphore, #tpu.memory_space<semaphore_mem>>
      %dma_start3A_861 = arith.constant 0 : i32
      %dma_start3A_862 = arith.constant 0 : i32
      %dma_start3A_863 = tpu.memref_slice %arg16[%dma_start3A_861, %dma_start3A_862] : memref<80x16xf32, #tpu.memory_space<vmem>> -> memref<80x16xf32, #tpu.memory_space<vmem>>
      %dma_start3A_864 = arith.constant 0 : i32
      %dma_start3A_865 = tpu.memref_slice %arg7[%add3A_795, %dma_start3A_864] : memref<20000x16xf32, #tpu.memory_space<hbm>> -> memref<80x16xf32, #tpu.memory_space<hbm>>
      %dma_start3A_866 = arith.constant 0 : i32
      %dma_start3A_867 = tpu.memref_slice %arg7[%add3A_795, %dma_start3A_866] : memref<20000x16xf32, #tpu.memory_space<hbm>> -> memref<80x16xf32, #tpu.memory_space<hbm>>
      %dma_start3A_868 = arith.constant 0 : i32
      %dma_start3A_869 = arith.constant 0 : i32
      %dma_start3A_870 = tpu.memref_slice %arg16[%dma_start3A_868, %dma_start3A_869] : memref<80x16xf32, #tpu.memory_space<vmem>> -> memref<80x16xf32, #tpu.memory_space<vmem>>
      tpu.enqueue_dma source(%dma_start3A_870 : memref<80x16xf32, #tpu.memory_space<vmem>>) target(%dma_start3A_867 : memref<80x16xf32, #tpu.memory_space<hbm>>) target_semaphore(%run_scoped3A : memref<!tpu.dma_semaphore, #tpu.memory_space<semaphore_mem>>)
      %dma_wait3A_871 = arith.constant 0 : i32
      %dma_wait3A_872 = arith.constant 0 : i32
      %dma_wait3A_873 = tpu.memref_slice %arg16[%dma_wait3A_871, %dma_wait3A_872] : memref<80x16xf32, #tpu.memory_space<vmem>> -> memref<80x16xf32, #tpu.memory_space<vmem>>
      %dma_wait3A_874 = arith.constant 0 : i32
      %dma_wait3A_875 = tpu.memref_slice %arg7[%add3A_795, %dma_wait3A_874] : memref<20000x16xf32, #tpu.memory_space<hbm>> -> memref<80x16xf32, #tpu.memory_space<hbm>>
      %dma_wait3A_876 = arith.constant 0 : i32
      %dma_wait3A_877 = tpu.memref_slice %arg7[%add3A_795, %dma_wait3A_876] : memref<20000x16xf32, #tpu.memory_space<hbm>> -> memref<80x16xf32, #tpu.memory_space<hbm>>
      %dma_wait3A_878 = arith.constant 0 : i32
      %dma_wait3A_879 = arith.constant 0 : i32
      %dma_wait3A_880 = tpu.memref_slice %arg16[%dma_wait3A_878, %dma_wait3A_879] : memref<80x16xf32, #tpu.memory_space<vmem>> -> memref<80x16xf32, #tpu.memory_space<vmem>>
      tpu.wait_dma2 semaphore(%run_scoped3A : memref<!tpu.dma_semaphore, #tpu.memory_space<semaphore_mem>>) src(%dma_wait3A_880 : memref<80x16xf32, #tpu.memory_space<vmem>>) dst(%dma_wait3A_877 : memref<80x16xf32, #tpu.memory_space<hbm>>)
      tpu.yield
    }) : () -> ()
    %add3A_796 = arith.constant 240 : i32
    %add3A_797 = arith.addi %mul3A_7, %add3A_796 : i32
    "tpu.region"() ({
      %run_scoped3A = tpu.sem_alloc : memref<!tpu.dma_semaphore, #tpu.memory_space<semaphore_mem>>
      %dma_start3A_861 = arith.constant 0 : i32
      %dma_start3A_862 = arith.constant 0 : i32
      %dma_start3A_863 = tpu.memref_slice %arg12[%dma_start3A_861, %dma_start3A_862] : memref<80x128xf32, #tpu.memory_space<vmem>> -> memref<80x128xf32, #tpu.memory_space<vmem>>
      %dma_start3A_864 = arith.constant 0 : i32
      %dma_start3A_865 = tpu.memref_slice %arg17[%add3A_797, %dma_start3A_864] : memref<10000x128xf32, #tpu.memory_space<vmem_shared>> -> memref<80x128xf32, #tpu.memory_space<vmem_shared>>
      %dma_start3A_866 = arith.constant 0 : i32
      %dma_start3A_867 = arith.constant 0 : i32
      %dma_start3A_868 = tpu.memref_slice %arg12[%dma_start3A_866, %dma_start3A_867] : memref<80x128xf32, #tpu.memory_space<vmem>> -> memref<80x128xf32, #tpu.memory_space<vmem>>
      %dma_start3A_869 = arith.constant 0 : i32
      %dma_start3A_870 = tpu.memref_slice %arg17[%add3A_797, %dma_start3A_869] : memref<10000x128xf32, #tpu.memory_space<vmem_shared>> -> memref<80x128xf32, #tpu.memory_space<vmem_shared>>
      tpu.enqueue_dma source(%dma_start3A_870 : memref<80x128xf32, #tpu.memory_space<vmem_shared>>) target(%dma_start3A_868 : memref<80x128xf32, #tpu.memory_space<vmem>>) target_semaphore(%run_scoped3A : memref<!tpu.dma_semaphore, #tpu.memory_space<semaphore_mem>>)
      %dma_wait3A_871 = arith.constant 0 : i32
      %dma_wait3A_872 = arith.constant 0 : i32
      %dma_wait3A_873 = tpu.memref_slice %arg12[%dma_wait3A_871, %dma_wait3A_872] : memref<80x128xf32, #tpu.memory_space<vmem>> -> memref<80x128xf32, #tpu.memory_space<vmem>>
      %dma_wait3A_874 = arith.constant 0 : i32
      %dma_wait3A_875 = tpu.memref_slice %arg17[%add3A_797, %dma_wait3A_874] : memref<10000x128xf32, #tpu.memory_space<vmem_shared>> -> memref<80x128xf32, #tpu.memory_space<vmem_shared>>
      %dma_wait3A_876 = arith.constant 0 : i32
      %dma_wait3A_877 = arith.constant 0 : i32
      %dma_wait3A_878 = tpu.memref_slice %arg12[%dma_wait3A_876, %dma_wait3A_877] : memref<80x128xf32, #tpu.memory_space<vmem>> -> memref<80x128xf32, #tpu.memory_space<vmem>>
      %dma_wait3A_879 = arith.constant 0 : i32
      %dma_wait3A_880 = tpu.memref_slice %arg17[%add3A_797, %dma_wait3A_879] : memref<10000x128xf32, #tpu.memory_space<vmem_shared>> -> memref<80x128xf32, #tpu.memory_space<vmem_shared>>
      tpu.wait_dma2 semaphore(%run_scoped3A : memref<!tpu.dma_semaphore, #tpu.memory_space<semaphore_mem>>) src(%dma_wait3A_880 : memref<80x128xf32, #tpu.memory_space<vmem_shared>>) dst(%dma_wait3A_878 : memref<80x128xf32, #tpu.memory_space<vmem>>)
      tpu.yield
    }) : () -> ()
    %add3A_798 = arith.constant 240 : i32
    %add3A_799 = arith.addi %add3A_759, %add3A_798 : i32
    "tpu.region"() ({
      %run_scoped3A = tpu.sem_alloc : memref<!tpu.dma_semaphore, #tpu.memory_space<semaphore_mem>>
      %dma_start3A_861 = arith.constant 0 : i32
      %dma_start3A_862 = arith.constant 0 : i32
      %dma_start3A_863 = tpu.memref_slice %arg12[%dma_start3A_861, %dma_start3A_862] : memref<80x128xf32, #tpu.memory_space<vmem>> -> memref<80x128xf32, #tpu.memory_space<vmem>>
      %dma_start3A_864 = arith.constant 0 : i32
      %dma_start3A_865 = tpu.memref_slice %arg5[%add3A_799, %dma_start3A_864] : memref<20000x128xf32, #tpu.memory_space<hbm>> -> memref<80x128xf32, #tpu.memory_space<hbm>>
      %dma_start3A_866 = arith.constant 0 : i32
      %dma_start3A_867 = tpu.memref_slice %arg5[%add3A_799, %dma_start3A_866] : memref<20000x128xf32, #tpu.memory_space<hbm>> -> memref<80x128xf32, #tpu.memory_space<hbm>>
      %dma_start3A_868 = arith.constant 0 : i32
      %dma_start3A_869 = arith.constant 0 : i32
      %dma_start3A_870 = tpu.memref_slice %arg12[%dma_start3A_868, %dma_start3A_869] : memref<80x128xf32, #tpu.memory_space<vmem>> -> memref<80x128xf32, #tpu.memory_space<vmem>>
      tpu.enqueue_dma source(%dma_start3A_870 : memref<80x128xf32, #tpu.memory_space<vmem>>) target(%dma_start3A_867 : memref<80x128xf32, #tpu.memory_space<hbm>>) target_semaphore(%run_scoped3A : memref<!tpu.dma_semaphore, #tpu.memory_space<semaphore_mem>>)
      %dma_wait3A_871 = arith.constant 0 : i32
      %dma_wait3A_872 = arith.constant 0 : i32
      %dma_wait3A_873 = tpu.memref_slice %arg12[%dma_wait3A_871, %dma_wait3A_872] : memref<80x128xf32, #tpu.memory_space<vmem>> -> memref<80x128xf32, #tpu.memory_space<vmem>>
      %dma_wait3A_874 = arith.constant 0 : i32
      %dma_wait3A_875 = tpu.memref_slice %arg5[%add3A_799, %dma_wait3A_874] : memref<20000x128xf32, #tpu.memory_space<hbm>> -> memref<80x128xf32, #tpu.memory_space<hbm>>
      %dma_wait3A_876 = arith.constant 0 : i32
      %dma_wait3A_877 = tpu.memref_slice %arg5[%add3A_799, %dma_wait3A_876] : memref<20000x128xf32, #tpu.memory_space<hbm>> -> memref<80x128xf32, #tpu.memory_space<hbm>>
      %dma_wait3A_878 = arith.constant 0 : i32
      %dma_wait3A_879 = arith.constant 0 : i32
      %dma_wait3A_880 = tpu.memref_slice %arg12[%dma_wait3A_878, %dma_wait3A_879] : memref<80x128xf32, #tpu.memory_space<vmem>> -> memref<80x128xf32, #tpu.memory_space<vmem>>
      tpu.wait_dma2 semaphore(%run_scoped3A : memref<!tpu.dma_semaphore, #tpu.memory_space<semaphore_mem>>) src(%dma_wait3A_880 : memref<80x128xf32, #tpu.memory_space<vmem>>) dst(%dma_wait3A_877 : memref<80x128xf32, #tpu.memory_space<hbm>>)
      tpu.yield
    }) : () -> ()
    %add3A_800 = arith.constant 240 : i32
    %add3A_801 = arith.addi %mul3A_7, %add3A_800 : i32
    "tpu.region"() ({
      %run_scoped3A = tpu.sem_alloc : memref<!tpu.dma_semaphore, #tpu.memory_space<semaphore_mem>>
      %dma_start3A_861 = arith.constant 0 : i32
      %dma_start3A_862 = arith.constant 0 : i32
      %dma_start3A_863 = tpu.memref_slice %arg14[%dma_start3A_861, %dma_start3A_862] : memref<80x16xf32, #tpu.memory_space<vmem>> -> memref<80x16xf32, #tpu.memory_space<vmem>>
      %dma_start3A_864 = arith.constant 0 : i32
      %dma_start3A_865 = tpu.memref_slice %arg18[%add3A_801, %dma_start3A_864] : memref<10000x16xf32, #tpu.memory_space<vmem_shared>> -> memref<80x16xf32, #tpu.memory_space<vmem_shared>>
      %dma_start3A_866 = arith.constant 0 : i32
      %dma_start3A_867 = arith.constant 0 : i32
      %dma_start3A_868 = tpu.memref_slice %arg14[%dma_start3A_866, %dma_start3A_867] : memref<80x16xf32, #tpu.memory_space<vmem>> -> memref<80x16xf32, #tpu.memory_space<vmem>>
      %dma_start3A_869 = arith.constant 0 : i32
      %dma_start3A_870 = tpu.memref_slice %arg18[%add3A_801, %dma_start3A_869] : memref<10000x16xf32, #tpu.memory_space<vmem_shared>> -> memref<80x16xf32, #tpu.memory_space<vmem_shared>>
      tpu.enqueue_dma source(%dma_start3A_870 : memref<80x16xf32, #tpu.memory_space<vmem_shared>>) target(%dma_start3A_868 : memref<80x16xf32, #tpu.memory_space<vmem>>) target_semaphore(%run_scoped3A : memref<!tpu.dma_semaphore, #tpu.memory_space<semaphore_mem>>)
      %dma_wait3A_871 = arith.constant 0 : i32
      %dma_wait3A_872 = arith.constant 0 : i32
      %dma_wait3A_873 = tpu.memref_slice %arg14[%dma_wait3A_871, %dma_wait3A_872] : memref<80x16xf32, #tpu.memory_space<vmem>> -> memref<80x16xf32, #tpu.memory_space<vmem>>
      %dma_wait3A_874 = arith.constant 0 : i32
      %dma_wait3A_875 = tpu.memref_slice %arg18[%add3A_801, %dma_wait3A_874] : memref<10000x16xf32, #tpu.memory_space<vmem_shared>> -> memref<80x16xf32, #tpu.memory_space<vmem_shared>>
      %dma_wait3A_876 = arith.constant 0 : i32
      %dma_wait3A_877 = arith.constant 0 : i32
      %dma_wait3A_878 = tpu.memref_slice %arg14[%dma_wait3A_876, %dma_wait3A_877] : memref<80x16xf32, #tpu.memory_space<vmem>> -> memref<80x16xf32, #tpu.memory_space<vmem>>
      %dma_wait3A_879 = arith.constant 0 : i32
      %dma_wait3A_880 = tpu.memref_slice %arg18[%add3A_801, %dma_wait3A_879] : memref<10000x16xf32, #tpu.memory_space<vmem_shared>> -> memref<80x16xf32, #tpu.memory_space<vmem_shared>>
      tpu.wait_dma2 semaphore(%run_scoped3A : memref<!tpu.dma_semaphore, #tpu.memory_space<semaphore_mem>>) src(%dma_wait3A_880 : memref<80x16xf32, #tpu.memory_space<vmem_shared>>) dst(%dma_wait3A_878 : memref<80x16xf32, #tpu.memory_space<vmem>>)
      tpu.yield
    }) : () -> ()
    %add3A_802 = arith.constant 240 : i32
    %add3A_803 = arith.addi %add3A_759, %add3A_802 : i32
    "tpu.region"() ({
      %run_scoped3A = tpu.sem_alloc : memref<!tpu.dma_semaphore, #tpu.memory_space<semaphore_mem>>
      %dma_start3A_861 = arith.constant 0 : i32
      %dma_start3A_862 = arith.constant 0 : i32
      %dma_start3A_863 = tpu.memref_slice %arg14[%dma_start3A_861, %dma_start3A_862] : memref<80x16xf32, #tpu.memory_space<vmem>> -> memref<80x16xf32, #tpu.memory_space<vmem>>
      %dma_start3A_864 = arith.constant 0 : i32
      %dma_start3A_865 = tpu.memref_slice %arg6[%add3A_803, %dma_start3A_864] : memref<20000x16xf32, #tpu.memory_space<hbm>> -> memref<80x16xf32, #tpu.memory_space<hbm>>
      %dma_start3A_866 = arith.constant 0 : i32
      %dma_start3A_867 = tpu.memref_slice %arg6[%add3A_803, %dma_start3A_866] : memref<20000x16xf32, #tpu.memory_space<hbm>> -> memref<80x16xf32, #tpu.memory_space<hbm>>
      %dma_start3A_868 = arith.constant 0 : i32
      %dma_start3A_869 = arith.constant 0 : i32
      %dma_start3A_870 = tpu.memref_slice %arg14[%dma_start3A_868, %dma_start3A_869] : memref<80x16xf32, #tpu.memory_space<vmem>> -> memref<80x16xf32, #tpu.memory_space<vmem>>
      tpu.enqueue_dma source(%dma_start3A_870 : memref<80x16xf32, #tpu.memory_space<vmem>>) target(%dma_start3A_867 : memref<80x16xf32, #tpu.memory_space<hbm>>) target_semaphore(%run_scoped3A : memref<!tpu.dma_semaphore, #tpu.memory_space<semaphore_mem>>)
      %dma_wait3A_871 = arith.constant 0 : i32
      %dma_wait3A_872 = arith.constant 0 : i32
      %dma_wait3A_873 = tpu.memref_slice %arg14[%dma_wait3A_871, %dma_wait3A_872] : memref<80x16xf32, #tpu.memory_space<vmem>> -> memref<80x16xf32, #tpu.memory_space<vmem>>
      %dma_wait3A_874 = arith.constant 0 : i32
      %dma_wait3A_875 = tpu.memref_slice %arg6[%add3A_803, %dma_wait3A_874] : memref<20000x16xf32, #tpu.memory_space<hbm>> -> memref<80x16xf32, #tpu.memory_space<hbm>>
      %dma_wait3A_876 = arith.constant 0 : i32
      %dma_wait3A_877 = tpu.memref_slice %arg6[%add3A_803, %dma_wait3A_876] : memref<20000x16xf32, #tpu.memory_space<hbm>> -> memref<80x16xf32, #tpu.memory_space<hbm>>
      %dma_wait3A_878 = arith.constant 0 : i32
      %dma_wait3A_879 = arith.constant 0 : i32
      %dma_wait3A_880 = tpu.memref_slice %arg14[%dma_wait3A_878, %dma_wait3A_879] : memref<80x16xf32, #tpu.memory_space<vmem>> -> memref<80x16xf32, #tpu.memory_space<vmem>>
      tpu.wait_dma2 semaphore(%run_scoped3A : memref<!tpu.dma_semaphore, #tpu.memory_space<semaphore_mem>>) src(%dma_wait3A_880 : memref<80x16xf32, #tpu.memory_space<vmem>>) dst(%dma_wait3A_877 : memref<80x16xf32, #tpu.memory_space<hbm>>)
      tpu.yield
    }) : () -> ()
    %add3A_804 = arith.constant 240 : i32
    %add3A_805 = arith.addi %mul3A_7, %add3A_804 : i32
    "tpu.region"() ({
      %run_scoped3A = tpu.sem_alloc : memref<!tpu.dma_semaphore, #tpu.memory_space<semaphore_mem>>
      %dma_start3A_861 = arith.constant 0 : i32
      %dma_start3A_862 = arith.constant 0 : i32
      %dma_start3A_863 = tpu.memref_slice %arg16[%dma_start3A_861, %dma_start3A_862] : memref<80x16xf32, #tpu.memory_space<vmem>> -> memref<80x16xf32, #tpu.memory_space<vmem>>
      %dma_start3A_864 = arith.constant 0 : i32
      %dma_start3A_865 = tpu.memref_slice %arg19[%add3A_805, %dma_start3A_864] : memref<10000x16xf32, #tpu.memory_space<vmem_shared>> -> memref<80x16xf32, #tpu.memory_space<vmem_shared>>
      %dma_start3A_866 = arith.constant 0 : i32
      %dma_start3A_867 = arith.constant 0 : i32
      %dma_start3A_868 = tpu.memref_slice %arg16[%dma_start3A_866, %dma_start3A_867] : memref<80x16xf32, #tpu.memory_space<vmem>> -> memref<80x16xf32, #tpu.memory_space<vmem>>
      %dma_start3A_869 = arith.constant 0 : i32
      %dma_start3A_870 = tpu.memref_slice %arg19[%add3A_805, %dma_start3A_869] : memref<10000x16xf32, #tpu.memory_space<vmem_shared>> -> memref<80x16xf32, #tpu.memory_space<vmem_shared>>
      tpu.enqueue_dma source(%dma_start3A_870 : memref<80x16xf32, #tpu.memory_space<vmem_shared>>) target(%dma_start3A_868 : memref<80x16xf32, #tpu.memory_space<vmem>>) target_semaphore(%run_scoped3A : memref<!tpu.dma_semaphore, #tpu.memory_space<semaphore_mem>>)
      %dma_wait3A_871 = arith.constant 0 : i32
      %dma_wait3A_872 = arith.constant 0 : i32
      %dma_wait3A_873 = tpu.memref_slice %arg16[%dma_wait3A_871, %dma_wait3A_872] : memref<80x16xf32, #tpu.memory_space<vmem>> -> memref<80x16xf32, #tpu.memory_space<vmem>>
      %dma_wait3A_874 = arith.constant 0 : i32
      %dma_wait3A_875 = tpu.memref_slice %arg19[%add3A_805, %dma_wait3A_874] : memref<10000x16xf32, #tpu.memory_space<vmem_shared>> -> memref<80x16xf32, #tpu.memory_space<vmem_shared>>
      %dma_wait3A_876 = arith.constant 0 : i32
      %dma_wait3A_877 = arith.constant 0 : i32
      %dma_wait3A_878 = tpu.memref_slice %arg16[%dma_wait3A_876, %dma_wait3A_877] : memref<80x16xf32, #tpu.memory_space<vmem>> -> memref<80x16xf32, #tpu.memory_space<vmem>>
      %dma_wait3A_879 = arith.constant 0 : i32
      %dma_wait3A_880 = tpu.memref_slice %arg19[%add3A_805, %dma_wait3A_879] : memref<10000x16xf32, #tpu.memory_space<vmem_shared>> -> memref<80x16xf32, #tpu.memory_space<vmem_shared>>
      tpu.wait_dma2 semaphore(%run_scoped3A : memref<!tpu.dma_semaphore, #tpu.memory_space<semaphore_mem>>) src(%dma_wait3A_880 : memref<80x16xf32, #tpu.memory_space<vmem_shared>>) dst(%dma_wait3A_878 : memref<80x16xf32, #tpu.memory_space<vmem>>)
      tpu.yield
    }) : () -> ()
    %add3A_806 = arith.constant 240 : i32
    %add3A_807 = arith.addi %add3A_759, %add3A_806 : i32
    "tpu.region"() ({
      %run_scoped3A = tpu.sem_alloc : memref<!tpu.dma_semaphore, #tpu.memory_space<semaphore_mem>>
      %dma_start3A_861 = arith.constant 0 : i32
      %dma_start3A_862 = arith.constant 0 : i32
      %dma_start3A_863 = tpu.memref_slice %arg16[%dma_start3A_861, %dma_start3A_862] : memref<80x16xf32, #tpu.memory_space<vmem>> -> memref<80x16xf32, #tpu.memory_space<vmem>>
      %dma_start3A_864 = arith.constant 0 : i32
      %dma_start3A_865 = tpu.memref_slice %arg7[%add3A_807, %dma_start3A_864] : memref<20000x16xf32, #tpu.memory_space<hbm>> -> memref<80x16xf32, #tpu.memory_space<hbm>>
      %dma_start3A_866 = arith.constant 0 : i32
      %dma_start3A_867 = tpu.memref_slice %arg7[%add3A_807, %dma_start3A_866] : memref<20000x16xf32, #tpu.memory_space<hbm>> -> memref<80x16xf32, #tpu.memory_space<hbm>>
      %dma_start3A_868 = arith.constant 0 : i32
      %dma_start3A_869 = arith.constant 0 : i32
      %dma_start3A_870 = tpu.memref_slice %arg16[%dma_start3A_868, %dma_start3A_869] : memref<80x16xf32, #tpu.memory_space<vmem>> -> memref<80x16xf32, #tpu.memory_space<vmem>>
      tpu.enqueue_dma source(%dma_start3A_870 : memref<80x16xf32, #tpu.memory_space<vmem>>) target(%dma_start3A_867 : memref<80x16xf32, #tpu.memory_space<hbm>>) target_semaphore(%run_scoped3A : memref<!tpu.dma_semaphore, #tpu.memory_space<semaphore_mem>>)
      %dma_wait3A_871 = arith.constant 0 : i32
      %dma_wait3A_872 = arith.constant 0 : i32
      %dma_wait3A_873 = tpu.memref_slice %arg16[%dma_wait3A_871, %dma_wait3A_872] : memref<80x16xf32, #tpu.memory_space<vmem>> -> memref<80x16xf32, #tpu.memory_space<vmem>>
      %dma_wait3A_874 = arith.constant 0 : i32
      %dma_wait3A_875 = tpu.memref_slice %arg7[%add3A_807, %dma_wait3A_874] : memref<20000x16xf32, #tpu.memory_space<hbm>> -> memref<80x16xf32, #tpu.memory_space<hbm>>
      %dma_wait3A_876 = arith.constant 0 : i32
      %dma_wait3A_877 = tpu.memref_slice %arg7[%add3A_807, %dma_wait3A_876] : memref<20000x16xf32, #tpu.memory_space<hbm>> -> memref<80x16xf32, #tpu.memory_space<hbm>>
      %dma_wait3A_878 = arith.constant 0 : i32
      %dma_wait3A_879 = arith.constant 0 : i32
      %dma_wait3A_880 = tpu.memref_slice %arg16[%dma_wait3A_878, %dma_wait3A_879] : memref<80x16xf32, #tpu.memory_space<vmem>> -> memref<80x16xf32, #tpu.memory_space<vmem>>
      tpu.wait_dma2 semaphore(%run_scoped3A : memref<!tpu.dma_semaphore, #tpu.memory_space<semaphore_mem>>) src(%dma_wait3A_880 : memref<80x16xf32, #tpu.memory_space<vmem>>) dst(%dma_wait3A_877 : memref<80x16xf32, #tpu.memory_space<hbm>>)
      tpu.yield
    }) : () -> ()
    %add3A_808 = arith.constant 320 : i32
    %add3A_809 = arith.addi %mul3A_7, %add3A_808 : i32
    "tpu.region"() ({
      %run_scoped3A = tpu.sem_alloc : memref<!tpu.dma_semaphore, #tpu.memory_space<semaphore_mem>>
      %dma_start3A_861 = arith.constant 0 : i32
      %dma_start3A_862 = arith.constant 0 : i32
      %dma_start3A_863 = tpu.memref_slice %arg12[%dma_start3A_861, %dma_start3A_862] : memref<80x128xf32, #tpu.memory_space<vmem>> -> memref<80x128xf32, #tpu.memory_space<vmem>>
      %dma_start3A_864 = arith.constant 0 : i32
      %dma_start3A_865 = tpu.memref_slice %arg17[%add3A_809, %dma_start3A_864] : memref<10000x128xf32, #tpu.memory_space<vmem_shared>> -> memref<80x128xf32, #tpu.memory_space<vmem_shared>>
      %dma_start3A_866 = arith.constant 0 : i32
      %dma_start3A_867 = arith.constant 0 : i32
      %dma_start3A_868 = tpu.memref_slice %arg12[%dma_start3A_866, %dma_start3A_867] : memref<80x128xf32, #tpu.memory_space<vmem>> -> memref<80x128xf32, #tpu.memory_space<vmem>>
      %dma_start3A_869 = arith.constant 0 : i32
      %dma_start3A_870 = tpu.memref_slice %arg17[%add3A_809, %dma_start3A_869] : memref<10000x128xf32, #tpu.memory_space<vmem_shared>> -> memref<80x128xf32, #tpu.memory_space<vmem_shared>>
      tpu.enqueue_dma source(%dma_start3A_870 : memref<80x128xf32, #tpu.memory_space<vmem_shared>>) target(%dma_start3A_868 : memref<80x128xf32, #tpu.memory_space<vmem>>) target_semaphore(%run_scoped3A : memref<!tpu.dma_semaphore, #tpu.memory_space<semaphore_mem>>)
      %dma_wait3A_871 = arith.constant 0 : i32
      %dma_wait3A_872 = arith.constant 0 : i32
      %dma_wait3A_873 = tpu.memref_slice %arg12[%dma_wait3A_871, %dma_wait3A_872] : memref<80x128xf32, #tpu.memory_space<vmem>> -> memref<80x128xf32, #tpu.memory_space<vmem>>
      %dma_wait3A_874 = arith.constant 0 : i32
      %dma_wait3A_875 = tpu.memref_slice %arg17[%add3A_809, %dma_wait3A_874] : memref<10000x128xf32, #tpu.memory_space<vmem_shared>> -> memref<80x128xf32, #tpu.memory_space<vmem_shared>>
      %dma_wait3A_876 = arith.constant 0 : i32
      %dma_wait3A_877 = arith.constant 0 : i32
      %dma_wait3A_878 = tpu.memref_slice %arg12[%dma_wait3A_876, %dma_wait3A_877] : memref<80x128xf32, #tpu.memory_space<vmem>> -> memref<80x128xf32, #tpu.memory_space<vmem>>
      %dma_wait3A_879 = arith.constant 0 : i32
      %dma_wait3A_880 = tpu.memref_slice %arg17[%add3A_809, %dma_wait3A_879] : memref<10000x128xf32, #tpu.memory_space<vmem_shared>> -> memref<80x128xf32, #tpu.memory_space<vmem_shared>>
      tpu.wait_dma2 semaphore(%run_scoped3A : memref<!tpu.dma_semaphore, #tpu.memory_space<semaphore_mem>>) src(%dma_wait3A_880 : memref<80x128xf32, #tpu.memory_space<vmem_shared>>) dst(%dma_wait3A_878 : memref<80x128xf32, #tpu.memory_space<vmem>>)
      tpu.yield
    }) : () -> ()
    %add3A_810 = arith.constant 320 : i32
    %add3A_811 = arith.addi %add3A_759, %add3A_810 : i32
    "tpu.region"() ({
      %run_scoped3A = tpu.sem_alloc : memref<!tpu.dma_semaphore, #tpu.memory_space<semaphore_mem>>
      %dma_start3A_861 = arith.constant 0 : i32
      %dma_start3A_862 = arith.constant 0 : i32
      %dma_start3A_863 = tpu.memref_slice %arg12[%dma_start3A_861, %dma_start3A_862] : memref<80x128xf32, #tpu.memory_space<vmem>> -> memref<80x128xf32, #tpu.memory_space<vmem>>
      %dma_start3A_864 = arith.constant 0 : i32
      %dma_start3A_865 = tpu.memref_slice %arg5[%add3A_811, %dma_start3A_864] : memref<20000x128xf32, #tpu.memory_space<hbm>> -> memref<80x128xf32, #tpu.memory_space<hbm>>
      %dma_start3A_866 = arith.constant 0 : i32
      %dma_start3A_867 = tpu.memref_slice %arg5[%add3A_811, %dma_start3A_866] : memref<20000x128xf32, #tpu.memory_space<hbm>> -> memref<80x128xf32, #tpu.memory_space<hbm>>
      %dma_start3A_868 = arith.constant 0 : i32
      %dma_start3A_869 = arith.constant 0 : i32
      %dma_start3A_870 = tpu.memref_slice %arg12[%dma_start3A_868, %dma_start3A_869] : memref<80x128xf32, #tpu.memory_space<vmem>> -> memref<80x128xf32, #tpu.memory_space<vmem>>
      tpu.enqueue_dma source(%dma_start3A_870 : memref<80x128xf32, #tpu.memory_space<vmem>>) target(%dma_start3A_867 : memref<80x128xf32, #tpu.memory_space<hbm>>) target_semaphore(%run_scoped3A : memref<!tpu.dma_semaphore, #tpu.memory_space<semaphore_mem>>)
      %dma_wait3A_871 = arith.constant 0 : i32
      %dma_wait3A_872 = arith.constant 0 : i32
      %dma_wait3A_873 = tpu.memref_slice %arg12[%dma_wait3A_871, %dma_wait3A_872] : memref<80x128xf32, #tpu.memory_space<vmem>> -> memref<80x128xf32, #tpu.memory_space<vmem>>
      %dma_wait3A_874 = arith.constant 0 : i32
      %dma_wait3A_875 = tpu.memref_slice %arg5[%add3A_811, %dma_wait3A_874] : memref<20000x128xf32, #tpu.memory_space<hbm>> -> memref<80x128xf32, #tpu.memory_space<hbm>>
      %dma_wait3A_876 = arith.constant 0 : i32
      %dma_wait3A_877 = tpu.memref_slice %arg5[%add3A_811, %dma_wait3A_876] : memref<20000x128xf32, #tpu.memory_space<hbm>> -> memref<80x128xf32, #tpu.memory_space<hbm>>
      %dma_wait3A_878 = arith.constant 0 : i32
      %dma_wait3A_879 = arith.constant 0 : i32
      %dma_wait3A_880 = tpu.memref_slice %arg12[%dma_wait3A_878, %dma_wait3A_879] : memref<80x128xf32, #tpu.memory_space<vmem>> -> memref<80x128xf32, #tpu.memory_space<vmem>>
      tpu.wait_dma2 semaphore(%run_scoped3A : memref<!tpu.dma_semaphore, #tpu.memory_space<semaphore_mem>>) src(%dma_wait3A_880 : memref<80x128xf32, #tpu.memory_space<vmem>>) dst(%dma_wait3A_877 : memref<80x128xf32, #tpu.memory_space<hbm>>)
      tpu.yield
    }) : () -> ()
    %add3A_812 = arith.constant 320 : i32
    %add3A_813 = arith.addi %mul3A_7, %add3A_812 : i32
    "tpu.region"() ({
      %run_scoped3A = tpu.sem_alloc : memref<!tpu.dma_semaphore, #tpu.memory_space<semaphore_mem>>
      %dma_start3A_861 = arith.constant 0 : i32
      %dma_start3A_862 = arith.constant 0 : i32
      %dma_start3A_863 = tpu.memref_slice %arg14[%dma_start3A_861, %dma_start3A_862] : memref<80x16xf32, #tpu.memory_space<vmem>> -> memref<80x16xf32, #tpu.memory_space<vmem>>
      %dma_start3A_864 = arith.constant 0 : i32
      %dma_start3A_865 = tpu.memref_slice %arg18[%add3A_813, %dma_start3A_864] : memref<10000x16xf32, #tpu.memory_space<vmem_shared>> -> memref<80x16xf32, #tpu.memory_space<vmem_shared>>
      %dma_start3A_866 = arith.constant 0 : i32
      %dma_start3A_867 = arith.constant 0 : i32
      %dma_start3A_868 = tpu.memref_slice %arg14[%dma_start3A_866, %dma_start3A_867] : memref<80x16xf32, #tpu.memory_space<vmem>> -> memref<80x16xf32, #tpu.memory_space<vmem>>
      %dma_start3A_869 = arith.constant 0 : i32
      %dma_start3A_870 = tpu.memref_slice %arg18[%add3A_813, %dma_start3A_869] : memref<10000x16xf32, #tpu.memory_space<vmem_shared>> -> memref<80x16xf32, #tpu.memory_space<vmem_shared>>
      tpu.enqueue_dma source(%dma_start3A_870 : memref<80x16xf32, #tpu.memory_space<vmem_shared>>) target(%dma_start3A_868 : memref<80x16xf32, #tpu.memory_space<vmem>>) target_semaphore(%run_scoped3A : memref<!tpu.dma_semaphore, #tpu.memory_space<semaphore_mem>>)
      %dma_wait3A_871 = arith.constant 0 : i32
      %dma_wait3A_872 = arith.constant 0 : i32
      %dma_wait3A_873 = tpu.memref_slice %arg14[%dma_wait3A_871, %dma_wait3A_872] : memref<80x16xf32, #tpu.memory_space<vmem>> -> memref<80x16xf32, #tpu.memory_space<vmem>>
      %dma_wait3A_874 = arith.constant 0 : i32
      %dma_wait3A_875 = tpu.memref_slice %arg18[%add3A_813, %dma_wait3A_874] : memref<10000x16xf32, #tpu.memory_space<vmem_shared>> -> memref<80x16xf32, #tpu.memory_space<vmem_shared>>
      %dma_wait3A_876 = arith.constant 0 : i32
      %dma_wait3A_877 = arith.constant 0 : i32
      %dma_wait3A_878 = tpu.memref_slice %arg14[%dma_wait3A_876, %dma_wait3A_877] : memref<80x16xf32, #tpu.memory_space<vmem>> -> memref<80x16xf32, #tpu.memory_space<vmem>>
      %dma_wait3A_879 = arith.constant 0 : i32
      %dma_wait3A_880 = tpu.memref_slice %arg18[%add3A_813, %dma_wait3A_879] : memref<10000x16xf32, #tpu.memory_space<vmem_shared>> -> memref<80x16xf32, #tpu.memory_space<vmem_shared>>
      tpu.wait_dma2 semaphore(%run_scoped3A : memref<!tpu.dma_semaphore, #tpu.memory_space<semaphore_mem>>) src(%dma_wait3A_880 : memref<80x16xf32, #tpu.memory_space<vmem_shared>>) dst(%dma_wait3A_878 : memref<80x16xf32, #tpu.memory_space<vmem>>)
      tpu.yield
    }) : () -> ()
    %add3A_814 = arith.constant 320 : i32
    %add3A_815 = arith.addi %add3A_759, %add3A_814 : i32
    "tpu.region"() ({
      %run_scoped3A = tpu.sem_alloc : memref<!tpu.dma_semaphore, #tpu.memory_space<semaphore_mem>>
      %dma_start3A_861 = arith.constant 0 : i32
      %dma_start3A_862 = arith.constant 0 : i32
      %dma_start3A_863 = tpu.memref_slice %arg14[%dma_start3A_861, %dma_start3A_862] : memref<80x16xf32, #tpu.memory_space<vmem>> -> memref<80x16xf32, #tpu.memory_space<vmem>>
      %dma_start3A_864 = arith.constant 0 : i32
      %dma_start3A_865 = tpu.memref_slice %arg6[%add3A_815, %dma_start3A_864] : memref<20000x16xf32, #tpu.memory_space<hbm>> -> memref<80x16xf32, #tpu.memory_space<hbm>>
      %dma_start3A_866 = arith.constant 0 : i32
      %dma_start3A_867 = tpu.memref_slice %arg6[%add3A_815, %dma_start3A_866] : memref<20000x16xf32, #tpu.memory_space<hbm>> -> memref<80x16xf32, #tpu.memory_space<hbm>>
      %dma_start3A_868 = arith.constant 0 : i32
      %dma_start3A_869 = arith.constant 0 : i32
      %dma_start3A_870 = tpu.memref_slice %arg14[%dma_start3A_868, %dma_start3A_869] : memref<80x16xf32, #tpu.memory_space<vmem>> -> memref<80x16xf32, #tpu.memory_space<vmem>>
      tpu.enqueue_dma source(%dma_start3A_870 : memref<80x16xf32, #tpu.memory_space<vmem>>) target(%dma_start3A_867 : memref<80x16xf32, #tpu.memory_space<hbm>>) target_semaphore(%run_scoped3A : memref<!tpu.dma_semaphore, #tpu.memory_space<semaphore_mem>>)
      %dma_wait3A_871 = arith.constant 0 : i32
      %dma_wait3A_872 = arith.constant 0 : i32
      %dma_wait3A_873 = tpu.memref_slice %arg14[%dma_wait3A_871, %dma_wait3A_872] : memref<80x16xf32, #tpu.memory_space<vmem>> -> memref<80x16xf32, #tpu.memory_space<vmem>>
      %dma_wait3A_874 = arith.constant 0 : i32
      %dma_wait3A_875 = tpu.memref_slice %arg6[%add3A_815, %dma_wait3A_874] : memref<20000x16xf32, #tpu.memory_space<hbm>> -> memref<80x16xf32, #tpu.memory_space<hbm>>
      %dma_wait3A_876 = arith.constant 0 : i32
      %dma_wait3A_877 = tpu.memref_slice %arg6[%add3A_815, %dma_wait3A_876] : memref<20000x16xf32, #tpu.memory_space<hbm>> -> memref<80x16xf32, #tpu.memory_space<hbm>>
      %dma_wait3A_878 = arith.constant 0 : i32
      %dma_wait3A_879 = arith.constant 0 : i32
      %dma_wait3A_880 = tpu.memref_slice %arg14[%dma_wait3A_878, %dma_wait3A_879] : memref<80x16xf32, #tpu.memory_space<vmem>> -> memref<80x16xf32, #tpu.memory_space<vmem>>
      tpu.wait_dma2 semaphore(%run_scoped3A : memref<!tpu.dma_semaphore, #tpu.memory_space<semaphore_mem>>) src(%dma_wait3A_880 : memref<80x16xf32, #tpu.memory_space<vmem>>) dst(%dma_wait3A_877 : memref<80x16xf32, #tpu.memory_space<hbm>>)
      tpu.yield
    }) : () -> ()
    %add3A_816 = arith.constant 320 : i32
    %add3A_817 = arith.addi %mul3A_7, %add3A_816 : i32
    "tpu.region"() ({
      %run_scoped3A = tpu.sem_alloc : memref<!tpu.dma_semaphore, #tpu.memory_space<semaphore_mem>>
      %dma_start3A_861 = arith.constant 0 : i32
      %dma_start3A_862 = arith.constant 0 : i32
      %dma_start3A_863 = tpu.memref_slice %arg16[%dma_start3A_861, %dma_start3A_862] : memref<80x16xf32, #tpu.memory_space<vmem>> -> memref<80x16xf32, #tpu.memory_space<vmem>>
      %dma_start3A_864 = arith.constant 0 : i32
      %dma_start3A_865 = tpu.memref_slice %arg19[%add3A_817, %dma_start3A_864] : memref<10000x16xf32, #tpu.memory_space<vmem_shared>> -> memref<80x16xf32, #tpu.memory_space<vmem_shared>>
      %dma_start3A_866 = arith.constant 0 : i32
      %dma_start3A_867 = arith.constant 0 : i32
      %dma_start3A_868 = tpu.memref_slice %arg16[%dma_start3A_866, %dma_start3A_867] : memref<80x16xf32, #tpu.memory_space<vmem>> -> memref<80x16xf32, #tpu.memory_space<vmem>>
      %dma_start3A_869 = arith.constant 0 : i32
      %dma_start3A_870 = tpu.memref_slice %arg19[%add3A_817, %dma_start3A_869] : memref<10000x16xf32, #tpu.memory_space<vmem_shared>> -> memref<80x16xf32, #tpu.memory_space<vmem_shared>>
      tpu.enqueue_dma source(%dma_start3A_870 : memref<80x16xf32, #tpu.memory_space<vmem_shared>>) target(%dma_start3A_868 : memref<80x16xf32, #tpu.memory_space<vmem>>) target_semaphore(%run_scoped3A : memref<!tpu.dma_semaphore, #tpu.memory_space<semaphore_mem>>)
      %dma_wait3A_871 = arith.constant 0 : i32
      %dma_wait3A_872 = arith.constant 0 : i32
      %dma_wait3A_873 = tpu.memref_slice %arg16[%dma_wait3A_871, %dma_wait3A_872] : memref<80x16xf32, #tpu.memory_space<vmem>> -> memref<80x16xf32, #tpu.memory_space<vmem>>
      %dma_wait3A_874 = arith.constant 0 : i32
      %dma_wait3A_875 = tpu.memref_slice %arg19[%add3A_817, %dma_wait3A_874] : memref<10000x16xf32, #tpu.memory_space<vmem_shared>> -> memref<80x16xf32, #tpu.memory_space<vmem_shared>>
      %dma_wait3A_876 = arith.constant 0 : i32
      %dma_wait3A_877 = arith.constant 0 : i32
      %dma_wait3A_878 = tpu.memref_slice %arg16[%dma_wait3A_876, %dma_wait3A_877] : memref<80x16xf32, #tpu.memory_space<vmem>> -> memref<80x16xf32, #tpu.memory_space<vmem>>
      %dma_wait3A_879 = arith.constant 0 : i32
      %dma_wait3A_880 = tpu.memref_slice %arg19[%add3A_817, %dma_wait3A_879] : memref<10000x16xf32, #tpu.memory_space<vmem_shared>> -> memref<80x16xf32, #tpu.memory_space<vmem_shared>>
      tpu.wait_dma2 semaphore(%run_scoped3A : memref<!tpu.dma_semaphore, #tpu.memory_space<semaphore_mem>>) src(%dma_wait3A_880 : memref<80x16xf32, #tpu.memory_space<vmem_shared>>) dst(%dma_wait3A_878 : memref<80x16xf32, #tpu.memory_space<vmem>>)
      tpu.yield
    }) : () -> ()
    %add3A_818 = arith.constant 320 : i32
    %add3A_819 = arith.addi %add3A_759, %add3A_818 : i32
    "tpu.region"() ({
      %run_scoped3A = tpu.sem_alloc : memref<!tpu.dma_semaphore, #tpu.memory_space<semaphore_mem>>
      %dma_start3A_861 = arith.constant 0 : i32
      %dma_start3A_862 = arith.constant 0 : i32
      %dma_start3A_863 = tpu.memref_slice %arg16[%dma_start3A_861, %dma_start3A_862] : memref<80x16xf32, #tpu.memory_space<vmem>> -> memref<80x16xf32, #tpu.memory_space<vmem>>
      %dma_start3A_864 = arith.constant 0 : i32
      %dma_start3A_865 = tpu.memref_slice %arg7[%add3A_819, %dma_start3A_864] : memref<20000x16xf32, #tpu.memory_space<hbm>> -> memref<80x16xf32, #tpu.memory_space<hbm>>
      %dma_start3A_866 = arith.constant 0 : i32
      %dma_start3A_867 = tpu.memref_slice %arg7[%add3A_819, %dma_start3A_866] : memref<20000x16xf32, #tpu.memory_space<hbm>> -> memref<80x16xf32, #tpu.memory_space<hbm>>
      %dma_start3A_868 = arith.constant 0 : i32
      %dma_start3A_869 = arith.constant 0 : i32
      %dma_start3A_870 = tpu.memref_slice %arg16[%dma_start3A_868, %dma_start3A_869] : memref<80x16xf32, #tpu.memory_space<vmem>> -> memref<80x16xf32, #tpu.memory_space<vmem>>
      tpu.enqueue_dma source(%dma_start3A_870 : memref<80x16xf32, #tpu.memory_space<vmem>>) target(%dma_start3A_867 : memref<80x16xf32, #tpu.memory_space<hbm>>) target_semaphore(%run_scoped3A : memref<!tpu.dma_semaphore, #tpu.memory_space<semaphore_mem>>)
      %dma_wait3A_871 = arith.constant 0 : i32
      %dma_wait3A_872 = arith.constant 0 : i32
      %dma_wait3A_873 = tpu.memref_slice %arg16[%dma_wait3A_871, %dma_wait3A_872] : memref<80x16xf32, #tpu.memory_space<vmem>> -> memref<80x16xf32, #tpu.memory_space<vmem>>
      %dma_wait3A_874 = arith.constant 0 : i32
      %dma_wait3A_875 = tpu.memref_slice %arg7[%add3A_819, %dma_wait3A_874] : memref<20000x16xf32, #tpu.memory_space<hbm>> -> memref<80x16xf32, #tpu.memory_space<hbm>>
      %dma_wait3A_876 = arith.constant 0 : i32
      %dma_wait3A_877 = tpu.memref_slice %arg7[%add3A_819, %dma_wait3A_876] : memref<20000x16xf32, #tpu.memory_space<hbm>> -> memref<80x16xf32, #tpu.memory_space<hbm>>
      %dma_wait3A_878 = arith.constant 0 : i32
      %dma_wait3A_879 = arith.constant 0 : i32
      %dma_wait3A_880 = tpu.memref_slice %arg16[%dma_wait3A_878, %dma_wait3A_879] : memref<80x16xf32, #tpu.memory_space<vmem>> -> memref<80x16xf32, #tpu.memory_space<vmem>>
      tpu.wait_dma2 semaphore(%run_scoped3A : memref<!tpu.dma_semaphore, #tpu.memory_space<semaphore_mem>>) src(%dma_wait3A_880 : memref<80x16xf32, #tpu.memory_space<vmem>>) dst(%dma_wait3A_877 : memref<80x16xf32, #tpu.memory_space<hbm>>)
      tpu.yield
    }) : () -> ()
    %add3A_820 = arith.constant 400 : i32
    %add3A_821 = arith.addi %mul3A_7, %add3A_820 : i32
    "tpu.region"() ({
      %run_scoped3A = tpu.sem_alloc : memref<!tpu.dma_semaphore, #tpu.memory_space<semaphore_mem>>
      %dma_start3A_861 = arith.constant 0 : i32
      %dma_start3A_862 = arith.constant 0 : i32
      %dma_start3A_863 = tpu.memref_slice %arg12[%dma_start3A_861, %dma_start3A_862] : memref<80x128xf32, #tpu.memory_space<vmem>> -> memref<80x128xf32, #tpu.memory_space<vmem>>
      %dma_start3A_864 = arith.constant 0 : i32
      %dma_start3A_865 = tpu.memref_slice %arg17[%add3A_821, %dma_start3A_864] : memref<10000x128xf32, #tpu.memory_space<vmem_shared>> -> memref<80x128xf32, #tpu.memory_space<vmem_shared>>
      %dma_start3A_866 = arith.constant 0 : i32
      %dma_start3A_867 = arith.constant 0 : i32
      %dma_start3A_868 = tpu.memref_slice %arg12[%dma_start3A_866, %dma_start3A_867] : memref<80x128xf32, #tpu.memory_space<vmem>> -> memref<80x128xf32, #tpu.memory_space<vmem>>
      %dma_start3A_869 = arith.constant 0 : i32
      %dma_start3A_870 = tpu.memref_slice %arg17[%add3A_821, %dma_start3A_869] : memref<10000x128xf32, #tpu.memory_space<vmem_shared>> -> memref<80x128xf32, #tpu.memory_space<vmem_shared>>
      tpu.enqueue_dma source(%dma_start3A_870 : memref<80x128xf32, #tpu.memory_space<vmem_shared>>) target(%dma_start3A_868 : memref<80x128xf32, #tpu.memory_space<vmem>>) target_semaphore(%run_scoped3A : memref<!tpu.dma_semaphore, #tpu.memory_space<semaphore_mem>>)
      %dma_wait3A_871 = arith.constant 0 : i32
      %dma_wait3A_872 = arith.constant 0 : i32
      %dma_wait3A_873 = tpu.memref_slice %arg12[%dma_wait3A_871, %dma_wait3A_872] : memref<80x128xf32, #tpu.memory_space<vmem>> -> memref<80x128xf32, #tpu.memory_space<vmem>>
      %dma_wait3A_874 = arith.constant 0 : i32
      %dma_wait3A_875 = tpu.memref_slice %arg17[%add3A_821, %dma_wait3A_874] : memref<10000x128xf32, #tpu.memory_space<vmem_shared>> -> memref<80x128xf32, #tpu.memory_space<vmem_shared>>
      %dma_wait3A_876 = arith.constant 0 : i32
      %dma_wait3A_877 = arith.constant 0 : i32
      %dma_wait3A_878 = tpu.memref_slice %arg12[%dma_wait3A_876, %dma_wait3A_877] : memref<80x128xf32, #tpu.memory_space<vmem>> -> memref<80x128xf32, #tpu.memory_space<vmem>>
      %dma_wait3A_879 = arith.constant 0 : i32
      %dma_wait3A_880 = tpu.memref_slice %arg17[%add3A_821, %dma_wait3A_879] : memref<10000x128xf32, #tpu.memory_space<vmem_shared>> -> memref<80x128xf32, #tpu.memory_space<vmem_shared>>
      tpu.wait_dma2 semaphore(%run_scoped3A : memref<!tpu.dma_semaphore, #tpu.memory_space<semaphore_mem>>) src(%dma_wait3A_880 : memref<80x128xf32, #tpu.memory_space<vmem_shared>>) dst(%dma_wait3A_878 : memref<80x128xf32, #tpu.memory_space<vmem>>)
      tpu.yield
    }) : () -> ()
    %add3A_822 = arith.constant 400 : i32
    %add3A_823 = arith.addi %add3A_759, %add3A_822 : i32
    "tpu.region"() ({
      %run_scoped3A = tpu.sem_alloc : memref<!tpu.dma_semaphore, #tpu.memory_space<semaphore_mem>>
      %dma_start3A_861 = arith.constant 0 : i32
      %dma_start3A_862 = arith.constant 0 : i32
      %dma_start3A_863 = tpu.memref_slice %arg12[%dma_start3A_861, %dma_start3A_862] : memref<80x128xf32, #tpu.memory_space<vmem>> -> memref<80x128xf32, #tpu.memory_space<vmem>>
      %dma_start3A_864 = arith.constant 0 : i32
      %dma_start3A_865 = tpu.memref_slice %arg5[%add3A_823, %dma_start3A_864] : memref<20000x128xf32, #tpu.memory_space<hbm>> -> memref<80x128xf32, #tpu.memory_space<hbm>>
      %dma_start3A_866 = arith.constant 0 : i32
      %dma_start3A_867 = tpu.memref_slice %arg5[%add3A_823, %dma_start3A_866] : memref<20000x128xf32, #tpu.memory_space<hbm>> -> memref<80x128xf32, #tpu.memory_space<hbm>>
      %dma_start3A_868 = arith.constant 0 : i32
      %dma_start3A_869 = arith.constant 0 : i32
      %dma_start3A_870 = tpu.memref_slice %arg12[%dma_start3A_868, %dma_start3A_869] : memref<80x128xf32, #tpu.memory_space<vmem>> -> memref<80x128xf32, #tpu.memory_space<vmem>>
      tpu.enqueue_dma source(%dma_start3A_870 : memref<80x128xf32, #tpu.memory_space<vmem>>) target(%dma_start3A_867 : memref<80x128xf32, #tpu.memory_space<hbm>>) target_semaphore(%run_scoped3A : memref<!tpu.dma_semaphore, #tpu.memory_space<semaphore_mem>>)
      %dma_wait3A_871 = arith.constant 0 : i32
      %dma_wait3A_872 = arith.constant 0 : i32
      %dma_wait3A_873 = tpu.memref_slice %arg12[%dma_wait3A_871, %dma_wait3A_872] : memref<80x128xf32, #tpu.memory_space<vmem>> -> memref<80x128xf32, #tpu.memory_space<vmem>>
      %dma_wait3A_874 = arith.constant 0 : i32
      %dma_wait3A_875 = tpu.memref_slice %arg5[%add3A_823, %dma_wait3A_874] : memref<20000x128xf32, #tpu.memory_space<hbm>> -> memref<80x128xf32, #tpu.memory_space<hbm>>
      %dma_wait3A_876 = arith.constant 0 : i32
      %dma_wait3A_877 = tpu.memref_slice %arg5[%add3A_823, %dma_wait3A_876] : memref<20000x128xf32, #tpu.memory_space<hbm>> -> memref<80x128xf32, #tpu.memory_space<hbm>>
      %dma_wait3A_878 = arith.constant 0 : i32
      %dma_wait3A_879 = arith.constant 0 : i32
      %dma_wait3A_880 = tpu.memref_slice %arg12[%dma_wait3A_878, %dma_wait3A_879] : memref<80x128xf32, #tpu.memory_space<vmem>> -> memref<80x128xf32, #tpu.memory_space<vmem>>
      tpu.wait_dma2 semaphore(%run_scoped3A : memref<!tpu.dma_semaphore, #tpu.memory_space<semaphore_mem>>) src(%dma_wait3A_880 : memref<80x128xf32, #tpu.memory_space<vmem>>) dst(%dma_wait3A_877 : memref<80x128xf32, #tpu.memory_space<hbm>>)
      tpu.yield
    }) : () -> ()
    %add3A_824 = arith.constant 400 : i32
    %add3A_825 = arith.addi %mul3A_7, %add3A_824 : i32
    "tpu.region"() ({
      %run_scoped3A = tpu.sem_alloc : memref<!tpu.dma_semaphore, #tpu.memory_space<semaphore_mem>>
      %dma_start3A_861 = arith.constant 0 : i32
      %dma_start3A_862 = arith.constant 0 : i32
      %dma_start3A_863 = tpu.memref_slice %arg14[%dma_start3A_861, %dma_start3A_862] : memref<80x16xf32, #tpu.memory_space<vmem>> -> memref<80x16xf32, #tpu.memory_space<vmem>>
      %dma_start3A_864 = arith.constant 0 : i32
      %dma_start3A_865 = tpu.memref_slice %arg18[%add3A_825, %dma_start3A_864] : memref<10000x16xf32, #tpu.memory_space<vmem_shared>> -> memref<80x16xf32, #tpu.memory_space<vmem_shared>>
      %dma_start3A_866 = arith.constant 0 : i32
      %dma_start3A_867 = arith.constant 0 : i32
      %dma_start3A_868 = tpu.memref_slice %arg14[%dma_start3A_866, %dma_start3A_867] : memref<80x16xf32, #tpu.memory_space<vmem>> -> memref<80x16xf32, #tpu.memory_space<vmem>>
      %dma_start3A_869 = arith.constant 0 : i32
      %dma_start3A_870 = tpu.memref_slice %arg18[%add3A_825, %dma_start3A_869] : memref<10000x16xf32, #tpu.memory_space<vmem_shared>> -> memref<80x16xf32, #tpu.memory_space<vmem_shared>>
      tpu.enqueue_dma source(%dma_start3A_870 : memref<80x16xf32, #tpu.memory_space<vmem_shared>>) target(%dma_start3A_868 : memref<80x16xf32, #tpu.memory_space<vmem>>) target_semaphore(%run_scoped3A : memref<!tpu.dma_semaphore, #tpu.memory_space<semaphore_mem>>)
      %dma_wait3A_871 = arith.constant 0 : i32
      %dma_wait3A_872 = arith.constant 0 : i32
      %dma_wait3A_873 = tpu.memref_slice %arg14[%dma_wait3A_871, %dma_wait3A_872] : memref<80x16xf32, #tpu.memory_space<vmem>> -> memref<80x16xf32, #tpu.memory_space<vmem>>
      %dma_wait3A_874 = arith.constant 0 : i32
      %dma_wait3A_875 = tpu.memref_slice %arg18[%add3A_825, %dma_wait3A_874] : memref<10000x16xf32, #tpu.memory_space<vmem_shared>> -> memref<80x16xf32, #tpu.memory_space<vmem_shared>>
      %dma_wait3A_876 = arith.constant 0 : i32
      %dma_wait3A_877 = arith.constant 0 : i32
      %dma_wait3A_878 = tpu.memref_slice %arg14[%dma_wait3A_876, %dma_wait3A_877] : memref<80x16xf32, #tpu.memory_space<vmem>> -> memref<80x16xf32, #tpu.memory_space<vmem>>
      %dma_wait3A_879 = arith.constant 0 : i32
      %dma_wait3A_880 = tpu.memref_slice %arg18[%add3A_825, %dma_wait3A_879] : memref<10000x16xf32, #tpu.memory_space<vmem_shared>> -> memref<80x16xf32, #tpu.memory_space<vmem_shared>>
      tpu.wait_dma2 semaphore(%run_scoped3A : memref<!tpu.dma_semaphore, #tpu.memory_space<semaphore_mem>>) src(%dma_wait3A_880 : memref<80x16xf32, #tpu.memory_space<vmem_shared>>) dst(%dma_wait3A_878 : memref<80x16xf32, #tpu.memory_space<vmem>>)
      tpu.yield
    }) : () -> ()
    %add3A_826 = arith.constant 400 : i32
    %add3A_827 = arith.addi %add3A_759, %add3A_826 : i32
    "tpu.region"() ({
      %run_scoped3A = tpu.sem_alloc : memref<!tpu.dma_semaphore, #tpu.memory_space<semaphore_mem>>
      %dma_start3A_861 = arith.constant 0 : i32
      %dma_start3A_862 = arith.constant 0 : i32
      %dma_start3A_863 = tpu.memref_slice %arg14[%dma_start3A_861, %dma_start3A_862] : memref<80x16xf32, #tpu.memory_space<vmem>> -> memref<80x16xf32, #tpu.memory_space<vmem>>
      %dma_start3A_864 = arith.constant 0 : i32
      %dma_start3A_865 = tpu.memref_slice %arg6[%add3A_827, %dma_start3A_864] : memref<20000x16xf32, #tpu.memory_space<hbm>> -> memref<80x16xf32, #tpu.memory_space<hbm>>
      %dma_start3A_866 = arith.constant 0 : i32
      %dma_start3A_867 = tpu.memref_slice %arg6[%add3A_827, %dma_start3A_866] : memref<20000x16xf32, #tpu.memory_space<hbm>> -> memref<80x16xf32, #tpu.memory_space<hbm>>
      %dma_start3A_868 = arith.constant 0 : i32
      %dma_start3A_869 = arith.constant 0 : i32
      %dma_start3A_870 = tpu.memref_slice %arg14[%dma_start3A_868, %dma_start3A_869] : memref<80x16xf32, #tpu.memory_space<vmem>> -> memref<80x16xf32, #tpu.memory_space<vmem>>
      tpu.enqueue_dma source(%dma_start3A_870 : memref<80x16xf32, #tpu.memory_space<vmem>>) target(%dma_start3A_867 : memref<80x16xf32, #tpu.memory_space<hbm>>) target_semaphore(%run_scoped3A : memref<!tpu.dma_semaphore, #tpu.memory_space<semaphore_mem>>)
      %dma_wait3A_871 = arith.constant 0 : i32
      %dma_wait3A_872 = arith.constant 0 : i32
      %dma_wait3A_873 = tpu.memref_slice %arg14[%dma_wait3A_871, %dma_wait3A_872] : memref<80x16xf32, #tpu.memory_space<vmem>> -> memref<80x16xf32, #tpu.memory_space<vmem>>
      %dma_wait3A_874 = arith.constant 0 : i32
      %dma_wait3A_875 = tpu.memref_slice %arg6[%add3A_827, %dma_wait3A_874] : memref<20000x16xf32, #tpu.memory_space<hbm>> -> memref<80x16xf32, #tpu.memory_space<hbm>>
      %dma_wait3A_876 = arith.constant 0 : i32
      %dma_wait3A_877 = tpu.memref_slice %arg6[%add3A_827, %dma_wait3A_876] : memref<20000x16xf32, #tpu.memory_space<hbm>> -> memref<80x16xf32, #tpu.memory_space<hbm>>
      %dma_wait3A_878 = arith.constant 0 : i32
      %dma_wait3A_879 = arith.constant 0 : i32
      %dma_wait3A_880 = tpu.memref_slice %arg14[%dma_wait3A_878, %dma_wait3A_879] : memref<80x16xf32, #tpu.memory_space<vmem>> -> memref<80x16xf32, #tpu.memory_space<vmem>>
      tpu.wait_dma2 semaphore(%run_scoped3A : memref<!tpu.dma_semaphore, #tpu.memory_space<semaphore_mem>>) src(%dma_wait3A_880 : memref<80x16xf32, #tpu.memory_space<vmem>>) dst(%dma_wait3A_877 : memref<80x16xf32, #tpu.memory_space<hbm>>)
      tpu.yield
    }) : () -> ()
    %add3A_828 = arith.constant 400 : i32
    %add3A_829 = arith.addi %mul3A_7, %add3A_828 : i32
    "tpu.region"() ({
      %run_scoped3A = tpu.sem_alloc : memref<!tpu.dma_semaphore, #tpu.memory_space<semaphore_mem>>
      %dma_start3A_861 = arith.constant 0 : i32
      %dma_start3A_862 = arith.constant 0 : i32
      %dma_start3A_863 = tpu.memref_slice %arg16[%dma_start3A_861, %dma_start3A_862] : memref<80x16xf32, #tpu.memory_space<vmem>> -> memref<80x16xf32, #tpu.memory_space<vmem>>
      %dma_start3A_864 = arith.constant 0 : i32
      %dma_start3A_865 = tpu.memref_slice %arg19[%add3A_829, %dma_start3A_864] : memref<10000x16xf32, #tpu.memory_space<vmem_shared>> -> memref<80x16xf32, #tpu.memory_space<vmem_shared>>
      %dma_start3A_866 = arith.constant 0 : i32
      %dma_start3A_867 = arith.constant 0 : i32
      %dma_start3A_868 = tpu.memref_slice %arg16[%dma_start3A_866, %dma_start3A_867] : memref<80x16xf32, #tpu.memory_space<vmem>> -> memref<80x16xf32, #tpu.memory_space<vmem>>
      %dma_start3A_869 = arith.constant 0 : i32
      %dma_start3A_870 = tpu.memref_slice %arg19[%add3A_829, %dma_start3A_869] : memref<10000x16xf32, #tpu.memory_space<vmem_shared>> -> memref<80x16xf32, #tpu.memory_space<vmem_shared>>
      tpu.enqueue_dma source(%dma_start3A_870 : memref<80x16xf32, #tpu.memory_space<vmem_shared>>) target(%dma_start3A_868 : memref<80x16xf32, #tpu.memory_space<vmem>>) target_semaphore(%run_scoped3A : memref<!tpu.dma_semaphore, #tpu.memory_space<semaphore_mem>>)
      %dma_wait3A_871 = arith.constant 0 : i32
      %dma_wait3A_872 = arith.constant 0 : i32
      %dma_wait3A_873 = tpu.memref_slice %arg16[%dma_wait3A_871, %dma_wait3A_872] : memref<80x16xf32, #tpu.memory_space<vmem>> -> memref<80x16xf32, #tpu.memory_space<vmem>>
      %dma_wait3A_874 = arith.constant 0 : i32
      %dma_wait3A_875 = tpu.memref_slice %arg19[%add3A_829, %dma_wait3A_874] : memref<10000x16xf32, #tpu.memory_space<vmem_shared>> -> memref<80x16xf32, #tpu.memory_space<vmem_shared>>
      %dma_wait3A_876 = arith.constant 0 : i32
      %dma_wait3A_877 = arith.constant 0 : i32
      %dma_wait3A_878 = tpu.memref_slice %arg16[%dma_wait3A_876, %dma_wait3A_877] : memref<80x16xf32, #tpu.memory_space<vmem>> -> memref<80x16xf32, #tpu.memory_space<vmem>>
      %dma_wait3A_879 = arith.constant 0 : i32
      %dma_wait3A_880 = tpu.memref_slice %arg19[%add3A_829, %dma_wait3A_879] : memref<10000x16xf32, #tpu.memory_space<vmem_shared>> -> memref<80x16xf32, #tpu.memory_space<vmem_shared>>
      tpu.wait_dma2 semaphore(%run_scoped3A : memref<!tpu.dma_semaphore, #tpu.memory_space<semaphore_mem>>) src(%dma_wait3A_880 : memref<80x16xf32, #tpu.memory_space<vmem_shared>>) dst(%dma_wait3A_878 : memref<80x16xf32, #tpu.memory_space<vmem>>)
      tpu.yield
    }) : () -> ()
    %add3A_830 = arith.constant 400 : i32
    %add3A_831 = arith.addi %add3A_759, %add3A_830 : i32
    "tpu.region"() ({
      %run_scoped3A = tpu.sem_alloc : memref<!tpu.dma_semaphore, #tpu.memory_space<semaphore_mem>>
      %dma_start3A_861 = arith.constant 0 : i32
      %dma_start3A_862 = arith.constant 0 : i32
      %dma_start3A_863 = tpu.memref_slice %arg16[%dma_start3A_861, %dma_start3A_862] : memref<80x16xf32, #tpu.memory_space<vmem>> -> memref<80x16xf32, #tpu.memory_space<vmem>>
      %dma_start3A_864 = arith.constant 0 : i32
      %dma_start3A_865 = tpu.memref_slice %arg7[%add3A_831, %dma_start3A_864] : memref<20000x16xf32, #tpu.memory_space<hbm>> -> memref<80x16xf32, #tpu.memory_space<hbm>>
      %dma_start3A_866 = arith.constant 0 : i32
      %dma_start3A_867 = tpu.memref_slice %arg7[%add3A_831, %dma_start3A_866] : memref<20000x16xf32, #tpu.memory_space<hbm>> -> memref<80x16xf32, #tpu.memory_space<hbm>>
      %dma_start3A_868 = arith.constant 0 : i32
      %dma_start3A_869 = arith.constant 0 : i32
      %dma_start3A_870 = tpu.memref_slice %arg16[%dma_start3A_868, %dma_start3A_869] : memref<80x16xf32, #tpu.memory_space<vmem>> -> memref<80x16xf32, #tpu.memory_space<vmem>>
      tpu.enqueue_dma source(%dma_start3A_870 : memref<80x16xf32, #tpu.memory_space<vmem>>) target(%dma_start3A_867 : memref<80x16xf32, #tpu.memory_space<hbm>>) target_semaphore(%run_scoped3A : memref<!tpu.dma_semaphore, #tpu.memory_space<semaphore_mem>>)
      %dma_wait3A_871 = arith.constant 0 : i32
      %dma_wait3A_872 = arith.constant 0 : i32
      %dma_wait3A_873 = tpu.memref_slice %arg16[%dma_wait3A_871, %dma_wait3A_872] : memref<80x16xf32, #tpu.memory_space<vmem>> -> memref<80x16xf32, #tpu.memory_space<vmem>>
      %dma_wait3A_874 = arith.constant 0 : i32
      %dma_wait3A_875 = tpu.memref_slice %arg7[%add3A_831, %dma_wait3A_874] : memref<20000x16xf32, #tpu.memory_space<hbm>> -> memref<80x16xf32, #tpu.memory_space<hbm>>
      %dma_wait3A_876 = arith.constant 0 : i32
      %dma_wait3A_877 = tpu.memref_slice %arg7[%add3A_831, %dma_wait3A_876] : memref<20000x16xf32, #tpu.memory_space<hbm>> -> memref<80x16xf32, #tpu.memory_space<hbm>>
      %dma_wait3A_878 = arith.constant 0 : i32
      %dma_wait3A_879 = arith.constant 0 : i32
      %dma_wait3A_880 = tpu.memref_slice %arg16[%dma_wait3A_878, %dma_wait3A_879] : memref<80x16xf32, #tpu.memory_space<vmem>> -> memref<80x16xf32, #tpu.memory_space<vmem>>
      tpu.wait_dma2 semaphore(%run_scoped3A : memref<!tpu.dma_semaphore, #tpu.memory_space<semaphore_mem>>) src(%dma_wait3A_880 : memref<80x16xf32, #tpu.memory_space<vmem>>) dst(%dma_wait3A_877 : memref<80x16xf32, #tpu.memory_space<hbm>>)
      tpu.yield
    }) : () -> ()
    %add3A_832 = arith.constant 480 : i32
    %add3A_833 = arith.addi %mul3A_7, %add3A_832 : i32
    "tpu.region"() ({
      %run_scoped3A = tpu.sem_alloc : memref<!tpu.dma_semaphore, #tpu.memory_space<semaphore_mem>>
      %dma_start3A_861 = arith.constant 0 : i32
      %dma_start3A_862 = arith.constant 0 : i32
      %dma_start3A_863 = tpu.memref_slice %arg12[%dma_start3A_861, %dma_start3A_862] : memref<80x128xf32, #tpu.memory_space<vmem>> -> memref<80x128xf32, #tpu.memory_space<vmem>>
      %dma_start3A_864 = arith.constant 0 : i32
      %dma_start3A_865 = tpu.memref_slice %arg17[%add3A_833, %dma_start3A_864] : memref<10000x128xf32, #tpu.memory_space<vmem_shared>> -> memref<80x128xf32, #tpu.memory_space<vmem_shared>>
      %dma_start3A_866 = arith.constant 0 : i32
      %dma_start3A_867 = arith.constant 0 : i32
      %dma_start3A_868 = tpu.memref_slice %arg12[%dma_start3A_866, %dma_start3A_867] : memref<80x128xf32, #tpu.memory_space<vmem>> -> memref<80x128xf32, #tpu.memory_space<vmem>>
      %dma_start3A_869 = arith.constant 0 : i32
      %dma_start3A_870 = tpu.memref_slice %arg17[%add3A_833, %dma_start3A_869] : memref<10000x128xf32, #tpu.memory_space<vmem_shared>> -> memref<80x128xf32, #tpu.memory_space<vmem_shared>>
      tpu.enqueue_dma source(%dma_start3A_870 : memref<80x128xf32, #tpu.memory_space<vmem_shared>>) target(%dma_start3A_868 : memref<80x128xf32, #tpu.memory_space<vmem>>) target_semaphore(%run_scoped3A : memref<!tpu.dma_semaphore, #tpu.memory_space<semaphore_mem>>)
      %dma_wait3A_871 = arith.constant 0 : i32
      %dma_wait3A_872 = arith.constant 0 : i32
      %dma_wait3A_873 = tpu.memref_slice %arg12[%dma_wait3A_871, %dma_wait3A_872] : memref<80x128xf32, #tpu.memory_space<vmem>> -> memref<80x128xf32, #tpu.memory_space<vmem>>
      %dma_wait3A_874 = arith.constant 0 : i32
      %dma_wait3A_875 = tpu.memref_slice %arg17[%add3A_833, %dma_wait3A_874] : memref<10000x128xf32, #tpu.memory_space<vmem_shared>> -> memref<80x128xf32, #tpu.memory_space<vmem_shared>>
      %dma_wait3A_876 = arith.constant 0 : i32
      %dma_wait3A_877 = arith.constant 0 : i32
      %dma_wait3A_878 = tpu.memref_slice %arg12[%dma_wait3A_876, %dma_wait3A_877] : memref<80x128xf32, #tpu.memory_space<vmem>> -> memref<80x128xf32, #tpu.memory_space<vmem>>
      %dma_wait3A_879 = arith.constant 0 : i32
      %dma_wait3A_880 = tpu.memref_slice %arg17[%add3A_833, %dma_wait3A_879] : memref<10000x128xf32, #tpu.memory_space<vmem_shared>> -> memref<80x128xf32, #tpu.memory_space<vmem_shared>>
      tpu.wait_dma2 semaphore(%run_scoped3A : memref<!tpu.dma_semaphore, #tpu.memory_space<semaphore_mem>>) src(%dma_wait3A_880 : memref<80x128xf32, #tpu.memory_space<vmem_shared>>) dst(%dma_wait3A_878 : memref<80x128xf32, #tpu.memory_space<vmem>>)
      tpu.yield
    }) : () -> ()
    %add3A_834 = arith.constant 480 : i32
    %add3A_835 = arith.addi %add3A_759, %add3A_834 : i32
    "tpu.region"() ({
      %run_scoped3A = tpu.sem_alloc : memref<!tpu.dma_semaphore, #tpu.memory_space<semaphore_mem>>
      %dma_start3A_861 = arith.constant 0 : i32
      %dma_start3A_862 = arith.constant 0 : i32
      %dma_start3A_863 = tpu.memref_slice %arg12[%dma_start3A_861, %dma_start3A_862] : memref<80x128xf32, #tpu.memory_space<vmem>> -> memref<80x128xf32, #tpu.memory_space<vmem>>
      %dma_start3A_864 = arith.constant 0 : i32
      %dma_start3A_865 = tpu.memref_slice %arg5[%add3A_835, %dma_start3A_864] : memref<20000x128xf32, #tpu.memory_space<hbm>> -> memref<80x128xf32, #tpu.memory_space<hbm>>
      %dma_start3A_866 = arith.constant 0 : i32
      %dma_start3A_867 = tpu.memref_slice %arg5[%add3A_835, %dma_start3A_866] : memref<20000x128xf32, #tpu.memory_space<hbm>> -> memref<80x128xf32, #tpu.memory_space<hbm>>
      %dma_start3A_868 = arith.constant 0 : i32
      %dma_start3A_869 = arith.constant 0 : i32
      %dma_start3A_870 = tpu.memref_slice %arg12[%dma_start3A_868, %dma_start3A_869] : memref<80x128xf32, #tpu.memory_space<vmem>> -> memref<80x128xf32, #tpu.memory_space<vmem>>
      tpu.enqueue_dma source(%dma_start3A_870 : memref<80x128xf32, #tpu.memory_space<vmem>>) target(%dma_start3A_867 : memref<80x128xf32, #tpu.memory_space<hbm>>) target_semaphore(%run_scoped3A : memref<!tpu.dma_semaphore, #tpu.memory_space<semaphore_mem>>)
      %dma_wait3A_871 = arith.constant 0 : i32
      %dma_wait3A_872 = arith.constant 0 : i32
      %dma_wait3A_873 = tpu.memref_slice %arg12[%dma_wait3A_871, %dma_wait3A_872] : memref<80x128xf32, #tpu.memory_space<vmem>> -> memref<80x128xf32, #tpu.memory_space<vmem>>
      %dma_wait3A_874 = arith.constant 0 : i32
      %dma_wait3A_875 = tpu.memref_slice %arg5[%add3A_835, %dma_wait3A_874] : memref<20000x128xf32, #tpu.memory_space<hbm>> -> memref<80x128xf32, #tpu.memory_space<hbm>>
      %dma_wait3A_876 = arith.constant 0 : i32
      %dma_wait3A_877 = tpu.memref_slice %arg5[%add3A_835, %dma_wait3A_876] : memref<20000x128xf32, #tpu.memory_space<hbm>> -> memref<80x128xf32, #tpu.memory_space<hbm>>
      %dma_wait3A_878 = arith.constant 0 : i32
      %dma_wait3A_879 = arith.constant 0 : i32
      %dma_wait3A_880 = tpu.memref_slice %arg12[%dma_wait3A_878, %dma_wait3A_879] : memref<80x128xf32, #tpu.memory_space<vmem>> -> memref<80x128xf32, #tpu.memory_space<vmem>>
      tpu.wait_dma2 semaphore(%run_scoped3A : memref<!tpu.dma_semaphore, #tpu.memory_space<semaphore_mem>>) src(%dma_wait3A_880 : memref<80x128xf32, #tpu.memory_space<vmem>>) dst(%dma_wait3A_877 : memref<80x128xf32, #tpu.memory_space<hbm>>)
      tpu.yield
    }) : () -> ()
    %add3A_836 = arith.constant 480 : i32
    %add3A_837 = arith.addi %mul3A_7, %add3A_836 : i32
    "tpu.region"() ({
      %run_scoped3A = tpu.sem_alloc : memref<!tpu.dma_semaphore, #tpu.memory_space<semaphore_mem>>
      %dma_start3A_861 = arith.constant 0 : i32
      %dma_start3A_862 = arith.constant 0 : i32
      %dma_start3A_863 = tpu.memref_slice %arg14[%dma_start3A_861, %dma_start3A_862] : memref<80x16xf32, #tpu.memory_space<vmem>> -> memref<80x16xf32, #tpu.memory_space<vmem>>
      %dma_start3A_864 = arith.constant 0 : i32
      %dma_start3A_865 = tpu.memref_slice %arg18[%add3A_837, %dma_start3A_864] : memref<10000x16xf32, #tpu.memory_space<vmem_shared>> -> memref<80x16xf32, #tpu.memory_space<vmem_shared>>
      %dma_start3A_866 = arith.constant 0 : i32
      %dma_start3A_867 = arith.constant 0 : i32
      %dma_start3A_868 = tpu.memref_slice %arg14[%dma_start3A_866, %dma_start3A_867] : memref<80x16xf32, #tpu.memory_space<vmem>> -> memref<80x16xf32, #tpu.memory_space<vmem>>
      %dma_start3A_869 = arith.constant 0 : i32
      %dma_start3A_870 = tpu.memref_slice %arg18[%add3A_837, %dma_start3A_869] : memref<10000x16xf32, #tpu.memory_space<vmem_shared>> -> memref<80x16xf32, #tpu.memory_space<vmem_shared>>
      tpu.enqueue_dma source(%dma_start3A_870 : memref<80x16xf32, #tpu.memory_space<vmem_shared>>) target(%dma_start3A_868 : memref<80x16xf32, #tpu.memory_space<vmem>>) target_semaphore(%run_scoped3A : memref<!tpu.dma_semaphore, #tpu.memory_space<semaphore_mem>>)
      %dma_wait3A_871 = arith.constant 0 : i32
      %dma_wait3A_872 = arith.constant 0 : i32
      %dma_wait3A_873 = tpu.memref_slice %arg14[%dma_wait3A_871, %dma_wait3A_872] : memref<80x16xf32, #tpu.memory_space<vmem>> -> memref<80x16xf32, #tpu.memory_space<vmem>>
      %dma_wait3A_874 = arith.constant 0 : i32
      %dma_wait3A_875 = tpu.memref_slice %arg18[%add3A_837, %dma_wait3A_874] : memref<10000x16xf32, #tpu.memory_space<vmem_shared>> -> memref<80x16xf32, #tpu.memory_space<vmem_shared>>
      %dma_wait3A_876 = arith.constant 0 : i32
      %dma_wait3A_877 = arith.constant 0 : i32
      %dma_wait3A_878 = tpu.memref_slice %arg14[%dma_wait3A_876, %dma_wait3A_877] : memref<80x16xf32, #tpu.memory_space<vmem>> -> memref<80x16xf32, #tpu.memory_space<vmem>>
      %dma_wait3A_879 = arith.constant 0 : i32
      %dma_wait3A_880 = tpu.memref_slice %arg18[%add3A_837, %dma_wait3A_879] : memref<10000x16xf32, #tpu.memory_space<vmem_shared>> -> memref<80x16xf32, #tpu.memory_space<vmem_shared>>
      tpu.wait_dma2 semaphore(%run_scoped3A : memref<!tpu.dma_semaphore, #tpu.memory_space<semaphore_mem>>) src(%dma_wait3A_880 : memref<80x16xf32, #tpu.memory_space<vmem_shared>>) dst(%dma_wait3A_878 : memref<80x16xf32, #tpu.memory_space<vmem>>)
      tpu.yield
    }) : () -> ()
    %add3A_838 = arith.constant 480 : i32
    %add3A_839 = arith.addi %add3A_759, %add3A_838 : i32
    "tpu.region"() ({
      %run_scoped3A = tpu.sem_alloc : memref<!tpu.dma_semaphore, #tpu.memory_space<semaphore_mem>>
      %dma_start3A_861 = arith.constant 0 : i32
      %dma_start3A_862 = arith.constant 0 : i32
      %dma_start3A_863 = tpu.memref_slice %arg14[%dma_start3A_861, %dma_start3A_862] : memref<80x16xf32, #tpu.memory_space<vmem>> -> memref<80x16xf32, #tpu.memory_space<vmem>>
      %dma_start3A_864 = arith.constant 0 : i32
      %dma_start3A_865 = tpu.memref_slice %arg6[%add3A_839, %dma_start3A_864] : memref<20000x16xf32, #tpu.memory_space<hbm>> -> memref<80x16xf32, #tpu.memory_space<hbm>>
      %dma_start3A_866 = arith.constant 0 : i32
      %dma_start3A_867 = tpu.memref_slice %arg6[%add3A_839, %dma_start3A_866] : memref<20000x16xf32, #tpu.memory_space<hbm>> -> memref<80x16xf32, #tpu.memory_space<hbm>>
      %dma_start3A_868 = arith.constant 0 : i32
      %dma_start3A_869 = arith.constant 0 : i32
      %dma_start3A_870 = tpu.memref_slice %arg14[%dma_start3A_868, %dma_start3A_869] : memref<80x16xf32, #tpu.memory_space<vmem>> -> memref<80x16xf32, #tpu.memory_space<vmem>>
      tpu.enqueue_dma source(%dma_start3A_870 : memref<80x16xf32, #tpu.memory_space<vmem>>) target(%dma_start3A_867 : memref<80x16xf32, #tpu.memory_space<hbm>>) target_semaphore(%run_scoped3A : memref<!tpu.dma_semaphore, #tpu.memory_space<semaphore_mem>>)
      %dma_wait3A_871 = arith.constant 0 : i32
      %dma_wait3A_872 = arith.constant 0 : i32
      %dma_wait3A_873 = tpu.memref_slice %arg14[%dma_wait3A_871, %dma_wait3A_872] : memref<80x16xf32, #tpu.memory_space<vmem>> -> memref<80x16xf32, #tpu.memory_space<vmem>>
      %dma_wait3A_874 = arith.constant 0 : i32
      %dma_wait3A_875 = tpu.memref_slice %arg6[%add3A_839, %dma_wait3A_874] : memref<20000x16xf32, #tpu.memory_space<hbm>> -> memref<80x16xf32, #tpu.memory_space<hbm>>
      %dma_wait3A_876 = arith.constant 0 : i32
      %dma_wait3A_877 = tpu.memref_slice %arg6[%add3A_839, %dma_wait3A_876] : memref<20000x16xf32, #tpu.memory_space<hbm>> -> memref<80x16xf32, #tpu.memory_space<hbm>>
      %dma_wait3A_878 = arith.constant 0 : i32
      %dma_wait3A_879 = arith.constant 0 : i32
      %dma_wait3A_880 = tpu.memref_slice %arg14[%dma_wait3A_878, %dma_wait3A_879] : memref<80x16xf32, #tpu.memory_space<vmem>> -> memref<80x16xf32, #tpu.memory_space<vmem>>
      tpu.wait_dma2 semaphore(%run_scoped3A : memref<!tpu.dma_semaphore, #tpu.memory_space<semaphore_mem>>) src(%dma_wait3A_880 : memref<80x16xf32, #tpu.memory_space<vmem>>) dst(%dma_wait3A_877 : memref<80x16xf32, #tpu.memory_space<hbm>>)
      tpu.yield
    }) : () -> ()
    %add3A_840 = arith.constant 480 : i32
    %add3A_841 = arith.addi %mul3A_7, %add3A_840 : i32
    "tpu.region"() ({
      %run_scoped3A = tpu.sem_alloc : memref<!tpu.dma_semaphore, #tpu.memory_space<semaphore_mem>>
      %dma_start3A_861 = arith.constant 0 : i32
      %dma_start3A_862 = arith.constant 0 : i32
      %dma_start3A_863 = tpu.memref_slice %arg16[%dma_start3A_861, %dma_start3A_862] : memref<80x16xf32, #tpu.memory_space<vmem>> -> memref<80x16xf32, #tpu.memory_space<vmem>>
      %dma_start3A_864 = arith.constant 0 : i32
      %dma_start3A_865 = tpu.memref_slice %arg19[%add3A_841, %dma_start3A_864] : memref<10000x16xf32, #tpu.memory_space<vmem_shared>> -> memref<80x16xf32, #tpu.memory_space<vmem_shared>>
      %dma_start3A_866 = arith.constant 0 : i32
      %dma_start3A_867 = arith.constant 0 : i32
      %dma_start3A_868 = tpu.memref_slice %arg16[%dma_start3A_866, %dma_start3A_867] : memref<80x16xf32, #tpu.memory_space<vmem>> -> memref<80x16xf32, #tpu.memory_space<vmem>>
      %dma_start3A_869 = arith.constant 0 : i32
      %dma_start3A_870 = tpu.memref_slice %arg19[%add3A_841, %dma_start3A_869] : memref<10000x16xf32, #tpu.memory_space<vmem_shared>> -> memref<80x16xf32, #tpu.memory_space<vmem_shared>>
      tpu.enqueue_dma source(%dma_start3A_870 : memref<80x16xf32, #tpu.memory_space<vmem_shared>>) target(%dma_start3A_868 : memref<80x16xf32, #tpu.memory_space<vmem>>) target_semaphore(%run_scoped3A : memref<!tpu.dma_semaphore, #tpu.memory_space<semaphore_mem>>)
      %dma_wait3A_871 = arith.constant 0 : i32
      %dma_wait3A_872 = arith.constant 0 : i32
      %dma_wait3A_873 = tpu.memref_slice %arg16[%dma_wait3A_871, %dma_wait3A_872] : memref<80x16xf32, #tpu.memory_space<vmem>> -> memref<80x16xf32, #tpu.memory_space<vmem>>
      %dma_wait3A_874 = arith.constant 0 : i32
      %dma_wait3A_875 = tpu.memref_slice %arg19[%add3A_841, %dma_wait3A_874] : memref<10000x16xf32, #tpu.memory_space<vmem_shared>> -> memref<80x16xf32, #tpu.memory_space<vmem_shared>>
      %dma_wait3A_876 = arith.constant 0 : i32
      %dma_wait3A_877 = arith.constant 0 : i32
      %dma_wait3A_878 = tpu.memref_slice %arg16[%dma_wait3A_876, %dma_wait3A_877] : memref<80x16xf32, #tpu.memory_space<vmem>> -> memref<80x16xf32, #tpu.memory_space<vmem>>
      %dma_wait3A_879 = arith.constant 0 : i32
      %dma_wait3A_880 = tpu.memref_slice %arg19[%add3A_841, %dma_wait3A_879] : memref<10000x16xf32, #tpu.memory_space<vmem_shared>> -> memref<80x16xf32, #tpu.memory_space<vmem_shared>>
      tpu.wait_dma2 semaphore(%run_scoped3A : memref<!tpu.dma_semaphore, #tpu.memory_space<semaphore_mem>>) src(%dma_wait3A_880 : memref<80x16xf32, #tpu.memory_space<vmem_shared>>) dst(%dma_wait3A_878 : memref<80x16xf32, #tpu.memory_space<vmem>>)
      tpu.yield
    }) : () -> ()
    %add3A_842 = arith.constant 480 : i32
    %add3A_843 = arith.addi %add3A_759, %add3A_842 : i32
    "tpu.region"() ({
      %run_scoped3A = tpu.sem_alloc : memref<!tpu.dma_semaphore, #tpu.memory_space<semaphore_mem>>
      %dma_start3A_861 = arith.constant 0 : i32
      %dma_start3A_862 = arith.constant 0 : i32
      %dma_start3A_863 = tpu.memref_slice %arg16[%dma_start3A_861, %dma_start3A_862] : memref<80x16xf32, #tpu.memory_space<vmem>> -> memref<80x16xf32, #tpu.memory_space<vmem>>
      %dma_start3A_864 = arith.constant 0 : i32
      %dma_start3A_865 = tpu.memref_slice %arg7[%add3A_843, %dma_start3A_864] : memref<20000x16xf32, #tpu.memory_space<hbm>> -> memref<80x16xf32, #tpu.memory_space<hbm>>
      %dma_start3A_866 = arith.constant 0 : i32
      %dma_start3A_867 = tpu.memref_slice %arg7[%add3A_843, %dma_start3A_866] : memref<20000x16xf32, #tpu.memory_space<hbm>> -> memref<80x16xf32, #tpu.memory_space<hbm>>
      %dma_start3A_868 = arith.constant 0 : i32
      %dma_start3A_869 = arith.constant 0 : i32
      %dma_start3A_870 = tpu.memref_slice %arg16[%dma_start3A_868, %dma_start3A_869] : memref<80x16xf32, #tpu.memory_space<vmem>> -> memref<80x16xf32, #tpu.memory_space<vmem>>
      tpu.enqueue_dma source(%dma_start3A_870 : memref<80x16xf32, #tpu.memory_space<vmem>>) target(%dma_start3A_867 : memref<80x16xf32, #tpu.memory_space<hbm>>) target_semaphore(%run_scoped3A : memref<!tpu.dma_semaphore, #tpu.memory_space<semaphore_mem>>)
      %dma_wait3A_871 = arith.constant 0 : i32
      %dma_wait3A_872 = arith.constant 0 : i32
      %dma_wait3A_873 = tpu.memref_slice %arg16[%dma_wait3A_871, %dma_wait3A_872] : memref<80x16xf32, #tpu.memory_space<vmem>> -> memref<80x16xf32, #tpu.memory_space<vmem>>
      %dma_wait3A_874 = arith.constant 0 : i32
      %dma_wait3A_875 = tpu.memref_slice %arg7[%add3A_843, %dma_wait3A_874] : memref<20000x16xf32, #tpu.memory_space<hbm>> -> memref<80x16xf32, #tpu.memory_space<hbm>>
      %dma_wait3A_876 = arith.constant 0 : i32
      %dma_wait3A_877 = tpu.memref_slice %arg7[%add3A_843, %dma_wait3A_876] : memref<20000x16xf32, #tpu.memory_space<hbm>> -> memref<80x16xf32, #tpu.memory_space<hbm>>
      %dma_wait3A_878 = arith.constant 0 : i32
      %dma_wait3A_879 = arith.constant 0 : i32
      %dma_wait3A_880 = tpu.memref_slice %arg16[%dma_wait3A_878, %dma_wait3A_879] : memref<80x16xf32, #tpu.memory_space<vmem>> -> memref<80x16xf32, #tpu.memory_space<vmem>>
      tpu.wait_dma2 semaphore(%run_scoped3A : memref<!tpu.dma_semaphore, #tpu.memory_space<semaphore_mem>>) src(%dma_wait3A_880 : memref<80x16xf32, #tpu.memory_space<vmem>>) dst(%dma_wait3A_877 : memref<80x16xf32, #tpu.memory_space<hbm>>)
      tpu.yield
    }) : () -> ()
    %add3A_844 = arith.constant 560 : i32
    %add3A_845 = arith.addi %mul3A_7, %add3A_844 : i32
    "tpu.region"() ({
      %run_scoped3A = tpu.sem_alloc : memref<!tpu.dma_semaphore, #tpu.memory_space<semaphore_mem>>
      %dma_start3A_861 = arith.constant 0 : i32
      %dma_start3A_862 = arith.constant 0 : i32
      %dma_start3A_863 = tpu.memref_slice %arg12[%dma_start3A_861, %dma_start3A_862] : memref<80x128xf32, #tpu.memory_space<vmem>> -> memref<64x128xf32, #tpu.memory_space<vmem>>
      %dma_start3A_864 = arith.constant 0 : i32
      %dma_start3A_865 = tpu.memref_slice %arg17[%add3A_845, %dma_start3A_864] : memref<10000x128xf32, #tpu.memory_space<vmem_shared>> -> memref<64x128xf32, #tpu.memory_space<vmem_shared>>
      %dma_start3A_866 = arith.constant 0 : i32
      %dma_start3A_867 = arith.constant 0 : i32
      %dma_start3A_868 = tpu.memref_slice %arg12[%dma_start3A_866, %dma_start3A_867] : memref<80x128xf32, #tpu.memory_space<vmem>> -> memref<64x128xf32, #tpu.memory_space<vmem>>
      %dma_start3A_869 = arith.constant 0 : i32
      %dma_start3A_870 = tpu.memref_slice %arg17[%add3A_845, %dma_start3A_869] : memref<10000x128xf32, #tpu.memory_space<vmem_shared>> -> memref<64x128xf32, #tpu.memory_space<vmem_shared>>
      tpu.enqueue_dma source(%dma_start3A_870 : memref<64x128xf32, #tpu.memory_space<vmem_shared>>) target(%dma_start3A_868 : memref<64x128xf32, #tpu.memory_space<vmem>>) target_semaphore(%run_scoped3A : memref<!tpu.dma_semaphore, #tpu.memory_space<semaphore_mem>>)
      %dma_wait3A_871 = arith.constant 0 : i32
      %dma_wait3A_872 = arith.constant 0 : i32
      %dma_wait3A_873 = tpu.memref_slice %arg12[%dma_wait3A_871, %dma_wait3A_872] : memref<80x128xf32, #tpu.memory_space<vmem>> -> memref<64x128xf32, #tpu.memory_space<vmem>>
      %dma_wait3A_874 = arith.constant 0 : i32
      %dma_wait3A_875 = tpu.memref_slice %arg17[%add3A_845, %dma_wait3A_874] : memref<10000x128xf32, #tpu.memory_space<vmem_shared>> -> memref<64x128xf32, #tpu.memory_space<vmem_shared>>
      %dma_wait3A_876 = arith.constant 0 : i32
      %dma_wait3A_877 = arith.constant 0 : i32
      %dma_wait3A_878 = tpu.memref_slice %arg12[%dma_wait3A_876, %dma_wait3A_877] : memref<80x128xf32, #tpu.memory_space<vmem>> -> memref<64x128xf32, #tpu.memory_space<vmem>>
      %dma_wait3A_879 = arith.constant 0 : i32
      %dma_wait3A_880 = tpu.memref_slice %arg17[%add3A_845, %dma_wait3A_879] : memref<10000x128xf32, #tpu.memory_space<vmem_shared>> -> memref<64x128xf32, #tpu.memory_space<vmem_shared>>
      tpu.wait_dma2 semaphore(%run_scoped3A : memref<!tpu.dma_semaphore, #tpu.memory_space<semaphore_mem>>) src(%dma_wait3A_880 : memref<64x128xf32, #tpu.memory_space<vmem_shared>>) dst(%dma_wait3A_878 : memref<64x128xf32, #tpu.memory_space<vmem>>)
      tpu.yield
    }) : () -> ()
    %add3A_846 = arith.constant 560 : i32
    %add3A_847 = arith.addi %add3A_759, %add3A_846 : i32
    "tpu.region"() ({
      %run_scoped3A = tpu.sem_alloc : memref<!tpu.dma_semaphore, #tpu.memory_space<semaphore_mem>>
      %dma_start3A_861 = arith.constant 0 : i32
      %dma_start3A_862 = arith.constant 0 : i32
      %dma_start3A_863 = tpu.memref_slice %arg12[%dma_start3A_861, %dma_start3A_862] : memref<80x128xf32, #tpu.memory_space<vmem>> -> memref<64x128xf32, #tpu.memory_space<vmem>>
      %dma_start3A_864 = arith.constant 0 : i32
      %dma_start3A_865 = tpu.memref_slice %arg5[%add3A_847, %dma_start3A_864] : memref<20000x128xf32, #tpu.memory_space<hbm>> -> memref<64x128xf32, #tpu.memory_space<hbm>>
      %dma_start3A_866 = arith.constant 0 : i32
      %dma_start3A_867 = tpu.memref_slice %arg5[%add3A_847, %dma_start3A_866] : memref<20000x128xf32, #tpu.memory_space<hbm>> -> memref<64x128xf32, #tpu.memory_space<hbm>>
      %dma_start3A_868 = arith.constant 0 : i32
      %dma_start3A_869 = arith.constant 0 : i32
      %dma_start3A_870 = tpu.memref_slice %arg12[%dma_start3A_868, %dma_start3A_869] : memref<80x128xf32, #tpu.memory_space<vmem>> -> memref<64x128xf32, #tpu.memory_space<vmem>>
      tpu.enqueue_dma source(%dma_start3A_870 : memref<64x128xf32, #tpu.memory_space<vmem>>) target(%dma_start3A_867 : memref<64x128xf32, #tpu.memory_space<hbm>>) target_semaphore(%run_scoped3A : memref<!tpu.dma_semaphore, #tpu.memory_space<semaphore_mem>>)
      %dma_wait3A_871 = arith.constant 0 : i32
      %dma_wait3A_872 = arith.constant 0 : i32
      %dma_wait3A_873 = tpu.memref_slice %arg12[%dma_wait3A_871, %dma_wait3A_872] : memref<80x128xf32, #tpu.memory_space<vmem>> -> memref<64x128xf32, #tpu.memory_space<vmem>>
      %dma_wait3A_874 = arith.constant 0 : i32
      %dma_wait3A_875 = tpu.memref_slice %arg5[%add3A_847, %dma_wait3A_874] : memref<20000x128xf32, #tpu.memory_space<hbm>> -> memref<64x128xf32, #tpu.memory_space<hbm>>
      %dma_wait3A_876 = arith.constant 0 : i32
      %dma_wait3A_877 = tpu.memref_slice %arg5[%add3A_847, %dma_wait3A_876] : memref<20000x128xf32, #tpu.memory_space<hbm>> -> memref<64x128xf32, #tpu.memory_space<hbm>>
      %dma_wait3A_878 = arith.constant 0 : i32
      %dma_wait3A_879 = arith.constant 0 : i32
      %dma_wait3A_880 = tpu.memref_slice %arg12[%dma_wait3A_878, %dma_wait3A_879] : memref<80x128xf32, #tpu.memory_space<vmem>> -> memref<64x128xf32, #tpu.memory_space<vmem>>
      tpu.wait_dma2 semaphore(%run_scoped3A : memref<!tpu.dma_semaphore, #tpu.memory_space<semaphore_mem>>) src(%dma_wait3A_880 : memref<64x128xf32, #tpu.memory_space<vmem>>) dst(%dma_wait3A_877 : memref<64x128xf32, #tpu.memory_space<hbm>>)
      tpu.yield
    }) : () -> ()
    %add3A_848 = arith.constant 560 : i32
    %add3A_849 = arith.addi %mul3A_7, %add3A_848 : i32
    "tpu.region"() ({
      %run_scoped3A = tpu.sem_alloc : memref<!tpu.dma_semaphore, #tpu.memory_space<semaphore_mem>>
      %dma_start3A_861 = arith.constant 0 : i32
      %dma_start3A_862 = arith.constant 0 : i32
      %dma_start3A_863 = tpu.memref_slice %arg14[%dma_start3A_861, %dma_start3A_862] : memref<80x16xf32, #tpu.memory_space<vmem>> -> memref<64x16xf32, #tpu.memory_space<vmem>>
      %dma_start3A_864 = arith.constant 0 : i32
      %dma_start3A_865 = tpu.memref_slice %arg18[%add3A_849, %dma_start3A_864] : memref<10000x16xf32, #tpu.memory_space<vmem_shared>> -> memref<64x16xf32, #tpu.memory_space<vmem_shared>>
      %dma_start3A_866 = arith.constant 0 : i32
      %dma_start3A_867 = arith.constant 0 : i32
      %dma_start3A_868 = tpu.memref_slice %arg14[%dma_start3A_866, %dma_start3A_867] : memref<80x16xf32, #tpu.memory_space<vmem>> -> memref<64x16xf32, #tpu.memory_space<vmem>>
      %dma_start3A_869 = arith.constant 0 : i32
      %dma_start3A_870 = tpu.memref_slice %arg18[%add3A_849, %dma_start3A_869] : memref<10000x16xf32, #tpu.memory_space<vmem_shared>> -> memref<64x16xf32, #tpu.memory_space<vmem_shared>>
      tpu.enqueue_dma source(%dma_start3A_870 : memref<64x16xf32, #tpu.memory_space<vmem_shared>>) target(%dma_start3A_868 : memref<64x16xf32, #tpu.memory_space<vmem>>) target_semaphore(%run_scoped3A : memref<!tpu.dma_semaphore, #tpu.memory_space<semaphore_mem>>)
      %dma_wait3A_871 = arith.constant 0 : i32
      %dma_wait3A_872 = arith.constant 0 : i32
      %dma_wait3A_873 = tpu.memref_slice %arg14[%dma_wait3A_871, %dma_wait3A_872] : memref<80x16xf32, #tpu.memory_space<vmem>> -> memref<64x16xf32, #tpu.memory_space<vmem>>
      %dma_wait3A_874 = arith.constant 0 : i32
      %dma_wait3A_875 = tpu.memref_slice %arg18[%add3A_849, %dma_wait3A_874] : memref<10000x16xf32, #tpu.memory_space<vmem_shared>> -> memref<64x16xf32, #tpu.memory_space<vmem_shared>>
      %dma_wait3A_876 = arith.constant 0 : i32
      %dma_wait3A_877 = arith.constant 0 : i32
      %dma_wait3A_878 = tpu.memref_slice %arg14[%dma_wait3A_876, %dma_wait3A_877] : memref<80x16xf32, #tpu.memory_space<vmem>> -> memref<64x16xf32, #tpu.memory_space<vmem>>
      %dma_wait3A_879 = arith.constant 0 : i32
      %dma_wait3A_880 = tpu.memref_slice %arg18[%add3A_849, %dma_wait3A_879] : memref<10000x16xf32, #tpu.memory_space<vmem_shared>> -> memref<64x16xf32, #tpu.memory_space<vmem_shared>>
      tpu.wait_dma2 semaphore(%run_scoped3A : memref<!tpu.dma_semaphore, #tpu.memory_space<semaphore_mem>>) src(%dma_wait3A_880 : memref<64x16xf32, #tpu.memory_space<vmem_shared>>) dst(%dma_wait3A_878 : memref<64x16xf32, #tpu.memory_space<vmem>>)
      tpu.yield
    }) : () -> ()
    %add3A_850 = arith.constant 560 : i32
    %add3A_851 = arith.addi %add3A_759, %add3A_850 : i32
    "tpu.region"() ({
      %run_scoped3A = tpu.sem_alloc : memref<!tpu.dma_semaphore, #tpu.memory_space<semaphore_mem>>
      %dma_start3A_861 = arith.constant 0 : i32
      %dma_start3A_862 = arith.constant 0 : i32
      %dma_start3A_863 = tpu.memref_slice %arg14[%dma_start3A_861, %dma_start3A_862] : memref<80x16xf32, #tpu.memory_space<vmem>> -> memref<64x16xf32, #tpu.memory_space<vmem>>
      %dma_start3A_864 = arith.constant 0 : i32
      %dma_start3A_865 = tpu.memref_slice %arg6[%add3A_851, %dma_start3A_864] : memref<20000x16xf32, #tpu.memory_space<hbm>> -> memref<64x16xf32, #tpu.memory_space<hbm>>
      %dma_start3A_866 = arith.constant 0 : i32
      %dma_start3A_867 = tpu.memref_slice %arg6[%add3A_851, %dma_start3A_866] : memref<20000x16xf32, #tpu.memory_space<hbm>> -> memref<64x16xf32, #tpu.memory_space<hbm>>
      %dma_start3A_868 = arith.constant 0 : i32
      %dma_start3A_869 = arith.constant 0 : i32
      %dma_start3A_870 = tpu.memref_slice %arg14[%dma_start3A_868, %dma_start3A_869] : memref<80x16xf32, #tpu.memory_space<vmem>> -> memref<64x16xf32, #tpu.memory_space<vmem>>
      tpu.enqueue_dma source(%dma_start3A_870 : memref<64x16xf32, #tpu.memory_space<vmem>>) target(%dma_start3A_867 : memref<64x16xf32, #tpu.memory_space<hbm>>) target_semaphore(%run_scoped3A : memref<!tpu.dma_semaphore, #tpu.memory_space<semaphore_mem>>)
      %dma_wait3A_871 = arith.constant 0 : i32
      %dma_wait3A_872 = arith.constant 0 : i32
      %dma_wait3A_873 = tpu.memref_slice %arg14[%dma_wait3A_871, %dma_wait3A_872] : memref<80x16xf32, #tpu.memory_space<vmem>> -> memref<64x16xf32, #tpu.memory_space<vmem>>
      %dma_wait3A_874 = arith.constant 0 : i32
      %dma_wait3A_875 = tpu.memref_slice %arg6[%add3A_851, %dma_wait3A_874] : memref<20000x16xf32, #tpu.memory_space<hbm>> -> memref<64x16xf32, #tpu.memory_space<hbm>>
      %dma_wait3A_876 = arith.constant 0 : i32
      %dma_wait3A_877 = tpu.memref_slice %arg6[%add3A_851, %dma_wait3A_876] : memref<20000x16xf32, #tpu.memory_space<hbm>> -> memref<64x16xf32, #tpu.memory_space<hbm>>
      %dma_wait3A_878 = arith.constant 0 : i32
      %dma_wait3A_879 = arith.constant 0 : i32
      %dma_wait3A_880 = tpu.memref_slice %arg14[%dma_wait3A_878, %dma_wait3A_879] : memref<80x16xf32, #tpu.memory_space<vmem>> -> memref<64x16xf32, #tpu.memory_space<vmem>>
      tpu.wait_dma2 semaphore(%run_scoped3A : memref<!tpu.dma_semaphore, #tpu.memory_space<semaphore_mem>>) src(%dma_wait3A_880 : memref<64x16xf32, #tpu.memory_space<vmem>>) dst(%dma_wait3A_877 : memref<64x16xf32, #tpu.memory_space<hbm>>)
      tpu.yield
    }) : () -> ()
    %add3A_852 = arith.constant 560 : i32
    %add3A_853 = arith.addi %mul3A_7, %add3A_852 : i32
    "tpu.region"() ({
      %run_scoped3A = tpu.sem_alloc : memref<!tpu.dma_semaphore, #tpu.memory_space<semaphore_mem>>
      %dma_start3A_861 = arith.constant 0 : i32
      %dma_start3A_862 = arith.constant 0 : i32
      %dma_start3A_863 = tpu.memref_slice %arg16[%dma_start3A_861, %dma_start3A_862] : memref<80x16xf32, #tpu.memory_space<vmem>> -> memref<64x16xf32, #tpu.memory_space<vmem>>
      %dma_start3A_864 = arith.constant 0 : i32
      %dma_start3A_865 = tpu.memref_slice %arg19[%add3A_853, %dma_start3A_864] : memref<10000x16xf32, #tpu.memory_space<vmem_shared>> -> memref<64x16xf32, #tpu.memory_space<vmem_shared>>
      %dma_start3A_866 = arith.constant 0 : i32
      %dma_start3A_867 = arith.constant 0 : i32
      %dma_start3A_868 = tpu.memref_slice %arg16[%dma_start3A_866, %dma_start3A_867] : memref<80x16xf32, #tpu.memory_space<vmem>> -> memref<64x16xf32, #tpu.memory_space<vmem>>
      %dma_start3A_869 = arith.constant 0 : i32
      %dma_start3A_870 = tpu.memref_slice %arg19[%add3A_853, %dma_start3A_869] : memref<10000x16xf32, #tpu.memory_space<vmem_shared>> -> memref<64x16xf32, #tpu.memory_space<vmem_shared>>
      tpu.enqueue_dma source(%dma_start3A_870 : memref<64x16xf32, #tpu.memory_space<vmem_shared>>) target(%dma_start3A_868 : memref<64x16xf32, #tpu.memory_space<vmem>>) target_semaphore(%run_scoped3A : memref<!tpu.dma_semaphore, #tpu.memory_space<semaphore_mem>>)
      %dma_wait3A_871 = arith.constant 0 : i32
      %dma_wait3A_872 = arith.constant 0 : i32
      %dma_wait3A_873 = tpu.memref_slice %arg16[%dma_wait3A_871, %dma_wait3A_872] : memref<80x16xf32, #tpu.memory_space<vmem>> -> memref<64x16xf32, #tpu.memory_space<vmem>>
      %dma_wait3A_874 = arith.constant 0 : i32
      %dma_wait3A_875 = tpu.memref_slice %arg19[%add3A_853, %dma_wait3A_874] : memref<10000x16xf32, #tpu.memory_space<vmem_shared>> -> memref<64x16xf32, #tpu.memory_space<vmem_shared>>
      %dma_wait3A_876 = arith.constant 0 : i32
      %dma_wait3A_877 = arith.constant 0 : i32
      %dma_wait3A_878 = tpu.memref_slice %arg16[%dma_wait3A_876, %dma_wait3A_877] : memref<80x16xf32, #tpu.memory_space<vmem>> -> memref<64x16xf32, #tpu.memory_space<vmem>>
      %dma_wait3A_879 = arith.constant 0 : i32
      %dma_wait3A_880 = tpu.memref_slice %arg19[%add3A_853, %dma_wait3A_879] : memref<10000x16xf32, #tpu.memory_space<vmem_shared>> -> memref<64x16xf32, #tpu.memory_space<vmem_shared>>
      tpu.wait_dma2 semaphore(%run_scoped3A : memref<!tpu.dma_semaphore, #tpu.memory_space<semaphore_mem>>) src(%dma_wait3A_880 : memref<64x16xf32, #tpu.memory_space<vmem_shared>>) dst(%dma_wait3A_878 : memref<64x16xf32, #tpu.memory_space<vmem>>)
      tpu.yield
    }) : () -> ()
    %add3A_854 = arith.constant 560 : i32
    %add3A_855 = arith.addi %add3A_759, %add3A_854 : i32
    "tpu.region"() ({
      %run_scoped3A = tpu.sem_alloc : memref<!tpu.dma_semaphore, #tpu.memory_space<semaphore_mem>>
      %dma_start3A_861 = arith.constant 0 : i32
      %dma_start3A_862 = arith.constant 0 : i32
      %dma_start3A_863 = tpu.memref_slice %arg16[%dma_start3A_861, %dma_start3A_862] : memref<80x16xf32, #tpu.memory_space<vmem>> -> memref<64x16xf32, #tpu.memory_space<vmem>>
      %dma_start3A_864 = arith.constant 0 : i32
      %dma_start3A_865 = tpu.memref_slice %arg7[%add3A_855, %dma_start3A_864] : memref<20000x16xf32, #tpu.memory_space<hbm>> -> memref<64x16xf32, #tpu.memory_space<hbm>>
      %dma_start3A_866 = arith.constant 0 : i32
      %dma_start3A_867 = tpu.memref_slice %arg7[%add3A_855, %dma_start3A_866] : memref<20000x16xf32, #tpu.memory_space<hbm>> -> memref<64x16xf32, #tpu.memory_space<hbm>>
      %dma_start3A_868 = arith.constant 0 : i32
      %dma_start3A_869 = arith.constant 0 : i32
      %dma_start3A_870 = tpu.memref_slice %arg16[%dma_start3A_868, %dma_start3A_869] : memref<80x16xf32, #tpu.memory_space<vmem>> -> memref<64x16xf32, #tpu.memory_space<vmem>>
      tpu.enqueue_dma source(%dma_start3A_870 : memref<64x16xf32, #tpu.memory_space<vmem>>) target(%dma_start3A_867 : memref<64x16xf32, #tpu.memory_space<hbm>>) target_semaphore(%run_scoped3A : memref<!tpu.dma_semaphore, #tpu.memory_space<semaphore_mem>>)
      %dma_wait3A_871 = arith.constant 0 : i32
      %dma_wait3A_872 = arith.constant 0 : i32
      %dma_wait3A_873 = tpu.memref_slice %arg16[%dma_wait3A_871, %dma_wait3A_872] : memref<80x16xf32, #tpu.memory_space<vmem>> -> memref<64x16xf32, #tpu.memory_space<vmem>>
      %dma_wait3A_874 = arith.constant 0 : i32
      %dma_wait3A_875 = tpu.memref_slice %arg7[%add3A_855, %dma_wait3A_874] : memref<20000x16xf32, #tpu.memory_space<hbm>> -> memref<64x16xf32, #tpu.memory_space<hbm>>
      %dma_wait3A_876 = arith.constant 0 : i32
      %dma_wait3A_877 = tpu.memref_slice %arg7[%add3A_855, %dma_wait3A_876] : memref<20000x16xf32, #tpu.memory_space<hbm>> -> memref<64x16xf32, #tpu.memory_space<hbm>>
      %dma_wait3A_878 = arith.constant 0 : i32
      %dma_wait3A_879 = arith.constant 0 : i32
      %dma_wait3A_880 = tpu.memref_slice %arg16[%dma_wait3A_878, %dma_wait3A_879] : memref<80x16xf32, #tpu.memory_space<vmem>> -> memref<64x16xf32, #tpu.memory_space<vmem>>
      tpu.wait_dma2 semaphore(%run_scoped3A : memref<!tpu.dma_semaphore, #tpu.memory_space<semaphore_mem>>) src(%dma_wait3A_880 : memref<64x16xf32, #tpu.memory_space<vmem>>) dst(%dma_wait3A_877 : memref<64x16xf32, #tpu.memory_space<hbm>>)
      tpu.yield
    }) : () -> ()
    %eq3A_856 = arith.constant 0 : i32
    %eq3A_857 = arith.cmpi eq, %arg1, %eq3A_856 : i32
    %convert_element_type3A_858 = arith.extui %eq3A_857 : i1 to i32
    %cond3A_859 = arith.constant 0 : i32
    %cond3A_860 = arith.cmpi ne, %convert_element_type3A_858, %cond3A_859 : i32
    scf.if %cond3A_860 {
      "tpu.region"() ({
        %run_scoped3A = tpu.sem_alloc : memref<!tpu.dma_semaphore, #tpu.memory_space<semaphore_mem>>
        %dma_start3A_873 = arith.constant 0 : i32
        %dma_start3A_874 = arith.constant 0 : i32
        %dma_start3A_875 = tpu.memref_slice %arg12[%dma_start3A_873, %dma_start3A_874] : memref<80x128xf32, #tpu.memory_space<vmem>> -> memref<16x128xf32, #tpu.memory_space<vmem>>
        %dma_start3A_876 = arith.constant 9984 : i32
        %dma_start3A_877 = arith.constant 0 : i32
        %dma_start3A_878 = tpu.memref_slice %arg17[%dma_start3A_876, %dma_start3A_877] : memref<10000x128xf32, #tpu.memory_space<vmem_shared>> -> memref<16x128xf32, #tpu.memory_space<vmem_shared>>
        %dma_start3A_879 = arith.constant 0 : i32
        %dma_start3A_880 = arith.constant 0 : i32
        %dma_start3A_881 = tpu.memref_slice %arg12[%dma_start3A_879, %dma_start3A_880] : memref<80x128xf32, #tpu.memory_space<vmem>> -> memref<16x128xf32, #tpu.memory_space<vmem>>
        %dma_start3A_882 = arith.constant 9984 : i32
        %dma_start3A_883 = arith.constant 0 : i32
        %dma_start3A_884 = tpu.memref_slice %arg17[%dma_start3A_882, %dma_start3A_883] : memref<10000x128xf32, #tpu.memory_space<vmem_shared>> -> memref<16x128xf32, #tpu.memory_space<vmem_shared>>
        tpu.enqueue_dma source(%dma_start3A_884 : memref<16x128xf32, #tpu.memory_space<vmem_shared>>) target(%dma_start3A_881 : memref<16x128xf32, #tpu.memory_space<vmem>>) target_semaphore(%run_scoped3A : memref<!tpu.dma_semaphore, #tpu.memory_space<semaphore_mem>>)
        %dma_wait3A_885 = arith.constant 0 : i32
        %dma_wait3A_886 = arith.constant 0 : i32
        %dma_wait3A_887 = tpu.memref_slice %arg12[%dma_wait3A_885, %dma_wait3A_886] : memref<80x128xf32, #tpu.memory_space<vmem>> -> memref<16x128xf32, #tpu.memory_space<vmem>>
        %dma_wait3A_888 = arith.constant 9984 : i32
        %dma_wait3A_889 = arith.constant 0 : i32
        %dma_wait3A_890 = tpu.memref_slice %arg17[%dma_wait3A_888, %dma_wait3A_889] : memref<10000x128xf32, #tpu.memory_space<vmem_shared>> -> memref<16x128xf32, #tpu.memory_space<vmem_shared>>
        %dma_wait3A_891 = arith.constant 0 : i32
        %dma_wait3A_892 = arith.constant 0 : i32
        %dma_wait3A_893 = tpu.memref_slice %arg12[%dma_wait3A_891, %dma_wait3A_892] : memref<80x128xf32, #tpu.memory_space<vmem>> -> memref<16x128xf32, #tpu.memory_space<vmem>>
        %dma_wait3A_894 = arith.constant 9984 : i32
        %dma_wait3A_895 = arith.constant 0 : i32
        %dma_wait3A_896 = tpu.memref_slice %arg17[%dma_wait3A_894, %dma_wait3A_895] : memref<10000x128xf32, #tpu.memory_space<vmem_shared>> -> memref<16x128xf32, #tpu.memory_space<vmem_shared>>
        tpu.wait_dma2 semaphore(%run_scoped3A : memref<!tpu.dma_semaphore, #tpu.memory_space<semaphore_mem>>) src(%dma_wait3A_896 : memref<16x128xf32, #tpu.memory_space<vmem_shared>>) dst(%dma_wait3A_893 : memref<16x128xf32, #tpu.memory_space<vmem>>)
        tpu.yield
      }) : () -> ()
      %mul3A_861 = arith.constant 10000 : i32
      %mul3A_862 = arith.muli %arg0, %mul3A_861 : i32
      %add3A_863 = arith.constant 9984 : i32
      %add3A_864 = arith.addi %mul3A_862, %add3A_863 : i32
      "tpu.region"() ({
        %run_scoped3A = tpu.sem_alloc : memref<!tpu.dma_semaphore, #tpu.memory_space<semaphore_mem>>
        %dma_start3A_873 = arith.constant 0 : i32
        %dma_start3A_874 = arith.constant 0 : i32
        %dma_start3A_875 = tpu.memref_slice %arg12[%dma_start3A_873, %dma_start3A_874] : memref<80x128xf32, #tpu.memory_space<vmem>> -> memref<16x128xf32, #tpu.memory_space<vmem>>
        %dma_start3A_876 = arith.constant 0 : i32
        %dma_start3A_877 = tpu.memref_slice %arg5[%add3A_864, %dma_start3A_876] : memref<20000x128xf32, #tpu.memory_space<hbm>> -> memref<16x128xf32, #tpu.memory_space<hbm>>
        %dma_start3A_878 = arith.constant 0 : i32
        %dma_start3A_879 = tpu.memref_slice %arg5[%add3A_864, %dma_start3A_878] : memref<20000x128xf32, #tpu.memory_space<hbm>> -> memref<16x128xf32, #tpu.memory_space<hbm>>
        %dma_start3A_880 = arith.constant 0 : i32
        %dma_start3A_881 = arith.constant 0 : i32
        %dma_start3A_882 = tpu.memref_slice %arg12[%dma_start3A_880, %dma_start3A_881] : memref<80x128xf32, #tpu.memory_space<vmem>> -> memref<16x128xf32, #tpu.memory_space<vmem>>
        tpu.enqueue_dma source(%dma_start3A_882 : memref<16x128xf32, #tpu.memory_space<vmem>>) target(%dma_start3A_879 : memref<16x128xf32, #tpu.memory_space<hbm>>) target_semaphore(%run_scoped3A : memref<!tpu.dma_semaphore, #tpu.memory_space<semaphore_mem>>)
        %dma_wait3A_883 = arith.constant 0 : i32
        %dma_wait3A_884 = arith.constant 0 : i32
        %dma_wait3A_885 = tpu.memref_slice %arg12[%dma_wait3A_883, %dma_wait3A_884] : memref<80x128xf32, #tpu.memory_space<vmem>> -> memref<16x128xf32, #tpu.memory_space<vmem>>
        %dma_wait3A_886 = arith.constant 0 : i32
        %dma_wait3A_887 = tpu.memref_slice %arg5[%add3A_864, %dma_wait3A_886] : memref<20000x128xf32, #tpu.memory_space<hbm>> -> memref<16x128xf32, #tpu.memory_space<hbm>>
        %dma_wait3A_888 = arith.constant 0 : i32
        %dma_wait3A_889 = tpu.memref_slice %arg5[%add3A_864, %dma_wait3A_888] : memref<20000x128xf32, #tpu.memory_space<hbm>> -> memref<16x128xf32, #tpu.memory_space<hbm>>
        %dma_wait3A_890 = arith.constant 0 : i32
        %dma_wait3A_891 = arith.constant 0 : i32
        %dma_wait3A_892 = tpu.memref_slice %arg12[%dma_wait3A_890, %dma_wait3A_891] : memref<80x128xf32, #tpu.memory_space<vmem>> -> memref<16x128xf32, #tpu.memory_space<vmem>>
        tpu.wait_dma2 semaphore(%run_scoped3A : memref<!tpu.dma_semaphore, #tpu.memory_space<semaphore_mem>>) src(%dma_wait3A_892 : memref<16x128xf32, #tpu.memory_space<vmem>>) dst(%dma_wait3A_889 : memref<16x128xf32, #tpu.memory_space<hbm>>)
        tpu.yield
      }) : () -> ()
      "tpu.region"() ({
        %run_scoped3A = tpu.sem_alloc : memref<!tpu.dma_semaphore, #tpu.memory_space<semaphore_mem>>
        %dma_start3A_873 = arith.constant 0 : i32
        %dma_start3A_874 = arith.constant 0 : i32
        %dma_start3A_875 = tpu.memref_slice %arg14[%dma_start3A_873, %dma_start3A_874] : memref<80x16xf32, #tpu.memory_space<vmem>> -> memref<16x16xf32, #tpu.memory_space<vmem>>
        %dma_start3A_876 = arith.constant 9984 : i32
        %dma_start3A_877 = arith.constant 0 : i32
        %dma_start3A_878 = tpu.memref_slice %arg18[%dma_start3A_876, %dma_start3A_877] : memref<10000x16xf32, #tpu.memory_space<vmem_shared>> -> memref<16x16xf32, #tpu.memory_space<vmem_shared>>
        %dma_start3A_879 = arith.constant 0 : i32
        %dma_start3A_880 = arith.constant 0 : i32
        %dma_start3A_881 = tpu.memref_slice %arg14[%dma_start3A_879, %dma_start3A_880] : memref<80x16xf32, #tpu.memory_space<vmem>> -> memref<16x16xf32, #tpu.memory_space<vmem>>
        %dma_start3A_882 = arith.constant 9984 : i32
        %dma_start3A_883 = arith.constant 0 : i32
        %dma_start3A_884 = tpu.memref_slice %arg18[%dma_start3A_882, %dma_start3A_883] : memref<10000x16xf32, #tpu.memory_space<vmem_shared>> -> memref<16x16xf32, #tpu.memory_space<vmem_shared>>
        tpu.enqueue_dma source(%dma_start3A_884 : memref<16x16xf32, #tpu.memory_space<vmem_shared>>) target(%dma_start3A_881 : memref<16x16xf32, #tpu.memory_space<vmem>>) target_semaphore(%run_scoped3A : memref<!tpu.dma_semaphore, #tpu.memory_space<semaphore_mem>>)
        %dma_wait3A_885 = arith.constant 0 : i32
        %dma_wait3A_886 = arith.constant 0 : i32
        %dma_wait3A_887 = tpu.memref_slice %arg14[%dma_wait3A_885, %dma_wait3A_886] : memref<80x16xf32, #tpu.memory_space<vmem>> -> memref<16x16xf32, #tpu.memory_space<vmem>>
        %dma_wait3A_888 = arith.constant 9984 : i32
        %dma_wait3A_889 = arith.constant 0 : i32
        %dma_wait3A_890 = tpu.memref_slice %arg18[%dma_wait3A_888, %dma_wait3A_889] : memref<10000x16xf32, #tpu.memory_space<vmem_shared>> -> memref<16x16xf32, #tpu.memory_space<vmem_shared>>
        %dma_wait3A_891 = arith.constant 0 : i32
        %dma_wait3A_892 = arith.constant 0 : i32
        %dma_wait3A_893 = tpu.memref_slice %arg14[%dma_wait3A_891, %dma_wait3A_892] : memref<80x16xf32, #tpu.memory_space<vmem>> -> memref<16x16xf32, #tpu.memory_space<vmem>>
        %dma_wait3A_894 = arith.constant 9984 : i32
        %dma_wait3A_895 = arith.constant 0 : i32
        %dma_wait3A_896 = tpu.memref_slice %arg18[%dma_wait3A_894, %dma_wait3A_895] : memref<10000x16xf32, #tpu.memory_space<vmem_shared>> -> memref<16x16xf32, #tpu.memory_space<vmem_shared>>
        tpu.wait_dma2 semaphore(%run_scoped3A : memref<!tpu.dma_semaphore, #tpu.memory_space<semaphore_mem>>) src(%dma_wait3A_896 : memref<16x16xf32, #tpu.memory_space<vmem_shared>>) dst(%dma_wait3A_893 : memref<16x16xf32, #tpu.memory_space<vmem>>)
        tpu.yield
      }) : () -> ()
      %mul3A_865 = arith.constant 10000 : i32
      %mul3A_866 = arith.muli %arg0, %mul3A_865 : i32
      %add3A_867 = arith.constant 9984 : i32
      %add3A_868 = arith.addi %mul3A_866, %add3A_867 : i32
      "tpu.region"() ({
        %run_scoped3A = tpu.sem_alloc : memref<!tpu.dma_semaphore, #tpu.memory_space<semaphore_mem>>
        %dma_start3A_873 = arith.constant 0 : i32
        %dma_start3A_874 = arith.constant 0 : i32
        %dma_start3A_875 = tpu.memref_slice %arg14[%dma_start3A_873, %dma_start3A_874] : memref<80x16xf32, #tpu.memory_space<vmem>> -> memref<16x16xf32, #tpu.memory_space<vmem>>
        %dma_start3A_876 = arith.constant 0 : i32
        %dma_start3A_877 = tpu.memref_slice %arg6[%add3A_868, %dma_start3A_876] : memref<20000x16xf32, #tpu.memory_space<hbm>> -> memref<16x16xf32, #tpu.memory_space<hbm>>
        %dma_start3A_878 = arith.constant 0 : i32
        %dma_start3A_879 = tpu.memref_slice %arg6[%add3A_868, %dma_start3A_878] : memref<20000x16xf32, #tpu.memory_space<hbm>> -> memref<16x16xf32, #tpu.memory_space<hbm>>
        %dma_start3A_880 = arith.constant 0 : i32
        %dma_start3A_881 = arith.constant 0 : i32
        %dma_start3A_882 = tpu.memref_slice %arg14[%dma_start3A_880, %dma_start3A_881] : memref<80x16xf32, #tpu.memory_space<vmem>> -> memref<16x16xf32, #tpu.memory_space<vmem>>
        tpu.enqueue_dma source(%dma_start3A_882 : memref<16x16xf32, #tpu.memory_space<vmem>>) target(%dma_start3A_879 : memref<16x16xf32, #tpu.memory_space<hbm>>) target_semaphore(%run_scoped3A : memref<!tpu.dma_semaphore, #tpu.memory_space<semaphore_mem>>)
        %dma_wait3A_883 = arith.constant 0 : i32
        %dma_wait3A_884 = arith.constant 0 : i32
        %dma_wait3A_885 = tpu.memref_slice %arg14[%dma_wait3A_883, %dma_wait3A_884] : memref<80x16xf32, #tpu.memory_space<vmem>> -> memref<16x16xf32, #tpu.memory_space<vmem>>
        %dma_wait3A_886 = arith.constant 0 : i32
        %dma_wait3A_887 = tpu.memref_slice %arg6[%add3A_868, %dma_wait3A_886] : memref<20000x16xf32, #tpu.memory_space<hbm>> -> memref<16x16xf32, #tpu.memory_space<hbm>>
        %dma_wait3A_888 = arith.constant 0 : i32
        %dma_wait3A_889 = tpu.memref_slice %arg6[%add3A_868, %dma_wait3A_888] : memref<20000x16xf32, #tpu.memory_space<hbm>> -> memref<16x16xf32, #tpu.memory_space<hbm>>
        %dma_wait3A_890 = arith.constant 0 : i32
        %dma_wait3A_891 = arith.constant 0 : i32
        %dma_wait3A_892 = tpu.memref_slice %arg14[%dma_wait3A_890, %dma_wait3A_891] : memref<80x16xf32, #tpu.memory_space<vmem>> -> memref<16x16xf32, #tpu.memory_space<vmem>>
        tpu.wait_dma2 semaphore(%run_scoped3A : memref<!tpu.dma_semaphore, #tpu.memory_space<semaphore_mem>>) src(%dma_wait3A_892 : memref<16x16xf32, #tpu.memory_space<vmem>>) dst(%dma_wait3A_889 : memref<16x16xf32, #tpu.memory_space<hbm>>)
        tpu.yield
      }) : () -> ()
      "tpu.region"() ({
        %run_scoped3A = tpu.sem_alloc : memref<!tpu.dma_semaphore, #tpu.memory_space<semaphore_mem>>
        %dma_start3A_873 = arith.constant 0 : i32
        %dma_start3A_874 = arith.constant 0 : i32
        %dma_start3A_875 = tpu.memref_slice %arg16[%dma_start3A_873, %dma_start3A_874] : memref<80x16xf32, #tpu.memory_space<vmem>> -> memref<16x16xf32, #tpu.memory_space<vmem>>
        %dma_start3A_876 = arith.constant 9984 : i32
        %dma_start3A_877 = arith.constant 0 : i32
        %dma_start3A_878 = tpu.memref_slice %arg19[%dma_start3A_876, %dma_start3A_877] : memref<10000x16xf32, #tpu.memory_space<vmem_shared>> -> memref<16x16xf32, #tpu.memory_space<vmem_shared>>
        %dma_start3A_879 = arith.constant 0 : i32
        %dma_start3A_880 = arith.constant 0 : i32
        %dma_start3A_881 = tpu.memref_slice %arg16[%dma_start3A_879, %dma_start3A_880] : memref<80x16xf32, #tpu.memory_space<vmem>> -> memref<16x16xf32, #tpu.memory_space<vmem>>
        %dma_start3A_882 = arith.constant 9984 : i32
        %dma_start3A_883 = arith.constant 0 : i32
        %dma_start3A_884 = tpu.memref_slice %arg19[%dma_start3A_882, %dma_start3A_883] : memref<10000x16xf32, #tpu.memory_space<vmem_shared>> -> memref<16x16xf32, #tpu.memory_space<vmem_shared>>
        tpu.enqueue_dma source(%dma_start3A_884 : memref<16x16xf32, #tpu.memory_space<vmem_shared>>) target(%dma_start3A_881 : memref<16x16xf32, #tpu.memory_space<vmem>>) target_semaphore(%run_scoped3A : memref<!tpu.dma_semaphore, #tpu.memory_space<semaphore_mem>>)
        %dma_wait3A_885 = arith.constant 0 : i32
        %dma_wait3A_886 = arith.constant 0 : i32
        %dma_wait3A_887 = tpu.memref_slice %arg16[%dma_wait3A_885, %dma_wait3A_886] : memref<80x16xf32, #tpu.memory_space<vmem>> -> memref<16x16xf32, #tpu.memory_space<vmem>>
        %dma_wait3A_888 = arith.constant 9984 : i32
        %dma_wait3A_889 = arith.constant 0 : i32
        %dma_wait3A_890 = tpu.memref_slice %arg19[%dma_wait3A_888, %dma_wait3A_889] : memref<10000x16xf32, #tpu.memory_space<vmem_shared>> -> memref<16x16xf32, #tpu.memory_space<vmem_shared>>
        %dma_wait3A_891 = arith.constant 0 : i32
        %dma_wait3A_892 = arith.constant 0 : i32
        %dma_wait3A_893 = tpu.memref_slice %arg16[%dma_wait3A_891, %dma_wait3A_892] : memref<80x16xf32, #tpu.memory_space<vmem>> -> memref<16x16xf32, #tpu.memory_space<vmem>>
        %dma_wait3A_894 = arith.constant 9984 : i32
        %dma_wait3A_895 = arith.constant 0 : i32
        %dma_wait3A_896 = tpu.memref_slice %arg19[%dma_wait3A_894, %dma_wait3A_895] : memref<10000x16xf32, #tpu.memory_space<vmem_shared>> -> memref<16x16xf32, #tpu.memory_space<vmem_shared>>
        tpu.wait_dma2 semaphore(%run_scoped3A : memref<!tpu.dma_semaphore, #tpu.memory_space<semaphore_mem>>) src(%dma_wait3A_896 : memref<16x16xf32, #tpu.memory_space<vmem_shared>>) dst(%dma_wait3A_893 : memref<16x16xf32, #tpu.memory_space<vmem>>)
        tpu.yield
      }) : () -> ()
      %mul3A_869 = arith.constant 10000 : i32
      %mul3A_870 = arith.muli %arg0, %mul3A_869 : i32
      %add3A_871 = arith.constant 9984 : i32
      %add3A_872 = arith.addi %mul3A_870, %add3A_871 : i32
      "tpu.region"() ({
        %run_scoped3A = tpu.sem_alloc : memref<!tpu.dma_semaphore, #tpu.memory_space<semaphore_mem>>
        %dma_start3A_873 = arith.constant 0 : i32
        %dma_start3A_874 = arith.constant 0 : i32
        %dma_start3A_875 = tpu.memref_slice %arg16[%dma_start3A_873, %dma_start3A_874] : memref<80x16xf32, #tpu.memory_space<vmem>> -> memref<16x16xf32, #tpu.memory_space<vmem>>
        %dma_start3A_876 = arith.constant 0 : i32
        %dma_start3A_877 = tpu.memref_slice %arg7[%add3A_872, %dma_start3A_876] : memref<20000x16xf32, #tpu.memory_space<hbm>> -> memref<16x16xf32, #tpu.memory_space<hbm>>
        %dma_start3A_878 = arith.constant 0 : i32
        %dma_start3A_879 = tpu.memref_slice %arg7[%add3A_872, %dma_start3A_878] : memref<20000x16xf32, #tpu.memory_space<hbm>> -> memref<16x16xf32, #tpu.memory_space<hbm>>
        %dma_start3A_880 = arith.constant 0 : i32
        %dma_start3A_881 = arith.constant 0 : i32
        %dma_start3A_882 = tpu.memref_slice %arg16[%dma_start3A_880, %dma_start3A_881] : memref<80x16xf32, #tpu.memory_space<vmem>> -> memref<16x16xf32, #tpu.memory_space<vmem>>
        tpu.enqueue_dma source(%dma_start3A_882 : memref<16x16xf32, #tpu.memory_space<vmem>>) target(%dma_start3A_879 : memref<16x16xf32, #tpu.memory_space<hbm>>) target_semaphore(%run_scoped3A : memref<!tpu.dma_semaphore, #tpu.memory_space<semaphore_mem>>)
        %dma_wait3A_883 = arith.constant 0 : i32
        %dma_wait3A_884 = arith.constant 0 : i32
        %dma_wait3A_885 = tpu.memref_slice %arg16[%dma_wait3A_883, %dma_wait3A_884] : memref<80x16xf32, #tpu.memory_space<vmem>> -> memref<16x16xf32, #tpu.memory_space<vmem>>
        %dma_wait3A_886 = arith.constant 0 : i32
        %dma_wait3A_887 = tpu.memref_slice %arg7[%add3A_872, %dma_wait3A_886] : memref<20000x16xf32, #tpu.memory_space<hbm>> -> memref<16x16xf32, #tpu.memory_space<hbm>>
        %dma_wait3A_888 = arith.constant 0 : i32
        %dma_wait3A_889 = tpu.memref_slice %arg7[%add3A_872, %dma_wait3A_888] : memref<20000x16xf32, #tpu.memory_space<hbm>> -> memref<16x16xf32, #tpu.memory_space<hbm>>
        %dma_wait3A_890 = arith.constant 0 : i32
        %dma_wait3A_891 = arith.constant 0 : i32
        %dma_wait3A_892 = tpu.memref_slice %arg16[%dma_wait3A_890, %dma_wait3A_891] : memref<80x16xf32, #tpu.memory_space<vmem>> -> memref<16x16xf32, #tpu.memory_space<vmem>>
        tpu.wait_dma2 semaphore(%run_scoped3A : memref<!tpu.dma_semaphore, #tpu.memory_space<semaphore_mem>>) src(%dma_wait3A_892 : memref<16x16xf32, #tpu.memory_space<vmem>>) dst(%dma_wait3A_889 : memref<16x16xf32, #tpu.memory_space<hbm>>)
        tpu.yield
      }) : () -> ()
    } else {
    }
    return
  }
}

module attributes {stable_mosaic.version = 14 : i64} {
  func.func @_tc_dense_body(%arg0: i32, %arg1: memref<2x1000x128xf32, #tpu.memory_space<vmem>>, %arg2: memref<1000x16xf32, #tpu.memory_space<vmem>>, %arg3: memref<1000x16xf32, #tpu.memory_space<vmem>>, %arg4: memref<1000x16xf32, #tpu.memory_space<vmem>>, %arg5: memref<1000x16xf32, #tpu.memory_space<vmem>>, %arg6: memref<1000x128xf32, #tpu.memory_space<vmem>>, %arg7: memref<128x128xf32, #tpu.memory_space<vmem>>, %arg8: memref<16x128xf32, #tpu.memory_space<vmem>>, %arg9: memref<1x128xf32, #tpu.memory_space<vmem>>, %arg10: memref<128x128xf32, #tpu.memory_space<vmem>>, %arg11: memref<128x128xf32, #tpu.memory_space<vmem>>, %arg12: memref<1x128xf32, #tpu.memory_space<vmem>>, %arg13: memref<1000x128xf32, #tpu.memory_space<vmem>>) attributes {dimension_semantics = [#tpu.dimension_semantics<arbitrary>], iteration_bounds = array<i64: 10>, scalar_prefetch = 0 : i64, scratch_operands = 0 : i64, tpu.core_type = #tpu.core_type<tc>, window_params = [{transform_indices = @transform_0, window_bounds = array<i64: 2, 1000, 128>}, {transform_indices = @transform_1, window_bounds = array<i64: 1000, 16>}, {transform_indices = @transform_2, window_bounds = array<i64: 1000, 16>}, {transform_indices = @transform_3, window_bounds = array<i64: 1000, 16>}, {transform_indices = @transform_4, window_bounds = array<i64: 1000, 16>}, {transform_indices = @transform_5, window_bounds = array<i64: 1000, 128>}, {pipeline_mode = #tpu.pipeline_mode<synchronous>, transform_indices = @transform_6, window_bounds = array<i64: 128, 128>}, {pipeline_mode = #tpu.pipeline_mode<synchronous>, transform_indices = @transform_7, window_bounds = array<i64: 16, 128>}, {pipeline_mode = #tpu.pipeline_mode<synchronous>, transform_indices = @transform_8, window_bounds = array<i64: 1, 128>}, {pipeline_mode = #tpu.pipeline_mode<synchronous>, transform_indices = @transform_9, window_bounds = array<i64: 128, 128>}, {pipeline_mode = #tpu.pipeline_mode<synchronous>, transform_indices = @transform_10, window_bounds = array<i64: 128, 128>}, {pipeline_mode = #tpu.pipeline_mode<synchronous>, transform_indices = @transform_11, window_bounds = array<i64: 1, 128>}, {transform_indices = @transform_12, window_bounds = array<i64: 1000, 128>}]} {
    %get3A = arith.constant 0 : index
    %get3A_0 = arith.constant 0 : index
    %get3A_1 = arith.constant 0 : index
    %get3A_2 = vector.load %arg1[%get3A, %get3A_0, %get3A_1] : memref<2x1000x128xf32, #tpu.memory_space<vmem>>, vector<1x1000x128xf32>
    %get3A_3 = vector.shape_cast %get3A_2 : vector<1x1000x128xf32> to vector<1000x128xf32>
    %get3A_4 = arith.constant 1 : index
    %get3A_5 = arith.constant 0 : index
    %get3A_6 = arith.constant 0 : index
    %get3A_7 = vector.load %arg1[%get3A_4, %get3A_5, %get3A_6] : memref<2x1000x128xf32, #tpu.memory_space<vmem>>, vector<1x1000x128xf32>
    %get3A_8 = vector.shape_cast %get3A_7 : vector<1x1000x128xf32> to vector<1000x128xf32>
    %add3A = arith.addf %get3A_3, %get3A_8 : vector<1000x128xf32>
    %get3A_9 = arith.constant 0 : index
    %get3A_10 = arith.constant 0 : index
    %get3A_11 = vector.load %arg2[%get3A_9, %get3A_10] : memref<1000x16xf32, #tpu.memory_space<vmem>>, vector<1000x16xf32>
    %get3A_12 = arith.constant 0 : index
    %get3A_13 = arith.constant 0 : index
    %get3A_14 = vector.load %arg3[%get3A_12, %get3A_13] : memref<1000x16xf32, #tpu.memory_space<vmem>>, vector<1000x16xf32>
    %add3A_15 = arith.addf %get3A_11, %get3A_14 : vector<1000x16xf32>
    %get3A_16 = arith.constant 0 : index
    %get3A_17 = arith.constant 0 : index
    %get3A_18 = vector.load %arg4[%get3A_16, %get3A_17] : memref<1000x16xf32, #tpu.memory_space<vmem>>, vector<1000x1xf32>
    %get3A_19 = arith.constant 0 : index
    %get3A_20 = arith.constant 0 : index
    %get3A_21 = vector.load %arg5[%get3A_19, %get3A_20] : memref<1000x16xf32, #tpu.memory_space<vmem>>, vector<1000x1xf32>
    %add3A_22 = arith.addf %get3A_18, %get3A_21 : vector<1000x1xf32>
    %get3A_23 = arith.constant 0 : index
    %get3A_24 = arith.constant 0 : index
    %get3A_25 = vector.load %arg7[%get3A_23, %get3A_24] : memref<128x128xf32, #tpu.memory_space<vmem>>, vector<128x128xf32>
    %dot_general3A = arith.constant dense<0.000000e+00> : vector<1000x128xf32>
    %dot_general3A_26 = tpu.matmul %add3A, %get3A_25, %dot_general3A {dimension_numbers = #tpu.dot_dimension_numbers<[1], [0], [0], [1], [0, 0, 1, 1], [], []>, transpose_lhs_hint = false} : vector<1000x128xf32>, vector<128x128xf32>, vector<1000x128xf32> -> vector<1000x128xf32>
    %get3A_27 = arith.constant 0 : index
    %get3A_28 = arith.constant 0 : index
    %get3A_29 = vector.load %arg8[%get3A_27, %get3A_28] : memref<16x128xf32, #tpu.memory_space<vmem>>, vector<16x128xf32>
    %dot_general3A_30 = arith.constant dense<0.000000e+00> : vector<1000x128xf32>
    %dot_general3A_31 = tpu.matmul %add3A_15, %get3A_29, %dot_general3A_30 {dimension_numbers = #tpu.dot_dimension_numbers<[1], [0], [0], [1], [0, 0, 1, 1], [], []>, transpose_lhs_hint = false} : vector<1000x16xf32>, vector<16x128xf32>, vector<1000x128xf32> -> vector<1000x128xf32>
    %add3A_32 = arith.addf %dot_general3A_26, %dot_general3A_31 : vector<1000x128xf32>
    %get3A_33 = arith.constant 0 : index
    %get3A_34 = arith.constant 0 : index
    %get3A_35 = vector.load %arg9[%get3A_33, %get3A_34] : memref<1x128xf32, #tpu.memory_space<vmem>>, vector<1x128xf32>
    %mul3A = vector.broadcast %add3A_22 : vector<1000x1xf32> to vector<1000x128xf32>
    %mul3A_36 = vector.broadcast %get3A_35 : vector<1x128xf32> to vector<1000x128xf32>
    %mul3A_37 = arith.mulf %mul3A, %mul3A_36 : vector<1000x128xf32>
    %add3A_38 = arith.addf %add3A_32, %mul3A_37 : vector<1000x128xf32>
    %max3A = arith.constant 1.000000e+00 : f32
    %max3A_39 = vector.broadcast %max3A : f32 to vector<1000x1xf32>
    %max3A_40 = arith.maximumf %add3A_22, %max3A_39 : vector<1000x1xf32>
    %div3A = arith.constant 1.000000e+00 : f32
    %div3A_41 = vector.broadcast %div3A : f32 to vector<1000x1xf32>
    %div3A_42 = arith.divf %div3A_41, %max3A_40 : vector<1000x1xf32>
    %mul3A_43 = vector.broadcast %div3A_42 : vector<1000x1xf32> to vector<1000x128xf32>
    %mul3A_44 = arith.mulf %add3A_38, %mul3A_43 : vector<1000x128xf32>
    %get3A_45 = arith.constant 0 : index
    %get3A_46 = arith.constant 0 : index
    %get3A_47 = vector.load %arg6[%get3A_45, %get3A_46] : memref<1000x128xf32, #tpu.memory_space<vmem>>, vector<1000x128xf32>
    %get3A_48 = arith.constant 0 : index
    %get3A_49 = arith.constant 0 : index
    %get3A_50 = vector.load %arg10[%get3A_48, %get3A_49] : memref<128x128xf32, #tpu.memory_space<vmem>>, vector<128x128xf32>
    %dot_general3A_51 = arith.constant dense<0.000000e+00> : vector<1000x128xf32>
    %dot_general3A_52 = tpu.matmul %get3A_47, %get3A_50, %dot_general3A_51 {dimension_numbers = #tpu.dot_dimension_numbers<[1], [0], [0], [1], [0, 0, 1, 1], [], []>, transpose_lhs_hint = false} : vector<1000x128xf32>, vector<128x128xf32>, vector<1000x128xf32> -> vector<1000x128xf32>
    %get3A_53 = arith.constant 0 : index
    %get3A_54 = arith.constant 0 : index
    %get3A_55 = vector.load %arg11[%get3A_53, %get3A_54] : memref<128x128xf32, #tpu.memory_space<vmem>>, vector<128x128xf32>
    %dot_general3A_56 = arith.constant dense<0.000000e+00> : vector<1000x128xf32>
    %dot_general3A_57 = tpu.matmul %mul3A_44, %get3A_55, %dot_general3A_56 {dimension_numbers = #tpu.dot_dimension_numbers<[1], [0], [0], [1], [0, 0, 1, 1], [], []>, transpose_lhs_hint = false} : vector<1000x128xf32>, vector<128x128xf32>, vector<1000x128xf32> -> vector<1000x128xf32>
    %add3A_58 = arith.addf %dot_general3A_52, %dot_general3A_57 : vector<1000x128xf32>
    %get3A_59 = arith.constant 0 : index
    %get3A_60 = arith.constant 0 : index
    %get3A_61 = vector.load %arg12[%get3A_59, %get3A_60] : memref<1x128xf32, #tpu.memory_space<vmem>>, vector<1x128xf32>
    %add3A_62 = vector.broadcast %get3A_61 : vector<1x128xf32> to vector<1000x128xf32>
    %add3A_63 = arith.addf %add3A_58, %add3A_62 : vector<1000x128xf32>
    %max3A_64 = arith.constant 0.000000e+00 : f32
    %max3A_65 = vector.broadcast %max3A_64 : f32 to vector<1000x128xf32>
    %max3A_66 = arith.maximumf %add3A_63, %max3A_65 : vector<1000x128xf32>
    %swap3A = arith.constant 0 : index
    %swap3A_67 = arith.constant 0 : index
    %swap3A_68 = vector.load %arg13[%swap3A, %swap3A_67] : memref<1000x128xf32, #tpu.memory_space<vmem>>, vector<1000x128xf32>
    tpu.vector_store %arg13[%swap3A, %swap3A_67], %max3A_66 {strides = array<i32>} : memref<1000x128xf32, #tpu.memory_space<vmem>>, vector<1000x128xf32>,
    return
  }
  func.func @transform_0(%arg0: i32) -> (i32, i32, i32) {
    %c0_i32 = arith.constant 0 : i32
    %c0_i32_0 = arith.constant 0 : i32
    %c0_i32_1 = arith.constant 0 : i32
    return %c0_i32, %arg0, %c0_i32_0 : i32, i32, i32
  }
  func.func @transform_1(%arg0: i32) -> (i32, i32) {
    %c0_i32 = arith.constant 0 : i32
    %c0_i32_0 = arith.constant 0 : i32
    return %arg0, %c0_i32 : i32, i32
  }
  func.func @transform_2(%arg0: i32) -> (i32, i32) {
    %add3A = arith.constant 10 : i32
    %add3A_0 = arith.addi %add3A, %arg0 : i32
    %c0_i32 = arith.constant 0 : i32
    %c0_i32_1 = arith.constant 0 : i32
    return %add3A_0, %c0_i32 : i32, i32
  }
  func.func @transform_3(%arg0: i32) -> (i32, i32) {
    %c0_i32 = arith.constant 0 : i32
    %c0_i32_0 = arith.constant 0 : i32
    return %arg0, %c0_i32 : i32, i32
  }
  func.func @transform_4(%arg0: i32) -> (i32, i32) {
    %add3A = arith.constant 10 : i32
    %add3A_0 = arith.addi %add3A, %arg0 : i32
    %c0_i32 = arith.constant 0 : i32
    %c0_i32_1 = arith.constant 0 : i32
    return %add3A_0, %c0_i32 : i32, i32
  }
  func.func @transform_5(%arg0: i32) -> (i32, i32) {
    %c0_i32 = arith.constant 0 : i32
    %c0_i32_0 = arith.constant 0 : i32
    return %arg0, %c0_i32 : i32, i32
  }
  func.func @transform_6(%arg0: i32) -> (i32, i32) {
    %c0_i32 = arith.constant 0 : i32
    %c0_i32_0 = arith.constant 0 : i32
    %c0_i32_1 = arith.constant 0 : i32
    return %c0_i32, %c0_i32_0 : i32, i32
  }
  func.func @transform_7(%arg0: i32) -> (i32, i32) {
    %c0_i32 = arith.constant 0 : i32
    %c0_i32_0 = arith.constant 0 : i32
    %c0_i32_1 = arith.constant 0 : i32
    return %c0_i32, %c0_i32_0 : i32, i32
  }
  func.func @transform_8(%arg0: i32) -> (i32, i32) {
    %c0_i32 = arith.constant 0 : i32
    %c0_i32_0 = arith.constant 0 : i32
    %c0_i32_1 = arith.constant 0 : i32
    return %c0_i32, %c0_i32_0 : i32, i32
  }
  func.func @transform_9(%arg0: i32) -> (i32, i32) {
    %c0_i32 = arith.constant 0 : i32
    %c0_i32_0 = arith.constant 0 : i32
    %c0_i32_1 = arith.constant 0 : i32
    return %c0_i32, %c0_i32_0 : i32, i32
  }
  func.func @transform_10(%arg0: i32) -> (i32, i32) {
    %c0_i32 = arith.constant 0 : i32
    %c0_i32_0 = arith.constant 0 : i32
    %c0_i32_1 = arith.constant 0 : i32
    return %c0_i32, %c0_i32_0 : i32, i32
  }
  func.func @transform_11(%arg0: i32) -> (i32, i32) {
    %c0_i32 = arith.constant 0 : i32
    %c0_i32_0 = arith.constant 0 : i32
    %c0_i32_1 = arith.constant 0 : i32
    return %c0_i32, %c0_i32_0 : i32, i32
  }
  func.func @transform_12(%arg0: i32) -> (i32, i32) {
    %c0_i32 = arith.constant 0 : i32
    %c0_i32_0 = arith.constant 0 : i32
    return %arg0, %c0_i32 : i32, i32
  }
}

</mosaic_0001>

<sc_bundles>
// kernel: kernel.5.cloned.1.call-start
scs
__scs_entry_jumppad:
0x0: {  	(pc) =	sbr.rel $0x88, $3  }
0x1: {  	(tag) =	ssettag $0x0;
	lr =	simm.s32 $0x1  }
0x2: {  	[smem:$0x3F9A] =	sst lr;
	_ =	strace $0xD0000000  }
0x3: {  	_ = 	snop  }
0x4: {  	_ = 	snop  }
0x5: {  	_ = 	snop  }
0x6: {  	_ = 	snop  }
0x7: {  	_ = 	snop  }
__scs_overlays_trampoline_lowered:
0x8: {  	[smem:$0x3FA9] =	sst s0  }
0x9: {  	[smem:$0x3FAA] =	sst s1  }
0xa: {  	[smem:$0x3FAB] =	sst s2  }
0xb: {  	[smem:$0x3FAC] =	sst s3  }
0xc: {  	[smem:$0x3FAD] =	sst s4  }
0xd: {  	[smem:$0x3FAE] =	sst s5  }
0xe: {  	[smem:$0x3FAF] =	sst s6  }
0xf: {  	[smem:$0x3FB0] =	sst s7  }
0x10: {  	[smem:$0x3FB1] =	sst s8  }
0x11: {  	[smem:$0x3FB2] =	sst s9;
	s0 =	simm.s32 @!p0 $0x0  }
0x12: {  	s1 =	sld [smem:$0x3F98];
	s0 =	simm.s32 @p0 $0x1  }
0x13: {  	[smem:$0x3FB3] =	sst s0;
	s0 =	simm.s32 @!p1 $0x0  }
0x14: {  	s2 =	sld [smem:$0x3F97];
	s0 =	simm.s32 @p1 $0x1  }
0x15: {  	[smem:$0x3FB4] =	sst s0;
	s0 =	simm.s32 @!p2 $0x0  }
0x16: {  	s3 =	sld [smem:$0x3FDB];
	s0 =	simm.s32 @p2 $0x1  }
0x17: {  	s4 =	simm.s32 $0x1BF5;
	[smem:$0x3FB6] =	sst s0  }
0x18: {  	s0 =	sld [smem:$0x3F99];
	_ =	swait.ge [sflag:s4], $0x0  }
0x19: {  	s7 =	sld [smem:$0x3F9A]  }
0x1a: {  	s8 =	sadd.s32 $0xFFFFE003, lr  }
0x1b: {  	s9 =	sadd.s32 $0xFFFFFEF7, lr;
	s5 =	simm.s32 $0xFFFFFFFF;
	p2 =	slt.u32 s8, $0xFFFFF086  }
0x1c: {  	p1 =	slt.u32 s9, $0xF7A;
	s5 =	simm.s32 @!p2 $0x0  }
0x1d: {  	s5 =	simm.s32 @p1 $0x1;
	p0 =	seq.s32 s7, s2  }
0x1e: {  	s7 =	smul.u32 @!p0 $0xF7A, s2;
	p2 =	seq.s32 @!p0 s5, $0x0  }
0x1f: {  	s9 =	smul.u32 $0xF7A, s1;
	s8 =	simm.s32 @!p0 $0x1BF5;
	p2 =	por !p2, p0  }
0x20: {  	[sflag:s8] =	ssyncset.s32 @!p0 $0xFFFFF086;
	s6 =	sadd.s32 @!p0 s3, s7;
	s7 =	simm.s32 @!p0 $0x108  }
0x21: {  	s3 =	sadd.s32 s3, s9;
	s6 =	sadd.s32 @!p0 $0x88, s6;
	s7 =	simm.s32 @p2 $0x1082  }
0x22: {  	[simem:s7], [sflag:s8] =	dma.local @!p0 [hbm:s6], $0xF7A  }
0x23: {  	s9 =	sor.u32 $0xD0000000, s2;
	s6 =	simm.s32 $0x108;
	_ =	swait.ge @!p0 [sflag:s8], $0x0  }
0x24: {  	s3 =	sadd.s32 $0x88, s3;
	s6 =	simm.s32 @!p1 $0x1082;
	[sflag:s4] =	ssyncset.s32 $0xFFFFF086  }
0x25: {  	[simem:s6], [sflag:s4] =	dma.local [hbm:s3], $0xF7A  }
0x26: {  	[smem:$0x3F9A] =	sst s1;
	(tag) =	ssettag s2;
	_ =	strace s9  }
0x27: {  	s1 =	sld [smem:$0x3FAA]  }
0x28: {  	s2 =	sld [smem:$0x3FAB]  }
0x29: {  	s4 =	sld [smem:$0x3FAD]  }
0x2a: {  	p0 =	seq.s32 s5, $0x0;
	s5 =	sld [smem:$0x3FAE]  }
0x2b: {  	s6 =	sld [smem:$0x3FAF]  }
0x2c: {  	s7 =	sld [smem:$0x3FB0]  }
0x2d: {  	s3 =	simm.s32 $0x108;
	s8 =	sld [smem:$0x3FB1]  }
0x2e: {  	s3 =	simm.s32 @!p0 $0x1082;
	s9 =	sld [smem:$0x3FB2]  }
0x2f: {  	lr =	sadd.s32 s0, s3;
	s0 =	sld [smem:$0x3FA9]  }
0x30: {  	s3 =	sld [smem:$0x3FAC]  }
0x31: {  	[smem:$0x3FB5] =	sst s10  }
0x32: {  	s10 =	sld [smem:$0x3FB3];
	_ =	sdelay $0x3  }
0x33: {  	p0 =	seq.s32 s10, $0x1;
	s10 =	sld [smem:$0x3FB5];
	_ =	sdelay $0x3  }
0x34: {  	[smem:$0x3FB5] =	sst s10  }
0x35: {  	s10 =	sld [smem:$0x3FB4];
	_ =	sdelay $0x3  }
0x36: {  	p1 =	seq.s32 s10, $0x1;
	s10 =	sld [smem:$0x3FB5];
	_ =	sdelay $0x3  }
0x37: {  	[smem:$0x3FB5] =	sst s10  }
0x38: {  	s10 =	sld [smem:$0x3FB6]  }
0x39: {  	_ = 	snop;
	(pc) =	sbr.ind lr, $3  }
0x3a: {  	_ = 	snop  }
0x3b: {  	_ = 	snop  }
0x3c: {  	p2 =	seq.s32 s10, $0x1;
	s10 =	sld [smem:$0x3FB5]  }
0x3d: {  	_ =	shalt  }
0x3e: {  	_ =	shalt  }
0x3f: {  	_ =	shalt  }
0x40: {  	_ =	shalt  }
0x41: {  	_ =	shalt  }
0x42: {  	_ =	shalt  }
0x43: {  	_ =	shalt  }
0x44: {  	_ =	shalt  }
0x45: {  	_ =	shalt  }
0x46: {  	_ =	shalt  }
0x47: {  	_ =	shalt  }
0x48: {  	_ =	shalt  }
0x49: {  	_ =	shalt  }
0x4a: {  	_ =	shalt  }
0x4b: {  	_ =	shalt  }
0x4c: {  	_ =	shalt  }
0x4d: {  	_ =	shalt  }
0x4e: {  	_ =	shalt  }
0x4f: {  	_ =	shalt  }
0x50: {  	_ =	shalt  }
0x51: {  	_ =	shalt  }
0x52: {  	_ =	shalt  }
0x53: {  	_ =	shalt  }
0x54: {  	_ =	shalt  }
0x55: {  	_ =	shalt  }
0x56: {  	_ =	shalt  }
0x57: {  	_ =	shalt  }
0x58: {  	_ =	shalt  }
0x59: {  	_ =	shalt  }
0x5a: {  	_ =	shalt  }
0x5b: {  	_ =	shalt  }
0x5c: {  	_ =	shalt  }
0x5d: {  	_ =	shalt  }
0x5e: {  	_ =	shalt  }
0x5f: {  	_ =	shalt  }
0x60: {  	_ =	shalt  }
0x61: {  	_ =	shalt  }
0x62: {  	_ =	shalt  }
0x63: {  	_ =	shalt  }
0x64: {  	_ =	shalt  }
0x65: {  	_ =	shalt  }
0x66: {  	_ =	shalt  }
0x67: {  	_ =	shalt  }
0x68: {  	_ =	shalt  }
0x69: {  	_ =	shalt  }
0x6a: {  	_ =	shalt  }
0x6b: {  	_ =	shalt  }
0x6c: {  	_ =	shalt  }
0x6d: {  	_ =	shalt  }
0x6e: {  	_ =	shalt  }
0x6f: {  	_ =	shalt  }
0x70: {  	_ =	shalt  }
0x71: {  	_ =	shalt  }
0x72: {  	_ =	shalt  }
0x73: {  	_ =	shalt  }
0x74: {  	_ =	shalt  }
0x75: {  	_ =	shalt  }
0x76: {  	_ =	shalt  }
0x77: {  	_ =	shalt  }
0x78: {  	_ =	shalt  }
0x79: {  	_ =	shalt  }
0x7a: {  	_ =	shalt  }
0x7b: {  	_ =	shalt  }
0x7c: {  	_ =	shalt  }
0x7d: {  	_ =	shalt  }
0x7e: {  	_ =	shalt  }
0x7f: {  	_ =	shalt  }
0x80: {  	_ =	shalt  }
0x81: {  	_ =	shalt  }
0x82: {  	_ =	shalt  }
0x83: {  	_ =	shalt  }
0x84: {  	_ =	shalt  }
0x85: {  	_ =	shalt  }
0x86: {  	_ =	shalt  }
0x87: {  	_ =	shalt  }
.Lfunc_end0:
.L_simem_size_0:
called_computation_lowered:
.L_overlay_start_0:
0x88: {  	s2 =	sld [smem:$0x3FD9]  }
0x89: {  	s3 =	sld [smem:$0x3FFE];
	_ =	sdelay $0x1  }
0x8a: {  	s1 =	srdreg.scid  }
0x8b: {  	s0 =	sand.u32 $0x1, s1  }
0x8c: {  	s14 =	sshll.u32 s0, $0xA;
	s2 =	sadd.s32 s3, s2  }
0x8d: {  	s2 =	sadd.s32 s2, s14  }
0x8e: {  	[smem:$0x3FC1] =	sst s2  }
0x8f: {  	_ = 	snop  }
0x90: {  	s2 =	sld [smem:$0x3FD0];
	_ =	sdelay $0x2  }
0x91: {  	s4 =	simm.s32 $0xA;
	s5 =	simm.s32 $0x10;
	s15 =	sld [smem:$0x3FC9]  }
0x92: {  	[smem:s5], [sflag:s4] =	dma.local [hbm:s2], $0x1  }
0x93: {  	_ =	swait.eq [sflag:s4], $0x1  }
0x94: {  	[sflag:s4] =	ssyncset.done $0x0  }
0x95: {  	[sflag:s4] =	ssyncadd.s32 $0xFFFFFFFF  }
0x96: {  	s16 =	sld [smem:$0x10];
	(tm) =	ssettm $0x1  }
0x97: {  	s17 =	sld [smem:$0x3FFB];
	_ =	sdelay $0x3  }
0x98: {  	_ =	strace s17  }
0x99: {  	s4 =	sld [smem:$0x3FFC];
	_ =	sdelay $0x3  }
0x9a: {  	_ =	strace s4  }
0x9b: {  	s4 =	sld [smem:$0x3FFD];
	_ =	sdelay $0x3  }
0x9c: {  	_ =	strace s4  }
0x9d: {  	_ =	strace $0x8FFFFFFF  }
0x9e: {  	s18 =	sld [smem:$0x3FDB];
	_ =	sdelay $0x1  }
0x9f: {  	s19 =	simm.s32 $_scs_section_size  }
0xa0: {  	s6 =	simm.s32 $_size__tile_overlayer_lowered;
	s7 =	simm.s32 $_tile_overlayer_lowered  }
0xa1: {  	s22 =	simm.s32 $0x1BFF;
	s21 =	sshll.u32 s7, $0x1;
	s4 =	sadd.s32 s19, s18  }
0xa2: {  	s8 =	simm.s32 $0x0;
	s20 =	sshll.u32 s6, $0x1;
	s6 =	sadd.s32 s21, s4  }
0xa3: {  	[timem:s8], [sflag:s22] =	dma.local [hbm:s6], s20  }
0xa4: {  	_ =	swait.ge [sflag:s22], s20  }
0xa5: {  	s5 =	ssub.s32 $0x0, s20;
	[sflag:s22] =	ssyncset.done $0x0  }
0xa6: {  	[sflag:s22] =	ssyncadd.s32 s5;
	_ =	sdelay $0x1  }
0xa7: {  	s23 =	simm.s32 $0x1B8B  }
0xa8: {  	_ =	swait.ge [sflag:s23], $0x1  }
0xa9: {  	[sflag:s23] =	ssyncset.done $0x0  }
0xaa: {  	s25 =	simm.s32 $0x1B8E;
	s24 =	sld [smem:$0x3FFE];
	[sflag:s23] =	ssyncadd.s32 $0xFFFFFFFF  }
0xab: {  	s26 =	simm.s32 $execute0_lowered;
	[smem:$0x3FD2] =	sst s25  }
0xac: {  	s6 =	sshll.u32 s26, $0x1;
	_ =	strace $0x80000046;
	[dreg:$0x1] =	wrdreg $0xFFFFFFFF  }
0xad: {  	s28 =	simm.s32 $_size_execute0_lowered;
	s4 =	sadd.s32 s4, s6;
	[dreg:$0x0] =	wrdreg $0x0  }
0xae: {  	s6 =	sshll.u32 s28, $0x1;
	[dreg:$0x2] =	wrdreg s4  }
0xaf: {  	[dreg:$0x3] =	wrdreg s6  }
0xb0: {  	[dreg:$0x4] =	wrdreg $0xC0  }
0xb1: {  	_ =	task [dreg:s8], $0x5FFFF  }
0xb2: {  	[dreg:$0x1] =	wrdreg $0xFFFFFFFF  }
0xb3: {  	[dreg:$0x0] =	wrdreg $0x60  }
0xb4: {  	[dreg:$0x2] =	wrdreg s15  }
0xb5: {  	[dreg:$0x3] =	wrdreg s24  }
0xb6: {  	[dreg:$0x4] =	wrdreg s16  }
0xb7: {  	[dreg:$0x5] =	wrdreg $0x60400  }
0xb8: {  	[dreg:$0x6] =	wrdreg $0x198C00  }
0xb9: {  	[dreg:$0x7] =	wrdreg $0x1BFD00  }
0xba: {  	[dreg:$0x8] =	wrdreg $0x9  }
0xbb: {  	_ =	task.clear_ibuf [dreg:s8], $0x9FFFF;
	_ =	strace $0x90000046  }
0xbc: {  	s29 =	simm.s32 $0x9;
	_ =	strace $0x80000048  }
0xbd: {  	_ =	swait.ge [sflag:s29], $0x1  }
0xbe: {  	[sflag:s29] =	ssyncadd.s32 $0xFFFFFFFF  }
0xbf: {  	_ =	strace $0x90000048  }
0xc0: {  	_ =	sfence  }
0xc1: {  	s30 =	sld [smem:$0x0];
	_ =	sdelay $0x2  }
0xc2: {  	s31 =	sshll.u32 s1, $0xD;
	s1 =	sshrl.u32 s1, $0x2  }
0xc3: {  	s3 =	sand.u32 $0x4000, s31;
	s1 =	sadd.s32 s1, s30  }
0xc4: {  	s0 =	sor.u32 s3, s0;
	s1 =	sshll.u32 s1, $0x11  }
0xc5: {  	s0 =	sor.u32 s1, s0  }
0xc6: {  	s0 =	sadd.s32 $0x8F2B, s0  }
0xc7: {  	[sflag:s0] =	ssyncadd.remote.s32 $0x1  }
0xc8: {  	_ =	sfence.sel $0xFFFF  }
0xc9: {  	[dreg:$0x0] =	wrdreg $0xFFFFFFFF;
	(pc) =	sbr.abs _section_cstart, $3  }
0xca: {  	[dreg:$0x1] =	wrdreg $0xFFFFFFFF  }
0xcb: {  	_ =	task.clear_ibuf [dreg:s8], $0x2FFFF;
	_ =	strace $0x9FFFFFFF  }
0xcc: {  	(tm) =	ssettm $0x7FFFFFFF  }
0xcd: {  	_ =	shalt  }
tec
execute0_lowered:
.L_overlay_start_1:
0x0: {  	(tag) =	ssettag $0x1  }
0x1: {  	s0 =	srdreg.scid;
	s4 =	rddreg [dreg:$0x1]  }
0x2: {  	s3 =	stileid.u32;
	s6 =	rddreg [dreg:$0x2]  }
0x3: {  	s29 =	rddreg [dreg:$0x0];
	s0 =	sand.u32 $0x1, s0;
	s2 =	smul.u32 $0x270, s3  }
0x4: {  	s30 =	rddreg [dreg:$0x3];
	s1 =	ssub.s32 $0x2, s0;
	s5 =	smul.u32 $0x2710, s0  }
0x5: {  	s31 =	rddreg [dreg:$0x4];
	s8 =	sadd.s32 $0xBC000, s4;
	s7 =	sshrl.u32 s1, $0x1  }
0x6: {  	p0 =	sne.s32 s3, $0x0;
	s1 =	ssub.s32 s1, s7;
	s26 =	sadd.s32 s2, s5  }
0x7: {  	s9 =	sshll.u32 s26, $0x4;
	s10 =	sadd.s32 $0x50, s26;
	s11 =	sadd.s32 $0xA0, s26  }
0x8: {  	s13 =	sadd.s32 $0x140, s26;
	s14 =	sadd.s32 $0x190, s26;
	s16 =	sadd.s32 $0x230, s26  }
0x9: {  	s7 =	sshll.u32 s26, $0x1;
	s1 =	smax.u32 s1, $0x1;
	s9 =	sadd.s32 s8, s9  }
0xa: {  	s17 =	sshll.u32 s10, $0x4;
	s12 =	sshll.u32 s11, $0x4;
	s20 =	sshll.u32 s13, $0x4  }
0xb: {  	s15 =	sshll.u32 s14, $0x4;
	s24 =	sadd.s32 s6, s7;
	[dreg:$0xb] =	wrdreg s9  }
0xc: {  	s25 =	sshll.u32 s10, $0x1;
	s9 =	sadd.s32 s8, s17;
	[dreg:$0x14] =	wrdreg s24  }
0xd: {  	s18 =	sadd.s32 s8, s12;
	s12 =	sadd.s32 $0xF0, s26;
	[dreg:$0xc] =	wrdreg s9  }
0xe: {  	s21 =	sadd.s32 s8, s15;
	s15 =	sadd.s32 $0x1E0, s26;
	[dreg:$0xd] =	wrdreg s18  }
0xf: {  	s10 =	sadd.s32 s6, s25;
	s26 =	sshll.u32 s11, $0x1;
	[dreg:$0x10] =	wrdreg s21  }
0x10: {  	s19 =	sshll.u32 s12, $0x4;
	[dreg:$0x16] =	wrdreg s10;
	s11 =	sadd.s32 s6, s26  }
0x11: {  	s23 =	sshll.u32 s16, $0x4;
	s9 =	sadd.s32 s8, s19;
	[dreg:$0x18] =	wrdreg s11  }
0x12: {  	s22 =	sshll.u32 s15, $0x4;
	[dreg:$0xe] =	wrdreg s9;
	s9 =	sadd.s32 s8, s20  }
0x13: {  	s20 =	sshll.u32 s13, $0x1;
	[dreg:$0xf] =	wrdreg s9;
	s9 =	sadd.s32 s8, s22  }
0x14: {  	s17 =	sadd.s32 $0x2700, s5;
	s21 =	sadd.s32 s6, s20;
	[dreg:$0x11] =	wrdreg s9  }
0x15: {  	s18 =	sshll.u32 s17, $0x4;
	s9 =	sadd.s32 s8, s23;
	[dreg:$0x1c] =	wrdreg s21  }
0x16: {  	s22 =	sshll.u32 s14, $0x1;
	s8 =	sadd.s32 s8, s18;
	[dreg:$0x12] =	wrdreg s9  }
0x17: {  	s24 =	sshll.u32 s15, $0x1;
	s23 =	sadd.s32 s6, s22;
	[dreg:$0x13] =	wrdreg s8  }
0x18: {  	s18 =	sshll.u32 s12, $0x1;
	s9 =	simm.s32 $0x0;
	[dreg:$0x1e] =	wrdreg s23  }
0x19: {  	s8 =	sadd.s32 $0xB2200, s4;
	s19 =	sadd.s32 s6, s18;
	[smem:$0x7FF] =	sst s9  }
0x1a: {  	s12 =	sshll.u32 s17, $0x1;
	s7 =	sadd.s32 s8, s7;
	[dreg:$0x1a] =	wrdreg s19  }
0x1b: {  	s15 =	smul.u32 $0x9C40, s3;
	s13 =	sadd.s32 s8, s12;
	[dreg:$0x15] =	wrdreg s7  }
0x1c: {  	s14 =	sshll.u32 s3, $0x1;
	s7 =	sadd.s32 s8, s25;
	[smem:$0x7DC] =	sst s13  }
0x1d: {  	s17 =	smul.u32 $0x4E20, s0;
	s25 =	sadd.s32 s6, s24;
	[dreg:$0x17] =	wrdreg s7  }
0x1e: {  	s13 =	smul.u32 $0x2700, s3;
	s7 =	sadd.s32 s8, s26;
	[smem:$0x7D7] =	sst s25  }
0x1f: {  	s26 =	sshll.u32 s16, $0x1;
	[dreg:$0x19] =	wrdreg s7;
	s7 =	sadd.s32 s8, s18  }
0x20: {  	s16 =	smul.u32 $0x4E20, s3;
	s11 =	sadd.s32 s6, s26;
	[dreg:$0x1b] =	wrdreg s7  }
0x21: {  	s6 =	sadd.s32 s6, s12;
	s18 =	sadd.s32 $0x2400, s4;
	[smem:$0x7D9] =	sst s11  }
0x22: {  	s4 =	sadd.s32 $0x9E800, s4;
	s12 =	smul.u32 $0x4E000, s3;
	[smem:$0x7DB] =	sst s6  }
0x23: {  	s7 =	sadd.s32 s8, s20;
	s6 =	sor.u32 s0, s14;
	s0 =	rddreg [dreg:$0x5]  }
0x24: {  	s5 =	sadd.s32 s5, s16;
	s11 =	sadd.s32 $0x190, s2;
	[dreg:$0x1d] =	wrdreg s7  }
0x25: {  	s7 =	sadd.s32 s8, s22;
	s19 =	sadd.s32 $0x4E250, s5;
	s6 =	smul.u32 $0x2710, s6  }
0x26: {  	s20 =	sadd.s32 $0x4E200, s5;
	s14 =	sshrl.u32 s12, $0x2;
	s28 =	sadd.s32 s13, s0  }
0x27: {  	[dreg:$0x1f] =	wrdreg s7;
	s7 =	sadd.s32 s8, s24;
	s22 =	sshrl.u32 s20, $0x3  }
0x28: {  	[smem:$0x7D8] =	sst s7;
	s7 =	sadd.s32 s8, s26;
	s8 =	sshrl.u32 s5, $0x3  }
0x29: {  	s23 =	sadd.s32 s22, s4;
	s24 =	sadd.s32 $0x26C0, s6;
	s5 =	sadd.s32 $0x50, s5  }
0x2a: {  	s6 =	sshrl.u32 s6, $0x3;
	[smem:$0x7DA] =	sst s7;
	s7 =	sadd.s32 s15, s18  }
0x2b: {  	s21 =	sadd.s32 s8, s4;
	s26 =	sshrl.u32 s5, $0x3;
	s7 =	sadd.s32 s17, s7  }
0x2c: {  	s5 =	sshll.u32 s5, $0x1;
	s15 =	sadd.s32 $0x50, s2;
	[smem:$0x7DD] =	sst s7  }
0x2d: {  	s5 =	sadd.s32 s5, s18;
	_ =	strace $0x80000047;
	[dreg:$0x8] =	wrdreg s21  }
0x2e: {  	s16 =	sshll.u32 s15, $0x7;
	s17 =	sshll.u32 s15, $0x4;
	[dreg:$0x9] =	wrdreg s23  }
0x2f: {  	s15 =	sshll.u32 s11, $0x4;
	s3 =	sadd.s32 s16, s30;
	[smem:$0x7E0] =	sst s5  }
0x30: {  	s25 =	sshrl.u32 s24, $0x3;
	s16 =	sadd.s32 s15, s31;
	[smem:$0x7E1] =	sst s3  }
0x31: {  	s6 =	sadd.s32 s4, s6;
	s10 =	sshll.u32 s24, $0x1;
	[smem:$0x7EE] =	sst s16  }
0x32: {  	s8 =	sadd.s32 $0x140, s2;
	s7 =	sshrl.u32 s19, $0x3;
	[smem:$0x7F7] =	sst s1  }
0x33: {  	s19 =	sadd.s32 $0xA0, s2;
	s7 =	sadd.s32 s7, s4;
	[smem:$0x7FC] =	sst s28  }
0x34: {  	s3 =	sadd.s32 s17, s0;
	s20 =	sshll.u32 s19, $0x7;
	[dreg:$0x7] =	wrdreg s7  }
0x35: {  	s21 =	sadd.s32 $0xF0, s2;
	s7 =	sadd.s32 s4, s25;
	[smem:$0x7E3] =	sst s3  }
0x36: {  	s16 =	simm.s32 $0x5640;
	s4 =	sadd.s32 s26, s4;
	[smem:$0x7DE] =	sst s7  }
0x37: {  	s26 =	sadd.s32 s13, s31;
	s3 =	sshll.u32 s19, $0x4;
	[dreg:$0xa] =	wrdreg s4  }
0x38: {  	s23 =	sshll.u32 s21, $0x7;
	s7 =	sadd.s32 s18, s10;
	[smem:$0x7FB] =	sst s26  }
0x39: {  	s25 =	sshll.u32 s21, $0x4;
	s18 =	sadd.s32 s17, s31;
	[smem:$0x7DF] =	sst s7  }
0x3a: {  	s13 =	sshll.u32 s11, $0x7;
	s4 =	sadd.s32 s20, s30;
	[smem:$0x7E2] =	sst s18  }
0x3b: {  	s11 =	simm.s32 $0x50;
	s22 =	sadd.s32 s3, s31;
	[smem:$0x7E4] =	sst s4  }
0x3c: {  	s3 =	sadd.s32 s3, s0;
	s24 =	sadd.s32 s23, s30;
	[smem:$0x7E5] =	sst s22  }
0x3d: {  	s5 =	sadd.s32 s25, s31;
	s10 =	sshll.u32 s8, $0x7;
	[smem:$0x7E6] =	sst s3  }
0x3e: {  	s17 =	sadd.s32 $0x1E0, s2;
	s2 =	sadd.s32 $0x230, s2;
	[smem:$0x7E7] =	sst s24  }
0x3f: {  	s23 =	sadd.s32 $0xA118, s6;
	s6 =	sadd.s32 $0x138000, s30;
	[smem:$0x7E8] =	sst s5  }
0x40: {  	s7 =	sadd.s32 s14, s30;
	s3 =	sadd.s32 s25, s0;
	[smem:$0x7F6] =	sst s23  }
0x41: {  	s4 =	sadd.s32 s10, s30;
	s14 =	sadd.s32 s13, s30;
	[smem:$0x7FD] =	sst s6  }
0x42: {  	s18 =	sshll.u32 s17, $0x7;
	s20 =	sshll.u32 s2, $0x7;
	[smem:$0x7E9] =	sst s3  }
0x43: {  	s2 =	sshll.u32 s2, $0x4;
	s24 =	sadd.s32 $0x27000, s31;
	[smem:$0x7EA] =	sst s4  }
0x44: {  	s25 =	sadd.s32 $0x27000, s0;
	s10 =	simm.s32 $0xA0;
	[smem:$0x7ED] =	sst s14  }
0x45: {  	s13 =	simm.s32 $0x1;
	s23 =	simm.s32 $0x4;
	[smem:$0x7F8] =	sst s24  }
0x46: {  	s3 =	sshll.u32 s8, $0x4;
	s4 =	sadd.s32 s18, s30;
	[smem:$0x7F9] =	sst s25  }
0x47: {  	s21 =	sadd.s32 s20, s30;
	s22 =	sadd.s32 s2, s31;
	[smem:$0x7FA] =	sst s7  }
0x48: {  	s2 =	sadd.s32 s2, s0;
	s8 =	simm.s32 $0x5140;
	[smem:$0x7F0] =	sst s4  }
0x49: {  	s14 =	simm.s32 $0x2;
	s18 =	simm.s32 $0x7;
	[smem:$0x7F3] =	sst s21  }
0x4a: {  	s20 =	simm.s32 $0x5B40;
	s24 =	simm.s32 $0x9;
	[smem:$0x7F4] =	sst s22  }
0x4b: {  	s25 =	simm.s32 $0xA;
	s12 =	sadd.s32 s3, s31;
	[smem:$0x7F5] =	sst s2  }
0x4c: {  	s3 =	sadd.s32 s3, s0;
	s4 =	simm.s32 $0x140;
	[smem:$0x7EB] =	sst s12  }
0x4d: {  	s21 =	simm.s32 $0x6;
	[smem:$0x7EC] =	sst s3;
	s3 =	sadd.s32 s15, s0  }
0x4e: {  	s22 =	simm.s32 $0x8;
	[smem:$0x7EF] =	sst s3;
	s3 =	sshll.u32 s17, $0x4  }
0x4f: {  	s12 =	simm.s32 $0xF0;
	s15 =	simm.s32 $0x2940;
	s19 =	sadd.s32 s3, s31  }
0x50: {  	s17 =	simm.s32 $0x5;
	s3 =	sadd.s32 s3, s0;
	[smem:$0x7F1] =	sst s19  }
0x51: {  	v0 =	vimm.f32 $0.0e+00;
	v1 =	vimm.f32 $1.000000000e+00;
	[smem:$0x7F2] =	sst s3;
	s19 =	simm.s32 $0x3;
	s3 =	simm.s32 $0x0  }
.LBB2_1:
0x52: {  	s1 =	simm.s32 $0x180  }
0x53: {  	[tilespmem:s1+$0xFFFFFFD0] =	vst v0  }
0x54: {  	[tilespmem:s1+$0xFFFFFFE0] =	vst v0  }
0x55: {  	[tilespmem:s1+$0xFFFFFFF0] =	vst v0  }
0x56: {  	[tilespmem:s1+$0x0] =	vst v0  }
0x57: {  	[tilespmem:s1+$0x10] =	vst v0  }
0x58: {  	[tilespmem:s1+$0x20] =	vst v0  }
0x59: {  	[tilespmem:s1+$0x30] =	vst v0  }
0x5a: {  	[smem:$0x7D6] =	sst s3;
	s3 =	simm.s32 $0x0;
	s2 =	simm.s32 $0x40;
	[tilespmem:s1+$0xFFFFFFC0] =	vst v0  }
.LBB2_2:
0x5b: {  	p1 =	sne.s32 s2, $0x13C0;
	[tilespmem:s3+$0x5140] =	vst v0;
	s1 =	sadd.s32 $0x80, s1  }
0x5c: {  	[tilespmem:s1+$0xFFFFFFD0] =	vst v0  }
0x5d: {  	[tilespmem:s1+$0xFFFFFFE0] =	vst v0  }
0x5e: {  	[tilespmem:s1+$0xFFFFFFF0] =	vst v0  }
.Ltmp0:
0x5f: {  	[tilespmem:s1+$0x0] =	vst v0;
	(pc) =	sbr.rel @p1 .LBB2_2-.Ltmp0, $4  }
0x60: {  	[tilespmem:s1+$0x10] =	vst v0  }
0x61: {  	[tilespmem:s1+$0x20] =	vst v0  }
0x62: {  	[tilespmem:s1+$0x30] =	vst v0  }
0x63: {  	s3 =	sshra.s32 s2, $0x2;
	s2 =	sadd.s32 $0x40, s2;
	[tilespmem:s1+$0xFFFFFFC0] =	vst v0  }
0x64: {  	[tilespmem:s3+$0x5140] =	vst v0;
	s2 =	simm.s32 $0xB  }
0x65: {  	[spmem:s7] =	stream.linear.scatter [tilespmem:s4], [sflag:$0xB], $0x2800, $0x38;
	[tilespmem:$0x1E6E0] =	vst v63  }
0x66: {  	_ =	swait.ge [sflag:s2], $0x2800  }
0x67: {  	[sflag:s2] =	ssyncset.done $0x0  }
0x68: {  	[sflag:s2] =	ssyncadd.s32 $0xFFFFD800  }
0x69: {  	[spmem:s26] =	stream.linear.scatter [tilespmem:s8], [sflag:$0xB], $0x500, $0x38;
	[tilespmem:$0x1E6E0] =	vst v63  }
0x6a: {  	_ =	swait.ge [sflag:s2], $0x500  }
0x6b: {  	[sflag:s2] =	ssyncset.done $0x0  }
0x6c: {  	[sflag:s2] =	ssyncadd.s32 $0xFFFFFB00  }
0x6d: {  	[spmem:s28] =	stream.linear.scatter [tilespmem:s8], [sflag:$0xB], $0x500, $0x38;
	[tilespmem:$0x1E6E0] =	vst v63  }
0x6e: {  	_ =	swait.ge [sflag:s2], $0x500  }
0x6f: {  	s1 =	sld [smem:$0x7E1]  }
0x70: {  	[sflag:s2] =	ssyncset.done $0x0  }
0x71: {  	[sflag:s2] =	ssyncadd.s32 $0xFFFFFB00  }
0x72: {  	[spmem:s1] =	stream.linear.scatter [tilespmem:s4], [sflag:$0xB], $0x2800, $0x38;
	[tilespmem:$0x1E6E0] =	vst v63  }
0x73: {  	_ =	swait.ge [sflag:s2], $0x2800  }
0x74: {  	s7 =	sld [smem:$0x7E2]  }
0x75: {  	[sflag:s2] =	ssyncset.done $0x0  }
0x76: {  	[sflag:s2] =	ssyncadd.s32 $0xFFFFD800  }
0x77: {  	[spmem:s7] =	stream.linear.scatter [tilespmem:s8], [sflag:$0xB], $0x500, $0x38;
	[tilespmem:$0x1E6E0] =	vst v63  }
0x78: {  	_ =	swait.ge [sflag:s2], $0x500  }
0x79: {  	s26 =	sld [smem:$0x7E3]  }
0x7a: {  	[sflag:s2] =	ssyncset.done $0x0  }
0x7b: {  	[sflag:s2] =	ssyncadd.s32 $0xFFFFFB00  }
0x7c: {  	[spmem:s26] =	stream.linear.scatter [tilespmem:s8], [sflag:$0xB], $0x500, $0x38;
	[tilespmem:$0x1E6E0] =	vst v63  }
0x7d: {  	_ =	swait.ge [sflag:s2], $0x500  }
0x7e: {  	s3 =	sld [smem:$0x7E4]  }
0x7f: {  	[sflag:s2] =	ssyncset.done $0x0  }
0x80: {  	[sflag:s2] =	ssyncadd.s32 $0xFFFFFB00  }
0x81: {  	[spmem:s3] =	stream.linear.scatter [tilespmem:s4], [sflag:$0xB], $0x2800, $0x38;
	[tilespmem:$0x1E6E0] =	vst v63  }
0x82: {  	_ =	swait.ge [sflag:s2], $0x2800  }
0x83: {  	s5 =	sld [smem:$0x7E5]  }
0x84: {  	[sflag:s2] =	ssyncset.done $0x0  }
0x85: {  	[sflag:s2] =	ssyncadd.s32 $0xFFFFD800  }
0x86: {  	[spmem:s5] =	stream.linear.scatter [tilespmem:s8], [sflag:$0xB], $0x500, $0x38;
	[tilespmem:$0x1E6E0] =	vst v63  }
0x87: {  	_ =	swait.ge [sflag:s2], $0x500  }
0x88: {  	s7 =	sld [smem:$0x7E6]  }
0x89: {  	[sflag:s2] =	ssyncset.done $0x0  }
0x8a: {  	[sflag:s2] =	ssyncadd.s32 $0xFFFFFB00  }
0x8b: {  	[spmem:s7] =	stream.linear.scatter [tilespmem:s8], [sflag:$0xB], $0x500, $0x38;
	[tilespmem:$0x1E6E0] =	vst v63  }
0x8c: {  	_ =	swait.ge [sflag:s2], $0x500  }
0x8d: {  	s26 =	sld [smem:$0x7E7]  }
0x8e: {  	[sflag:s2] =	ssyncset.done $0x0  }
0x8f: {  	[sflag:s2] =	ssyncadd.s32 $0xFFFFFB00  }
0x90: {  	[spmem:s26] =	stream.linear.scatter [tilespmem:s4], [sflag:$0xB], $0x2800, $0x38;
	[tilespmem:$0x1E6E0] =	vst v63  }
0x91: {  	_ =	swait.ge [sflag:s2], $0x2800  }
0x92: {  	s3 =	sld [smem:$0x7E8]  }
0x93: {  	[sflag:s2] =	ssyncset.done $0x0  }
0x94: {  	[sflag:s2] =	ssyncadd.s32 $0xFFFFD800  }
0x95: {  	[spmem:s3] =	stream.linear.scatter [tilespmem:s8], [sflag:$0xB], $0x500, $0x38;
	[tilespmem:$0x1E6E0] =	vst v63  }
0x96: {  	_ =	swait.ge [sflag:s2], $0x500  }
0x97: {  	s5 =	sld [smem:$0x7E9]  }
0x98: {  	[sflag:s2] =	ssyncset.done $0x0  }
0x99: {  	[sflag:s2] =	ssyncadd.s32 $0xFFFFFB00  }
0x9a: {  	[spmem:s5] =	stream.linear.scatter [tilespmem:s8], [sflag:$0xB], $0x500, $0x38;
	[tilespmem:$0x1E6E0] =	vst v63  }
0x9b: {  	_ =	swait.ge [sflag:s2], $0x500  }
0x9c: {  	s7 =	sld [smem:$0x7EA]  }
0x9d: {  	[sflag:s2] =	ssyncset.done $0x0  }
0x9e: {  	[sflag:s2] =	ssyncadd.s32 $0xFFFFFB00  }
0x9f: {  	[spmem:s7] =	stream.linear.scatter [tilespmem:s4], [sflag:$0xB], $0x2800, $0x38;
	[tilespmem:$0x1E6E0] =	vst v63  }
0xa0: {  	_ =	swait.ge [sflag:s2], $0x2800  }
0xa1: {  	s26 =	sld [smem:$0x7EB]  }
0xa2: {  	[sflag:s2] =	ssyncset.done $0x0  }
0xa3: {  	[sflag:s2] =	ssyncadd.s32 $0xFFFFD800  }
0xa4: {  	[spmem:s26] =	stream.linear.scatter [tilespmem:s8], [sflag:$0xB], $0x500, $0x38;
	[tilespmem:$0x1E6E0] =	vst v63  }
0xa5: {  	_ =	swait.ge [sflag:s2], $0x500  }
0xa6: {  	s3 =	sld [smem:$0x7EC]  }
0xa7: {  	[sflag:s2] =	ssyncset.done $0x0  }
0xa8: {  	[sflag:s2] =	ssyncadd.s32 $0xFFFFFB00  }
0xa9: {  	[spmem:s3] =	stream.linear.scatter [tilespmem:s8], [sflag:$0xB], $0x500, $0x38;
	[tilespmem:$0x1E6E0] =	vst v63  }
0xaa: {  	_ =	swait.ge [sflag:s2], $0x500  }
0xab: {  	s5 =	sld [smem:$0x7ED]  }
0xac: {  	[sflag:s2] =	ssyncset.done $0x0  }
0xad: {  	[sflag:s2] =	ssyncadd.s32 $0xFFFFFB00  }
0xae: {  	[spmem:s5] =	stream.linear.scatter [tilespmem:s4], [sflag:$0xB], $0x2800, $0x38;
	[tilespmem:$0x1E6E0] =	vst v63  }
0xaf: {  	_ =	swait.ge [sflag:s2], $0x2800  }
0xb0: {  	s7 =	sld [smem:$0x7EE]  }
0xb1: {  	[sflag:s2] =	ssyncset.done $0x0  }
0xb2: {  	[sflag:s2] =	ssyncadd.s32 $0xFFFFD800  }
0xb3: {  	[spmem:s7] =	stream.linear.scatter [tilespmem:s8], [sflag:$0xB], $0x500, $0x38;
	[tilespmem:$0x1E6E0] =	vst v63  }
0xb4: {  	_ =	swait.ge [sflag:s2], $0x500  }
0xb5: {  	s26 =	sld [smem:$0x7EF]  }
0xb6: {  	[sflag:s2] =	ssyncset.done $0x0  }
0xb7: {  	[sflag:s2] =	ssyncadd.s32 $0xFFFFFB00  }
0xb8: {  	[spmem:s26] =	stream.linear.scatter [tilespmem:s8], [sflag:$0xB], $0x500, $0x38;
	[tilespmem:$0x1E6E0] =	vst v63  }
0xb9: {  	_ =	swait.ge [sflag:s2], $0x500  }
0xba: {  	s3 =	sld [smem:$0x7F0]  }
0xbb: {  	[sflag:s2] =	ssyncset.done $0x0  }
0xbc: {  	[sflag:s2] =	ssyncadd.s32 $0xFFFFFB00  }
0xbd: {  	[spmem:s3] =	stream.linear.scatter [tilespmem:s4], [sflag:$0xB], $0x2800, $0x38;
	[tilespmem:$0x1E6E0] =	vst v63  }
0xbe: {  	_ =	swait.ge [sflag:s2], $0x2800  }
0xbf: {  	s5 =	sld [smem:$0x7F1]  }
0xc0: {  	[sflag:s2] =	ssyncset.done $0x0  }
0xc1: {  	[sflag:s2] =	ssyncadd.s32 $0xFFFFD800  }
0xc2: {  	[spmem:s5] =	stream.linear.scatter [tilespmem:s8], [sflag:$0xB], $0x500, $0x38;
	[tilespmem:$0x1E6E0] =	vst v63  }
0xc3: {  	_ =	swait.ge [sflag:s2], $0x500  }
0xc4: {  	s7 =	sld [smem:$0x7F2]  }
0xc5: {  	[sflag:s2] =	ssyncset.done $0x0  }
0xc6: {  	[sflag:s2] =	ssyncadd.s32 $0xFFFFFB00  }
0xc7: {  	[spmem:s7] =	stream.linear.scatter [tilespmem:s8], [sflag:$0xB], $0x500, $0x38;
	[tilespmem:$0x1E6E0] =	vst v63  }
0xc8: {  	_ =	swait.ge [sflag:s2], $0x500  }
0xc9: {  	s26 =	sld [smem:$0x7F3]  }
0xca: {  	[sflag:s2] =	ssyncset.done $0x0  }
0xcb: {  	[sflag:s2] =	ssyncadd.s32 $0xFFFFFB00  }
0xcc: {  	[spmem:s26] =	stream.linear.scatter [tilespmem:s4], [sflag:$0xB], $0x2000, $0x38;
	[tilespmem:$0x1E6E0] =	vst v63  }
0xcd: {  	_ =	swait.ge [sflag:s2], $0x2000  }
0xce: {  	s3 =	sld [smem:$0x7F4]  }
0xcf: {  	[sflag:s2] =	ssyncset.done $0x0  }
0xd0: {  	[sflag:s2] =	ssyncadd.s32 $0xFFFFE000  }
0xd1: {  	[spmem:s3] =	stream.linear.scatter [tilespmem:s8], [sflag:$0xB], $0x400, $0x38;
	[tilespmem:$0x1E6E0] =	vst v63  }
0xd2: {  	_ =	swait.ge [sflag:s2], $0x400  }
0xd3: {  	s5 =	sld [smem:$0x7F5]  }
0xd4: {  	[sflag:s2] =	ssyncset.done $0x0  }
0xd5: {  	[sflag:s2] =	ssyncadd.s32 $0xFFFFFC00  }
0xd6: {  	[spmem:s5] =	stream.linear.scatter [tilespmem:s8], [sflag:$0xB], $0x400, $0x38;
	[tilespmem:$0x1E6E0] =	vst v63  }
0xd7: {  	_ =	swait.ge [sflag:s2], $0x400  }
0xd8: {  	[sflag:s2] =	ssyncset.done $0x0  }
0xd9: {  	s1 =	simm.s32 @!p0 $0x140;
	[sflag:s2] =	ssyncadd.s32 $0xFFFFFC00  }
0xda: {  	[spmem:s6] =	stream.linear.scatter @!p0 [tilespmem:s1], [sflag:$0xB], $0x800, $0x38;
	[tilespmem:$0x1E6E0] =	vst v63  }
0xdb: {  	s1 =	simm.s32 @!p0 $0xB  }
0xdc: {  	_ =	swait.ge @!p0 [sflag:s1], $0x800  }
0xdd: {  	s3 =	sld [smem:$0x7F8]  }
0xde: {  	[sflag:s1] =	ssyncset.done @!p0 $0x0  }
0xdf: {  	s2 =	simm.s32 @!p0 $0x5140;
	[sflag:s1] =	ssyncadd.s32 @!p0 $0xFFFFF800  }
0xe0: {  	[spmem:s3] =	stream.linear.scatter @!p0 [tilespmem:s2], [sflag:$0xB], $0x100, $0x38;
	[tilespmem:$0x1E6E0] =	vst v63  }
0xe1: {  	_ =	swait.ge @!p0 [sflag:s1], $0x100  }
0xe2: {  	s3 =	sld [smem:$0x7F9]  }
0xe3: {  	[sflag:s1] =	ssyncset.done @!p0 $0x0  }
0xe4: {  	[sflag:s1] =	ssyncadd.s32 @!p0 $0xFFFFFF00  }
0xe5: {  	[spmem:s3] =	stream.linear.scatter @!p0 [tilespmem:s2], [sflag:$0xB], $0x100, $0x38;
	[tilespmem:$0x1E6E0] =	vst v63  }
0xe6: {  	_ =	swait.ge @!p0 [sflag:s1], $0x100  }
0xe7: {  	[sflag:s1] =	ssyncset.done @!p0 $0x0  }
0xe8: {  	[sflag:s1] =	ssyncadd.s32 @!p0 $0xFFFFFF00  }
0xe9: {  	[tilespmem:$0x5B40] =	vst v1  }
0xea: {  	[tilespmem:$0x5B50] =	vst v1  }
0xeb: {  	[tilespmem:$0x5B60] =	vst v1  }
0xec: {  	[tilespmem:$0x5B70] =	vst v1  }
0xed: {  	[tilespmem:$0x5B80] =	vst v1  }
0xee: {  	[tilespmem:$0x5B90] =	vst v1  }
0xef: {  	[tilespmem:$0x5BA0] =	vst v1  }
0xf0: {  	[tilespmem:$0x5BB0] =	vst v1  }
0xf1: {  	[tilespmem:$0x5BC0] =	vst v1  }
0xf2: {  	[tilespmem:$0x5BD0] =	vst v1  }
0xf3: {  	[tilespmem:$0x5BE0] =	vst v1  }
0xf4: {  	[tilespmem:$0x5BF0] =	vst v1  }
0xf5: {  	[tilespmem:$0x5C00] =	vst v1  }
0xf6: {  	[tilespmem:$0x5C10] =	vst v1  }
0xf7: {  	[tilespmem:$0x5C20] =	vst v1  }
0xf8: {  	[tilespmem:$0x5C30] =	vst v1  }
0xf9: {  	[tilespmem:$0x5C40] =	vst v1  }
0xfa: {  	[tilespmem:$0x5C50] =	vst v1  }
0xfb: {  	[tilespmem:$0x5C60] =	vst v1  }
0xfc: {  	[tilespmem:$0x5C70] =	vst v1  }
0xfd: {  	[tilespmem:$0x5C80] =	vst v1  }
0xfe: {  	[tilespmem:$0x5C90] =	vst v1  }
0xff: {  	[tilespmem:$0x5CA0] =	vst v1  }
0x100: {  	[tilespmem:$0x5CB0] =	vst v1  }
0x101: {  	[tilespmem:$0x5CC0] =	vst v1  }
0x102: {  	[tilespmem:$0x5CD0] =	vst v1  }
0x103: {  	[tilespmem:$0x5CE0] =	vst v1  }
0x104: {  	[tilespmem:$0x5CF0] =	vst v1  }
0x105: {  	[tilespmem:$0x5D00] =	vst v1  }
0x106: {  	[tilespmem:$0x5D10] =	vst v1  }
0x107: {  	[tilespmem:$0x5D20] =	vst v1  }
0x108: {  	[tilespmem:$0x5D30] =	vst v1  }
0x109: {  	[tilespmem:$0x5D40] =	vst v1  }
0x10a: {  	[tilespmem:$0x5D50] =	vst v1  }
0x10b: {  	[tilespmem:$0x5D60] =	vst v1  }
0x10c: {  	[tilespmem:$0x5D70] =	vst v1  }
0x10d: {  	[tilespmem:$0x5D80] =	vst v1  }
0x10e: {  	[tilespmem:$0x5D90] =	vst v1  }
0x10f: {  	[tilespmem:$0x5DA0] =	vst v1  }
0x110: {  	[tilespmem:$0x5DB0] =	vst v1  }
0x111: {  	[tilespmem:$0x5DC0] =	vst v1  }
0x112: {  	[tilespmem:$0x5DD0] =	vst v1  }
0x113: {  	[tilespmem:$0x5DE0] =	vst v1  }
0x114: {  	[tilespmem:$0x5DF0] =	vst v1  }
0x115: {  	[tilespmem:$0x5E00] =	vst v1  }
0x116: {  	[tilespmem:$0x5E10] =	vst v1  }
0x117: {  	[tilespmem:$0x5E20] =	vst v1  }
0x118: {  	[tilespmem:$0x5E30] =	vst v1  }
0x119: {  	[tilespmem:$0x5E40] =	vst v1  }
0x11a: {  	[tilespmem:$0x5E50] =	vst v1  }
0x11b: {  	[tilespmem:$0x5E60] =	vst v1  }
0x11c: {  	[tilespmem:$0x5E70] =	vst v1  }
0x11d: {  	[tilespmem:$0x5E80] =	vst v1  }
0x11e: {  	[tilespmem:$0x5E90] =	vst v1  }
0x11f: {  	[tilespmem:$0x5EA0] =	vst v1  }
0x120: {  	[tilespmem:$0x5EB0] =	vst v1  }
0x121: {  	[tilespmem:$0x5EC0] =	vst v1  }
0x122: {  	[tilespmem:$0x5ED0] =	vst v1  }
0x123: {  	[tilespmem:$0x5EE0] =	vst v1  }
0x124: {  	[tilespmem:$0x5EF0] =	vst v1  }
0x125: {  	[tilespmem:$0x5F00] =	vst v1  }
0x126: {  	[tilespmem:$0x5F10] =	vst v1  }
0x127: {  	[tilespmem:$0x5F20] =	vst v1  }
0x128: {  	[tilespmem:$0x5F30] =	vst v1  }
0x129: {  	[tilespmem:$0x5F40] =	vst v1  }
0x12a: {  	[tilespmem:$0x5F50] =	vst v1  }
0x12b: {  	[tilespmem:$0x5F60] =	vst v1  }
0x12c: {  	[tilespmem:$0x5F70] =	vst v1  }
0x12d: {  	[tilespmem:$0x5F80] =	vst v1  }
0x12e: {  	[tilespmem:$0x5F90] =	vst v1  }
0x12f: {  	[tilespmem:$0x5FA0] =	vst v1  }
0x130: {  	[tilespmem:$0x5FB0] =	vst v1  }
0x131: {  	[tilespmem:$0x5FC0] =	vst v1  }
0x132: {  	[tilespmem:$0x5FD0] =	vst v1  }
0x133: {  	[tilespmem:$0x5FE0] =	vst v1  }
0x134: {  	[tilespmem:$0x5FF0] =	vst v1  }
0x135: {  	[tilespmem:$0x6000] =	vst v1  }
0x136: {  	[tilespmem:$0x6010] =	vst v1  }
0x137: {  	[tilespmem:$0x6020] =	vst v1  }
0x138: {  	[tilespmem:$0x6030] =	vst v1  }
0x139: {  	[bflag:$0x0] =	sbarrier.arrive $0xFFFF  }
0x13a: {  	s6 =	rddreg [dreg:$0x8]  }
0x13b: {  	s7 =	rddreg [dreg:$0x9];
	s1 =	sadd.s32 $0x0, s6  }
0x13c: {  	[tilespmem:s9], [sflag:$0x1] =	stream.linear.gather [hbm4b:s1+s9], $0x50, $0x38;
	[tilespmem:$0x1E6E0] =	vst v63  }
0x13d: {  	s26 =	rddreg [dreg:$0xa];
	s5 =	sadd.s32 $0x0, s7  }
0x13e: {  	[tilespmem:s10], [sflag:$0x3] =	stream.linear.gather [hbm4b:s5+s9], $0x50, $0x38;
	[tilespmem:$0x1E6E0] =	vst v63  }
0x13f: {  	s6 =	rddreg [dreg:$0x7];
	s7 =	sadd.s32 $0x0, s26  }
0x140: {  	[tilespmem:s11], [sflag:$0x2] =	stream.linear.gather [hbm4b:s7+s9], $0x50, $0x38;
	[tilespmem:$0x1E6E0] =	vst v63  }
0x141: {  	s26 =	sadd.s32 $0x0, s6  }
0x142: {  	[tilespmem:s12], [sflag:$0x4] =	stream.linear.gather [hbm4b:s26+s9], $0x50, $0x38;
	[tilespmem:$0x1E6E0] =	vst v63  }
0x143: {  	_ =	swait.ge [sflag:s13], $0x50  }
0x144: {  	[sflag:s13] =	ssyncset.done $0x0  }
0x145: {  	s2 =	sld [smem:$0x7DD];
	[sflag:s13] =	ssyncadd.s32 $0xFFFFFFB0  }
0x146: {  	[tilespmem:s4], [sflag:$0x5] =	stream.indirect.gather [hbm4b:s29+s11], $0x80, s9, s11, $0xb8;
	[tilespmem:$0x1E6E0] =	vst v63  }
0x147: {  	_ = 	snop  }
0x148: {  	[tilespmem:s8], [sflag:$0x7] =	stream.linear.gather [hbm4b:s2+s9], $0x500, $0x38;
	[tilespmem:$0x1E6E0] =	vst v63  }
0x149: {  	_ =	swait.ge [sflag:s14], $0x50  }
0x14a: {  	[sflag:s14] =	ssyncset.done $0x0  }
0x14b: {  	s28 =	sld [smem:$0x7E0];
	[sflag:s14] =	ssyncadd.s32 $0xFFFFFFB0  }
0x14c: {  	[tilespmem:s15], [sflag:$0x6] =	stream.indirect.gather [hbm4b:s29+s11], $0x80, s11, s11, $0xb8;
	[tilespmem:$0x1E6E0] =	vst v63  }
0x14d: {  	_ = 	snop  }
0x14e: {  	[tilespmem:s16], [sflag:$0x8] =	stream.linear.gather [hbm4b:s28+s9], $0x500, $0x38;
	[tilespmem:$0x1E6E0] =	vst v63  }
0x14f: {  	_ =	swait.ge [sflag:s17], $0x2800  }
0x150: {  	[sflag:s17] =	ssyncset.done $0x0  }
0x151: {  	[sflag:s17] =	ssyncadd.s32 $0xFFFFD800  }
0x152: {  	_ =	swait.ge [sflag:s18], $0x500  }
0x153: {  	[sflag:s18] =	ssyncset.done $0x0  }
0x154: {  	[sflag:s18] =	ssyncadd.s32 $0xFFFFFB00  }
0x155: {  	_ =	swait.ge [sflag:s19], $0x50  }
0x156: {  	[sflag:s19] =	ssyncset.done $0x0  }
0x157: {  	[sflag:s19] =	ssyncadd.s32 $0xFFFFFFB0  }
0x158: {  	[spmem:s30] =	stream.indirect.scatter.add.f32 [tilespmem:s4], [sflag:$0x9], $0x80, s10, s11, $0xb8;
	[tilespmem:$0x1E6E0] =	vst v63  }
0x159: {  	_ = 	snop  }
0x15a: {  	[spmem:s31] =	stream.indirect.scatter.add.f32 [tilespmem:s8], [sflag:$0x9], $0x10, s10, s11, $0xb8;
	[tilespmem:$0x1E6E0] =	vst v63  }
0x15b: {  	_ = 	snop  }
0x15c: {  	[spmem:s0] =	stream.indirect.scatter.add.f32 [tilespmem:s20], [sflag:$0x9], $0x10, s10, s11, $0xb8;
	[tilespmem:$0x1E6E0] =	vst v63  }
0x15d: {  	_ =	swait.ge [sflag:s21], $0x2800  }
0x15e: {  	[sflag:s21] =	ssyncset.done $0x0  }
0x15f: {  	[sflag:s21] =	ssyncadd.s32 $0xFFFFD800  }
0x160: {  	_ =	swait.ge [sflag:s22], $0x500  }
0x161: {  	[sflag:s22] =	ssyncset.done $0x0  }
0x162: {  	[sflag:s22] =	ssyncadd.s32 $0xFFFFFB00  }
0x163: {  	_ =	swait.ge [sflag:s23], $0x50  }
0x164: {  	[sflag:s23] =	ssyncset.done $0x0  }
0x165: {  	[sflag:s23] =	ssyncadd.s32 $0xFFFFFFB0  }
0x166: {  	[spmem:s30] =	stream.indirect.scatter.add.f32 [tilespmem:s15], [sflag:$0xA], $0x80, s12, s11, $0xb8;
	[tilespmem:$0x1E6E0] =	vst v63  }
0x167: {  	_ = 	snop  }
0x168: {  	[spmem:s31] =	stream.indirect.scatter.add.f32 [tilespmem:s16], [sflag:$0xA], $0x10, s12, s11, $0xb8;
	[tilespmem:$0x1E6E0] =	vst v63  }
0x169: {  	_ = 	snop  }
0x16a: {  	[spmem:s0] =	stream.indirect.scatter.add.f32 [tilespmem:s20], [sflag:$0xA], $0x10, s12, s11, $0xb8;
	[tilespmem:$0x1E6E0] =	vst v63  }
0x16b: {  	_ =	swait.ge [sflag:s24], $0x2800  }
0x16c: {  	[sflag:s24] =	ssyncset.done $0x0  }
0x16d: {  	[sflag:s24] =	ssyncadd.s32 $0xFFFFD800  }
0x16e: {  	_ =	swait.ge [sflag:s24], $0x500  }
0x16f: {  	[sflag:s24] =	ssyncset.done $0x0  }
0x170: {  	[sflag:s24] =	ssyncadd.s32 $0xFFFFFB00  }
0x171: {  	_ =	swait.ge [sflag:s24], $0x500  }
0x172: {  	[sflag:s24] =	ssyncset.done $0x0  }
0x173: {  	[sflag:s24] =	ssyncadd.s32 $0xFFFFFB00  }
0x174: {  	_ =	swait.ge [sflag:s25], $0x2800  }
0x175: {  	[sflag:s25] =	ssyncset.done $0x0  }
0x176: {  	[sflag:s25] =	ssyncadd.s32 $0xFFFFD800  }
0x177: {  	_ =	swait.ge [sflag:s25], $0x500  }
0x178: {  	[sflag:s25] =	ssyncset.done $0x0  }
0x179: {  	[sflag:s25] =	ssyncadd.s32 $0xFFFFFB00  }
0x17a: {  	s3 =	simm.s32 $0x14;
	_ =	swait.ge [sflag:s25], $0x500  }
0x17b: {  	s1 =	simm.s32 $0x28;
	s5 =	rddreg [dreg:$0x8];
	[sflag:s25] =	ssyncset.done $0x0  }
.LBB2_4:
0x17c: {  	[sflag:s25] =	ssyncadd.s32 $0xFFFFFB00;
	s26 =	rddreg [dreg:$0x9];
	s5 =	sadd.s32 s3, s5  }
0x17d: {  	[tilespmem:s9], [sflag:$0x1] =	stream.linear.gather [hbm4b:s5+s9], $0x50, $0x38;
	[tilespmem:$0x1E6E0] =	vst v63  }
0x17e: {  	s7 =	rddreg [dreg:$0xa];
	s5 =	sadd.s32 s3, s26  }
0x17f: {  	[tilespmem:s10], [sflag:$0x3] =	stream.linear.gather [hbm4b:s5+s9], $0x50, $0x38;
	[tilespmem:$0x1E6E0] =	vst v63  }
0x180: {  	s26 =	rddreg [dreg:$0x7];
	s7 =	sadd.s32 s3, s7  }
0x181: {  	[tilespmem:s11], [sflag:$0x2] =	stream.linear.gather [hbm4b:s7+s9], $0x50, $0x38;
	[tilespmem:$0x1E6E0] =	vst v63  }
0x182: {  	s26 =	sadd.s32 s3, s26  }
0x183: {  	[tilespmem:s12], [sflag:$0x4] =	stream.linear.gather [hbm4b:s26+s9], $0x50, $0x38;
	[tilespmem:$0x1E6E0] =	vst v63  }
0x184: {  	_ =	swait.ge [sflag:s13], $0x50  }
0x185: {  	[sflag:s13] =	ssyncset.done $0x0  }
0x186: {  	[sflag:s13] =	ssyncadd.s32 $0xFFFFFFB0  }
0x187: {  	[tilespmem:s4], [sflag:$0x5] =	stream.indirect.gather [hbm4b:s29+s11], $0x80, s9, s11, $0xb8;
	[tilespmem:$0x1E6E0] =	vst v63  }
0x188: {  	s2 =	sadd.s32 $0x140, s2  }
0x189: {  	[tilespmem:s8], [sflag:$0x7] =	stream.linear.gather [hbm4b:s2+s9], $0x500, $0x38;
	[tilespmem:$0x1E6E0] =	vst v63  }
0x18a: {  	_ =	swait.ge [sflag:s14], $0x50  }
0x18b: {  	[sflag:s14] =	ssyncset.done $0x0  }
0x18c: {  	[sflag:s14] =	ssyncadd.s32 $0xFFFFFFB0  }
0x18d: {  	[tilespmem:s15], [sflag:$0x6] =	stream.indirect.gather [hbm4b:s29+s11], $0x80, s11, s11, $0xb8;
	[tilespmem:$0x1E6E0] =	vst v63  }
0x18e: {  	s28 =	sadd.s32 $0x140, s28  }
0x18f: {  	[tilespmem:s16], [sflag:$0x8] =	stream.linear.gather [hbm4b:s28+s9], $0x500, $0x38;
	[tilespmem:$0x1E6E0] =	vst v63  }
0x190: {  	_ =	swait.ge [sflag:s17], $0x2800  }
0x191: {  	[sflag:s17] =	ssyncset.done $0x0  }
0x192: {  	[sflag:s17] =	ssyncadd.s32 $0xFFFFD800  }
0x193: {  	_ =	swait.ge [sflag:s18], $0x500  }
0x194: {  	[sflag:s18] =	ssyncset.done $0x0  }
0x195: {  	[sflag:s18] =	ssyncadd.s32 $0xFFFFFB00  }
0x196: {  	_ =	swait.ge [sflag:s19], $0x50  }
0x197: {  	[sflag:s19] =	ssyncset.done $0x0  }
0x198: {  	[sflag:s19] =	ssyncadd.s32 $0xFFFFFFB0  }
0x199: {  	[spmem:s30] =	stream.indirect.scatter.add.f32 [tilespmem:s4], [sflag:$0x9], $0x80, s10, s11, $0xb8;
	[tilespmem:$0x1E6E0] =	vst v63  }
0x19a: {  	_ = 	snop  }
0x19b: {  	[spmem:s31] =	stream.indirect.scatter.add.f32 [tilespmem:s8], [sflag:$0x9], $0x10, s10, s11, $0xb8;
	[tilespmem:$0x1E6E0] =	vst v63  }
0x19c: {  	_ = 	snop  }
0x19d: {  	[spmem:s0] =	stream.indirect.scatter.add.f32 [tilespmem:s20], [sflag:$0x9], $0x10, s10, s11, $0xb8;
	[tilespmem:$0x1E6E0] =	vst v63  }
0x19e: {  	_ =	swait.ge [sflag:s21], $0x2800  }
0x19f: {  	[sflag:s21] =	ssyncset.done $0x0  }
0x1a0: {  	[sflag:s21] =	ssyncadd.s32 $0xFFFFD800  }
0x1a1: {  	_ =	swait.ge [sflag:s22], $0x500  }
0x1a2: {  	[sflag:s22] =	ssyncset.done $0x0  }
0x1a3: {  	[sflag:s22] =	ssyncadd.s32 $0xFFFFFB00  }
0x1a4: {  	_ =	swait.ge [sflag:s23], $0x50  }
0x1a5: {  	[sflag:s23] =	ssyncset.done $0x0  }
0x1a6: {  	[sflag:s23] =	ssyncadd.s32 $0xFFFFFFB0  }
0x1a7: {  	[spmem:s30] =	stream.indirect.scatter.add.f32 [tilespmem:s15], [sflag:$0xA], $0x80, s12, s11, $0xb8;
	[tilespmem:$0x1E6E0] =	vst v63  }
0x1a8: {  	_ = 	snop  }
0x1a9: {  	[spmem:s31] =	stream.indirect.scatter.add.f32 [tilespmem:s16], [sflag:$0xA], $0x10, s12, s11, $0xb8;
	[tilespmem:$0x1E6E0] =	vst v63  }
0x1aa: {  	_ = 	snop  }
0x1ab: {  	[spmem:s0] =	stream.indirect.scatter.add.f32 [tilespmem:s20], [sflag:$0xA], $0x10, s12, s11, $0xb8;
	[tilespmem:$0x1E6E0] =	vst v63  }
0x1ac: {  	_ =	swait.ge [sflag:s24], $0x2800  }
0x1ad: {  	[sflag:s24] =	ssyncset.done $0x0  }
0x1ae: {  	[sflag:s24] =	ssyncadd.s32 $0xFFFFD800  }
0x1af: {  	_ =	swait.ge [sflag:s24], $0x500  }
0x1b0: {  	[sflag:s24] =	ssyncset.done $0x0  }
0x1b1: {  	[sflag:s24] =	ssyncadd.s32 $0xFFFFFB00  }
0x1b2: {  	_ =	swait.ge [sflag:s24], $0x500  }
0x1b3: {  	[sflag:s24] =	ssyncset.done $0x0  }
0x1b4: {  	[sflag:s24] =	ssyncadd.s32 $0xFFFFFB00  }
0x1b5: {  	_ =	swait.ge [sflag:s25], $0x2800  }
0x1b6: {  	[sflag:s25] =	ssyncset.done $0x0  }
0x1b7: {  	p1 =	sne.s32 s1, $0x4C4;
	[sflag:s25] =	ssyncadd.s32 $0xFFFFD800  }
.Ltmp1:
0x1b8: {  	_ =	swait.ge [sflag:s25], $0x500;
	(pc) =	sbr.rel @p1 .LBB2_4-.Ltmp1, $4  }
0x1b9: {  	[sflag:s25] =	ssyncset.done $0x0  }
0x1ba: {  	[sflag:s25] =	ssyncadd.s32 $0xFFFFFB00  }
0x1bb: {  	s6 =	smov.u32 s1;
	s1 =	sadd.s32 $0x14, s1;
	_ =	swait.ge [sflag:s25], $0x500  }
0x1bc: {  	s3 =	smov.u32 s6;
	s5 =	rddreg [dreg:$0x8];
	[sflag:s25] =	ssyncset.done $0x0  }
0x1bd: {  	s1 =	rddreg [dreg:$0x9];
	[sflag:s25] =	ssyncadd.s32 $0xFFFFFB00;
	s5 =	sadd.s32 s3, s5  }
0x1be: {  	[tilespmem:s9], [sflag:$0x1] =	stream.linear.gather [hbm4b:s5+s9], $0x50, $0x38;
	[tilespmem:$0x1E6E0] =	vst v63  }
0x1bf: {  	s7 =	rddreg [dreg:$0xa];
	s1 =	sadd.s32 s3, s1  }
0x1c0: {  	[tilespmem:s10], [sflag:$0x3] =	stream.linear.gather [hbm4b:s1+s9], $0x50, $0x38;
	[tilespmem:$0x1E6E0] =	vst v63  }
0x1c1: {  	s26 =	rddreg [dreg:$0x7];
	s5 =	sadd.s32 s3, s7  }
0x1c2: {  	[tilespmem:s11], [sflag:$0x2] =	stream.linear.gather [hbm4b:s5+s9], $0x50, $0x38;
	[tilespmem:$0x1E6E0] =	vst v63  }
0x1c3: {  	s1 =	sadd.s32 s3, s26  }
0x1c4: {  	[tilespmem:s12], [sflag:$0x4] =	stream.linear.gather [hbm4b:s1+s9], $0x50, $0x38;
	[tilespmem:$0x1E6E0] =	vst v63  }
0x1c5: {  	_ =	swait.ge [sflag:s13], $0x50  }
0x1c6: {  	[sflag:s13] =	ssyncset.done $0x0  }
0x1c7: {  	[sflag:s13] =	ssyncadd.s32 $0xFFFFFFB0  }
0x1c8: {  	[tilespmem:s4], [sflag:$0x5] =	stream.indirect.gather [hbm4b:s29+s11], $0x80, s9, s11, $0xb8;
	[tilespmem:$0x1E6E0] =	vst v63  }
0x1c9: {  	s5 =	sadd.s32 $0x140, s2  }
0x1ca: {  	[tilespmem:s8], [sflag:$0x7] =	stream.linear.gather [hbm4b:s5+s9], $0x500, $0x38;
	[tilespmem:$0x1E6E0] =	vst v63  }
0x1cb: {  	_ =	swait.ge [sflag:s14], $0x50  }
0x1cc: {  	[sflag:s14] =	ssyncset.done $0x0  }
0x1cd: {  	[sflag:s14] =	ssyncadd.s32 $0xFFFFFFB0  }
0x1ce: {  	[tilespmem:s15], [sflag:$0x6] =	stream.indirect.gather [hbm4b:s29+s11], $0x80, s11, s11, $0xb8;
	[tilespmem:$0x1E6E0] =	vst v63  }
0x1cf: {  	s6 =	sadd.s32 $0x140, s28  }
0x1d0: {  	[tilespmem:s16], [sflag:$0x8] =	stream.linear.gather [hbm4b:s6+s9], $0x500, $0x38;
	[tilespmem:$0x1E6E0] =	vst v63  }
0x1d1: {  	_ =	swait.ge [sflag:s17], $0x2800  }
0x1d2: {  	[sflag:s17] =	ssyncset.done $0x0  }
0x1d3: {  	[sflag:s17] =	ssyncadd.s32 $0xFFFFD800  }
0x1d4: {  	_ =	swait.ge [sflag:s18], $0x500  }
0x1d5: {  	[sflag:s18] =	ssyncset.done $0x0  }
0x1d6: {  	[sflag:s18] =	ssyncadd.s32 $0xFFFFFB00  }
0x1d7: {  	_ =	swait.ge [sflag:s19], $0x50  }
0x1d8: {  	[sflag:s19] =	ssyncset.done $0x0  }
0x1d9: {  	[sflag:s19] =	ssyncadd.s32 $0xFFFFFFB0  }
0x1da: {  	[spmem:s30] =	stream.indirect.scatter.add.f32 [tilespmem:s4], [sflag:$0x9], $0x80, s10, s11, $0xb8;
	[tilespmem:$0x1E6E0] =	vst v63  }
0x1db: {  	_ = 	snop  }
0x1dc: {  	[spmem:s31] =	stream.indirect.scatter.add.f32 [tilespmem:s8], [sflag:$0x9], $0x10, s10, s11, $0xb8;
	[tilespmem:$0x1E6E0] =	vst v63  }
0x1dd: {  	_ = 	snop  }
0x1de: {  	[spmem:s0] =	stream.indirect.scatter.add.f32 [tilespmem:s20], [sflag:$0x9], $0x10, s10, s11, $0xb8;
	[tilespmem:$0x1E6E0] =	vst v63  }
0x1df: {  	_ =	swait.ge [sflag:s21], $0x2800  }
0x1e0: {  	[sflag:s21] =	ssyncset.done $0x0  }
0x1e1: {  	[sflag:s21] =	ssyncadd.s32 $0xFFFFD800  }
0x1e2: {  	_ =	swait.ge [sflag:s22], $0x500  }
0x1e3: {  	[sflag:s22] =	ssyncset.done $0x0  }
0x1e4: {  	[sflag:s22] =	ssyncadd.s32 $0xFFFFFB00  }
0x1e5: {  	_ =	swait.ge [sflag:s23], $0x50  }
0x1e6: {  	[sflag:s23] =	ssyncset.done $0x0  }
0x1e7: {  	[sflag:s23] =	ssyncadd.s32 $0xFFFFFFB0  }
0x1e8: {  	[spmem:s30] =	stream.indirect.scatter.add.f32 [tilespmem:s15], [sflag:$0xA], $0x80, s12, s11, $0xb8;
	[tilespmem:$0x1E6E0] =	vst v63  }
0x1e9: {  	_ = 	snop  }
0x1ea: {  	[spmem:s31] =	stream.indirect.scatter.add.f32 [tilespmem:s16], [sflag:$0xA], $0x10, s12, s11, $0xb8;
	[tilespmem:$0x1E6E0] =	vst v63  }
0x1eb: {  	_ = 	snop  }
0x1ec: {  	[spmem:s0] =	stream.indirect.scatter.add.f32 [tilespmem:s20], [sflag:$0xA], $0x10, s12, s11, $0xb8;
	[tilespmem:$0x1E6E0] =	vst v63  }
0x1ed: {  	_ =	swait.ge [sflag:s24], $0x2800  }
0x1ee: {  	[sflag:s24] =	ssyncset.done $0x0  }
0x1ef: {  	[sflag:s24] =	ssyncadd.s32 $0xFFFFD800  }
0x1f0: {  	_ =	swait.ge [sflag:s24], $0x500  }
0x1f1: {  	[sflag:s24] =	ssyncset.done $0x0  }
0x1f2: {  	[sflag:s24] =	ssyncadd.s32 $0xFFFFFB00  }
0x1f3: {  	_ =	swait.ge [sflag:s24], $0x500  }
0x1f4: {  	[sflag:s24] =	ssyncset.done $0x0  }
0x1f5: {  	[sflag:s24] =	ssyncadd.s32 $0xFFFFFB00  }
0x1f6: {  	_ =	swait.ge [sflag:s25], $0x2800  }
0x1f7: {  	[sflag:s25] =	ssyncset.done $0x0  }
0x1f8: {  	[sflag:s25] =	ssyncadd.s32 $0xFFFFD800  }
0x1f9: {  	_ =	swait.ge [sflag:s25], $0x500  }
0x1fa: {  	[sflag:s25] =	ssyncset.done $0x0  }
0x1fb: {  	[sflag:s25] =	ssyncadd.s32 $0xFFFFFB00  }
0x1fc: {  	_ =	swait.ge [sflag:s25], $0x500  }
0x1fd: {  	s7 =	sld [smem:$0x7DE]  }
0x1fe: {  	[sflag:s25] =	ssyncset.done $0x0  }
0x1ff: {  	s26 =	sld [smem:$0x7F6];
	[sflag:s25] =	ssyncadd.s32 $0xFFFFFB00  }
0x200: {  	[tilespmem:s9], [sflag:$0x1] =	stream.linear.gather [hbm4b:s7+s9], $0x50, $0x38;
	[tilespmem:$0x1E6E0] =	vst v63  }
0x201: {  	_ = 	snop  }
0x202: {  	[tilespmem:s10], [sflag:$0x3] =	stream.linear.gather [hbm4b:s26+s9], $0x50, $0x38;
	[tilespmem:$0x1E6E0] =	vst v63  }
0x203: {  	_ =	swait.ge [sflag:s13], $0x50  }
0x204: {  	[sflag:s13] =	ssyncset.done $0x0  }
0x205: {  	s2 =	sld [smem:$0x7DF];
	[sflag:s13] =	ssyncadd.s32 $0xFFFFFFB0  }
0x206: {  	[tilespmem:s4], [sflag:$0x5] =	stream.indirect.gather [hbm4b:s29+s11], $0x80, s9, s11, $0xb8;
	[tilespmem:$0x1E6E0] =	vst v63  }
0x207: {  	_ = 	snop  }
0x208: {  	[tilespmem:s8], [sflag:$0x7] =	stream.linear.gather [hbm4b:s2+s9], $0x500, $0x38;
	[tilespmem:$0x1E6E0] =	vst v63  }
0x209: {  	_ =	swait.ge [sflag:s17], $0x2800  }
0x20a: {  	[sflag:s17] =	ssyncset.done $0x0  }
0x20b: {  	[sflag:s17] =	ssyncadd.s32 $0xFFFFD800  }
0x20c: {  	_ =	swait.ge [sflag:s18], $0x500  }
0x20d: {  	[sflag:s18] =	ssyncset.done $0x0  }
0x20e: {  	[sflag:s18] =	ssyncadd.s32 $0xFFFFFB00  }
0x20f: {  	_ =	swait.ge [sflag:s19], $0x50  }
0x210: {  	[sflag:s19] =	ssyncset.done $0x0  }
0x211: {  	[sflag:s19] =	ssyncadd.s32 $0xFFFFFFB0  }
0x212: {  	[spmem:s30] =	stream.indirect.scatter.add.f32 [tilespmem:s4], [sflag:$0x9], $0x80, s10, s11, $0xb8;
	[tilespmem:$0x1E6E0] =	vst v63  }
0x213: {  	_ = 	snop  }
0x214: {  	[spmem:s31] =	stream.indirect.scatter.add.f32 [tilespmem:s8], [sflag:$0x9], $0x10, s10, s11, $0xb8;
	[tilespmem:$0x1E6E0] =	vst v63  }
0x215: {  	_ = 	snop  }
0x216: {  	[spmem:s0] =	stream.indirect.scatter.add.f32 [tilespmem:s20], [sflag:$0x9], $0x10, s10, s11, $0xb8;
	[tilespmem:$0x1E6E0] =	vst v63  }
0x217: {  	_ =	swait.ge [sflag:s24], $0x2800  }
0x218: {  	[sflag:s24] =	ssyncset.done $0x0  }
0x219: {  	[sflag:s24] =	ssyncadd.s32 $0xFFFFD800  }
0x21a: {  	_ =	swait.ge [sflag:s24], $0x500  }
0x21b: {  	[sflag:s24] =	ssyncset.done $0x0  }
0x21c: {  	[sflag:s24] =	ssyncadd.s32 $0xFFFFFB00  }
0x21d: {  	_ =	swait.ge [sflag:s24], $0x500  }
0x21e: {  	[sflag:s24] =	ssyncset.done $0x0  }
0x21f: {  	[sflag:s24] =	ssyncadd.s32 $0xFFFFFB00  }
0x220: {  	[bflag:$0x0] =	sbarrier.arrive $0xFFFF  }
0x221: {  	s7 =	sld [smem:$0x7FA];
	_ =	sdelay $0x1  }
0x222: {  	s2 =	simm.s32 $0xB  }
0x223: {  	[tilespmem:s4], [sflag:$0xB] =	stream.linear.gather [spmem:s7], $0x2800, $0x38;
	[tilespmem:$0x1E6E0] =	vst v63  }
0x224: {  	_ =	swait.ge [sflag:s2], $0x2800  }
0x225: {  	[sflag:s2] =	ssyncset.done $0x0  }
0x226: {  	s3 =	rddreg [dreg:$0xb];
	[sflag:s2] =	ssyncadd.s32 $0xFFFFD800  }
0x227: {  	[hbm4b:s3+s9] =	stream.linear.scatter [tilespmem:s4], [sflag:$0xB], $0x2800, $0x38;
	[tilespmem:$0x1E6E0] =	vst v63  }
0x228: {  	_ =	swait.ge [sflag:s2], $0x2800  }
0x229: {  	s26 =	sld [smem:$0x7FB]  }
0x22a: {  	[sflag:s2] =	ssyncset.done $0x0  }
0x22b: {  	[sflag:s2] =	ssyncadd.s32 $0xFFFFD800  }
0x22c: {  	[tilespmem:s8], [sflag:$0xB] =	stream.linear.gather [spmem:s26], $0x500, $0x38;
	[tilespmem:$0x1E6E0] =	vst v63  }
0x22d: {  	_ =	swait.ge [sflag:s2], $0x500  }
0x22e: {  	[sflag:s2] =	ssyncset.done $0x0  }
0x22f: {  	s5 =	rddreg [dreg:$0x14];
	[sflag:s2] =	ssyncadd.s32 $0xFFFFFB00  }
0x230: {  	[hbm4b:s5+s9] =	stream.linear.scatter [tilespmem:s8], [sflag:$0xB], $0x500, $0x38;
	[tilespmem:$0x1E6E0] =	vst v63  }
0x231: {  	_ =	swait.ge [sflag:s2], $0x500  }
0x232: {  	s28 =	sld [smem:$0x7FC]  }
0x233: {  	[sflag:s2] =	ssyncset.done $0x0  }
0x234: {  	[sflag:s2] =	ssyncadd.s32 $0xFFFFFB00  }
0x235: {  	[tilespmem:s20], [sflag:$0xB] =	stream.linear.gather [spmem:s28], $0x500, $0x38;
	[tilespmem:$0x1E6E0] =	vst v63  }
0x236: {  	_ =	swait.ge [sflag:s2], $0x500  }
0x237: {  	[sflag:s2] =	ssyncset.done $0x0  }
0x238: {  	s6 =	rddreg [dreg:$0x15];
	[sflag:s2] =	ssyncadd.s32 $0xFFFFFB00  }
0x239: {  	[hbm4b:s6+s9] =	stream.linear.scatter [tilespmem:s20], [sflag:$0xB], $0x500, $0x38;
	[tilespmem:$0x1E6E0] =	vst v63  }
0x23a: {  	_ =	swait.ge [sflag:s2], $0x500  }
0x23b: {  	s3 =	sld [smem:$0x7E1]  }
0x23c: {  	[sflag:s2] =	ssyncset.done $0x0  }
0x23d: {  	[sflag:s2] =	ssyncadd.s32 $0xFFFFFB00  }
0x23e: {  	[tilespmem:s4], [sflag:$0xB] =	stream.linear.gather [spmem:s3], $0x2800, $0x38;
	[tilespmem:$0x1E6E0] =	vst v63  }
0x23f: {  	_ =	swait.ge [sflag:s2], $0x2800  }
0x240: {  	[sflag:s2] =	ssyncset.done $0x0  }
0x241: {  	s5 =	rddreg [dreg:$0xc];
	[sflag:s2] =	ssyncadd.s32 $0xFFFFD800  }
0x242: {  	[hbm4b:s5+s9] =	stream.linear.scatter [tilespmem:s4], [sflag:$0xB], $0x2800, $0x38;
	[tilespmem:$0x1E6E0] =	vst v63  }
0x243: {  	_ =	swait.ge [sflag:s2], $0x2800  }
0x244: {  	s6 =	sld [smem:$0x7E2]  }
0x245: {  	[sflag:s2] =	ssyncset.done $0x0  }
0x246: {  	[sflag:s2] =	ssyncadd.s32 $0xFFFFD800  }
0x247: {  	[tilespmem:s8], [sflag:$0xB] =	stream.linear.gather [spmem:s6], $0x500, $0x38;
	[tilespmem:$0x1E6E0] =	vst v63  }
0x248: {  	_ =	swait.ge [sflag:s2], $0x500  }
0x249: {  	[sflag:s2] =	ssyncset.done $0x0  }
0x24a: {  	s3 =	rddreg [dreg:$0x16];
	[sflag:s2] =	ssyncadd.s32 $0xFFFFFB00  }
0x24b: {  	[hbm4b:s3+s9] =	stream.linear.scatter [tilespmem:s8], [sflag:$0xB], $0x500, $0x38;
	[tilespmem:$0x1E6E0] =	vst v63  }
0x24c: {  	_ =	swait.ge [sflag:s2], $0x500  }
0x24d: {  	s5 =	sld [smem:$0x7E3]  }
0x24e: {  	[sflag:s2] =	ssyncset.done $0x0  }
0x24f: {  	[sflag:s2] =	ssyncadd.s32 $0xFFFFFB00  }
0x250: {  	[tilespmem:s20], [sflag:$0xB] =	stream.linear.gather [spmem:s5], $0x500, $0x38;
	[tilespmem:$0x1E6E0] =	vst v63  }
0x251: {  	_ =	swait.ge [sflag:s2], $0x500  }
0x252: {  	[sflag:s2] =	ssyncset.done $0x0  }
0x253: {  	s6 =	rddreg [dreg:$0x17];
	[sflag:s2] =	ssyncadd.s32 $0xFFFFFB00  }
0x254: {  	[hbm4b:s6+s9] =	stream.linear.scatter [tilespmem:s20], [sflag:$0xB], $0x500, $0x38;
	[tilespmem:$0x1E6E0] =	vst v63  }
0x255: {  	_ =	swait.ge [sflag:s2], $0x500  }
0x256: {  	s3 =	sld [smem:$0x7E4]  }
0x257: {  	[sflag:s2] =	ssyncset.done $0x0  }
0x258: {  	[sflag:s2] =	ssyncadd.s32 $0xFFFFFB00  }
0x259: {  	[tilespmem:s4], [sflag:$0xB] =	stream.linear.gather [spmem:s3], $0x2800, $0x38;
	[tilespmem:$0x1E6E0] =	vst v63  }
0x25a: {  	_ =	swait.ge [sflag:s2], $0x2800  }
0x25b: {  	[sflag:s2] =	ssyncset.done $0x0  }
0x25c: {  	s5 =	rddreg [dreg:$0xd];
	[sflag:s2] =	ssyncadd.s32 $0xFFFFD800  }
0x25d: {  	[hbm4b:s5+s9] =	stream.linear.scatter [tilespmem:s4], [sflag:$0xB], $0x2800, $0x38;
	[tilespmem:$0x1E6E0] =	vst v63  }
0x25e: {  	_ =	swait.ge [sflag:s2], $0x2800  }
0x25f: {  	s6 =	sld [smem:$0x7E5]  }
0x260: {  	[sflag:s2] =	ssyncset.done $0x0  }
0x261: {  	[sflag:s2] =	ssyncadd.s32 $0xFFFFD800  }
0x262: {  	[tilespmem:s8], [sflag:$0xB] =	stream.linear.gather [spmem:s6], $0x500, $0x38;
	[tilespmem:$0x1E6E0] =	vst v63  }
0x263: {  	_ =	swait.ge [sflag:s2], $0x500  }
0x264: {  	[sflag:s2] =	ssyncset.done $0x0  }
0x265: {  	s3 =	rddreg [dreg:$0x18];
	[sflag:s2] =	ssyncadd.s32 $0xFFFFFB00  }
0x266: {  	[hbm4b:s3+s9] =	stream.linear.scatter [tilespmem:s8], [sflag:$0xB], $0x500, $0x38;
	[tilespmem:$0x1E6E0] =	vst v63  }
0x267: {  	_ =	swait.ge [sflag:s2], $0x500  }
0x268: {  	s5 =	sld [smem:$0x7E6]  }
0x269: {  	[sflag:s2] =	ssyncset.done $0x0  }
0x26a: {  	[sflag:s2] =	ssyncadd.s32 $0xFFFFFB00  }
0x26b: {  	[tilespmem:s20], [sflag:$0xB] =	stream.linear.gather [spmem:s5], $0x500, $0x38;
	[tilespmem:$0x1E6E0] =	vst v63  }
0x26c: {  	_ =	swait.ge [sflag:s2], $0x500  }
0x26d: {  	[sflag:s2] =	ssyncset.done $0x0  }
0x26e: {  	s6 =	rddreg [dreg:$0x19];
	[sflag:s2] =	ssyncadd.s32 $0xFFFFFB00  }
0x26f: {  	[hbm4b:s6+s9] =	stream.linear.scatter [tilespmem:s20], [sflag:$0xB], $0x500, $0x38;
	[tilespmem:$0x1E6E0] =	vst v63  }
0x270: {  	_ =	swait.ge [sflag:s2], $0x500  }
0x271: {  	s3 =	sld [smem:$0x7E7]  }
0x272: {  	[sflag:s2] =	ssyncset.done $0x0  }
0x273: {  	[sflag:s2] =	ssyncadd.s32 $0xFFFFFB00  }
0x274: {  	[tilespmem:s4], [sflag:$0xB] =	stream.linear.gather [spmem:s3], $0x2800, $0x38;
	[tilespmem:$0x1E6E0] =	vst v63  }
0x275: {  	_ =	swait.ge [sflag:s2], $0x2800  }
0x276: {  	[sflag:s2] =	ssyncset.done $0x0  }
0x277: {  	s5 =	rddreg [dreg:$0xe];
	[sflag:s2] =	ssyncadd.s32 $0xFFFFD800  }
0x278: {  	[hbm4b:s5+s9] =	stream.linear.scatter [tilespmem:s4], [sflag:$0xB], $0x2800, $0x38;
	[tilespmem:$0x1E6E0] =	vst v63  }
0x279: {  	_ =	swait.ge [sflag:s2], $0x2800  }
0x27a: {  	s6 =	sld [smem:$0x7E8]  }
0x27b: {  	[sflag:s2] =	ssyncset.done $0x0  }
0x27c: {  	[sflag:s2] =	ssyncadd.s32 $0xFFFFD800  }
0x27d: {  	[tilespmem:s8], [sflag:$0xB] =	stream.linear.gather [spmem:s6], $0x500, $0x38;
	[tilespmem:$0x1E6E0] =	vst v63  }
0x27e: {  	_ =	swait.ge [sflag:s2], $0x500  }
0x27f: {  	[sflag:s2] =	ssyncset.done $0x0  }
0x280: {  	s3 =	rddreg [dreg:$0x1a];
	[sflag:s2] =	ssyncadd.s32 $0xFFFFFB00  }
0x281: {  	[hbm4b:s3+s9] =	stream.linear.scatter [tilespmem:s8], [sflag:$0xB], $0x500, $0x38;
	[tilespmem:$0x1E6E0] =	vst v63  }
0x282: {  	_ =	swait.ge [sflag:s2], $0x500  }
0x283: {  	s5 =	sld [smem:$0x7E9]  }
0x284: {  	[sflag:s2] =	ssyncset.done $0x0  }
0x285: {  	[sflag:s2] =	ssyncadd.s32 $0xFFFFFB00  }
0x286: {  	[tilespmem:s20], [sflag:$0xB] =	stream.linear.gather [spmem:s5], $0x500, $0x38;
	[tilespmem:$0x1E6E0] =	vst v63  }
0x287: {  	_ =	swait.ge [sflag:s2], $0x500  }
0x288: {  	[sflag:s2] =	ssyncset.done $0x0  }
0x289: {  	s6 =	rddreg [dreg:$0x1b];
	[sflag:s2] =	ssyncadd.s32 $0xFFFFFB00  }
0x28a: {  	[hbm4b:s6+s9] =	stream.linear.scatter [tilespmem:s20], [sflag:$0xB], $0x500, $0x38;
	[tilespmem:$0x1E6E0] =	vst v63  }
0x28b: {  	_ =	swait.ge [sflag:s2], $0x500  }
0x28c: {  	s3 =	sld [smem:$0x7EA]  }
0x28d: {  	[sflag:s2] =	ssyncset.done $0x0  }
0x28e: {  	[sflag:s2] =	ssyncadd.s32 $0xFFFFFB00  }
0x28f: {  	[tilespmem:s4], [sflag:$0xB] =	stream.linear.gather [spmem:s3], $0x2800, $0x38;
	[tilespmem:$0x1E6E0] =	vst v63  }
0x290: {  	_ =	swait.ge [sflag:s2], $0x2800  }
0x291: {  	[sflag:s2] =	ssyncset.done $0x0  }
0x292: {  	s5 =	rddreg [dreg:$0xf];
	[sflag:s2] =	ssyncadd.s32 $0xFFFFD800  }
0x293: {  	[hbm4b:s5+s9] =	stream.linear.scatter [tilespmem:s4], [sflag:$0xB], $0x2800, $0x38;
	[tilespmem:$0x1E6E0] =	vst v63  }
0x294: {  	_ =	swait.ge [sflag:s2], $0x2800  }
0x295: {  	s6 =	sld [smem:$0x7EB]  }
0x296: {  	[sflag:s2] =	ssyncset.done $0x0  }
0x297: {  	[sflag:s2] =	ssyncadd.s32 $0xFFFFD800  }
0x298: {  	[tilespmem:s8], [sflag:$0xB] =	stream.linear.gather [spmem:s6], $0x500, $0x38;
	[tilespmem:$0x1E6E0] =	vst v63  }
0x299: {  	_ =	swait.ge [sflag:s2], $0x500  }
0x29a: {  	[sflag:s2] =	ssyncset.done $0x0  }
0x29b: {  	s3 =	rddreg [dreg:$0x1c];
	[sflag:s2] =	ssyncadd.s32 $0xFFFFFB00  }
0x29c: {  	[hbm4b:s3+s9] =	stream.linear.scatter [tilespmem:s8], [sflag:$0xB], $0x500, $0x38;
	[tilespmem:$0x1E6E0] =	vst v63  }
0x29d: {  	_ =	swait.ge [sflag:s2], $0x500  }
0x29e: {  	s5 =	sld [smem:$0x7EC]  }
0x29f: {  	[sflag:s2] =	ssyncset.done $0x0  }
0x2a0: {  	[sflag:s2] =	ssyncadd.s32 $0xFFFFFB00  }
0x2a1: {  	[tilespmem:s20], [sflag:$0xB] =	stream.linear.gather [spmem:s5], $0x500, $0x38;
	[tilespmem:$0x1E6E0] =	vst v63  }
0x2a2: {  	_ =	swait.ge [sflag:s2], $0x500  }
0x2a3: {  	[sflag:s2] =	ssyncset.done $0x0  }
0x2a4: {  	s6 =	rddreg [dreg:$0x1d];
	[sflag:s2] =	ssyncadd.s32 $0xFFFFFB00  }
0x2a5: {  	[hbm4b:s6+s9] =	stream.linear.scatter [tilespmem:s20], [sflag:$0xB], $0x500, $0x38;
	[tilespmem:$0x1E6E0] =	vst v63  }
0x2a6: {  	_ =	swait.ge [sflag:s2], $0x500  }
0x2a7: {  	s3 =	sld [smem:$0x7ED]  }
0x2a8: {  	[sflag:s2] =	ssyncset.done $0x0  }
0x2a9: {  	[sflag:s2] =	ssyncadd.s32 $0xFFFFFB00  }
0x2aa: {  	[tilespmem:s4], [sflag:$0xB] =	stream.linear.gather [spmem:s3], $0x2800, $0x38;
	[tilespmem:$0x1E6E0] =	vst v63  }
0x2ab: {  	_ =	swait.ge [sflag:s2], $0x2800  }
0x2ac: {  	[sflag:s2] =	ssyncset.done $0x0  }
0x2ad: {  	s5 =	rddreg [dreg:$0x10];
	[sflag:s2] =	ssyncadd.s32 $0xFFFFD800  }
0x2ae: {  	[hbm4b:s5+s9] =	stream.linear.scatter [tilespmem:s4], [sflag:$0xB], $0x2800, $0x38;
	[tilespmem:$0x1E6E0] =	vst v63  }
0x2af: {  	_ =	swait.ge [sflag:s2], $0x2800  }
0x2b0: {  	s6 =	sld [smem:$0x7EE]  }
0x2b1: {  	[sflag:s2] =	ssyncset.done $0x0  }
0x2b2: {  	[sflag:s2] =	ssyncadd.s32 $0xFFFFD800  }
0x2b3: {  	[tilespmem:s8], [sflag:$0xB] =	stream.linear.gather [spmem:s6], $0x500, $0x38;
	[tilespmem:$0x1E6E0] =	vst v63  }
0x2b4: {  	_ =	swait.ge [sflag:s2], $0x500  }
0x2b5: {  	[sflag:s2] =	ssyncset.done $0x0  }
0x2b6: {  	s3 =	rddreg [dreg:$0x1e];
	[sflag:s2] =	ssyncadd.s32 $0xFFFFFB00  }
0x2b7: {  	[hbm4b:s3+s9] =	stream.linear.scatter [tilespmem:s8], [sflag:$0xB], $0x500, $0x38;
	[tilespmem:$0x1E6E0] =	vst v63  }
0x2b8: {  	_ =	swait.ge [sflag:s2], $0x500  }
0x2b9: {  	s5 =	sld [smem:$0x7EF]  }
0x2ba: {  	[sflag:s2] =	ssyncset.done $0x0  }
0x2bb: {  	[sflag:s2] =	ssyncadd.s32 $0xFFFFFB00  }
0x2bc: {  	[tilespmem:s20], [sflag:$0xB] =	stream.linear.gather [spmem:s5], $0x500, $0x38;
	[tilespmem:$0x1E6E0] =	vst v63  }
0x2bd: {  	_ =	swait.ge [sflag:s2], $0x500  }
0x2be: {  	[sflag:s2] =	ssyncset.done $0x0  }
0x2bf: {  	s6 =	rddreg [dreg:$0x1f];
	[sflag:s2] =	ssyncadd.s32 $0xFFFFFB00  }
0x2c0: {  	[hbm4b:s6+s9] =	stream.linear.scatter [tilespmem:s20], [sflag:$0xB], $0x500, $0x38;
	[tilespmem:$0x1E6E0] =	vst v63  }
0x2c1: {  	_ =	swait.ge [sflag:s2], $0x500  }
0x2c2: {  	s3 =	sld [smem:$0x7F0]  }
0x2c3: {  	[sflag:s2] =	ssyncset.done $0x0  }
0x2c4: {  	[sflag:s2] =	ssyncadd.s32 $0xFFFFFB00  }
0x2c5: {  	[tilespmem:s4], [sflag:$0xB] =	stream.linear.gather [spmem:s3], $0x2800, $0x38;
	[tilespmem:$0x1E6E0] =	vst v63  }
0x2c6: {  	_ =	swait.ge [sflag:s2], $0x2800  }
0x2c7: {  	[sflag:s2] =	ssyncset.done $0x0  }
0x2c8: {  	s5 =	rddreg [dreg:$0x11];
	[sflag:s2] =	ssyncadd.s32 $0xFFFFD800  }
0x2c9: {  	[hbm4b:s5+s9] =	stream.linear.scatter [tilespmem:s4], [sflag:$0xB], $0x2800, $0x38;
	[tilespmem:$0x1E6E0] =	vst v63  }
0x2ca: {  	_ =	swait.ge [sflag:s2], $0x2800  }
0x2cb: {  	s6 =	sld [smem:$0x7F1]  }
0x2cc: {  	[sflag:s2] =	ssyncset.done $0x0  }
0x2cd: {  	[sflag:s2] =	ssyncadd.s32 $0xFFFFD800  }
0x2ce: {  	[tilespmem:s8], [sflag:$0xB] =	stream.linear.gather [spmem:s6], $0x500, $0x38;
	[tilespmem:$0x1E6E0] =	vst v63  }
0x2cf: {  	_ =	swait.ge [sflag:s2], $0x500  }
0x2d0: {  	s3 =	sld [smem:$0x7D7]  }
0x2d1: {  	[sflag:s2] =	ssyncset.done $0x0  }
0x2d2: {  	[sflag:s2] =	ssyncadd.s32 $0xFFFFFB00  }
0x2d3: {  	[hbm4b:s3+s9] =	stream.linear.scatter [tilespmem:s8], [sflag:$0xB], $0x500, $0x38;
	[tilespmem:$0x1E6E0] =	vst v63  }
0x2d4: {  	_ =	swait.ge [sflag:s2], $0x500  }
0x2d5: {  	s5 =	sld [smem:$0x7F2]  }
0x2d6: {  	[sflag:s2] =	ssyncset.done $0x0  }
0x2d7: {  	[sflag:s2] =	ssyncadd.s32 $0xFFFFFB00  }
0x2d8: {  	[tilespmem:s20], [sflag:$0xB] =	stream.linear.gather [spmem:s5], $0x500, $0x38;
	[tilespmem:$0x1E6E0] =	vst v63  }
0x2d9: {  	_ =	swait.ge [sflag:s2], $0x500  }
0x2da: {  	s6 =	sld [smem:$0x7D8]  }
0x2db: {  	[sflag:s2] =	ssyncset.done $0x0  }
0x2dc: {  	[sflag:s2] =	ssyncadd.s32 $0xFFFFFB00  }
0x2dd: {  	[hbm4b:s6+s9] =	stream.linear.scatter [tilespmem:s20], [sflag:$0xB], $0x500, $0x38;
	[tilespmem:$0x1E6E0] =	vst v63  }
0x2de: {  	_ =	swait.ge [sflag:s2], $0x500  }
0x2df: {  	s3 =	sld [smem:$0x7F3]  }
0x2e0: {  	[sflag:s2] =	ssyncset.done $0x0  }
0x2e1: {  	[sflag:s2] =	ssyncadd.s32 $0xFFFFFB00  }
0x2e2: {  	[tilespmem:s4], [sflag:$0xB] =	stream.linear.gather [spmem:s3], $0x2000, $0x38;
	[tilespmem:$0x1E6E0] =	vst v63  }
0x2e3: {  	_ =	swait.ge [sflag:s2], $0x2000  }
0x2e4: {  	[sflag:s2] =	ssyncset.done $0x0  }
0x2e5: {  	s5 =	rddreg [dreg:$0x12];
	[sflag:s2] =	ssyncadd.s32 $0xFFFFE000  }
0x2e6: {  	[hbm4b:s5+s9] =	stream.linear.scatter [tilespmem:s4], [sflag:$0xB], $0x2000, $0x38;
	[tilespmem:$0x1E6E0] =	vst v63  }
0x2e7: {  	_ =	swait.ge [sflag:s2], $0x2000  }
0x2e8: {  	s6 =	sld [smem:$0x7F4]  }
0x2e9: {  	[sflag:s2] =	ssyncset.done $0x0  }
0x2ea: {  	[sflag:s2] =	ssyncadd.s32 $0xFFFFE000  }
0x2eb: {  	[tilespmem:s8], [sflag:$0xB] =	stream.linear.gather [spmem:s6], $0x400, $0x38;
	[tilespmem:$0x1E6E0] =	vst v63  }
0x2ec: {  	_ =	swait.ge [sflag:s2], $0x400  }
0x2ed: {  	s3 =	sld [smem:$0x7D9]  }
0x2ee: {  	[sflag:s2] =	ssyncset.done $0x0  }
0x2ef: {  	[sflag:s2] =	ssyncadd.s32 $0xFFFFFC00  }
0x2f0: {  	[hbm4b:s3+s9] =	stream.linear.scatter [tilespmem:s8], [sflag:$0xB], $0x400, $0x38;
	[tilespmem:$0x1E6E0] =	vst v63  }
0x2f1: {  	_ =	swait.ge [sflag:s2], $0x400  }
0x2f2: {  	s5 =	sld [smem:$0x7F5]  }
0x2f3: {  	[sflag:s2] =	ssyncset.done $0x0  }
0x2f4: {  	[sflag:s2] =	ssyncadd.s32 $0xFFFFFC00  }
0x2f5: {  	[tilespmem:s20], [sflag:$0xB] =	stream.linear.gather [spmem:s5], $0x400, $0x38;
	[tilespmem:$0x1E6E0] =	vst v63  }
0x2f6: {  	_ =	swait.ge [sflag:s2], $0x400  }
0x2f7: {  	s6 =	sld [smem:$0x7DA]  }
0x2f8: {  	[sflag:s2] =	ssyncset.done $0x0  }
0x2f9: {  	[sflag:s2] =	ssyncadd.s32 $0xFFFFFC00  }
0x2fa: {  	[hbm4b:s6+s9] =	stream.linear.scatter [tilespmem:s20], [sflag:$0xB], $0x400, $0x38;
	[tilespmem:$0x1E6E0] =	vst v63  }
0x2fb: {  	_ =	swait.ge [sflag:s2], $0x400  }
0x2fc: {  	s6 =	sld [smem:$0x7FD]  }
0x2fd: {  	[sflag:s2] =	ssyncset.done $0x0  }
0x2fe: {  	s1 =	simm.s32 @!p0 $0x140;
	[sflag:s2] =	ssyncadd.s32 $0xFFFFFC00;
	s2 =	simm.s32 @!p0 $0xB  }
0x2ff: {  	[tilespmem:s1], [sflag:$0xB] =	stream.linear.gather @!p0 [spmem:s6], $0x800, $0x38;
	[tilespmem:$0x1E6E0] =	vst v63  }
0x300: {  	_ =	swait.ge @!p0 [sflag:s2], $0x800  }
0x301: {  	[sflag:s2] =	ssyncset.done @!p0 $0x0  }
0x302: {  	s3 =	simm.s32 @!p0 $0x0;
	s5 =	rddreg [dreg:$0x13];
	[sflag:s2] =	ssyncadd.s32 @!p0 $0xFFFFF800  }
0x303: {  	[hbm4b:s5+s3] =	stream.linear.scatter @!p0 [tilespmem:s1], [sflag:$0xB], $0x800, $0x38;
	[tilespmem:$0x1E6E0] =	vst v63  }
0x304: {  	_ =	swait.ge @!p0 [sflag:s2], $0x800  }
0x305: {  	s5 =	sld [smem:$0x7F8]  }
0x306: {  	[sflag:s2] =	ssyncset.done @!p0 $0x0  }
0x307: {  	s1 =	simm.s32 @!p0 $0x5140;
	[sflag:s2] =	ssyncadd.s32 @!p0 $0xFFFFF800  }
0x308: {  	[tilespmem:s1], [sflag:$0xB] =	stream.linear.gather @!p0 [spmem:s5], $0x100, $0x38;
	[tilespmem:$0x1E6E0] =	vst v63  }
0x309: {  	_ =	swait.ge @!p0 [sflag:s2], $0x100  }
0x30a: {  	s5 =	sld [smem:$0x7DB]  }
0x30b: {  	[sflag:s2] =	ssyncset.done @!p0 $0x0  }
0x30c: {  	[sflag:s2] =	ssyncadd.s32 @!p0 $0xFFFFFF00  }
0x30d: {  	[hbm4b:s5+s3] =	stream.linear.scatter @!p0 [tilespmem:s1], [sflag:$0xB], $0x100, $0x38;
	[tilespmem:$0x1E6E0] =	vst v63  }
0x30e: {  	_ =	swait.ge @!p0 [sflag:s2], $0x100  }
0x30f: {  	s5 =	sld [smem:$0x7F9]  }
0x310: {  	[sflag:s2] =	ssyncset.done @!p0 $0x0  }
0x311: {  	s1 =	simm.s32 @!p0 $0x5B40;
	[sflag:s2] =	ssyncadd.s32 @!p0 $0xFFFFFF00  }
0x312: {  	[tilespmem:s1], [sflag:$0xB] =	stream.linear.gather @!p0 [spmem:s5], $0x100, $0x38;
	[tilespmem:$0x1E6E0] =	vst v63  }
0x313: {  	_ =	swait.ge @!p0 [sflag:s2], $0x100  }
0x314: {  	s5 =	sld [smem:$0x7DC]  }
0x315: {  	[sflag:s2] =	ssyncset.done @!p0 $0x0  }
0x316: {  	[sflag:s2] =	ssyncadd.s32 @!p0 $0xFFFFFF00  }
0x317: {  	[hbm4b:s5+s3] =	stream.linear.scatter @!p0 [tilespmem:s1], [sflag:$0xB], $0x100, $0x38;
	[tilespmem:$0x1E6E0] =	vst v63  }
0x318: {  	_ =	swait.ge @!p0 [sflag:s2], $0x100  }
0x319: {  	s1 =	sld [smem:$0x7D6]  }
0x31a: {  	s5 =	sld [smem:$0x7F7];
	_ =	sdelay $0x1  }
0x31b: {  	s3 =	sadd.s32 $0x1, s1  }
0x31c: {  	p1 =	sne.s32 s3, s5  }
.Ltmp2:
0x31d: {  	_ = 	snop;
	(pc) =	sbr.rel @p1 .LBB2_1-.Ltmp2, $3  }
0x31e: {  	_ =	sdelay $0x1  }
0x31f: {  	[sflag:s2] =	ssyncset.done @!p0 $0x0  }
0x320: {  	[sflag:s2] =	ssyncadd.s32 @!p0 $0xFFFFFF00  }
0x321: {  	_ =	sfence.sel $0x180000  }
0x322: {  	[bflag:$0x0] =	sbarrier.arrive $0xFFFF  }
0x323: {  	_ =	strace $0x90000047  }
0x324: {  	[bflag:$0x2] =	sbarrier.arrive $0xFFFF  }
0x325: {  	s0 =	rddreg [dreg:$0x6]  }
0x326: {  	s0 =	sadd.s32 @!p0 $0x100000, s0  }
0x327: {  	[sflag:s0] =	ssyncadd.tile.s32 @!p0 $0x1;
	_ =	shalt  }
.Lfunc_end2:
_tile_overlayer_lowered:
.L_overlay_start_2:
0x328: {  	(tag) =	ssettag $0x2  }
0x329: {  	s0 =	rddreg [dreg:$0x0];
	s2 =	stileid.u32  }
0x32a: {  	s1 =	rddreg [dreg:$0x1];
	p0 =	sne.s32 s2, $0x0  }
0x32b: {  	s3 =	rddreg [dreg:$0x2];
	[bflag:$0x3] =	sbarrier.arrive $0xFFFF;
	s2 =	simm.s32 @!p0 $0x1C0B  }
0x32c: {  	[timem:s3], [sflag:s2] =	dma.local @!p0 [hbm:s0], s1  }
0x32d: {  	s0 =	simm.s32 @!p0 $0xB  }
0x32e: {  	_ =	swait.ge @!p0 [sflag:s0], s1  }
0x32f: {  	s1 =	ssub.s32 @!p0 $0x0, s1;
	[sflag:s0] =	ssyncset.done @!p0 $0x0  }
0x330: {  	[sflag:s0] =	ssyncadd.s32 @!p0 s1  }
0x331: {  	[bflag:$0x3] =	sbarrier.arrive $0xFFFF  }
0x332: {  	_ =	shalt  }

// kernel: kernel.8.cloned.1.call-start
scs
__scs_entry_jumppad:
0x0: {  	(pc) =	sbr.rel $0x88, $3  }
0x1: {  	(tag) =	ssettag $0x0;
	lr =	simm.s32 $0x1  }
0x2: {  	[smem:$0x3F9A] =	sst lr;
	_ =	strace $0xD0000000  }
0x3: {  	_ = 	snop  }
0x4: {  	_ = 	snop  }
0x5: {  	_ = 	snop  }
0x6: {  	_ = 	snop  }
0x7: {  	_ = 	snop  }
__scs_overlays_trampoline_lowered:
0x8: {  	[smem:$0x3FA9] =	sst s0  }
0x9: {  	[smem:$0x3FAA] =	sst s1  }
0xa: {  	[smem:$0x3FAB] =	sst s2  }
0xb: {  	[smem:$0x3FAC] =	sst s3  }
0xc: {  	[smem:$0x3FAD] =	sst s4  }
0xd: {  	[smem:$0x3FAE] =	sst s5  }
0xe: {  	[smem:$0x3FAF] =	sst s6  }
0xf: {  	[smem:$0x3FB0] =	sst s7  }
0x10: {  	[smem:$0x3FB1] =	sst s8  }
0x11: {  	[smem:$0x3FB2] =	sst s9;
	s0 =	simm.s32 @!p0 $0x0  }
0x12: {  	s1 =	sld [smem:$0x3F98];
	s0 =	simm.s32 @p0 $0x1  }
0x13: {  	[smem:$0x3FB3] =	sst s0;
	s0 =	simm.s32 @!p1 $0x0  }
0x14: {  	s2 =	sld [smem:$0x3F97];
	s0 =	simm.s32 @p1 $0x1  }
0x15: {  	[smem:$0x3FB4] =	sst s0;
	s0 =	simm.s32 @!p2 $0x0  }
0x16: {  	s3 =	sld [smem:$0x3FDB];
	s0 =	simm.s32 @p2 $0x1  }
0x17: {  	s4 =	simm.s32 $0x1BF5;
	[smem:$0x3FB6] =	sst s0  }
0x18: {  	s0 =	sld [smem:$0x3F99];
	_ =	swait.ge [sflag:s4], $0x0  }
0x19: {  	s7 =	sld [smem:$0x3F9A]  }
0x1a: {  	s8 =	sadd.s32 $0xFFFFE003, lr  }
0x1b: {  	s9 =	sadd.s32 $0xFFFFFEF7, lr;
	s5 =	simm.s32 $0xFFFFFFFF;
	p2 =	slt.u32 s8, $0xFFFFF086  }
0x1c: {  	p1 =	slt.u32 s9, $0xF7A;
	s5 =	simm.s32 @!p2 $0x0  }
0x1d: {  	s5 =	simm.s32 @p1 $0x1;
	p0 =	seq.s32 s7, s2  }
0x1e: {  	s7 =	smul.u32 @!p0 $0xF7A, s2;
	p2 =	seq.s32 @!p0 s5, $0x0  }
0x1f: {  	s9 =	smul.u32 $0xF7A, s1;
	s8 =	simm.s32 @!p0 $0x1BF5;
	p2 =	por !p2, p0  }
0x20: {  	[sflag:s8] =	ssyncset.s32 @!p0 $0xFFFFF086;
	s6 =	sadd.s32 @!p0 s3, s7;
	s7 =	simm.s32 @!p0 $0x108  }
0x21: {  	s3 =	sadd.s32 s3, s9;
	s6 =	sadd.s32 @!p0 $0x88, s6;
	s7 =	simm.s32 @p2 $0x1082  }
0x22: {  	[simem:s7], [sflag:s8] =	dma.local @!p0 [hbm:s6], $0xF7A  }
0x23: {  	s9 =	sor.u32 $0xD0000000, s2;
	s6 =	simm.s32 $0x108;
	_ =	swait.ge @!p0 [sflag:s8], $0x0  }
0x24: {  	s3 =	sadd.s32 $0x88, s3;
	s6 =	simm.s32 @!p1 $0x1082;
	[sflag:s4] =	ssyncset.s32 $0xFFFFF086  }
0x25: {  	[simem:s6], [sflag:s4] =	dma.local [hbm:s3], $0xF7A  }
0x26: {  	[smem:$0x3F9A] =	sst s1;
	(tag) =	ssettag s2;
	_ =	strace s9  }
0x27: {  	s1 =	sld [smem:$0x3FAA]  }
0x28: {  	s2 =	sld [smem:$0x3FAB]  }
0x29: {  	s4 =	sld [smem:$0x3FAD]  }
0x2a: {  	p0 =	seq.s32 s5, $0x0;
	s5 =	sld [smem:$0x3FAE]  }
0x2b: {  	s6 =	sld [smem:$0x3FAF]  }
0x2c: {  	s7 =	sld [smem:$0x3FB0]  }
0x2d: {  	s3 =	simm.s32 $0x108;
	s8 =	sld [smem:$0x3FB1]  }
0x2e: {  	s3 =	simm.s32 @!p0 $0x1082;
	s9 =	sld [smem:$0x3FB2]  }
0x2f: {  	lr =	sadd.s32 s0, s3;
	s0 =	sld [smem:$0x3FA9]  }
0x30: {  	s3 =	sld [smem:$0x3FAC]  }
0x31: {  	[smem:$0x3FB5] =	sst s10  }
0x32: {  	s10 =	sld [smem:$0x3FB3];
	_ =	sdelay $0x3  }
0x33: {  	p0 =	seq.s32 s10, $0x1;
	s10 =	sld [smem:$0x3FB5];
	_ =	sdelay $0x3  }
0x34: {  	[smem:$0x3FB5] =	sst s10  }
0x35: {  	s10 =	sld [smem:$0x3FB4];
	_ =	sdelay $0x3  }
0x36: {  	p1 =	seq.s32 s10, $0x1;
	s10 =	sld [smem:$0x3FB5];
	_ =	sdelay $0x3  }
0x37: {  	[smem:$0x3FB5] =	sst s10  }
0x38: {  	s10 =	sld [smem:$0x3FB6]  }
0x39: {  	_ = 	snop;
	(pc) =	sbr.ind lr, $3  }
0x3a: {  	_ = 	snop  }
0x3b: {  	_ = 	snop  }
0x3c: {  	p2 =	seq.s32 s10, $0x1;
	s10 =	sld [smem:$0x3FB5]  }
0x3d: {  	_ =	shalt  }
0x3e: {  	_ =	shalt  }
0x3f: {  	_ =	shalt  }
0x40: {  	_ =	shalt  }
0x41: {  	_ =	shalt  }
0x42: {  	_ =	shalt  }
0x43: {  	_ =	shalt  }
0x44: {  	_ =	shalt  }
0x45: {  	_ =	shalt  }
0x46: {  	_ =	shalt  }
0x47: {  	_ =	shalt  }
0x48: {  	_ =	shalt  }
0x49: {  	_ =	shalt  }
0x4a: {  	_ =	shalt  }
0x4b: {  	_ =	shalt  }
0x4c: {  	_ =	shalt  }
0x4d: {  	_ =	shalt  }
0x4e: {  	_ =	shalt  }
0x4f: {  	_ =	shalt  }
0x50: {  	_ =	shalt  }
0x51: {  	_ =	shalt  }
0x52: {  	_ =	shalt  }
0x53: {  	_ =	shalt  }
0x54: {  	_ =	shalt  }
0x55: {  	_ =	shalt  }
0x56: {  	_ =	shalt  }
0x57: {  	_ =	shalt  }
0x58: {  	_ =	shalt  }
0x59: {  	_ =	shalt  }
0x5a: {  	_ =	shalt  }
0x5b: {  	_ =	shalt  }
0x5c: {  	_ =	shalt  }
0x5d: {  	_ =	shalt  }
0x5e: {  	_ =	shalt  }
0x5f: {  	_ =	shalt  }
0x60: {  	_ =	shalt  }
0x61: {  	_ =	shalt  }
0x62: {  	_ =	shalt  }
0x63: {  	_ =	shalt  }
0x64: {  	_ =	shalt  }
0x65: {  	_ =	shalt  }
0x66: {  	_ =	shalt  }
0x67: {  	_ =	shalt  }
0x68: {  	_ =	shalt  }
0x69: {  	_ =	shalt  }
0x6a: {  	_ =	shalt  }
0x6b: {  	_ =	shalt  }
0x6c: {  	_ =	shalt  }
0x6d: {  	_ =	shalt  }
0x6e: {  	_ =	shalt  }
0x6f: {  	_ =	shalt  }
0x70: {  	_ =	shalt  }
0x71: {  	_ =	shalt  }
0x72: {  	_ =	shalt  }
0x73: {  	_ =	shalt  }
0x74: {  	_ =	shalt  }
0x75: {  	_ =	shalt  }
0x76: {  	_ =	shalt  }
0x77: {  	_ =	shalt  }
0x78: {  	_ =	shalt  }
0x79: {  	_ =	shalt  }
0x7a: {  	_ =	shalt  }
0x7b: {  	_ =	shalt  }
0x7c: {  	_ =	shalt  }
0x7d: {  	_ =	shalt  }
0x7e: {  	_ =	shalt  }
0x7f: {  	_ =	shalt  }
0x80: {  	_ =	shalt  }
0x81: {  	_ =	shalt  }
0x82: {  	_ =	shalt  }
0x83: {  	_ =	shalt  }
0x84: {  	_ =	shalt  }
0x85: {  	_ =	shalt  }
0x86: {  	_ =	shalt  }
0x87: {  	_ =	shalt  }
.Lfunc_end0:
.L_simem_size_0:
called_computation.1_lowered:
.L_overlay_start_0:
0x88: {  	s2 =	sld [smem:$0x3FD9]  }
0x89: {  	s3 =	sld [smem:$0x3FFE];
	_ =	sdelay $0x1  }
0x8a: {  	s1 =	srdreg.scid  }
0x8b: {  	s0 =	sand.u32 $0x1, s1  }
0x8c: {  	s14 =	sshll.u32 s0, $0xA;
	s2 =	sadd.s32 s3, s2  }
0x8d: {  	s2 =	sadd.s32 s2, s14  }
0x8e: {  	[smem:$0x3FC1] =	sst s2  }
0x8f: {  	_ = 	snop  }
0x90: {  	s2 =	sld [smem:$0x3FD0];
	_ =	sdelay $0x2  }
0x91: {  	s15 =	simm.s32 $0xA;
	s4 =	simm.s32 $0x10  }
0x92: {  	[smem:s4], [sflag:s15] =	dma.local [hbm:s2], $0x1  }
0x93: {  	_ =	swait.eq [sflag:s15], $0x1  }
0x94: {  	[sflag:s15] =	ssyncset.done $0x0  }
0x95: {  	s16 =	sld [smem:$0x10];
	[sflag:s15] =	ssyncadd.s32 $0xFFFFFFFF  }
0x96: {  	s17 =	sld [smem:$0x11];
	(tm) =	ssettm $0x1  }
0x97: {  	s18 =	sld [smem:$0x3FFB];
	_ =	sdelay $0x3  }
0x98: {  	_ =	strace s18  }
0x99: {  	s4 =	sld [smem:$0x3FFC];
	_ =	sdelay $0x3  }
0x9a: {  	_ =	strace s4  }
0x9b: {  	s4 =	sld [smem:$0x3FFD];
	_ =	sdelay $0x3  }
0x9c: {  	_ =	strace s4  }
0x9d: {  	_ =	strace $0x8FFFFFFF  }
0x9e: {  	s19 =	sld [smem:$0x3FDB];
	_ =	sdelay $0x1  }
0x9f: {  	s5 =	simm.s32 $_scs_section_size  }
0xa0: {  	s6 =	simm.s32 $_size__tile_overlayer_lowered;
	s7 =	simm.s32 $_tile_overlayer_lowered  }
0xa1: {  	s22 =	simm.s32 $0x1BFF;
	s21 =	sshll.u32 s7, $0x1;
	s4 =	sadd.s32 s5, s19  }
0xa2: {  	s8 =	simm.s32 $0x0;
	s20 =	sshll.u32 s6, $0x1;
	s6 =	sadd.s32 s21, s4  }
0xa3: {  	[timem:s8], [sflag:s22] =	dma.local [hbm:s6], s20  }
0xa4: {  	_ =	swait.ge [sflag:s22], s20  }
0xa5: {  	s5 =	ssub.s32 $0x0, s20;
	[sflag:s22] =	ssyncset.done $0x0  }
0xa6: {  	[sflag:s22] =	ssyncadd.s32 s5;
	_ =	sdelay $0x1  }
0xa7: {  	s23 =	simm.s32 $0x1B8B  }
0xa8: {  	_ =	swait.ge [sflag:s23], $0x1  }
0xa9: {  	[sflag:s23] =	ssyncset.done $0x0  }
0xaa: {  	s25 =	simm.s32 $0x1B8E;
	s24 =	sld [smem:$0x3FFE];
	[sflag:s23] =	ssyncadd.s32 $0xFFFFFFFF  }
0xab: {  	s26 =	simm.s32 $execute0_lowered;
	[smem:$0x3FD2] =	sst s25  }
0xac: {  	s6 =	sshll.u32 s26, $0x1;
	_ =	strace $0x80000049;
	[dreg:$0x1] =	wrdreg $0xFFFFFFFF  }
0xad: {  	s28 =	simm.s32 $_size_execute0_lowered;
	s4 =	sadd.s32 s4, s6;
	[dreg:$0x0] =	wrdreg $0x0  }
0xae: {  	s6 =	sshll.u32 s28, $0x1;
	[dreg:$0x2] =	wrdreg s4  }
0xaf: {  	[dreg:$0x3] =	wrdreg s6  }
0xb0: {  	[dreg:$0x4] =	wrdreg $0xC0  }
0xb1: {  	_ =	task [dreg:s8], $0x5FFFF  }
0xb2: {  	[dreg:$0x1] =	wrdreg $0xFFFFFFFF  }
0xb3: {  	[dreg:$0x0] =	wrdreg $0x60  }
0xb4: {  	[dreg:$0x2] =	wrdreg s16  }
0xb5: {  	[dreg:$0x3] =	wrdreg s24  }
0xb6: {  	[dreg:$0x4] =	wrdreg s17  }
0xb7: {  	[dreg:$0x5] =	wrdreg $0x9  }
0xb8: {  	_ =	task.clear_ibuf [dreg:s8], $0x6FFFF;
	_ =	strace $0x90000049  }
0xb9: {  	s29 =	simm.s32 $0x9;
	_ =	strace $0x8000004B  }
0xba: {  	_ =	swait.ge [sflag:s29], $0x1  }
0xbb: {  	[sflag:s29] =	ssyncadd.s32 $0xFFFFFFFF  }
0xbc: {  	_ =	strace $0x9000004B  }
0xbd: {  	_ =	sfence  }
0xbe: {  	s30 =	sld [smem:$0x0];
	_ =	sdelay $0x2  }
0xbf: {  	s31 =	sshll.u32 s1, $0xD;
	s1 =	sshrl.u32 s1, $0x2  }
0xc0: {  	s3 =	sand.u32 $0x4000, s31;
	s1 =	sadd.s32 s1, s30  }
0xc1: {  	s0 =	sor.u32 s3, s0;
	s1 =	sshll.u32 s1, $0x11  }
0xc2: {  	s0 =	sor.u32 s1, s0  }
0xc3: {  	s0 =	sadd.s32 $0x8F2B, s0  }
0xc4: {  	[sflag:s0] =	ssyncadd.remote.s32 $0x1  }
0xc5: {  	_ =	sfence.sel $0xFFFF  }
0xc6: {  	[dreg:$0x0] =	wrdreg $0xFFFFFFFF;
	(pc) =	sbr.abs _section_cstart, $3  }
0xc7: {  	[dreg:$0x1] =	wrdreg $0xFFFFFFFF  }
0xc8: {  	_ =	task.clear_ibuf [dreg:s8], $0x2FFFF;
	_ =	strace $0x9FFFFFFF  }
0xc9: {  	(tm) =	ssettm $0x7FFFFFFF  }
tec
execute0_lowered:
.L_overlay_start_1:
0x0: {  	(tag) =	ssettag $0x1  }
0x1: {  	s1 =	rddreg [dreg:$0x0];
	s0 =	srdreg.scid  }
0x2: {  	s3 =	stileid.u32;
	s2 =	rddreg [dreg:$0x1];
	s10 =	simm.s32 $0x7  }
0x3: {  	s12 =	simm.s32 $0x50;
	s13 =	simm.s32 $0x4E20;
	s14 =	simm.s32 $0x9E20  }
0x4: {  	s15 =	simm.s32 $0x7620;
	s16 =	simm.s32 $0xC620;
	s17 =	simm.s32 $0x1  }
0x5: {  	s18 =	simm.s32 $0x3;
	s19 =	simm.s32 $0xEE20;
	s20 =	simm.s32 $0x2  }
0x6: {  	s21 =	simm.s32 $0x4;
	s22 =	simm.s32 $0x11620;
	s23 =	simm.s32 $0x5  }
0x7: {  	s24 =	simm.s32 $0x6;
	s0 =	sand.u32 $0x1, s0;
	s4 =	sshll.u32 s3, $0x1  }
0x8: {  	s25 =	simm.s32 $0x26C0;
	s26 =	simm.s32 $0x4DD0;
	s6 =	sor.u32 s0, s4  }
0x9: {  	s28 =	simm.s32 $0x0;
	s4 =	simm.s32 $0x0;
	s5 =	smul.u32 $0x2710, s6  }
0xa: {  	s0 =	ssub.s32 $0x2, s0;
	[smem:$0x7FF] =	sst s4;
	s6 =	smul.u32 $0x138800, s6  }
0xb: {  	s3 =	rddreg [dreg:$0x2];
	s31 =	sshrl.u32 s0, $0x1;
	_ =	strace $0x8000004A  }
0xc: {  	s0 =	ssub.s32 s0, s31;
	s7 =	sshrl.u32 s5, $0x3;
	s8 =	sshrl.u32 s6, $0x3  }
0xd: {  	s9 =	smax.u32 s0, $0x1;
	s2 =	sadd.s32 s7, s2;
	s8 =	sadd.s32 s3, s8  }
0xe: {  	s6 =	sadd.s32 $0x9E800, s2;
	s7 =	sadd.s32 $0xA8440, s2;
	s8 =	sadd.s32 $0x26C00, s8  }
.LBB2_1:
0xf: {  	[tilespmem:s4], [sflag:$0x7] =	stream.linear.gather [hbm4b:s6+s4], $0x2710, $0x38;
	[tilespmem:$0x13E20] =	vst v63  }
0x10: {  	_ =	swait.ge [sflag:s10], $0x2710  }
0x11: {  	[sflag:s10] =	ssyncset.done $0x0  }
0x12: {  	s0 =	simm.s32 $0x2710;
	[sflag:s10] =	ssyncadd.s32 $0xFFFFD8F0  }
0x13: {  	[tilespmem:s0], [sflag:$0x7] =	stream.linear.gather [hbm4b:s7+s4], $0x2710, $0x38;
	[tilespmem:$0x13E20] =	vst v63  }
0x14: {  	_ =	swait.ge [sflag:s10], $0x2710  }
0x15: {  	[sflag:s10] =	ssyncset.done $0x0  }
0x16: {  	s29 =	simm.s32 $0x0;
	[sflag:s10] =	ssyncadd.s32 $0xFFFFD8F0  }
.LBB2_2:
0x17: {  	s31 =	smul.u32 $0xA0, s29;
	_ =	sdelay $0x1  }
0x18: {  	[tilespmem:s13], [sflag:$0x1] =	stream.indirect.gather [hbm4b:s1+s12], $0x80, s31, s12, $0xb8;
	[tilespmem:$0x13E20] =	vst v63  }
0x19: {  	s0 =	sadd.s32 $0x2710, s31  }
0x1a: {  	[tilespmem:s14], [sflag:$0x3] =	stream.indirect.gather [hbm4b:s1+s12], $0x80, s0, s12, $0xb8;
	[tilespmem:$0x13E20] =	vst v63  }
0x1b: {  	s30 =	sadd.s32 $0x50, s31  }
0x1c: {  	[tilespmem:s15], [sflag:$0x2] =	stream.indirect.gather [hbm4b:s1+s12], $0x80, s30, s12, $0xb8;
	[tilespmem:$0x13E20] =	vst v63  }
0x1d: {  	s11 =	sadd.s32 $0x2760, s31  }
0x1e: {  	[tilespmem:s16], [sflag:$0x4] =	stream.indirect.gather [hbm4b:s1+s12], $0x80, s11, s12, $0xb8;
	[tilespmem:$0x13E20] =	vst v63  }
0x1f: {  	_ =	swait.ge [sflag:s17], $0x2800  }
0x20: {  	[sflag:s17] =	ssyncset.done $0x0  }
0x21: {  	[sflag:s17] =	ssyncadd.s32 $0xFFFFD800  }
0x22: {  	_ =	swait.ge [sflag:s18], $0x2800  }
0x23: {  	[sflag:s18] =	ssyncset.done $0x0  }
0x24: {  	s2 =	simm.s32 $0x0;
	[sflag:s18] =	ssyncadd.s32 $0xFFFFD800  }
0x25: {  	v0 =	vld [tilespmem:s2+$0x4E90]  }
0x26: {  	v1 =	vld [tilespmem:s2+$0x9E90]  }
0x27: {  	v2 =	vld [tilespmem:s2+$0x4E20]  }
0x28: {  	v3 =	vld [tilespmem:s2+$0x9E20]  }
0x29: {  	v4 =	vld [tilespmem:s2+$0x4E30]  }
0x2a: {  	v5 =	vld [tilespmem:s2+$0x9E30]  }
0x2b: {  	v6 =	vld [tilespmem:s2+$0x4E40]  }
0x2c: {  	v0 =	vadd.f32 v1, v0;
	v1 =	vld [tilespmem:s2+$0x9E40]  }
0x2d: {  	v7 =	vld [tilespmem:s2+$0x4E50]  }
0x2e: {  	v8 =	vld [tilespmem:s2+$0x9E50];
	v2 =	vadd.f32 v3, v2;
	v0 =	vmul.f32 $5.000000000e-01, v0  }
0x2f: {  	v9 =	vld [tilespmem:s2+$0x4E60]  }
0x30: {  	v10 =	vld [tilespmem:s2+$0x9E60];
	v2 =	vmul.f32 $5.000000000e-01, v2;
	[tilespmem:s2+$0xEE90] =	vst v0;
	v0 =	vadd.f32 v5, v4  }
0x31: {  	v3 =	vld [tilespmem:s2+$0x9E70];
	v1 =	vadd.f32 v1, v6  }
0x32: {  	[tilespmem:s2+$0xEE20] =	vst v2;
	v2 =	vld [tilespmem:s2+$0x4E70];
	v0 =	vmul.f32 $5.000000000e-01, v0  }
0x33: {  	v4 =	vld [tilespmem:s2+$0x9E80];
	v6 =	vadd.f32 v8, v7;
	v5 =	vmul.f32 $5.000000000e-01, v1  }
0x34: {  	s0 =	simm.s32 $0x80;
	[tilespmem:s2+$0xEE30] =	vst v0;
	v0 =	vld [tilespmem:s2+$0x4E80]  }
0x35: {  	s11 =	simm.s32 $0x400;
	v1 =	vld [tilespmem:s0+$0x4E90];
	[tilespmem:s2+$0xEE40] =	vst v5;
	v5 =	vmul.f32 $5.000000000e-01, v6;
	v6 =	vadd.f32 v10, v9  }
.LBB2_3:
0x36: {  	p0 =	sne.s32 s11, $0x9E00;
	v7 =	vld [tilespmem:s0+$0x9E90]  }
0x37: {  	v8 =	vld [tilespmem:s0+$0x4E20];
	[tilespmem:s2+$0xEE50] =	vst v5;
	v5 =	vmul.f32 $5.000000000e-01, v6;
	v2 =	vadd.f32 v3, v2  }
0x38: {  	v3 =	vld [tilespmem:s0+$0x9E20]  }
0x39: {  	v6 =	vld [tilespmem:s0+$0x4E30];
	[tilespmem:s2+$0xEE60] =	vst v5;
	v2 =	vmul.f32 $5.000000000e-01, v2;
	v0 =	vadd.f32 v4, v0  }
0x3a: {  	v4 =	vld [tilespmem:s0+$0x9E30]  }
0x3b: {  	v5 =	vld [tilespmem:s0+$0x4E40];
	v1 =	vadd.f32 v7, v1;
	[tilespmem:s2+$0xEE70] =	vst v2;
	v0 =	vmul.f32 $5.000000000e-01, v0  }
0x3c: {  	v2 =	vld [tilespmem:s0+$0x9E40]  }
0x3d: {  	v3 =	vadd.f32 v3, v8;
	v7 =	vld [tilespmem:s0+$0x4E50];
	v1 =	vmul.f32 $5.000000000e-01, v1;
	[tilespmem:s2+$0xEE80] =	vst v0;
	s2 =	smov.u32 s0  }
0x3e: {  	v0 =	vld [tilespmem:s2+$0x9E50]  }
0x3f: {  	v3 =	vmul.f32 $5.000000000e-01, v3;
	v4 =	vadd.f32 v4, v6;
	v6 =	vld [tilespmem:s2+$0x4E60];
	[tilespmem:s2+$0xEE90] =	vst v1  }
0x40: {  	v8 =	vld [tilespmem:s2+$0x9E60]  }
.Ltmp0:
0x41: {  	[tilespmem:s2+$0xEE20] =	vst v3;
	v1 =	vmul.f32 $5.000000000e-01, v4;
	v4 =	vadd.f32 v2, v5;
	v2 =	vld [tilespmem:s2+$0x4E70];
	(pc) =	sbr.rel @p0 .LBB2_3-.Ltmp0, $4  }
0x42: {  	v3 =	vld [tilespmem:s2+$0x9E70]  }
0x43: {  	[tilespmem:s2+$0xEE30] =	vst v1;
	v5 =	vmul.f32 $5.000000000e-01, v4;
	v7 =	vadd.f32 v0, v7;
	v0 =	vld [tilespmem:s2+$0x4E80]  }
0x44: {  	s0 =	sshra.s32 s11, $0x2;
	v4 =	vld [tilespmem:s2+$0x9E80]  }
0x45: {  	s11 =	sadd.s32 $0x200, s11;
	v1 =	vld [tilespmem:s0+$0x4E90];
	[tilespmem:s2+$0xEE40] =	vst v5;
	v5 =	vmul.f32 $5.000000000e-01, v7;
	v6 =	vadd.f32 v8, v6  }
0x46: {  	v7 =	vld [tilespmem:s0+$0x9E90]  }
0x47: {  	v8 =	vld [tilespmem:s0+$0x4E20];
	[tilespmem:s2+$0xEE50] =	vst v5;
	v5 =	vmul.f32 $5.000000000e-01, v6;
	v2 =	vadd.f32 v3, v2  }
0x48: {  	v6 =	vld [tilespmem:s0+$0x9E20]  }
0x49: {  	v3 =	vld [tilespmem:s0+$0x4E30];
	[tilespmem:s2+$0xEE60] =	vst v5;
	v2 =	vmul.f32 $5.000000000e-01, v2;
	v0 =	vadd.f32 v4, v0  }
0x4a: {  	v5 =	vld [tilespmem:s0+$0x9E30]  }
0x4b: {  	v4 =	vld [tilespmem:s0+$0x4E40];
	[tilespmem:s2+$0xEE70] =	vst v2;
	v0 =	vmul.f32 $5.000000000e-01, v0  }
0x4c: {  	v1 =	vadd.f32 v7, v1;
	v2 =	vld [tilespmem:s0+$0x9E40]  }
0x4d: {  	v7 =	vld [tilespmem:s0+$0x4E50];
	[tilespmem:s2+$0xEE80] =	vst v0  }
0x4e: {  	v0 =	vadd.f32 v6, v8;
	v1 =	vmul.f32 $5.000000000e-01, v1;
	v6 =	vld [tilespmem:s0+$0x9E50]  }
0x4f: {  	v8 =	vld [tilespmem:s0+$0x4E60]  }
0x50: {  	v9 =	vld [tilespmem:s0+$0x9E80];
	v0 =	vmul.f32 $5.000000000e-01, v0;
	[tilespmem:s0+$0xEE90] =	vst v1;
	v1 =	vadd.f32 v5, v3  }
0x51: {  	v3 =	vld [tilespmem:s0+$0x9E60]  }
0x52: {  	v5 =	vld [tilespmem:s0+$0x9E70];
	[tilespmem:s0+$0xEE20] =	vst v0;
	v0 =	vmul.f32 $5.000000000e-01, v1  }
0x53: {  	v1 =	vld [tilespmem:s0+$0x4E70]  }
0x54: {  	[tilespmem:s0+$0xEE30] =	vst v0;
	v0 =	vld [tilespmem:s0+$0x4E80]  }
0x55: {  	v2 =	vadd.f32 v2, v4  }
0x56: {  	v4 =	vadd.f32 v6, v7  }
0x57: {  	v2 =	vmul.f32 $5.000000000e-01, v2;
	v3 =	vadd.f32 v3, v8  }
0x58: {  	v4 =	vmul.f32 $5.000000000e-01, v4;
	v1 =	vadd.f32 v5, v1  }
0x59: {  	[tilespmem:s0+$0xEE40] =	vst v2;
	v2 =	vmul.f32 $5.000000000e-01, v3;
	v0 =	vadd.f32 v9, v0  }
0x5a: {  	[tilespmem:s0+$0xEE50] =	vst v4;
	v1 =	vmul.f32 $5.000000000e-01, v1  }
0x5b: {  	s11 =	sadd.s32 s5, s31;
	[tilespmem:s0+$0xEE60] =	vst v2;
	v0 =	vmul.f32 $5.000000000e-01, v0  }
0x5c: {  	s2 =	sshll.u32 s11, $0x4;
	[tilespmem:s0+$0xEE70] =	vst v1  }
0x5d: {  	s11 =	simm.s32 $0x0;
	s2 =	sadd.s32 s3, s2;
	[tilespmem:s0+$0xEE80] =	vst v0  }
0x5e: {  	[hbm4b:s2+s11] =	stream.linear.scatter [tilespmem:s19], [sflag:$0x5], $0x2800, $0x38;
	[tilespmem:$0x13E20] =	vst v63  }
0x5f: {  	_ =	swait.ge [sflag:s20], $0x2800  }
0x60: {  	[sflag:s20] =	ssyncset.done $0x0  }
0x61: {  	[sflag:s20] =	ssyncadd.s32 $0xFFFFD800  }
0x62: {  	_ =	swait.ge [sflag:s21], $0x2800  }
0x63: {  	[sflag:s21] =	ssyncset.done $0x0  }
0x64: {  	s2 =	simm.s32 $0x0;
	[sflag:s21] =	ssyncadd.s32 $0xFFFFD800  }
0x65: {  	v0 =	vld [tilespmem:s2+$0x7690]  }
0x66: {  	v1 =	vld [tilespmem:s2+$0xC690]  }
0x67: {  	v2 =	vld [tilespmem:s2+$0x7620]  }
0x68: {  	v3 =	vld [tilespmem:s2+$0xC620]  }
0x69: {  	v4 =	vld [tilespmem:s2+$0x7630]  }
0x6a: {  	v5 =	vld [tilespmem:s2+$0xC630]  }
0x6b: {  	v6 =	vld [tilespmem:s2+$0x7640]  }
0x6c: {  	v0 =	vadd.f32 v1, v0;
	v1 =	vld [tilespmem:s2+$0xC640]  }
0x6d: {  	v7 =	vld [tilespmem:s2+$0x7650]  }
0x6e: {  	v8 =	vld [tilespmem:s2+$0xC650];
	v2 =	vadd.f32 v3, v2;
	v0 =	vmul.f32 $5.000000000e-01, v0  }
0x6f: {  	v63 =	vld [tilespmem:s2+$0x7660]  }
0x70: {  	v10 =	vld [tilespmem:s2+$0xC660];
	v2 =	vmul.f32 $5.000000000e-01, v2;
	[tilespmem:s2+$0x11690] =	vst v0;
	v0 =	vadd.f32 v5, v4  }
0x71: {  	v3 =	vld [tilespmem:s2+$0xC670];
	v1 =	vadd.f32 v1, v6  }
0x72: {  	[tilespmem:s2+$0x11620] =	vst v2;
	v2 =	vld [tilespmem:s2+$0x7670];
	v0 =	vmul.f32 $5.000000000e-01, v0  }
0x73: {  	v4 =	vld [tilespmem:s2+$0xC680];
	v6 =	vadd.f32 v8, v7;
	v5 =	vmul.f32 $5.000000000e-01, v1  }
0x74: {  	s31 =	simm.s32 $0x80;
	[tilespmem:s2+$0x11630] =	vst v0;
	v0 =	vld [tilespmem:s2+$0x7680]  }
0x75: {  	s0 =	simm.s32 $0x400;
	v1 =	vld [tilespmem:s31+$0x7690];
	[tilespmem:s2+$0x11640] =	vst v5;
	v5 =	vmul.f32 $5.000000000e-01, v6;
	v6 =	vadd.f32 v10, v63  }
.LBB2_5:
0x76: {  	p0 =	sne.s32 s0, $0x9E00;
	v7 =	vld [tilespmem:s31+$0xC690]  }
0x77: {  	v8 =	vld [tilespmem:s31+$0x7620];
	[tilespmem:s2+$0x11650] =	vst v5;
	v5 =	vmul.f32 $5.000000000e-01, v6;
	v2 =	vadd.f32 v3, v2  }
0x78: {  	v3 =	vld [tilespmem:s31+$0xC620]  }
0x79: {  	v6 =	vld [tilespmem:s31+$0x7630];
	[tilespmem:s2+$0x11660] =	vst v5;
	v2 =	vmul.f32 $5.000000000e-01, v2;
	v0 =	vadd.f32 v4, v0  }
0x7a: {  	v4 =	vld [tilespmem:s31+$0xC630]  }
0x7b: {  	v5 =	vld [tilespmem:s31+$0x7640];
	v1 =	vadd.f32 v7, v1;
	[tilespmem:s2+$0x11670] =	vst v2;
	v0 =	vmul.f32 $5.000000000e-01, v0  }
0x7c: {  	v2 =	vld [tilespmem:s31+$0xC640]  }
0x7d: {  	v3 =	vadd.f32 v3, v8;
	v7 =	vld [tilespmem:s31+$0x7650];
	v1 =	vmul.f32 $5.000000000e-01, v1;
	[tilespmem:s2+$0x11680] =	vst v0;
	s2 =	smov.u32 s31  }
0x7e: {  	v0 =	vld [tilespmem:s2+$0xC650]  }
0x7f: {  	v3 =	vmul.f32 $5.000000000e-01, v3;
	v4 =	vadd.f32 v4, v6;
	v6 =	vld [tilespmem:s2+$0x7660];
	[tilespmem:s2+$0x11690] =	vst v1  }
0x80: {  	v8 =	vld [tilespmem:s2+$0xC660]  }
.Ltmp1:
0x81: {  	[tilespmem:s2+$0x11620] =	vst v3;
	v1 =	vmul.f32 $5.000000000e-01, v4;
	v4 =	vadd.f32 v2, v5;
	v2 =	vld [tilespmem:s2+$0x7670];
	(pc) =	sbr.rel @p0 .LBB2_5-.Ltmp1, $4  }
0x82: {  	v3 =	vld [tilespmem:s2+$0xC670]  }
0x83: {  	[tilespmem:s2+$0x11630] =	vst v1;
	v5 =	vmul.f32 $5.000000000e-01, v4;
	v7 =	vadd.f32 v0, v7;
	v0 =	vld [tilespmem:s2+$0x7680]  }
0x84: {  	s31 =	sshra.s32 s0, $0x2;
	v4 =	vld [tilespmem:s2+$0xC680]  }
0x85: {  	s0 =	sadd.s32 $0x200, s0;
	v1 =	vld [tilespmem:s31+$0x7690];
	[tilespmem:s2+$0x11640] =	vst v5;
	v5 =	vmul.f32 $5.000000000e-01, v7;
	v6 =	vadd.f32 v8, v6  }
0x86: {  	v7 =	vld [tilespmem:s31+$0xC690]  }
0x87: {  	v8 =	vld [tilespmem:s31+$0x7620];
	[tilespmem:s2+$0x11650] =	vst v5;
	v48 =	vmul.f32 $5.000000000e-01, v6;
	v2 =	vadd.f32 v3, v2  }
0x88: {  	v49 =	vld [tilespmem:s31+$0xC620]  }
0x89: {  	v50 =	vld [tilespmem:s31+$0x7630];
	[tilespmem:s2+$0x11660] =	vst v48;
	v2 =	vmul.f32 $5.000000000e-01, v2;
	v0 =	vadd.f32 v4, v0  }
0x8a: {  	v5 =	vld [tilespmem:s31+$0xC630]  }
0x8b: {  	v51 =	vld [tilespmem:s31+$0x7640];
	[tilespmem:s2+$0x11670] =	vst v2;
	v0 =	vmul.f32 $5.000000000e-01, v0  }
0x8c: {  	v2 =	vld [tilespmem:s31+$0xC640]  }
0x8d: {  	v52 =	vld [tilespmem:s31+$0x7650];
	[tilespmem:s2+$0x11680] =	vst v0  }
0x8e: {  	v54 =	vld [tilespmem:s31+$0xC650]  }
0x8f: {  	v55 =	vld [tilespmem:s31+$0x7660]  }
0x90: {  	v57 =	vld [tilespmem:s31+$0xC660]  }
0x91: {  	v59 =	vld [tilespmem:s31+$0x7670]  }
0x92: {  	v1 =	vadd.f32 v7, v1;
	v60 =	vld [tilespmem:s31+$0xC670]  }
0x93: {  	v53 =	vadd.f32 v49, v8;
	v61 =	vld [tilespmem:s31+$0x7680]  }
0x94: {  	v1 =	vmul.f32 $5.000000000e-01, v1;
	v9 =	vld [tilespmem:s31+$0xC680];
	v56 =	vadd.f32 v5, v50  }
0x95: {  	v0 =	vmul.f32 $5.000000000e-01, v53;
	v2 =	vadd.f32 v2, v51  }
0x96: {  	[tilespmem:s31+$0x11690] =	vst v1;
	v58 =	vmul.f32 $5.000000000e-01, v56;
	v62 =	vadd.f32 v54, v52  }
0x97: {  	[tilespmem:s31+$0x11620] =	vst v0;
	v2 =	vmul.f32 $5.000000000e-01, v2;
	v3 =	vadd.f32 v57, v55  }
0x98: {  	[tilespmem:s31+$0x11630] =	vst v58;
	v1 =	vadd.f32 v60, v59;
	v4 =	vmul.f32 $5.000000000e-01, v62  }
0x99: {  	v0 =	vadd.f32 v9, v61;
	[tilespmem:s31+$0x11640] =	vst v2;
	v63 =	vmul.f32 $5.000000000e-01, v3  }
0x9a: {  	s0 =	sadd.s32 s5, s30;
	v1 =	vmul.f32 $5.000000000e-01, v1;
	[tilespmem:s31+$0x11650] =	vst v4  }
0x9b: {  	s0 =	sshll.u32 s0, $0x4;
	v0 =	vmul.f32 $5.000000000e-01, v0;
	[tilespmem:s31+$0x11660] =	vst v63  }
0x9c: {  	s0 =	sand.u32 $0x1FFFFF00, s0;
	[tilespmem:s31+$0x11670] =	vst v1  }
0x9d: {  	s29 =	sadd.s32 $0x1, s29;
	s0 =	sadd.s32 s3, s0;
	[tilespmem:s31+$0x11680] =	vst v0  }
0x9e: {  	[hbm4b:s0+s4] =	stream.linear.scatter [tilespmem:s22], [sflag:$0x6], $0x2800, $0x38;
	[tilespmem:$0x13E20] =	vst v63  }
0x9f: {  	p0 =	sne.s32 s29, $0x3E;
	_ =	swait.ge [sflag:s23], $0x2800  }
.Ltmp2:
0xa0: {  	[sflag:s23] =	ssyncset.done $0x0;
	(pc) =	sbr.rel @p0 .LBB2_2-.Ltmp2, $4  }
0xa1: {  	[sflag:s23] =	ssyncadd.s32 $0xFFFFD800  }
0xa2: {  	_ =	swait.ge [sflag:s24], $0x2800  }
0xa3: {  	[sflag:s24] =	ssyncset.done $0x0  }
0xa4: {  	[sflag:s24] =	ssyncadd.s32 $0xFFFFD800  }
0xa5: {  	[tilespmem:s13], [sflag:$0x1] =	stream.indirect.gather [hbm4b:s1+s12], $0x80, s25, s12, $0xb8;
	[tilespmem:$0x13E20] =	vst v63  }
0xa6: {  	_ = 	snop  }
0xa7: {  	[tilespmem:s14], [sflag:$0x3] =	stream.indirect.gather [hbm4b:s1+s12], $0x80, s26, s12, $0xb8;
	[tilespmem:$0x13E20] =	vst v63  }
0xa8: {  	_ =	swait.ge [sflag:s17], $0x2800  }
0xa9: {  	[sflag:s17] =	ssyncset.done $0x0  }
0xaa: {  	[sflag:s17] =	ssyncadd.s32 $0xFFFFD800  }
0xab: {  	_ =	swait.ge [sflag:s18], $0x2800  }
0xac: {  	[sflag:s18] =	ssyncset.done $0x0  }
0xad: {  	s2 =	simm.s32 $0x0;
	[sflag:s18] =	ssyncadd.s32 $0xFFFFD800  }
0xae: {  	v0 =	vld [tilespmem:s2+$0x4E90]  }
0xaf: {  	v1 =	vld [tilespmem:s2+$0x9E90]  }
0xb0: {  	v2 =	vld [tilespmem:s2+$0x4E20]  }
0xb1: {  	v3 =	vld [tilespmem:s2+$0x9E20]  }
0xb2: {  	v4 =	vld [tilespmem:s2+$0x4E30]  }
0xb3: {  	v5 =	vld [tilespmem:s2+$0x9E30]  }
0xb4: {  	v6 =	vld [tilespmem:s2+$0x4E40]  }
0xb5: {  	v0 =	vadd.f32 v1, v0;
	v1 =	vld [tilespmem:s2+$0x9E40]  }
0xb6: {  	v7 =	vld [tilespmem:s2+$0x4E50]  }
0xb7: {  	v8 =	vld [tilespmem:s2+$0x9E50];
	v2 =	vadd.f32 v3, v2;
	v0 =	vmul.f32 $5.000000000e-01, v0  }
0xb8: {  	v9 =	vld [tilespmem:s2+$0x4E60]  }
0xb9: {  	v10 =	vld [tilespmem:s2+$0x9E60];
	v2 =	vmul.f32 $5.000000000e-01, v2;
	[tilespmem:s2+$0xEE90] =	vst v0;
	v0 =	vadd.f32 v5, v4  }
0xba: {  	v3 =	vld [tilespmem:s2+$0x9E70];
	v1 =	vadd.f32 v1, v6  }
0xbb: {  	[tilespmem:s2+$0xEE20] =	vst v2;
	v2 =	vld [tilespmem:s2+$0x4E70];
	v0 =	vmul.f32 $5.000000000e-01, v0  }
0xbc: {  	v4 =	vld [tilespmem:s2+$0x9E80];
	v6 =	vadd.f32 v8, v7;
	v5 =	vmul.f32 $5.000000000e-01, v1  }
0xbd: {  	s0 =	simm.s32 $0x80;
	[tilespmem:s2+$0xEE30] =	vst v0;
	v0 =	vld [tilespmem:s2+$0x4E80]  }
0xbe: {  	s11 =	simm.s32 $0x400;
	v1 =	vld [tilespmem:s0+$0x4E90];
	[tilespmem:s2+$0xEE40] =	vst v5;
	v5 =	vmul.f32 $5.000000000e-01, v6;
	v6 =	vadd.f32 v10, v9  }
.LBB2_8:
0xbf: {  	p0 =	sne.s32 s11, $0x9E00;
	v7 =	vld [tilespmem:s0+$0x9E90]  }
0xc0: {  	v8 =	vld [tilespmem:s0+$0x4E20];
	[tilespmem:s2+$0xEE50] =	vst v5;
	v5 =	vmul.f32 $5.000000000e-01, v6;
	v2 =	vadd.f32 v3, v2  }
0xc1: {  	v3 =	vld [tilespmem:s0+$0x9E20]  }
0xc2: {  	v6 =	vld [tilespmem:s0+$0x4E30];
	[tilespmem:s2+$0xEE60] =	vst v5;
	v2 =	vmul.f32 $5.000000000e-01, v2;
	v0 =	vadd.f32 v4, v0  }
0xc3: {  	v4 =	vld [tilespmem:s0+$0x9E30]  }
0xc4: {  	v5 =	vld [tilespmem:s0+$0x4E40];
	v1 =	vadd.f32 v7, v1;
	[tilespmem:s2+$0xEE70] =	vst v2;
	v0 =	vmul.f32 $5.000000000e-01, v0  }
0xc5: {  	v2 =	vld [tilespmem:s0+$0x9E40]  }
0xc6: {  	v3 =	vadd.f32 v3, v8;
	v7 =	vld [tilespmem:s0+$0x4E50];
	v1 =	vmul.f32 $5.000000000e-01, v1;
	[tilespmem:s2+$0xEE80] =	vst v0;
	s2 =	smov.u32 s0  }
0xc7: {  	v0 =	vld [tilespmem:s2+$0x9E50]  }
0xc8: {  	v3 =	vmul.f32 $5.000000000e-01, v3;
	v4 =	vadd.f32 v4, v6;
	v6 =	vld [tilespmem:s2+$0x4E60];
	[tilespmem:s2+$0xEE90] =	vst v1  }
0xc9: {  	v8 =	vld [tilespmem:s2+$0x9E60]  }
.Ltmp3:
0xca: {  	[tilespmem:s2+$0xEE20] =	vst v3;
	v1 =	vmul.f32 $5.000000000e-01, v4;
	v4 =	vadd.f32 v2, v5;
	v2 =	vld [tilespmem:s2+$0x4E70];
	(pc) =	sbr.rel @p0 .LBB2_8-.Ltmp3, $4  }
0xcb: {  	v3 =	vld [tilespmem:s2+$0x9E70]  }
0xcc: {  	[tilespmem:s2+$0xEE30] =	vst v1;
	v5 =	vmul.f32 $5.000000000e-01, v4;
	v7 =	vadd.f32 v0, v7;
	v0 =	vld [tilespmem:s2+$0x4E80]  }
0xcd: {  	s0 =	sshra.s32 s11, $0x2;
	v4 =	vld [tilespmem:s2+$0x9E80]  }
0xce: {  	s11 =	sadd.s32 $0x200, s11;
	v1 =	vld [tilespmem:s0+$0x4E90];
	[tilespmem:s2+$0xEE40] =	vst v5;
	v5 =	vmul.f32 $5.000000000e-01, v7;
	v6 =	vadd.f32 v8, v6  }
0xcf: {  	v7 =	vld [tilespmem:s0+$0x9E90]  }
0xd0: {  	v8 =	vld [tilespmem:s0+$0x4E20];
	[tilespmem:s2+$0xEE50] =	vst v5;
	v48 =	vmul.f32 $5.000000000e-01, v6;
	v2 =	vadd.f32 v3, v2  }
0xd1: {  	v49 =	vld [tilespmem:s0+$0x9E20]  }
0xd2: {  	v50 =	vld [tilespmem:s0+$0x4E30];
	[tilespmem:s2+$0xEE60] =	vst v48;
	v2 =	vmul.f32 $5.000000000e-01, v2;
	v0 =	vadd.f32 v4, v0  }
0xd3: {  	v5 =	vld [tilespmem:s0+$0x9E30]  }
0xd4: {  	v51 =	vld [tilespmem:s0+$0x4E40];
	[tilespmem:s2+$0xEE70] =	vst v2;
	v0 =	vmul.f32 $5.000000000e-01, v0  }
0xd5: {  	v2 =	vld [tilespmem:s0+$0x9E40]  }
0xd6: {  	v52 =	vld [tilespmem:s0+$0x4E50];
	[tilespmem:s2+$0xEE80] =	vst v0  }
0xd7: {  	v54 =	vld [tilespmem:s0+$0x9E50]  }
0xd8: {  	v55 =	vld [tilespmem:s0+$0x4E60]  }
0xd9: {  	v57 =	vld [tilespmem:s0+$0x9E60]  }
0xda: {  	v59 =	vld [tilespmem:s0+$0x4E70]  }
0xdb: {  	v1 =	vadd.f32 v7, v1;
	v60 =	vld [tilespmem:s0+$0x9E70]  }
0xdc: {  	v53 =	vadd.f32 v49, v8;
	v61 =	vld [tilespmem:s0+$0x4E80]  }
0xdd: {  	v1 =	vmul.f32 $5.000000000e-01, v1;
	v9 =	vld [tilespmem:s0+$0x9E80];
	v56 =	vadd.f32 v5, v50  }
0xde: {  	v0 =	vmul.f32 $5.000000000e-01, v53;
	v2 =	vadd.f32 v2, v51  }
0xdf: {  	[tilespmem:s0+$0xEE90] =	vst v1;
	v58 =	vmul.f32 $5.000000000e-01, v56;
	v62 =	vadd.f32 v54, v52  }
0xe0: {  	[tilespmem:s0+$0xEE20] =	vst v0;
	v2 =	vmul.f32 $5.000000000e-01, v2;
	v3 =	vadd.f32 v57, v55  }
0xe1: {  	[tilespmem:s0+$0xEE30] =	vst v58;
	v1 =	vadd.f32 v60, v59;
	v4 =	vmul.f32 $5.000000000e-01, v62  }
0xe2: {  	v0 =	vadd.f32 v9, v61;
	[tilespmem:s0+$0xEE40] =	vst v2;
	v63 =	vmul.f32 $5.000000000e-01, v3  }
0xe3: {  	v1 =	vmul.f32 $5.000000000e-01, v1;
	[tilespmem:s0+$0xEE50] =	vst v4  }
0xe4: {  	s28 =	sadd.s32 $0x1, s28;
	v0 =	vmul.f32 $5.000000000e-01, v0;
	[tilespmem:s0+$0xEE60] =	vst v63  }
0xe5: {  	p0 =	sne.s32 s28, s9;
	[tilespmem:s0+$0xEE70] =	vst v1  }
.Ltmp4:
0xe6: {  	[tilespmem:s0+$0xEE80] =	vst v0;
	(pc) =	sbr.rel @p0 .LBB2_1-.Ltmp4, $4  }
0xe7: {  	[hbm4b:s8+s4] =	stream.linear.scatter [tilespmem:s19], [sflag:$0x7], $0x2800, $0x38;
	[tilespmem:$0x13E20] =	vst v63  }
0xe8: {  	_ =	swait.ge [sflag:s10], $0x2800  }
0xe9: {  	[sflag:s10] =	ssyncset.done $0x0  }
0xea: {  	[sflag:s10] =	ssyncadd.s32 $0xFFFFD800  }
0xeb: {  	_ =	sfence.sel $0x180000  }
0xec: {  	[bflag:$0x0] =	sbarrier.arrive $0xFFFF  }
0xed: {  	_ =	strace $0x9000004A  }
0xee: {  	s0 =	stileid.u32;
	[bflag:$0x2] =	sbarrier.arrive $0xFFFF  }
0xef: {  	p0 =	sne.s32 s0, $0x0;
	s0 =	rddreg [dreg:$0x3]  }
0xf0: {  	s0 =	sadd.s32 @!p0 $0x100000, s0  }
0xf1: {  	[sflag:s0] =	ssyncadd.tile.s32 @!p0 $0x1;
	_ =	shalt  }
.Lfunc_end2:
_tile_overlayer_lowered:
.L_overlay_start_2:
0xf2: {  	(tag) =	ssettag $0x2  }
0xf3: {  	s0 =	rddreg [dreg:$0x0];
	s2 =	stileid.u32  }
0xf4: {  	s1 =	rddreg [dreg:$0x1];
	p0 =	sne.s32 s2, $0x0  }
0xf5: {  	s3 =	rddreg [dreg:$0x2];
	[bflag:$0x3] =	sbarrier.arrive $0xFFFF;
	s2 =	simm.s32 @!p0 $0x1C07  }
0xf6: {  	[timem:s3], [sflag:s2] =	dma.local @!p0 [hbm:s0], s1  }
0xf7: {  	s0 =	simm.s32 @!p0 $0x7  }
0xf8: {  	_ =	swait.ge @!p0 [sflag:s0], s1  }
0xf9: {  	s1 =	ssub.s32 @!p0 $0x0, s1;
	[sflag:s0] =	ssyncset.done @!p0 $0x0  }
0xfa: {  	[sflag:s0] =	ssyncadd.s32 @!p0 s1  }
0xfb: {  	[bflag:$0x3] =	sbarrier.arrive $0xFFFF  }
0xfc: {  	_ =	shalt  }

</sc_bundles>
